<compile_context>
chip_gen: v7x
topology: tpu7x:2x2x1
jax: 0.10.2.dev20260603
libtpu: 0.0.44.dev20260713+nightly
codegen_flags: <defaults>
</compile_context>

<pallas_src>
import functools

import jax
import jax.numpy as jnp
from jax import lax
from jax.experimental import pallas as pl
from jax.experimental.pallas import tpu as pltpu
from jax.experimental.pallas import tpu_sc as plsc

_N = 10000
_E = 160000
_D = 128
_HALF = _D // 2

_BN = 1000
_BE = 2000

_NC = 2
_NS = 16
_NW = _NC * _NS
_PERW = _E // _NW
_CH = 100
_NCH = _PERW // _CH
_GSLOT = 2


def _silu(v):
    return v * jax.nn.sigmoid(v)


def _ln(v, g, b):
    j = jnp.full((_D, _D), 1.0 / _D, jnp.float32)
    m = jnp.dot(v, j, preferred_element_type=jnp.float32)
    c = v - m
    var = jnp.dot(c * c, j, preferred_element_type=jnp.float32)
    return c * lax.rsqrt(var + 1e-5) * g + b


def _pre_body(x_ref, wa_ref, wb_ref, oa_ref, ob_ref):
    xv = x_ref[...]
    oa_ref[...] = jnp.dot(xv, wa_ref[...], preferred_element_type=jnp.float32)
    ob_ref[...] = jnp.dot(xv, wb_ref[...], preferred_element_type=jnp.float32)


def _premul(x, w1a, w1b):
    grid = _N // _BN
    return pl.pallas_call(
        _pre_body,
        grid=(grid,),
        in_specs=[
            pl.BlockSpec((_BN, _D), lambda i: (i, 0)),
            pl.BlockSpec((_D, _D), lambda i: (0, 0)),
            pl.BlockSpec((_D, _D), lambda i: (0, 0)),
        ],
        out_specs=[
            pl.BlockSpec((_BN, _D), lambda i: (i, 0)),
            pl.BlockSpec((_BN, _D), lambda i: (i, 0)),
        ],
        out_shape=[
            jax.ShapeDtypeStruct((_N, _D), jnp.float32),
            jax.ShapeDtypeStruct((_N, _D), jnp.float32),
        ],
    )(x, w1a, w1b)


def _gather_body(xs1_hbm, xd1_hbm, src_hbm, dst_hbm, g1_hbm, g2_hbm,
                 idx_s, idx_d, ra0, ra1, rb0, rb1,
                 sa0, sa1, sb0, sb1):
    wid = lax.axis_index("s") * _NC + lax.axis_index("c")
    pltpu.sync_copy(src_hbm.at[wid], idx_s)
    pltpu.sync_copy(dst_hbm.at[wid], idx_d)
    ra = (ra0, ra1)
    rb = (rb0, rb1)
    sa = (sa0, sa1)
    sb = (sb0, sb1)

    def fire(j, p):
        pltpu.make_async_copy(xs1_hbm.at[idx_s.at[j]], ra[p], sa[p]).start()
        pltpu.make_async_copy(xd1_hbm.at[idx_d.at[j]], rb[p], sb[p]).start()

    def drain_and_write(j, p):
        pltpu.make_async_copy(xs1_hbm.at[idx_s.at[j]], ra[p], sa[p]).wait()
        pltpu.make_async_copy(xd1_hbm.at[idx_d.at[j]], rb[p], sb[p]).wait()
        cid = wid * _NCH + j
        pltpu.sync_copy(ra[p], g1_hbm.at[cid])
        pltpu.sync_copy(rb[p], g2_hbm.at[cid])

    fire(0, 0)

    def body(i, _):
        j0 = 2 * i
        fire(j0 + 1, 1)
        drain_and_write(j0, 0)

        @pl.when(i < _NCH // 2 - 1)
        def _():
            fire(j0 + 2, 0)

        drain_and_write(j0 + 1, 1)
        return _

    lax.fori_loop(0, _NCH // 2, body, None)


def _sc_gather(xs1, xd1, src_rs, dst_rs):
    mesh = plsc.VectorSubcoreMesh(core_axis_name="c", subcore_axis_name="s")
    f = pl.kernel(
        _gather_body,
        out_type=(
            jax.ShapeDtypeStruct((_NW * _NCH, _CH, _D), jnp.float32),
            jax.ShapeDtypeStruct((_NW * _NCH, _CH, _D), jnp.float32),
        ),
        mesh=mesh,
        scratch_types=(
            [pltpu.VMEM((_NCH, _CH), jnp.int32)] * 2
            + [pltpu.VMEM((_CH, _D), jnp.float32) for _ in range(2 * _GSLOT)]
            + [pltpu.SemaphoreType.DMA] * (2 * _GSLOT)
        ),
    )
    g1, g2 = f(xs1, xd1, src_rs, dst_rs)
    return g1.reshape(_E, _D), g2.reshape(_E, _D)


def _edge_body(g1_ref, g2_ref, ea_ref, w1c_ref, b1_ref, w2_ref, b2_ref,
               w3_ref, b3_ref, eg_ref, ebeta_ref, oe_ref, hd_ref, hs_ref):
    ea = ea_ref[...]
    pre1 = (g1_ref[...] + g2_ref[...] + b1_ref[...]
            + jnp.dot(ea, w1c_ref[...], preferred_element_type=jnp.float32))
    h = _silu(pre1)
    h = _silu(jnp.dot(h, w2_ref[...], preferred_element_type=jnp.float32)
              + b2_ref[...])
    e3 = jnp.dot(h, w3_ref[...], preferred_element_type=jnp.float32) + b3_ref[...]
    ne = _ln(e3, eg_ref[...], ebeta_ref[...])
    oe_ref[...] = ne + ea
    hd_ref[...] = ne[:, :_HALF]
    hs_ref[...] = ne[:, _HALF:]


def _edge_mlp(g1, g2, ea, w1c, b1, w2, b2, w3, b3, eg, ebeta):
    grid = _E // _BE
    row = lambda i: (i, 0)
    full = lambda i: (0, 0)
    return pl.pallas_call(
        _edge_body,
        grid=(grid,),
        in_specs=[
            pl.BlockSpec((_BE, _D), row),
            pl.BlockSpec((_BE, _D), row),
            pl.BlockSpec((_BE, _D), row),
            pl.BlockSpec((_D, _D), full),
            pl.BlockSpec((1, _D), full),
            pl.BlockSpec((_D, _D), full),
            pl.BlockSpec((1, _D), full),
            pl.BlockSpec((_D, _D), full),
            pl.BlockSpec((1, _D), full),
            pl.BlockSpec((1, _D), full),
            pl.BlockSpec((1, _D), full),
        ],
        out_specs=[
            pl.BlockSpec((_BE, _D), row),
            pl.BlockSpec((_BE, _HALF), row),
            pl.BlockSpec((_BE, _HALF), row),
        ],
        out_shape=[
            jax.ShapeDtypeStruct((_E, _D), jnp.float32),
            jax.ShapeDtypeStruct((_E, _HALF), jnp.float32),
            jax.ShapeDtypeStruct((_E, _HALF), jnp.float32),
        ],
    )(g1, g2, ea, w1c, b1, w2, b2, w3, b3, eg, ebeta)


_NPAD = 10112
_ZCH = _NPAD // _NS
_SCH = 40
_SNCH = _PERW // _SCH
_NSLOT = 5
_ZSTG = 48


def _scatter_body(hd_hbm, hs_hbm, dst_hbm, src_hbm, zer_hbm, out_hbm,
                  i0, i1, i2, i3, i4, r0, r1, r2, r3, r4,
                  si0, si1, si2, si3, si4, sr0, sr1, sr2, sr3, sr4,
                  sc0, sc1, sc2, sc3, sc4, acc, stg):
    cid_c = lax.axis_index("c")
    sid = lax.axis_index("s")
    wid = sid * _NC + cid_c

    segs = [(k * _ZSTG, _ZSTG) for k in range(_ZCH // _ZSTG)]
    segs.append((_ZCH - _ZCH % _ZSTG, _ZCH % _ZSTG))
    pltpu.sync_copy(zer_hbm, stg)
    for off, sz in segs:
        pltpu.sync_copy(stg.at[pl.ds(0, sz)],
                        acc.at[pl.ds(sid * _ZCH + off, sz)])
    plsc.subcore_barrier()

    r = (r0, r1, r2, r3, r4)
    ib = (i0, i1, i2, i3, i4)
    sib = (si0, si1, si2, si3, si4)
    srb = (sr0, sr1, sr2, sr3, sr4)
    ssc = (sc0, sc1, sc2, sc3, sc4)

    def phase(h_hbm, i_hbm):
        base = wid * _PERW

        def loads(j, q):
            cid = wid * _SNCH + j
            pltpu.make_async_copy(i_hbm.at[pl.ds(base + j * _SCH, _SCH)],
                                  ib[q], sib[q]).start()
            pltpu.make_async_copy(h_hbm.at[cid], r[q], srb[q]).start()

        def wait_loads(j, q):
            cid = wid * _SNCH + j
            pltpu.make_async_copy(i_hbm.at[pl.ds(base + j * _SCH, _SCH)],
                                  ib[q], sib[q]).wait()
            pltpu.make_async_copy(h_hbm.at[cid], r[q], srb[q]).wait()

        def wait_scat(q):
            pltpu.make_async_copy(r[q], acc.at[ib[q]], ssc[q]).wait()

        def step(j, q):
            @pl.when(j + 1 < _SNCH)
            def _():
                @pl.when(j >= _NSLOT - 1)
                def _():
                    wait_scat((q + 1) % _NSLOT)

                loads(j + 1, (q + 1) % _NSLOT)

            wait_loads(j, q)
            pltpu.async_copy(r[q], acc.at[ib[q]], ssc[q], add=True)

        loads(0, 0)

        def body(i, _):
            for qq in range(_NSLOT):
                step(_NSLOT * i + qq, qq)
            return _

        lax.fori_loop(0, _SNCH // _NSLOT, body, None)
        for q in range(_NSLOT):
            wait_scat(q)

    phase(hd_hbm, dst_hbm)
    phase(hs_hbm, src_hbm)

    plsc.subcore_barrier()
    for off, sz in segs:
        pltpu.sync_copy(acc.at[pl.ds(sid * _ZCH + off, sz)],
                        stg.at[pl.ds(0, sz)])
        pltpu.sync_copy(stg.at[pl.ds(0, sz)],
                        out_hbm.at[cid_c, pl.ds(sid * _ZCH + off, sz)])


def _sc_scatter(hd, hs, dstp, srcp):
    mesh = plsc.VectorSubcoreMesh(core_axis_name="c", subcore_axis_name="s")
    zer = jnp.zeros((_ZSTG, _HALF), jnp.float32)
    f = pl.kernel(
        _scatter_body,
        out_type=jax.ShapeDtypeStruct((_NC, _NPAD, _HALF), jnp.float32),
        mesh=mesh,
        scratch_types=(
            [pltpu.VMEM((_SCH,), jnp.int32) for _ in range(_NSLOT)]
            + [pltpu.VMEM((_SCH, _HALF), jnp.float32) for _ in range(_NSLOT)]
            + [pltpu.SemaphoreType.DMA] * (3 * _NSLOT)
            + [pltpu.VMEM_SHARED((_NPAD, _HALF), jnp.float32),
               pltpu.VMEM((_ZSTG, _HALF), jnp.float32)]
        ),
    )
    return f(hd.reshape(_NW * _SNCH, _SCH, _HALF),
             hs.reshape(_NW * _SNCH, _SCH, _HALF),
             dstp, srcp, zer)


def _node_body(x_ref, p0_ref, p1_ref, w1a_ref, w1b_ref, b1_ref, w2_ref,
               b2_ref, w3_ref, b3_ref, ng_ref, nbeta_ref, ox_ref):
    xv = x_ref[...]
    agg = p0_ref[...] + p1_ref[...]
    pre1 = (jnp.dot(xv, w1a_ref[...], preferred_element_type=jnp.float32)
            + jnp.dot(agg, w1b_ref[...], preferred_element_type=jnp.float32)
            + b1_ref[...])
    h = _silu(pre1)
    h = _silu(jnp.dot(h, w2_ref[...], preferred_element_type=jnp.float32)
              + b2_ref[...])
    e3 = jnp.dot(h, w3_ref[...], preferred_element_type=jnp.float32) + b3_ref[...]
    ox_ref[...] = _ln(e3, ng_ref[...], nbeta_ref[...]) + xv


def _node_mlp(x, p0, p1, w1a, w1b, b1, w2, b2, w3, b3, ng, nbeta):
    grid = _N // _BN
    row = lambda i: (i, 0)
    full = lambda i: (0, 0)
    return pl.pallas_call(
        _node_body,
        grid=(grid,),
        in_specs=[
            pl.BlockSpec((_BN, _D), row),
            pl.BlockSpec((_BN, _HALF), row),
            pl.BlockSpec((_BN, _HALF), row),
            pl.BlockSpec((_D, _D), full),
            pl.BlockSpec((_HALF, _D), full),
            pl.BlockSpec((1, _D), full),
            pl.BlockSpec((_D, _D), full),
            pl.BlockSpec((1, _D), full),
            pl.BlockSpec((_D, _D), full),
            pl.BlockSpec((1, _D), full),
            pl.BlockSpec((1, _D), full),
            pl.BlockSpec((1, _D), full),
        ],
        out_specs=pl.BlockSpec((_BN, _D), row),
        out_shape=jax.ShapeDtypeStruct((_N, _D), jnp.float32),
    )(x, p0, p1, w1a, w1b, b1, w2, b2, w3, b3, ng, nbeta)


def kernel(x, edge_attr, edge_index,
           eW1, eb1, eW2, eb2, eW3, eb3, eg, ebeta,
           nW1, nb1, nW2, nb2, nW3, nb3, ng, nbeta):
    src = edge_index[0].astype(jnp.int32)
    dst = edge_index[1].astype(jnp.int32)
    w1a, w1b, w1c = eW1[:_D], eW1[_D:2 * _D], eW1[2 * _D:]
    r = lambda v: v.reshape(1, _D)

    xs1, xd1 = _premul(x, w1a, w1b)

    src_rs = src.reshape(_NW, _NCH, _CH)
    dst_rs = dst.reshape(_NW, _NCH, _CH)
    g1, g2 = _sc_gather(xs1, xd1, src_rs, dst_rs)

    out_edge, hd, hs = _edge_mlp(g1, g2, edge_attr, w1c, r(eb1), eW2, r(eb2),
                                 eW3, r(eb3), r(eg), r(ebeta))

    partial = _sc_scatter(hd, hs, dst, src)
    p0 = partial[0, :_N]
    p1 = partial[1, :_N]

    nw1a, nw1b = nW1[:_D], nW1[_D:]
    rh = lambda v: v.reshape(1, _D)
    out_x = _node_mlp(x, p0, p1, nw1a, nw1b, rh(nb1), nW2, rh(nb2),
                      nW3, rh(nb3), rh(ng), rh(nbeta))
    return (out_x, out_edge)

# --- scband reference (transcript-rebuilt; emitter-appended) ---
"""Pipeline reference for scband-gn-block-46231027974467 (READ-ONLY COPY).

The authoritative reference and input builder live on the scoring server;
editing this copy changes nothing except your own understanding.
"""

import jax, jax.numpy as jnp
import numpy as np

N = 10000
E = 160000
D = 128  # hidden_size
HALF = D // 2


def _mlp(h, W1, b1, W2, b2, W3, b3):
    # build_mlp(..., drop_out=False): Linear -> SiLU -> Linear -> SiLU -> Linear
    h = jax.nn.silu(h @ W1 + b1)
    h = jax.nn.silu(h @ W2 + b2)
    return h @ W3 + b3


def _ln(v, g, b):
    m = jnp.mean(v, axis=-1, keepdims=True)
    var = jnp.var(v, axis=-1, keepdims=True)
    return (v - m) / jnp.sqrt(var + 1e-5) * g + b


def setup_inputs(seed: int = 0) -> dict:
    key = jax.random.key(seed)
    ks = jax.random.split(key, 24)

    x = jax.random.normal(ks[0], (N, D), dtype=jnp.float32)
    edge_attr = jax.random.normal(ks[1], (E, D), dtype=jnp.float32)
    edge_index = jax.random.randint(ks[2], (2, E), 0, N)

    def w(k, shape):
        return jax.random.normal(k, shape, dtype=jnp.float32) * 0.05

    # EdgeBlock MLP: in = 3*D (src node feats, dst node feats, edge_attr)
    eW1, eb1 = w(ks[3], (3 * D, D)), jnp.zeros((D,), jnp.float32)
    eW2, eb2 = w(ks[4], (D, D)), jnp.zeros((D,), jnp.float32)
    eW3, eb3 = w(ks[5], (D, D)), jnp.zeros((D,), jnp.float32)
    eg, ebeta = jnp.ones((D,), jnp.float32), jnp.zeros((D,), jnp.float32)

    # NodeBlock MLP: in = D + D//2 (node feats + aggregated half-edge messages)
    nW1, nb1 = w(ks[6], (D + HALF, D)), jnp.zeros((D,), jnp.float32)
    nW2, nb2 = w(ks[7], (D, D)), jnp.zeros((D,), jnp.float32)
    nW3, nb3 = w(ks[8], (D, D)), jnp.zeros((D,), jnp.float32)
    ng, nbeta = jnp.ones((D,), jnp.float32), jnp.zeros((D,), jnp.float32)

    return {
        "x": x, "edge_attr": edge_attr, "edge_index": edge_index,
        "eW1": eW1, "eb1": eb1, "eW2": eW2, "eb2": eb2, "eW3": eW3, "eb3": eb3,
        "eg": eg, "ebeta": ebeta,
        "nW1": nW1, "nb1": nb1, "nW2": nW2, "nb2": nb2, "nW3": nW3, "nb3": nb3,
        "ng": ng, "nbeta": nbeta,
    }


def reference(x, edge_attr, edge_index,
              eW1, eb1, eW2, eb2, eW3, eb3, eg, ebeta,
              nW1, nb1, nW2, nb2, nW3, nb3, ng, nbeta):
    src = edge_index[0]
    dst = edge_index[1]

    # EdgeBlock: concat gathered endpoint features with edge features, MLP + LayerNorm
    e_in = jnp.concatenate([jnp.take(x, src, axis=0),
                            jnp.take(x, dst, axis=0),
                            edge_attr], axis=-1)
    new_e = _ln(_mlp(e_in, eW1, eb1, eW2, eb2, eW3, eb3), eg, ebeta)

    # NodeBlock: two-way half-split scatter-add aggregation of edge messages
    agg = (jax.ops.segment_sum(new_e[:, :HALF], dst, num_segments=x.shape[0]) +
           jax.ops.segment_sum(new_e[:, HALF:], src, num_segments=x.shape[0]))
    n_in = jnp.concatenate([x, agg], axis=-1)
    new_x = _ln(_mlp(n_in, nW1, nb1, nW2, nb2, nW3, nb3), ng, nbeta)

    # Residual connections (graph_node_last copy)
    out_x = new_x + x
    out_edge = new_e + edge_attr
    return (out_x, out_edge)

if __name__ == "__main__":
    import jax
    _d = setup_inputs()
    print(jax.jit(kernel)(*tuple(_d.values())))

</pallas_src>

<mosaic_0001>
#map = affine_map<(d0, d1) -> (0, 0)>
#map1 = affine_map<(d0, d1) -> (0, 0, 0)>
module attributes {stable_mosaic.version = 14 : i64} {
  func.func @_gather_body(%arg0: i32, %arg1: i32, %arg2: memref<10000x128xf32, #tpu.memory_space<hbm>>, %arg3: memref<10000x128xf32, #tpu.memory_space<hbm>>, %arg4: memref<32x50x100xi32, #tpu.memory_space<hbm>>, %arg5: memref<32x50x100xi32, #tpu.memory_space<hbm>>, %arg6: memref<1600x100x128xf32, #tpu.memory_space<hbm>>, %arg7: memref<1600x100x128xf32, #tpu.memory_space<hbm>>, %arg8: memref<50x100xi32, #tpu.memory_space<vmem>>, %arg9: memref<50x100xi32, #tpu.memory_space<vmem>>, %arg10: memref<100x128xf32, #tpu.memory_space<vmem>>, %arg11: memref<100x128xf32, #tpu.memory_space<vmem>>, %arg12: memref<100x128xf32, #tpu.memory_space<vmem>>, %arg13: memref<100x128xf32, #tpu.memory_space<vmem>>, %arg14: memref<!tpu.dma_semaphore, #tpu.memory_space<semaphore_mem>>, %arg15: memref<!tpu.dma_semaphore, #tpu.memory_space<semaphore_mem>>, %arg16: memref<!tpu.dma_semaphore, #tpu.memory_space<semaphore_mem>>, %arg17: memref<!tpu.dma_semaphore, #tpu.memory_space<semaphore_mem>>) attributes {dimension_semantics = [#tpu.dimension_semantics<core_parallel>, #tpu.dimension_semantics<subcore_parallel>], iteration_bounds = array<i64: 2, 16>, scalar_prefetch = 0 : i64, scratch_operands = 10 : i64, tpu.core_type = #tpu.core_type<sc_vector_subcore>, window_params = [{transform_indices = #map}, {transform_indices = #map}, {transform_indices = #map1}, {transform_indices = #map1}, {transform_indices = #map1}, {transform_indices = #map1}]} {
    %mul3A = arith.constant 2 : i32
    %mul3A_0 = arith.muli %arg1, %mul3A : i32
    %add3A = arith.addi %mul3A_0, %arg0 : i32
    "tpu.region"() ({
      %run_scoped3A = tpu.sem_alloc : memref<!tpu.dma_semaphore, #tpu.memory_space<semaphore_mem>>
      %dma_start3A_18 = arith.constant 0 : i32
      %dma_start3A_19 = arith.constant 0 : i32
      %dma_start3A_20 = tpu.memref_slice %arg4[%add3A, %dma_start3A_18, %dma_start3A_19] : memref<32x50x100xi32, #tpu.memory_space<hbm>> -> memref<1x50x100xi32, #tpu.memory_space<hbm>>
      %dma_start3A_21 = tpu.memref_squeeze %dma_start3A_20 : memref<1x50x100xi32, #tpu.memory_space<hbm>> -> memref<50x100xi32, #tpu.memory_space<hbm>>
      %dma_start3A_22 = arith.constant 0 : i32
      %dma_start3A_23 = arith.constant 0 : i32
      %dma_start3A_24 = tpu.memref_slice %arg4[%add3A, %dma_start3A_22, %dma_start3A_23] : memref<32x50x100xi32, #tpu.memory_space<hbm>> -> memref<1x50x100xi32, #tpu.memory_space<hbm>>
      %dma_start3A_25 = tpu.memref_squeeze %dma_start3A_24 : memref<1x50x100xi32, #tpu.memory_space<hbm>> -> memref<50x100xi32, #tpu.memory_space<hbm>>
      tpu.enqueue_dma source(%dma_start3A_25 : memref<50x100xi32, #tpu.memory_space<hbm>>) target(%arg8 : memref<50x100xi32, #tpu.memory_space<vmem>>) target_semaphore(%run_scoped3A : memref<!tpu.dma_semaphore, #tpu.memory_space<semaphore_mem>>)
      %dma_wait3A = arith.constant 0 : i32
      %dma_wait3A_26 = arith.constant 0 : i32
      %dma_wait3A_27 = tpu.memref_slice %arg4[%add3A, %dma_wait3A, %dma_wait3A_26] : memref<32x50x100xi32, #tpu.memory_space<hbm>> -> memref<1x50x100xi32, #tpu.memory_space<hbm>>
      %dma_wait3A_28 = tpu.memref_squeeze %dma_wait3A_27 : memref<1x50x100xi32, #tpu.memory_space<hbm>> -> memref<50x100xi32, #tpu.memory_space<hbm>>
      %dma_wait3A_29 = arith.constant 0 : i32
      %dma_wait3A_30 = arith.constant 0 : i32
      %dma_wait3A_31 = tpu.memref_slice %arg4[%add3A, %dma_wait3A_29, %dma_wait3A_30] : memref<32x50x100xi32, #tpu.memory_space<hbm>> -> memref<1x50x100xi32, #tpu.memory_space<hbm>>
      %dma_wait3A_32 = tpu.memref_squeeze %dma_wait3A_31 : memref<1x50x100xi32, #tpu.memory_space<hbm>> -> memref<50x100xi32, #tpu.memory_space<hbm>>
      tpu.wait_dma2 semaphore(%run_scoped3A : memref<!tpu.dma_semaphore, #tpu.memory_space<semaphore_mem>>) src(%dma_wait3A_32 : memref<50x100xi32, #tpu.memory_space<hbm>>) dst(%arg8 : memref<50x100xi32, #tpu.memory_space<vmem>>)
      tpu.yield
    }) : () -> ()
    "tpu.region"() ({
      %run_scoped3A = tpu.sem_alloc : memref<!tpu.dma_semaphore, #tpu.memory_space<semaphore_mem>>
      %dma_start3A_18 = arith.constant 0 : i32
      %dma_start3A_19 = arith.constant 0 : i32
      %dma_start3A_20 = tpu.memref_slice %arg5[%add3A, %dma_start3A_18, %dma_start3A_19] : memref<32x50x100xi32, #tpu.memory_space<hbm>> -> memref<1x50x100xi32, #tpu.memory_space<hbm>>
      %dma_start3A_21 = tpu.memref_squeeze %dma_start3A_20 : memref<1x50x100xi32, #tpu.memory_space<hbm>> -> memref<50x100xi32, #tpu.memory_space<hbm>>
      %dma_start3A_22 = arith.constant 0 : i32
      %dma_start3A_23 = arith.constant 0 : i32
      %dma_start3A_24 = tpu.memref_slice %arg5[%add3A, %dma_start3A_22, %dma_start3A_23] : memref<32x50x100xi32, #tpu.memory_space<hbm>> -> memref<1x50x100xi32, #tpu.memory_space<hbm>>
      %dma_start3A_25 = tpu.memref_squeeze %dma_start3A_24 : memref<1x50x100xi32, #tpu.memory_space<hbm>> -> memref<50x100xi32, #tpu.memory_space<hbm>>
      tpu.enqueue_dma source(%dma_start3A_25 : memref<50x100xi32, #tpu.memory_space<hbm>>) target(%arg9 : memref<50x100xi32, #tpu.memory_space<vmem>>) target_semaphore(%run_scoped3A : memref<!tpu.dma_semaphore, #tpu.memory_space<semaphore_mem>>)
      %dma_wait3A = arith.constant 0 : i32
      %dma_wait3A_26 = arith.constant 0 : i32
      %dma_wait3A_27 = tpu.memref_slice %arg5[%add3A, %dma_wait3A, %dma_wait3A_26] : memref<32x50x100xi32, #tpu.memory_space<hbm>> -> memref<1x50x100xi32, #tpu.memory_space<hbm>>
      %dma_wait3A_28 = tpu.memref_squeeze %dma_wait3A_27 : memref<1x50x100xi32, #tpu.memory_space<hbm>> -> memref<50x100xi32, #tpu.memory_space<hbm>>
      %dma_wait3A_29 = arith.constant 0 : i32
      %dma_wait3A_30 = arith.constant 0 : i32
      %dma_wait3A_31 = tpu.memref_slice %arg5[%add3A, %dma_wait3A_29, %dma_wait3A_30] : memref<32x50x100xi32, #tpu.memory_space<hbm>> -> memref<1x50x100xi32, #tpu.memory_space<hbm>>
      %dma_wait3A_32 = tpu.memref_squeeze %dma_wait3A_31 : memref<1x50x100xi32, #tpu.memory_space<hbm>> -> memref<50x100xi32, #tpu.memory_space<hbm>>
      tpu.wait_dma2 semaphore(%run_scoped3A : memref<!tpu.dma_semaphore, #tpu.memory_space<semaphore_mem>>) src(%dma_wait3A_32 : memref<50x100xi32, #tpu.memory_space<hbm>>) dst(%arg9 : memref<50x100xi32, #tpu.memory_space<vmem>>)
      tpu.yield
    }) : () -> ()
    %dma_start3A = arith.constant 0 : i32
    %dma_start3A_1 = arith.constant 0 : i32
    %dma_start3A_2 = tpu.memref_slice %arg8[%dma_start3A, %dma_start3A_1] : memref<50x100xi32, #tpu.memory_space<vmem>> -> memref<1x100xi32, #tpu.memory_space<vmem>>
    %dma_start3A_3 = tpu.memref_squeeze %dma_start3A_2 : memref<1x100xi32, #tpu.memory_space<vmem>> -> memref<100xi32, #tpu.memory_space<vmem>>
    %dma_start3A_4 = arith.constant 0 : i32
    %dma_start3A_5 = arith.constant 0 : i32
    %dma_start3A_6 = tpu.memref_slice %arg2[%dma_start3A_4, %dma_start3A_5] : memref<10000x128xf32, #tpu.memory_space<hbm>> -> memref<10000x128xf32, #tpu.memory_space<hbm>>
    tpu.enqueue_indirect_dma source(%dma_start3A_6 : memref<10000x128xf32, #tpu.memory_space<hbm>>) target(%arg10 : memref<100x128xf32, #tpu.memory_space<vmem>>) offsets(%dma_start3A_3 : memref<100xi32, #tpu.memory_space<vmem>>) semaphore(%arg14 : memref<!tpu.dma_semaphore, #tpu.memory_space<semaphore_mem>>)
    %dma_start3A_7 = arith.constant 0 : i32
    %dma_start3A_8 = arith.constant 0 : i32
    %dma_start3A_9 = tpu.memref_slice %arg9[%dma_start3A_7, %dma_start3A_8] : memref<50x100xi32, #tpu.memory_space<vmem>> -> memref<1x100xi32, #tpu.memory_space<vmem>>
    %dma_start3A_10 = tpu.memref_squeeze %dma_start3A_9 : memref<1x100xi32, #tpu.memory_space<vmem>> -> memref<100xi32, #tpu.memory_space<vmem>>
    %dma_start3A_11 = arith.constant 0 : i32
    %dma_start3A_12 = arith.constant 0 : i32
    %dma_start3A_13 = tpu.memref_slice %arg3[%dma_start3A_11, %dma_start3A_12] : memref<10000x128xf32, #tpu.memory_space<hbm>> -> memref<10000x128xf32, #tpu.memory_space<hbm>>
    tpu.enqueue_indirect_dma source(%dma_start3A_13 : memref<10000x128xf32, #tpu.memory_space<hbm>>) target(%arg12 : memref<100x128xf32, #tpu.memory_space<vmem>>) offsets(%dma_start3A_10 : memref<100xi32, #tpu.memory_space<vmem>>) semaphore(%arg16 : memref<!tpu.dma_semaphore, #tpu.memory_space<semaphore_mem>>)
    %scan3A = arith.constant 0 : i32
    %scan3A_14 = arith.constant 25 : i32
    %scan3A_15 = arith.addi %scan3A, %scan3A_14 : i32
    %scan3A_16 = arith.constant 1 : i32
    scf.for %scan3A_18 = %scan3A to %scan3A_15 step %scan3A_16  : i32 {
      %mul3A_19 = arith.constant 2 : i32
      %mul3A_20 = arith.muli %mul3A_19, %scan3A_18 : i32
      %add3A_21 = arith.constant 1 : i32
      %add3A_22 = arith.addi %mul3A_20, %add3A_21 : i32
      %dma_start3A_23 = arith.constant 0 : i32
      %dma_start3A_24 = tpu.memref_slice %arg8[%add3A_22, %dma_start3A_23] : memref<50x100xi32, #tpu.memory_space<vmem>> -> memref<1x100xi32, #tpu.memory_space<vmem>>
      %dma_start3A_25 = tpu.memref_squeeze %dma_start3A_24 : memref<1x100xi32, #tpu.memory_space<vmem>> -> memref<100xi32, #tpu.memory_space<vmem>>
      %dma_start3A_26 = arith.constant 0 : i32
      %dma_start3A_27 = arith.constant 0 : i32
      %dma_start3A_28 = tpu.memref_slice %arg2[%dma_start3A_26, %dma_start3A_27] : memref<10000x128xf32, #tpu.memory_space<hbm>> -> memref<10000x128xf32, #tpu.memory_space<hbm>>
      tpu.enqueue_indirect_dma source(%dma_start3A_28 : memref<10000x128xf32, #tpu.memory_space<hbm>>) target(%arg11 : memref<100x128xf32, #tpu.memory_space<vmem>>) offsets(%dma_start3A_25 : memref<100xi32, #tpu.memory_space<vmem>>) semaphore(%arg15 : memref<!tpu.dma_semaphore, #tpu.memory_space<semaphore_mem>>)
      %dma_start3A_29 = arith.constant 0 : i32
      %dma_start3A_30 = tpu.memref_slice %arg9[%add3A_22, %dma_start3A_29] : memref<50x100xi32, #tpu.memory_space<vmem>> -> memref<1x100xi32, #tpu.memory_space<vmem>>
      %dma_start3A_31 = tpu.memref_squeeze %dma_start3A_30 : memref<1x100xi32, #tpu.memory_space<vmem>> -> memref<100xi32, #tpu.memory_space<vmem>>
      %dma_start3A_32 = arith.constant 0 : i32
      %dma_start3A_33 = arith.constant 0 : i32
      %dma_start3A_34 = tpu.memref_slice %arg3[%dma_start3A_32, %dma_start3A_33] : memref<10000x128xf32, #tpu.memory_space<hbm>> -> memref<10000x128xf32, #tpu.memory_space<hbm>>
      tpu.enqueue_indirect_dma source(%dma_start3A_34 : memref<10000x128xf32, #tpu.memory_space<hbm>>) target(%arg13 : memref<100x128xf32, #tpu.memory_space<vmem>>) offsets(%dma_start3A_31 : memref<100xi32, #tpu.memory_space<vmem>>) semaphore(%arg17 : memref<!tpu.dma_semaphore, #tpu.memory_space<semaphore_mem>>)
      %dma_wait3A = arith.constant 0 : i32
      %dma_wait3A_35 = tpu.memref_slice %arg8[%mul3A_20, %dma_wait3A] : memref<50x100xi32, #tpu.memory_space<vmem>> -> memref<1x100xi32, #tpu.memory_space<vmem>>
      %dma_wait3A_36 = tpu.memref_squeeze %dma_wait3A_35 : memref<1x100xi32, #tpu.memory_space<vmem>> -> memref<100xi32, #tpu.memory_space<vmem>>
      %dma_wait3A_37 = arith.constant 0 : i32
      %dma_wait3A_38 = arith.constant 0 : i32
      %dma_wait3A_39 = tpu.memref_slice %arg2[%dma_wait3A_37, %dma_wait3A_38] : memref<10000x128xf32, #tpu.memory_space<hbm>> -> memref<10000x128xf32, #tpu.memory_space<hbm>>
      tpu.wait_indirect_dma semaphore(%arg14 : memref<!tpu.dma_semaphore, #tpu.memory_space<semaphore_mem>>) src(%dma_wait3A_39 : memref<10000x128xf32, #tpu.memory_space<hbm>>) dst(%arg10 : memref<100x128xf32, #tpu.memory_space<vmem>>)
      %dma_wait3A_40 = arith.constant 0 : i32
      %dma_wait3A_41 = tpu.memref_slice %arg9[%mul3A_20, %dma_wait3A_40] : memref<50x100xi32, #tpu.memory_space<vmem>> -> memref<1x100xi32, #tpu.memory_space<vmem>>
      %dma_wait3A_42 = tpu.memref_squeeze %dma_wait3A_41 : memref<1x100xi32, #tpu.memory_space<vmem>> -> memref<100xi32, #tpu.memory_space<vmem>>
      %dma_wait3A_43 = arith.constant 0 : i32
      %dma_wait3A_44 = arith.constant 0 : i32
      %dma_wait3A_45 = tpu.memref_slice %arg3[%dma_wait3A_43, %dma_wait3A_44] : memref<10000x128xf32, #tpu.memory_space<hbm>> -> memref<10000x128xf32, #tpu.memory_space<hbm>>
      tpu.wait_indirect_dma semaphore(%arg16 : memref<!tpu.dma_semaphore, #tpu.memory_space<semaphore_mem>>) src(%dma_wait3A_45 : memref<10000x128xf32, #tpu.memory_space<hbm>>) dst(%arg12 : memref<100x128xf32, #tpu.memory_space<vmem>>)
      %mul3A_46 = arith.constant 50 : i32
      %mul3A_47 = arith.muli %add3A, %mul3A_46 : i32
      %add3A_48 = arith.addi %mul3A_47, %mul3A_20 : i32
      "tpu.region"() ({
        %run_scoped3A = tpu.sem_alloc : memref<!tpu.dma_semaphore, #tpu.memory_space<semaphore_mem>>
        %dma_start3A_68 = arith.constant 0 : i32
        %dma_start3A_69 = arith.constant 0 : i32
        %dma_start3A_70 = tpu.memref_slice %arg6[%add3A_48, %dma_start3A_68, %dma_start3A_69] : memref<1600x100x128xf32, #tpu.memory_space<hbm>> -> memref<1x100x128xf32, #tpu.memory_space<hbm>>
        %dma_start3A_71 = tpu.memref_squeeze %dma_start3A_70 : memref<1x100x128xf32, #tpu.memory_space<hbm>> -> memref<100x128xf32, #tpu.memory_space<hbm>>
        %dma_start3A_72 = arith.constant 0 : i32
        %dma_start3A_73 = arith.constant 0 : i32
        %dma_start3A_74 = tpu.memref_slice %arg6[%add3A_48, %dma_start3A_72, %dma_start3A_73] : memref<1600x100x128xf32, #tpu.memory_space<hbm>> -> memref<1x100x128xf32, #tpu.memory_space<hbm>>
        %dma_start3A_75 = tpu.memref_squeeze %dma_start3A_74 : memref<1x100x128xf32, #tpu.memory_space<hbm>> -> memref<100x128xf32, #tpu.memory_space<hbm>>
        tpu.enqueue_dma source(%arg10 : memref<100x128xf32, #tpu.memory_space<vmem>>) target(%dma_start3A_75 : memref<100x128xf32, #tpu.memory_space<hbm>>) target_semaphore(%run_scoped3A : memref<!tpu.dma_semaphore, #tpu.memory_space<semaphore_mem>>)
        %dma_wait3A_76 = arith.constant 0 : i32
        %dma_wait3A_77 = arith.constant 0 : i32
        %dma_wait3A_78 = tpu.memref_slice %arg6[%add3A_48, %dma_wait3A_76, %dma_wait3A_77] : memref<1600x100x128xf32, #tpu.memory_space<hbm>> -> memref<1x100x128xf32, #tpu.memory_space<hbm>>
        %dma_wait3A_79 = tpu.memref_squeeze %dma_wait3A_78 : memref<1x100x128xf32, #tpu.memory_space<hbm>> -> memref<100x128xf32, #tpu.memory_space<hbm>>
        %dma_wait3A_80 = arith.constant 0 : i32
        %dma_wait3A_81 = arith.constant 0 : i32
        %dma_wait3A_82 = tpu.memref_slice %arg6[%add3A_48, %dma_wait3A_80, %dma_wait3A_81] : memref<1600x100x128xf32, #tpu.memory_space<hbm>> -> memref<1x100x128xf32, #tpu.memory_space<hbm>>
        %dma_wait3A_83 = tpu.memref_squeeze %dma_wait3A_82 : memref<1x100x128xf32, #tpu.memory_space<hbm>> -> memref<100x128xf32, #tpu.memory_space<hbm>>
        tpu.wait_dma2 semaphore(%run_scoped3A : memref<!tpu.dma_semaphore, #tpu.memory_space<semaphore_mem>>) src(%arg10 : memref<100x128xf32, #tpu.memory_space<vmem>>) dst(%dma_wait3A_83 : memref<100x128xf32, #tpu.memory_space<hbm>>)
        tpu.yield
      }) : () -> ()
      "tpu.region"() ({
        %run_scoped3A = tpu.sem_alloc : memref<!tpu.dma_semaphore, #tpu.memory_space<semaphore_mem>>
        %dma_start3A_68 = arith.constant 0 : i32
        %dma_start3A_69 = arith.constant 0 : i32
        %dma_start3A_70 = tpu.memref_slice %arg7[%add3A_48, %dma_start3A_68, %dma_start3A_69] : memref<1600x100x128xf32, #tpu.memory_space<hbm>> -> memref<1x100x128xf32, #tpu.memory_space<hbm>>
        %dma_start3A_71 = tpu.memref_squeeze %dma_start3A_70 : memref<1x100x128xf32, #tpu.memory_space<hbm>> -> memref<100x128xf32, #tpu.memory_space<hbm>>
        %dma_start3A_72 = arith.constant 0 : i32
        %dma_start3A_73 = arith.constant 0 : i32
        %dma_start3A_74 = tpu.memref_slice %arg7[%add3A_48, %dma_start3A_72, %dma_start3A_73] : memref<1600x100x128xf32, #tpu.memory_space<hbm>> -> memref<1x100x128xf32, #tpu.memory_space<hbm>>
        %dma_start3A_75 = tpu.memref_squeeze %dma_start3A_74 : memref<1x100x128xf32, #tpu.memory_space<hbm>> -> memref<100x128xf32, #tpu.memory_space<hbm>>
        tpu.enqueue_dma source(%arg12 : memref<100x128xf32, #tpu.memory_space<vmem>>) target(%dma_start3A_75 : memref<100x128xf32, #tpu.memory_space<hbm>>) target_semaphore(%run_scoped3A : memref<!tpu.dma_semaphore, #tpu.memory_space<semaphore_mem>>)
        %dma_wait3A_76 = arith.constant 0 : i32
        %dma_wait3A_77 = arith.constant 0 : i32
        %dma_wait3A_78 = tpu.memref_slice %arg7[%add3A_48, %dma_wait3A_76, %dma_wait3A_77] : memref<1600x100x128xf32, #tpu.memory_space<hbm>> -> memref<1x100x128xf32, #tpu.memory_space<hbm>>
        %dma_wait3A_79 = tpu.memref_squeeze %dma_wait3A_78 : memref<1x100x128xf32, #tpu.memory_space<hbm>> -> memref<100x128xf32, #tpu.memory_space<hbm>>
        %dma_wait3A_80 = arith.constant 0 : i32
        %dma_wait3A_81 = arith.constant 0 : i32
        %dma_wait3A_82 = tpu.memref_slice %arg7[%add3A_48, %dma_wait3A_80, %dma_wait3A_81] : memref<1600x100x128xf32, #tpu.memory_space<hbm>> -> memref<1x100x128xf32, #tpu.memory_space<hbm>>
        %dma_wait3A_83 = tpu.memref_squeeze %dma_wait3A_82 : memref<1x100x128xf32, #tpu.memory_space<hbm>> -> memref<100x128xf32, #tpu.memory_space<hbm>>
        tpu.wait_dma2 semaphore(%run_scoped3A : memref<!tpu.dma_semaphore, #tpu.memory_space<semaphore_mem>>) src(%arg12 : memref<100x128xf32, #tpu.memory_space<vmem>>) dst(%dma_wait3A_83 : memref<100x128xf32, #tpu.memory_space<hbm>>)
        tpu.yield
      }) : () -> ()
      %lt3A = arith.constant 24 : i32
      %lt3A_49 = arith.cmpi slt, %scan3A_18, %lt3A : i32
      %convert_element_type3A = arith.extui %lt3A_49 : i1 to i32
      %cond3A = arith.constant 0 : i32
      %cond3A_50 = arith.cmpi ne, %convert_element_type3A, %cond3A : i32
      scf.if %cond3A_50 {
        %add3A_68 = arith.constant 2 : i32
        %add3A_69 = arith.addi %mul3A_20, %add3A_68 : i32
        %dma_start3A_70 = arith.constant 0 : i32
        %dma_start3A_71 = tpu.memref_slice %arg8[%add3A_69, %dma_start3A_70] : memref<50x100xi32, #tpu.memory_space<vmem>> -> memref<1x100xi32, #tpu.memory_space<vmem>>
        %dma_start3A_72 = tpu.memref_squeeze %dma_start3A_71 : memref<1x100xi32, #tpu.memory_space<vmem>> -> memref<100xi32, #tpu.memory_space<vmem>>
        %dma_start3A_73 = arith.constant 0 : i32
        %dma_start3A_74 = arith.constant 0 : i32
        %dma_start3A_75 = tpu.memref_slice %arg2[%dma_start3A_73, %dma_start3A_74] : memref<10000x128xf32, #tpu.memory_space<hbm>> -> memref<10000x128xf32, #tpu.memory_space<hbm>>
        tpu.enqueue_indirect_dma source(%dma_start3A_75 : memref<10000x128xf32, #tpu.memory_space<hbm>>) target(%arg10 : memref<100x128xf32, #tpu.memory_space<vmem>>) offsets(%dma_start3A_72 : memref<100xi32, #tpu.memory_space<vmem>>) semaphore(%arg14 : memref<!tpu.dma_semaphore, #tpu.memory_space<semaphore_mem>>)
        %dma_start3A_76 = arith.constant 0 : i32
        %dma_start3A_77 = tpu.memref_slice %arg9[%add3A_69, %dma_start3A_76] : memref<50x100xi32, #tpu.memory_space<vmem>> -> memref<1x100xi32, #tpu.memory_space<vmem>>
        %dma_start3A_78 = tpu.memref_squeeze %dma_start3A_77 : memref<1x100xi32, #tpu.memory_space<vmem>> -> memref<100xi32, #tpu.memory_space<vmem>>
        %dma_start3A_79 = arith.constant 0 : i32
        %dma_start3A_80 = arith.constant 0 : i32
        %dma_start3A_81 = tpu.memref_slice %arg3[%dma_start3A_79, %dma_start3A_80] : memref<10000x128xf32, #tpu.memory_space<hbm>> -> memref<10000x128xf32, #tpu.memory_space<hbm>>
        tpu.enqueue_indirect_dma source(%dma_start3A_81 : memref<10000x128xf32, #tpu.memory_space<hbm>>) target(%arg12 : memref<100x128xf32, #tpu.memory_space<vmem>>) offsets(%dma_start3A_78 : memref<100xi32, #tpu.memory_space<vmem>>) semaphore(%arg16 : memref<!tpu.dma_semaphore, #tpu.memory_space<semaphore_mem>>)
      } else {
      }
      %add3A_51 = arith.constant 1 : i32
      %add3A_52 = arith.addi %mul3A_20, %add3A_51 : i32
      %dma_wait3A_53 = arith.constant 0 : i32
      %dma_wait3A_54 = tpu.memref_slice %arg8[%add3A_52, %dma_wait3A_53] : memref<50x100xi32, #tpu.memory_space<vmem>> -> memref<1x100xi32, #tpu.memory_space<vmem>>
      %dma_wait3A_55 = tpu.memref_squeeze %dma_wait3A_54 : memref<1x100xi32, #tpu.memory_space<vmem>> -> memref<100xi32, #tpu.memory_space<vmem>>
      %dma_wait3A_56 = arith.constant 0 : i32
      %dma_wait3A_57 = arith.constant 0 : i32
      %dma_wait3A_58 = tpu.memref_slice %arg2[%dma_wait3A_56, %dma_wait3A_57] : memref<10000x128xf32, #tpu.memory_space<hbm>> -> memref<10000x128xf32, #tpu.memory_space<hbm>>
      tpu.wait_indirect_dma semaphore(%arg15 : memref<!tpu.dma_semaphore, #tpu.memory_space<semaphore_mem>>) src(%dma_wait3A_58 : memref<10000x128xf32, #tpu.memory_space<hbm>>) dst(%arg11 : memref<100x128xf32, #tpu.memory_space<vmem>>)
      %dma_wait3A_59 = arith.constant 0 : i32
      %dma_wait3A_60 = tpu.memref_slice %arg9[%add3A_52, %dma_wait3A_59] : memref<50x100xi32, #tpu.memory_space<vmem>> -> memref<1x100xi32, #tpu.memory_space<vmem>>
      %dma_wait3A_61 = tpu.memref_squeeze %dma_wait3A_60 : memref<1x100xi32, #tpu.memory_space<vmem>> -> memref<100xi32, #tpu.memory_space<vmem>>
      %dma_wait3A_62 = arith.constant 0 : i32
      %dma_wait3A_63 = arith.constant 0 : i32
      %dma_wait3A_64 = tpu.memref_slice %arg3[%dma_wait3A_62, %dma_wait3A_63] : memref<10000x128xf32, #tpu.memory_space<hbm>> -> memref<10000x128xf32, #tpu.memory_space<hbm>>
      tpu.wait_indirect_dma semaphore(%arg17 : memref<!tpu.dma_semaphore, #tpu.memory_space<semaphore_mem>>) src(%dma_wait3A_64 : memref<10000x128xf32, #tpu.memory_space<hbm>>) dst(%arg13 : memref<100x128xf32, #tpu.memory_space<vmem>>)
      %mul3A_65 = arith.constant 50 : i32
      %mul3A_66 = arith.muli %add3A, %mul3A_65 : i32
      %add3A_67 = arith.addi %mul3A_66, %add3A_52 : i32
      "tpu.region"() ({
        %run_scoped3A = tpu.sem_alloc : memref<!tpu.dma_semaphore, #tpu.memory_space<semaphore_mem>>
        %dma_start3A_68 = arith.constant 0 : i32
        %dma_start3A_69 = arith.constant 0 : i32
        %dma_start3A_70 = tpu.memref_slice %arg6[%add3A_67, %dma_start3A_68, %dma_start3A_69] : memref<1600x100x128xf32, #tpu.memory_space<hbm>> -> memref<1x100x128xf32, #tpu.memory_space<hbm>>
        %dma_start3A_71 = tpu.memref_squeeze %dma_start3A_70 : memref<1x100x128xf32, #tpu.memory_space<hbm>> -> memref<100x128xf32, #tpu.memory_space<hbm>>
        %dma_start3A_72 = arith.constant 0 : i32
        %dma_start3A_73 = arith.constant 0 : i32
        %dma_start3A_74 = tpu.memref_slice %arg6[%add3A_67, %dma_start3A_72, %dma_start3A_73] : memref<1600x100x128xf32, #tpu.memory_space<hbm>> -> memref<1x100x128xf32, #tpu.memory_space<hbm>>
        %dma_start3A_75 = tpu.memref_squeeze %dma_start3A_74 : memref<1x100x128xf32, #tpu.memory_space<hbm>> -> memref<100x128xf32, #tpu.memory_space<hbm>>
        tpu.enqueue_dma source(%arg11 : memref<100x128xf32, #tpu.memory_space<vmem>>) target(%dma_start3A_75 : memref<100x128xf32, #tpu.memory_space<hbm>>) target_semaphore(%run_scoped3A : memref<!tpu.dma_semaphore, #tpu.memory_space<semaphore_mem>>)
        %dma_wait3A_76 = arith.constant 0 : i32
        %dma_wait3A_77 = arith.constant 0 : i32
        %dma_wait3A_78 = tpu.memref_slice %arg6[%add3A_67, %dma_wait3A_76, %dma_wait3A_77] : memref<1600x100x128xf32, #tpu.memory_space<hbm>> -> memref<1x100x128xf32, #tpu.memory_space<hbm>>
        %dma_wait3A_79 = tpu.memref_squeeze %dma_wait3A_78 : memref<1x100x128xf32, #tpu.memory_space<hbm>> -> memref<100x128xf32, #tpu.memory_space<hbm>>
        %dma_wait3A_80 = arith.constant 0 : i32
        %dma_wait3A_81 = arith.constant 0 : i32
        %dma_wait3A_82 = tpu.memref_slice %arg6[%add3A_67, %dma_wait3A_80, %dma_wait3A_81] : memref<1600x100x128xf32, #tpu.memory_space<hbm>> -> memref<1x100x128xf32, #tpu.memory_space<hbm>>
        %dma_wait3A_83 = tpu.memref_squeeze %dma_wait3A_82 : memref<1x100x128xf32, #tpu.memory_space<hbm>> -> memref<100x128xf32, #tpu.memory_space<hbm>>
        tpu.wait_dma2 semaphore(%run_scoped3A : memref<!tpu.dma_semaphore, #tpu.memory_space<semaphore_mem>>) src(%arg11 : memref<100x128xf32, #tpu.memory_space<vmem>>) dst(%dma_wait3A_83 : memref<100x128xf32, #tpu.memory_space<hbm>>)
        tpu.yield
      }) : () -> ()
      "tpu.region"() ({
        %run_scoped3A = tpu.sem_alloc : memref<!tpu.dma_semaphore, #tpu.memory_space<semaphore_mem>>
        %dma_start3A_68 = arith.constant 0 : i32
        %dma_start3A_69 = arith.constant 0 : i32
        %dma_start3A_70 = tpu.memref_slice %arg7[%add3A_67, %dma_start3A_68, %dma_start3A_69] : memref<1600x100x128xf32, #tpu.memory_space<hbm>> -> memref<1x100x128xf32, #tpu.memory_space<hbm>>
        %dma_start3A_71 = tpu.memref_squeeze %dma_start3A_70 : memref<1x100x128xf32, #tpu.memory_space<hbm>> -> memref<100x128xf32, #tpu.memory_space<hbm>>
        %dma_start3A_72 = arith.constant 0 : i32
        %dma_start3A_73 = arith.constant 0 : i32
        %dma_start3A_74 = tpu.memref_slice %arg7[%add3A_67, %dma_start3A_72, %dma_start3A_73] : memref<1600x100x128xf32, #tpu.memory_space<hbm>> -> memref<1x100x128xf32, #tpu.memory_space<hbm>>
        %dma_start3A_75 = tpu.memref_squeeze %dma_start3A_74 : memref<1x100x128xf32, #tpu.memory_space<hbm>> -> memref<100x128xf32, #tpu.memory_space<hbm>>
        tpu.enqueue_dma source(%arg13 : memref<100x128xf32, #tpu.memory_space<vmem>>) target(%dma_start3A_75 : memref<100x128xf32, #tpu.memory_space<hbm>>) target_semaphore(%run_scoped3A : memref<!tpu.dma_semaphore, #tpu.memory_space<semaphore_mem>>)
        %dma_wait3A_76 = arith.constant 0 : i32
        %dma_wait3A_77 = arith.constant 0 : i32
        %dma_wait3A_78 = tpu.memref_slice %arg7[%add3A_67, %dma_wait3A_76, %dma_wait3A_77] : memref<1600x100x128xf32, #tpu.memory_space<hbm>> -> memref<1x100x128xf32, #tpu.memory_space<hbm>>
        %dma_wait3A_79 = tpu.memref_squeeze %dma_wait3A_78 : memref<1x100x128xf32, #tpu.memory_space<hbm>> -> memref<100x128xf32, #tpu.memory_space<hbm>>
        %dma_wait3A_80 = arith.constant 0 : i32
        %dma_wait3A_81 = arith.constant 0 : i32
        %dma_wait3A_82 = tpu.memref_slice %arg7[%add3A_67, %dma_wait3A_80, %dma_wait3A_81] : memref<1600x100x128xf32, #tpu.memory_space<hbm>> -> memref<1x100x128xf32, #tpu.memory_space<hbm>>
        %dma_wait3A_83 = tpu.memref_squeeze %dma_wait3A_82 : memref<1x100x128xf32, #tpu.memory_space<hbm>> -> memref<100x128xf32, #tpu.memory_space<hbm>>
        tpu.wait_dma2 semaphore(%run_scoped3A : memref<!tpu.dma_semaphore, #tpu.memory_space<semaphore_mem>>) src(%arg13 : memref<100x128xf32, #tpu.memory_space<vmem>>) dst(%dma_wait3A_83 : memref<100x128xf32, #tpu.memory_space<hbm>>)
        tpu.yield
      }) : () -> ()
    }
    %scan3A_17 = arith.constant 25 : i32
    return
  }
}

#map = affine_map<(d0, d1) -> (0, 0, 0)>
#map1 = affine_map<(d0, d1) -> (0)>
#map2 = affine_map<(d0, d1) -> (0, 0)>
module attributes {stable_mosaic.version = 14 : i64} {
  func.func @_scatter_body(%arg0: i32, %arg1: i32, %arg2: memref<4000x40x64xf32, #tpu.memory_space<hbm>>, %arg3: memref<4000x40x64xf32, #tpu.memory_space<hbm>>, %arg4: memref<160000xi32, #tpu.memory_space<hbm>>, %arg5: memref<160000xi32, #tpu.memory_space<hbm>>, %arg6: memref<48x64xf32, #tpu.memory_space<hbm>>, %arg7: memref<2x10112x64xf32, #tpu.memory_space<hbm>>, %arg8: memref<40xi32, #tpu.memory_space<vmem>>, %arg9: memref<40xi32, #tpu.memory_space<vmem>>, %arg10: memref<40xi32, #tpu.memory_space<vmem>>, %arg11: memref<40xi32, #tpu.memory_space<vmem>>, %arg12: memref<40xi32, #tpu.memory_space<vmem>>, %arg13: memref<40x64xf32, #tpu.memory_space<vmem>>, %arg14: memref<40x64xf32, #tpu.memory_space<vmem>>, %arg15: memref<40x64xf32, #tpu.memory_space<vmem>>, %arg16: memref<40x64xf32, #tpu.memory_space<vmem>>, %arg17: memref<40x64xf32, #tpu.memory_space<vmem>>, %arg18: memref<!tpu.dma_semaphore, #tpu.memory_space<semaphore_mem>>, %arg19: memref<!tpu.dma_semaphore, #tpu.memory_space<semaphore_mem>>, %arg20: memref<!tpu.dma_semaphore, #tpu.memory_space<semaphore_mem>>, %arg21: memref<!tpu.dma_semaphore, #tpu.memory_space<semaphore_mem>>, %arg22: memref<!tpu.dma_semaphore, #tpu.memory_space<semaphore_mem>>, %arg23: memref<!tpu.dma_semaphore, #tpu.memory_space<semaphore_mem>>, %arg24: memref<!tpu.dma_semaphore, #tpu.memory_space<semaphore_mem>>, %arg25: memref<!tpu.dma_semaphore, #tpu.memory_space<semaphore_mem>>, %arg26: memref<!tpu.dma_semaphore, #tpu.memory_space<semaphore_mem>>, %arg27: memref<!tpu.dma_semaphore, #tpu.memory_space<semaphore_mem>>, %arg28: memref<!tpu.dma_semaphore, #tpu.memory_space<semaphore_mem>>, %arg29: memref<!tpu.dma_semaphore, #tpu.memory_space<semaphore_mem>>, %arg30: memref<!tpu.dma_semaphore, #tpu.memory_space<semaphore_mem>>, %arg31: memref<!tpu.dma_semaphore, #tpu.memory_space<semaphore_mem>>, %arg32: memref<!tpu.dma_semaphore, #tpu.memory_space<semaphore_mem>>, %arg33: memref<10112x64xf32, #tpu.memory_space<vmem_shared>>, %arg34: memref<48x64xf32, #tpu.memory_space<vmem>>) attributes {dimension_semantics = [#tpu.dimension_semantics<core_parallel>, #tpu.dimension_semantics<subcore_parallel>], iteration_bounds = array<i64: 2, 16>, scalar_prefetch = 0 : i64, scratch_operands = 27 : i64, tpu.core_type = #tpu.core_type<sc_vector_subcore>, window_params = [{transform_indices = #map}, {transform_indices = #map}, {transform_indices = #map1}, {transform_indices = #map1}, {transform_indices = #map2}, {transform_indices = #map}]} {
    %mul3A = arith.constant 2 : i32
    %mul3A_0 = arith.muli %arg1, %mul3A : i32
    %add3A = arith.addi %mul3A_0, %arg0 : i32
    "tpu.region"() ({
      %run_scoped3A = tpu.sem_alloc : memref<!tpu.dma_semaphore, #tpu.memory_space<semaphore_mem>>
      tpu.enqueue_dma source(%arg6 : memref<48x64xf32, #tpu.memory_space<hbm>>) target(%arg34 : memref<48x64xf32, #tpu.memory_space<vmem>>) target_semaphore(%run_scoped3A : memref<!tpu.dma_semaphore, #tpu.memory_space<semaphore_mem>>)
      tpu.wait_dma2 semaphore(%run_scoped3A : memref<!tpu.dma_semaphore, #tpu.memory_space<semaphore_mem>>) src(%arg6 : memref<48x64xf32, #tpu.memory_space<hbm>>) dst(%arg34 : memref<48x64xf32, #tpu.memory_space<vmem>>)
      tpu.yield
    }) : () -> ()
    %mul3A_1 = arith.constant 632 : i32
    %mul3A_2 = arith.muli %arg1, %mul3A_1 : i32
    %add3A_3 = arith.constant 0 : i32
    %add3A_4 = arith.addi %mul3A_2, %add3A_3 : i32
    "tpu.region"() ({
      %run_scoped3A = tpu.sem_alloc : memref<!tpu.dma_semaphore, #tpu.memory_space<semaphore_mem>>
      %dma_start3A_243 = arith.constant 0 : i32
      %dma_start3A_244 = arith.constant 0 : i32
      %dma_start3A_245 = tpu.memref_slice %arg34[%dma_start3A_243, %dma_start3A_244] : memref<48x64xf32, #tpu.memory_space<vmem>> -> memref<48x64xf32, #tpu.memory_space<vmem>>
      %dma_start3A_246 = arith.constant 0 : i32
      %dma_start3A_247 = tpu.memref_slice %arg33[%add3A_4, %dma_start3A_246] : memref<10112x64xf32, #tpu.memory_space<vmem_shared>> -> memref<48x64xf32, #tpu.memory_space<vmem_shared>>
      %dma_start3A_248 = arith.constant 0 : i32
      %dma_start3A_249 = tpu.memref_slice %arg33[%add3A_4, %dma_start3A_248] : memref<10112x64xf32, #tpu.memory_space<vmem_shared>> -> memref<48x64xf32, #tpu.memory_space<vmem_shared>>
      %dma_start3A_250 = arith.constant 0 : i32
      %dma_start3A_251 = arith.constant 0 : i32
      %dma_start3A_252 = tpu.memref_slice %arg34[%dma_start3A_250, %dma_start3A_251] : memref<48x64xf32, #tpu.memory_space<vmem>> -> memref<48x64xf32, #tpu.memory_space<vmem>>
      tpu.enqueue_dma source(%dma_start3A_252 : memref<48x64xf32, #tpu.memory_space<vmem>>) target(%dma_start3A_249 : memref<48x64xf32, #tpu.memory_space<vmem_shared>>) target_semaphore(%run_scoped3A : memref<!tpu.dma_semaphore, #tpu.memory_space<semaphore_mem>>)
      %dma_wait3A_253 = arith.constant 0 : i32
      %dma_wait3A_254 = arith.constant 0 : i32
      %dma_wait3A_255 = tpu.memref_slice %arg34[%dma_wait3A_253, %dma_wait3A_254] : memref<48x64xf32, #tpu.memory_space<vmem>> -> memref<48x64xf32, #tpu.memory_space<vmem>>
      %dma_wait3A_256 = arith.constant 0 : i32
      %dma_wait3A_257 = tpu.memref_slice %arg33[%add3A_4, %dma_wait3A_256] : memref<10112x64xf32, #tpu.memory_space<vmem_shared>> -> memref<48x64xf32, #tpu.memory_space<vmem_shared>>
      %dma_wait3A_258 = arith.constant 0 : i32
      %dma_wait3A_259 = tpu.memref_slice %arg33[%add3A_4, %dma_wait3A_258] : memref<10112x64xf32, #tpu.memory_space<vmem_shared>> -> memref<48x64xf32, #tpu.memory_space<vmem_shared>>
      %dma_wait3A_260 = arith.constant 0 : i32
      %dma_wait3A_261 = arith.constant 0 : i32
      %dma_wait3A_262 = tpu.memref_slice %arg34[%dma_wait3A_260, %dma_wait3A_261] : memref<48x64xf32, #tpu.memory_space<vmem>> -> memref<48x64xf32, #tpu.memory_space<vmem>>
      tpu.wait_dma2 semaphore(%run_scoped3A : memref<!tpu.dma_semaphore, #tpu.memory_space<semaphore_mem>>) src(%dma_wait3A_262 : memref<48x64xf32, #tpu.memory_space<vmem>>) dst(%dma_wait3A_259 : memref<48x64xf32, #tpu.memory_space<vmem_shared>>)
      tpu.yield
    }) : () -> ()
    %mul3A_5 = arith.constant 632 : i32
    %mul3A_6 = arith.muli %arg1, %mul3A_5 : i32
    %add3A_7 = arith.constant 48 : i32
    %add3A_8 = arith.addi %mul3A_6, %add3A_7 : i32
    "tpu.region"() ({
      %run_scoped3A = tpu.sem_alloc : memref<!tpu.dma_semaphore, #tpu.memory_space<semaphore_mem>>
      %dma_start3A_243 = arith.constant 0 : i32
      %dma_start3A_244 = arith.constant 0 : i32
      %dma_start3A_245 = tpu.memref_slice %arg34[%dma_start3A_243, %dma_start3A_244] : memref<48x64xf32, #tpu.memory_space<vmem>> -> memref<48x64xf32, #tpu.memory_space<vmem>>
      %dma_start3A_246 = arith.constant 0 : i32
      %dma_start3A_247 = tpu.memref_slice %arg33[%add3A_8, %dma_start3A_246] : memref<10112x64xf32, #tpu.memory_space<vmem_shared>> -> memref<48x64xf32, #tpu.memory_space<vmem_shared>>
      %dma_start3A_248 = arith.constant 0 : i32
      %dma_start3A_249 = tpu.memref_slice %arg33[%add3A_8, %dma_start3A_248] : memref<10112x64xf32, #tpu.memory_space<vmem_shared>> -> memref<48x64xf32, #tpu.memory_space<vmem_shared>>
      %dma_start3A_250 = arith.constant 0 : i32
      %dma_start3A_251 = arith.constant 0 : i32
      %dma_start3A_252 = tpu.memref_slice %arg34[%dma_start3A_250, %dma_start3A_251] : memref<48x64xf32, #tpu.memory_space<vmem>> -> memref<48x64xf32, #tpu.memory_space<vmem>>
      tpu.enqueue_dma source(%dma_start3A_252 : memref<48x64xf32, #tpu.memory_space<vmem>>) target(%dma_start3A_249 : memref<48x64xf32, #tpu.memory_space<vmem_shared>>) target_semaphore(%run_scoped3A : memref<!tpu.dma_semaphore, #tpu.memory_space<semaphore_mem>>)
      %dma_wait3A_253 = arith.constant 0 : i32
      %dma_wait3A_254 = arith.constant 0 : i32
      %dma_wait3A_255 = tpu.memref_slice %arg34[%dma_wait3A_253, %dma_wait3A_254] : memref<48x64xf32, #tpu.memory_space<vmem>> -> memref<48x64xf32, #tpu.memory_space<vmem>>
      %dma_wait3A_256 = arith.constant 0 : i32
      %dma_wait3A_257 = tpu.memref_slice %arg33[%add3A_8, %dma_wait3A_256] : memref<10112x64xf32, #tpu.memory_space<vmem_shared>> -> memref<48x64xf32, #tpu.memory_space<vmem_shared>>
      %dma_wait3A_258 = arith.constant 0 : i32
      %dma_wait3A_259 = tpu.memref_slice %arg33[%add3A_8, %dma_wait3A_258] : memref<10112x64xf32, #tpu.memory_space<vmem_shared>> -> memref<48x64xf32, #tpu.memory_space<vmem_shared>>
      %dma_wait3A_260 = arith.constant 0 : i32
      %dma_wait3A_261 = arith.constant 0 : i32
      %dma_wait3A_262 = tpu.memref_slice %arg34[%dma_wait3A_260, %dma_wait3A_261] : memref<48x64xf32, #tpu.memory_space<vmem>> -> memref<48x64xf32, #tpu.memory_space<vmem>>
      tpu.wait_dma2 semaphore(%run_scoped3A : memref<!tpu.dma_semaphore, #tpu.memory_space<semaphore_mem>>) src(%dma_wait3A_262 : memref<48x64xf32, #tpu.memory_space<vmem>>) dst(%dma_wait3A_259 : memref<48x64xf32, #tpu.memory_space<vmem_shared>>)
      tpu.yield
    }) : () -> ()
    %mul3A_9 = arith.constant 632 : i32
    %mul3A_10 = arith.muli %arg1, %mul3A_9 : i32
    %add3A_11 = arith.constant 96 : i32
    %add3A_12 = arith.addi %mul3A_10, %add3A_11 : i32
    "tpu.region"() ({
      %run_scoped3A = tpu.sem_alloc : memref<!tpu.dma_semaphore, #tpu.memory_space<semaphore_mem>>
      %dma_start3A_243 = arith.constant 0 : i32
      %dma_start3A_244 = arith.constant 0 : i32
      %dma_start3A_245 = tpu.memref_slice %arg34[%dma_start3A_243, %dma_start3A_244] : memref<48x64xf32, #tpu.memory_space<vmem>> -> memref<48x64xf32, #tpu.memory_space<vmem>>
      %dma_start3A_246 = arith.constant 0 : i32
      %dma_start3A_247 = tpu.memref_slice %arg33[%add3A_12, %dma_start3A_246] : memref<10112x64xf32, #tpu.memory_space<vmem_shared>> -> memref<48x64xf32, #tpu.memory_space<vmem_shared>>
      %dma_start3A_248 = arith.constant 0 : i32
      %dma_start3A_249 = tpu.memref_slice %arg33[%add3A_12, %dma_start3A_248] : memref<10112x64xf32, #tpu.memory_space<vmem_shared>> -> memref<48x64xf32, #tpu.memory_space<vmem_shared>>
      %dma_start3A_250 = arith.constant 0 : i32
      %dma_start3A_251 = arith.constant 0 : i32
      %dma_start3A_252 = tpu.memref_slice %arg34[%dma_start3A_250, %dma_start3A_251] : memref<48x64xf32, #tpu.memory_space<vmem>> -> memref<48x64xf32, #tpu.memory_space<vmem>>
      tpu.enqueue_dma source(%dma_start3A_252 : memref<48x64xf32, #tpu.memory_space<vmem>>) target(%dma_start3A_249 : memref<48x64xf32, #tpu.memory_space<vmem_shared>>) target_semaphore(%run_scoped3A : memref<!tpu.dma_semaphore, #tpu.memory_space<semaphore_mem>>)
      %dma_wait3A_253 = arith.constant 0 : i32
      %dma_wait3A_254 = arith.constant 0 : i32
      %dma_wait3A_255 = tpu.memref_slice %arg34[%dma_wait3A_253, %dma_wait3A_254] : memref<48x64xf32, #tpu.memory_space<vmem>> -> memref<48x64xf32, #tpu.memory_space<vmem>>
      %dma_wait3A_256 = arith.constant 0 : i32
      %dma_wait3A_257 = tpu.memref_slice %arg33[%add3A_12, %dma_wait3A_256] : memref<10112x64xf32, #tpu.memory_space<vmem_shared>> -> memref<48x64xf32, #tpu.memory_space<vmem_shared>>
      %dma_wait3A_258 = arith.constant 0 : i32
      %dma_wait3A_259 = tpu.memref_slice %arg33[%add3A_12, %dma_wait3A_258] : memref<10112x64xf32, #tpu.memory_space<vmem_shared>> -> memref<48x64xf32, #tpu.memory_space<vmem_shared>>
      %dma_wait3A_260 = arith.constant 0 : i32
      %dma_wait3A_261 = arith.constant 0 : i32
      %dma_wait3A_262 = tpu.memref_slice %arg34[%dma_wait3A_260, %dma_wait3A_261] : memref<48x64xf32, #tpu.memory_space<vmem>> -> memref<48x64xf32, #tpu.memory_space<vmem>>
      tpu.wait_dma2 semaphore(%run_scoped3A : memref<!tpu.dma_semaphore, #tpu.memory_space<semaphore_mem>>) src(%dma_wait3A_262 : memref<48x64xf32, #tpu.memory_space<vmem>>) dst(%dma_wait3A_259 : memref<48x64xf32, #tpu.memory_space<vmem_shared>>)
      tpu.yield
    }) : () -> ()
    %mul3A_13 = arith.constant 632 : i32
    %mul3A_14 = arith.muli %arg1, %mul3A_13 : i32
    %add3A_15 = arith.constant 144 : i32
    %add3A_16 = arith.addi %mul3A_14, %add3A_15 : i32
    "tpu.region"() ({
      %run_scoped3A = tpu.sem_alloc : memref<!tpu.dma_semaphore, #tpu.memory_space<semaphore_mem>>
      %dma_start3A_243 = arith.constant 0 : i32
      %dma_start3A_244 = arith.constant 0 : i32
      %dma_start3A_245 = tpu.memref_slice %arg34[%dma_start3A_243, %dma_start3A_244] : memref<48x64xf32, #tpu.memory_space<vmem>> -> memref<48x64xf32, #tpu.memory_space<vmem>>
      %dma_start3A_246 = arith.constant 0 : i32
      %dma_start3A_247 = tpu.memref_slice %arg33[%add3A_16, %dma_start3A_246] : memref<10112x64xf32, #tpu.memory_space<vmem_shared>> -> memref<48x64xf32, #tpu.memory_space<vmem_shared>>
      %dma_start3A_248 = arith.constant 0 : i32
      %dma_start3A_249 = tpu.memref_slice %arg33[%add3A_16, %dma_start3A_248] : memref<10112x64xf32, #tpu.memory_space<vmem_shared>> -> memref<48x64xf32, #tpu.memory_space<vmem_shared>>
      %dma_start3A_250 = arith.constant 0 : i32
      %dma_start3A_251 = arith.constant 0 : i32
      %dma_start3A_252 = tpu.memref_slice %arg34[%dma_start3A_250, %dma_start3A_251] : memref<48x64xf32, #tpu.memory_space<vmem>> -> memref<48x64xf32, #tpu.memory_space<vmem>>
      tpu.enqueue_dma source(%dma_start3A_252 : memref<48x64xf32, #tpu.memory_space<vmem>>) target(%dma_start3A_249 : memref<48x64xf32, #tpu.memory_space<vmem_shared>>) target_semaphore(%run_scoped3A : memref<!tpu.dma_semaphore, #tpu.memory_space<semaphore_mem>>)
      %dma_wait3A_253 = arith.constant 0 : i32
      %dma_wait3A_254 = arith.constant 0 : i32
      %dma_wait3A_255 = tpu.memref_slice %arg34[%dma_wait3A_253, %dma_wait3A_254] : memref<48x64xf32, #tpu.memory_space<vmem>> -> memref<48x64xf32, #tpu.memory_space<vmem>>
      %dma_wait3A_256 = arith.constant 0 : i32
      %dma_wait3A_257 = tpu.memref_slice %arg33[%add3A_16, %dma_wait3A_256] : memref<10112x64xf32, #tpu.memory_space<vmem_shared>> -> memref<48x64xf32, #tpu.memory_space<vmem_shared>>
      %dma_wait3A_258 = arith.constant 0 : i32
      %dma_wait3A_259 = tpu.memref_slice %arg33[%add3A_16, %dma_wait3A_258] : memref<10112x64xf32, #tpu.memory_space<vmem_shared>> -> memref<48x64xf32, #tpu.memory_space<vmem_shared>>
      %dma_wait3A_260 = arith.constant 0 : i32
      %dma_wait3A_261 = arith.constant 0 : i32
      %dma_wait3A_262 = tpu.memref_slice %arg34[%dma_wait3A_260, %dma_wait3A_261] : memref<48x64xf32, #tpu.memory_space<vmem>> -> memref<48x64xf32, #tpu.memory_space<vmem>>
      tpu.wait_dma2 semaphore(%run_scoped3A : memref<!tpu.dma_semaphore, #tpu.memory_space<semaphore_mem>>) src(%dma_wait3A_262 : memref<48x64xf32, #tpu.memory_space<vmem>>) dst(%dma_wait3A_259 : memref<48x64xf32, #tpu.memory_space<vmem_shared>>)
      tpu.yield
    }) : () -> ()
    %mul3A_17 = arith.constant 632 : i32
    %mul3A_18 = arith.muli %arg1, %mul3A_17 : i32
    %add3A_19 = arith.constant 192 : i32
    %add3A_20 = arith.addi %mul3A_18, %add3A_19 : i32
    "tpu.region"() ({
      %run_scoped3A = tpu.sem_alloc : memref<!tpu.dma_semaphore, #tpu.memory_space<semaphore_mem>>
      %dma_start3A_243 = arith.constant 0 : i32
      %dma_start3A_244 = arith.constant 0 : i32
      %dma_start3A_245 = tpu.memref_slice %arg34[%dma_start3A_243, %dma_start3A_244] : memref<48x64xf32, #tpu.memory_space<vmem>> -> memref<48x64xf32, #tpu.memory_space<vmem>>
      %dma_start3A_246 = arith.constant 0 : i32
      %dma_start3A_247 = tpu.memref_slice %arg33[%add3A_20, %dma_start3A_246] : memref<10112x64xf32, #tpu.memory_space<vmem_shared>> -> memref<48x64xf32, #tpu.memory_space<vmem_shared>>
      %dma_start3A_248 = arith.constant 0 : i32
      %dma_start3A_249 = tpu.memref_slice %arg33[%add3A_20, %dma_start3A_248] : memref<10112x64xf32, #tpu.memory_space<vmem_shared>> -> memref<48x64xf32, #tpu.memory_space<vmem_shared>>
      %dma_start3A_250 = arith.constant 0 : i32
      %dma_start3A_251 = arith.constant 0 : i32
      %dma_start3A_252 = tpu.memref_slice %arg34[%dma_start3A_250, %dma_start3A_251] : memref<48x64xf32, #tpu.memory_space<vmem>> -> memref<48x64xf32, #tpu.memory_space<vmem>>
      tpu.enqueue_dma source(%dma_start3A_252 : memref<48x64xf32, #tpu.memory_space<vmem>>) target(%dma_start3A_249 : memref<48x64xf32, #tpu.memory_space<vmem_shared>>) target_semaphore(%run_scoped3A : memref<!tpu.dma_semaphore, #tpu.memory_space<semaphore_mem>>)
      %dma_wait3A_253 = arith.constant 0 : i32
      %dma_wait3A_254 = arith.constant 0 : i32
      %dma_wait3A_255 = tpu.memref_slice %arg34[%dma_wait3A_253, %dma_wait3A_254] : memref<48x64xf32, #tpu.memory_space<vmem>> -> memref<48x64xf32, #tpu.memory_space<vmem>>
      %dma_wait3A_256 = arith.constant 0 : i32
      %dma_wait3A_257 = tpu.memref_slice %arg33[%add3A_20, %dma_wait3A_256] : memref<10112x64xf32, #tpu.memory_space<vmem_shared>> -> memref<48x64xf32, #tpu.memory_space<vmem_shared>>
      %dma_wait3A_258 = arith.constant 0 : i32
      %dma_wait3A_259 = tpu.memref_slice %arg33[%add3A_20, %dma_wait3A_258] : memref<10112x64xf32, #tpu.memory_space<vmem_shared>> -> memref<48x64xf32, #tpu.memory_space<vmem_shared>>
      %dma_wait3A_260 = arith.constant 0 : i32
      %dma_wait3A_261 = arith.constant 0 : i32
      %dma_wait3A_262 = tpu.memref_slice %arg34[%dma_wait3A_260, %dma_wait3A_261] : memref<48x64xf32, #tpu.memory_space<vmem>> -> memref<48x64xf32, #tpu.memory_space<vmem>>
      tpu.wait_dma2 semaphore(%run_scoped3A : memref<!tpu.dma_semaphore, #tpu.memory_space<semaphore_mem>>) src(%dma_wait3A_262 : memref<48x64xf32, #tpu.memory_space<vmem>>) dst(%dma_wait3A_259 : memref<48x64xf32, #tpu.memory_space<vmem_shared>>)
      tpu.yield
    }) : () -> ()
    %mul3A_21 = arith.constant 632 : i32
    %mul3A_22 = arith.muli %arg1, %mul3A_21 : i32
    %add3A_23 = arith.constant 240 : i32
    %add3A_24 = arith.addi %mul3A_22, %add3A_23 : i32
    "tpu.region"() ({
      %run_scoped3A = tpu.sem_alloc : memref<!tpu.dma_semaphore, #tpu.memory_space<semaphore_mem>>
      %dma_start3A_243 = arith.constant 0 : i32
      %dma_start3A_244 = arith.constant 0 : i32
      %dma_start3A_245 = tpu.memref_slice %arg34[%dma_start3A_243, %dma_start3A_244] : memref<48x64xf32, #tpu.memory_space<vmem>> -> memref<48x64xf32, #tpu.memory_space<vmem>>
      %dma_start3A_246 = arith.constant 0 : i32
      %dma_start3A_247 = tpu.memref_slice %arg33[%add3A_24, %dma_start3A_246] : memref<10112x64xf32, #tpu.memory_space<vmem_shared>> -> memref<48x64xf32, #tpu.memory_space<vmem_shared>>
      %dma_start3A_248 = arith.constant 0 : i32
      %dma_start3A_249 = tpu.memref_slice %arg33[%add3A_24, %dma_start3A_248] : memref<10112x64xf32, #tpu.memory_space<vmem_shared>> -> memref<48x64xf32, #tpu.memory_space<vmem_shared>>
      %dma_start3A_250 = arith.constant 0 : i32
      %dma_start3A_251 = arith.constant 0 : i32
      %dma_start3A_252 = tpu.memref_slice %arg34[%dma_start3A_250, %dma_start3A_251] : memref<48x64xf32, #tpu.memory_space<vmem>> -> memref<48x64xf32, #tpu.memory_space<vmem>>
      tpu.enqueue_dma source(%dma_start3A_252 : memref<48x64xf32, #tpu.memory_space<vmem>>) target(%dma_start3A_249 : memref<48x64xf32, #tpu.memory_space<vmem_shared>>) target_semaphore(%run_scoped3A : memref<!tpu.dma_semaphore, #tpu.memory_space<semaphore_mem>>)
      %dma_wait3A_253 = arith.constant 0 : i32
      %dma_wait3A_254 = arith.constant 0 : i32
      %dma_wait3A_255 = tpu.memref_slice %arg34[%dma_wait3A_253, %dma_wait3A_254] : memref<48x64xf32, #tpu.memory_space<vmem>> -> memref<48x64xf32, #tpu.memory_space<vmem>>
      %dma_wait3A_256 = arith.constant 0 : i32
      %dma_wait3A_257 = tpu.memref_slice %arg33[%add3A_24, %dma_wait3A_256] : memref<10112x64xf32, #tpu.memory_space<vmem_shared>> -> memref<48x64xf32, #tpu.memory_space<vmem_shared>>
      %dma_wait3A_258 = arith.constant 0 : i32
      %dma_wait3A_259 = tpu.memref_slice %arg33[%add3A_24, %dma_wait3A_258] : memref<10112x64xf32, #tpu.memory_space<vmem_shared>> -> memref<48x64xf32, #tpu.memory_space<vmem_shared>>
      %dma_wait3A_260 = arith.constant 0 : i32
      %dma_wait3A_261 = arith.constant 0 : i32
      %dma_wait3A_262 = tpu.memref_slice %arg34[%dma_wait3A_260, %dma_wait3A_261] : memref<48x64xf32, #tpu.memory_space<vmem>> -> memref<48x64xf32, #tpu.memory_space<vmem>>
      tpu.wait_dma2 semaphore(%run_scoped3A : memref<!tpu.dma_semaphore, #tpu.memory_space<semaphore_mem>>) src(%dma_wait3A_262 : memref<48x64xf32, #tpu.memory_space<vmem>>) dst(%dma_wait3A_259 : memref<48x64xf32, #tpu.memory_space<vmem_shared>>)
      tpu.yield
    }) : () -> ()
    %mul3A_25 = arith.constant 632 : i32
    %mul3A_26 = arith.muli %arg1, %mul3A_25 : i32
    %add3A_27 = arith.constant 288 : i32
    %add3A_28 = arith.addi %mul3A_26, %add3A_27 : i32
    "tpu.region"() ({
      %run_scoped3A = tpu.sem_alloc : memref<!tpu.dma_semaphore, #tpu.memory_space<semaphore_mem>>
      %dma_start3A_243 = arith.constant 0 : i32
      %dma_start3A_244 = arith.constant 0 : i32
      %dma_start3A_245 = tpu.memref_slice %arg34[%dma_start3A_243, %dma_start3A_244] : memref<48x64xf32, #tpu.memory_space<vmem>> -> memref<48x64xf32, #tpu.memory_space<vmem>>
      %dma_start3A_246 = arith.constant 0 : i32
      %dma_start3A_247 = tpu.memref_slice %arg33[%add3A_28, %dma_start3A_246] : memref<10112x64xf32, #tpu.memory_space<vmem_shared>> -> memref<48x64xf32, #tpu.memory_space<vmem_shared>>
      %dma_start3A_248 = arith.constant 0 : i32
      %dma_start3A_249 = tpu.memref_slice %arg33[%add3A_28, %dma_start3A_248] : memref<10112x64xf32, #tpu.memory_space<vmem_shared>> -> memref<48x64xf32, #tpu.memory_space<vmem_shared>>
      %dma_start3A_250 = arith.constant 0 : i32
      %dma_start3A_251 = arith.constant 0 : i32
      %dma_start3A_252 = tpu.memref_slice %arg34[%dma_start3A_250, %dma_start3A_251] : memref<48x64xf32, #tpu.memory_space<vmem>> -> memref<48x64xf32, #tpu.memory_space<vmem>>
      tpu.enqueue_dma source(%dma_start3A_252 : memref<48x64xf32, #tpu.memory_space<vmem>>) target(%dma_start3A_249 : memref<48x64xf32, #tpu.memory_space<vmem_shared>>) target_semaphore(%run_scoped3A : memref<!tpu.dma_semaphore, #tpu.memory_space<semaphore_mem>>)
      %dma_wait3A_253 = arith.constant 0 : i32
      %dma_wait3A_254 = arith.constant 0 : i32
      %dma_wait3A_255 = tpu.memref_slice %arg34[%dma_wait3A_253, %dma_wait3A_254] : memref<48x64xf32, #tpu.memory_space<vmem>> -> memref<48x64xf32, #tpu.memory_space<vmem>>
      %dma_wait3A_256 = arith.constant 0 : i32
      %dma_wait3A_257 = tpu.memref_slice %arg33[%add3A_28, %dma_wait3A_256] : memref<10112x64xf32, #tpu.memory_space<vmem_shared>> -> memref<48x64xf32, #tpu.memory_space<vmem_shared>>
      %dma_wait3A_258 = arith.constant 0 : i32
      %dma_wait3A_259 = tpu.memref_slice %arg33[%add3A_28, %dma_wait3A_258] : memref<10112x64xf32, #tpu.memory_space<vmem_shared>> -> memref<48x64xf32, #tpu.memory_space<vmem_shared>>
      %dma_wait3A_260 = arith.constant 0 : i32
      %dma_wait3A_261 = arith.constant 0 : i32
      %dma_wait3A_262 = tpu.memref_slice %arg34[%dma_wait3A_260, %dma_wait3A_261] : memref<48x64xf32, #tpu.memory_space<vmem>> -> memref<48x64xf32, #tpu.memory_space<vmem>>
      tpu.wait_dma2 semaphore(%run_scoped3A : memref<!tpu.dma_semaphore, #tpu.memory_space<semaphore_mem>>) src(%dma_wait3A_262 : memref<48x64xf32, #tpu.memory_space<vmem>>) dst(%dma_wait3A_259 : memref<48x64xf32, #tpu.memory_space<vmem_shared>>)
      tpu.yield
    }) : () -> ()
    %mul3A_29 = arith.constant 632 : i32
    %mul3A_30 = arith.muli %arg1, %mul3A_29 : i32
    %add3A_31 = arith.constant 336 : i32
    %add3A_32 = arith.addi %mul3A_30, %add3A_31 : i32
    "tpu.region"() ({
      %run_scoped3A = tpu.sem_alloc : memref<!tpu.dma_semaphore, #tpu.memory_space<semaphore_mem>>
      %dma_start3A_243 = arith.constant 0 : i32
      %dma_start3A_244 = arith.constant 0 : i32
      %dma_start3A_245 = tpu.memref_slice %arg34[%dma_start3A_243, %dma_start3A_244] : memref<48x64xf32, #tpu.memory_space<vmem>> -> memref<48x64xf32, #tpu.memory_space<vmem>>
      %dma_start3A_246 = arith.constant 0 : i32
      %dma_start3A_247 = tpu.memref_slice %arg33[%add3A_32, %dma_start3A_246] : memref<10112x64xf32, #tpu.memory_space<vmem_shared>> -> memref<48x64xf32, #tpu.memory_space<vmem_shared>>
      %dma_start3A_248 = arith.constant 0 : i32
      %dma_start3A_249 = tpu.memref_slice %arg33[%add3A_32, %dma_start3A_248] : memref<10112x64xf32, #tpu.memory_space<vmem_shared>> -> memref<48x64xf32, #tpu.memory_space<vmem_shared>>
      %dma_start3A_250 = arith.constant 0 : i32
      %dma_start3A_251 = arith.constant 0 : i32
      %dma_start3A_252 = tpu.memref_slice %arg34[%dma_start3A_250, %dma_start3A_251] : memref<48x64xf32, #tpu.memory_space<vmem>> -> memref<48x64xf32, #tpu.memory_space<vmem>>
      tpu.enqueue_dma source(%dma_start3A_252 : memref<48x64xf32, #tpu.memory_space<vmem>>) target(%dma_start3A_249 : memref<48x64xf32, #tpu.memory_space<vmem_shared>>) target_semaphore(%run_scoped3A : memref<!tpu.dma_semaphore, #tpu.memory_space<semaphore_mem>>)
      %dma_wait3A_253 = arith.constant 0 : i32
      %dma_wait3A_254 = arith.constant 0 : i32
      %dma_wait3A_255 = tpu.memref_slice %arg34[%dma_wait3A_253, %dma_wait3A_254] : memref<48x64xf32, #tpu.memory_space<vmem>> -> memref<48x64xf32, #tpu.memory_space<vmem>>
      %dma_wait3A_256 = arith.constant 0 : i32
      %dma_wait3A_257 = tpu.memref_slice %arg33[%add3A_32, %dma_wait3A_256] : memref<10112x64xf32, #tpu.memory_space<vmem_shared>> -> memref<48x64xf32, #tpu.memory_space<vmem_shared>>
      %dma_wait3A_258 = arith.constant 0 : i32
      %dma_wait3A_259 = tpu.memref_slice %arg33[%add3A_32, %dma_wait3A_258] : memref<10112x64xf32, #tpu.memory_space<vmem_shared>> -> memref<48x64xf32, #tpu.memory_space<vmem_shared>>
      %dma_wait3A_260 = arith.constant 0 : i32
      %dma_wait3A_261 = arith.constant 0 : i32
      %dma_wait3A_262 = tpu.memref_slice %arg34[%dma_wait3A_260, %dma_wait3A_261] : memref<48x64xf32, #tpu.memory_space<vmem>> -> memref<48x64xf32, #tpu.memory_space<vmem>>
      tpu.wait_dma2 semaphore(%run_scoped3A : memref<!tpu.dma_semaphore, #tpu.memory_space<semaphore_mem>>) src(%dma_wait3A_262 : memref<48x64xf32, #tpu.memory_space<vmem>>) dst(%dma_wait3A_259 : memref<48x64xf32, #tpu.memory_space<vmem_shared>>)
      tpu.yield
    }) : () -> ()
    %mul3A_33 = arith.constant 632 : i32
    %mul3A_34 = arith.muli %arg1, %mul3A_33 : i32
    %add3A_35 = arith.constant 384 : i32
    %add3A_36 = arith.addi %mul3A_34, %add3A_35 : i32
    "tpu.region"() ({
      %run_scoped3A = tpu.sem_alloc : memref<!tpu.dma_semaphore, #tpu.memory_space<semaphore_mem>>
      %dma_start3A_243 = arith.constant 0 : i32
      %dma_start3A_244 = arith.constant 0 : i32
      %dma_start3A_245 = tpu.memref_slice %arg34[%dma_start3A_243, %dma_start3A_244] : memref<48x64xf32, #tpu.memory_space<vmem>> -> memref<48x64xf32, #tpu.memory_space<vmem>>
      %dma_start3A_246 = arith.constant 0 : i32
      %dma_start3A_247 = tpu.memref_slice %arg33[%add3A_36, %dma_start3A_246] : memref<10112x64xf32, #tpu.memory_space<vmem_shared>> -> memref<48x64xf32, #tpu.memory_space<vmem_shared>>
      %dma_start3A_248 = arith.constant 0 : i32
      %dma_start3A_249 = tpu.memref_slice %arg33[%add3A_36, %dma_start3A_248] : memref<10112x64xf32, #tpu.memory_space<vmem_shared>> -> memref<48x64xf32, #tpu.memory_space<vmem_shared>>
      %dma_start3A_250 = arith.constant 0 : i32
      %dma_start3A_251 = arith.constant 0 : i32
      %dma_start3A_252 = tpu.memref_slice %arg34[%dma_start3A_250, %dma_start3A_251] : memref<48x64xf32, #tpu.memory_space<vmem>> -> memref<48x64xf32, #tpu.memory_space<vmem>>
      tpu.enqueue_dma source(%dma_start3A_252 : memref<48x64xf32, #tpu.memory_space<vmem>>) target(%dma_start3A_249 : memref<48x64xf32, #tpu.memory_space<vmem_shared>>) target_semaphore(%run_scoped3A : memref<!tpu.dma_semaphore, #tpu.memory_space<semaphore_mem>>)
      %dma_wait3A_253 = arith.constant 0 : i32
      %dma_wait3A_254 = arith.constant 0 : i32
      %dma_wait3A_255 = tpu.memref_slice %arg34[%dma_wait3A_253, %dma_wait3A_254] : memref<48x64xf32, #tpu.memory_space<vmem>> -> memref<48x64xf32, #tpu.memory_space<vmem>>
      %dma_wait3A_256 = arith.constant 0 : i32
      %dma_wait3A_257 = tpu.memref_slice %arg33[%add3A_36, %dma_wait3A_256] : memref<10112x64xf32, #tpu.memory_space<vmem_shared>> -> memref<48x64xf32, #tpu.memory_space<vmem_shared>>
      %dma_wait3A_258 = arith.constant 0 : i32
      %dma_wait3A_259 = tpu.memref_slice %arg33[%add3A_36, %dma_wait3A_258] : memref<10112x64xf32, #tpu.memory_space<vmem_shared>> -> memref<48x64xf32, #tpu.memory_space<vmem_shared>>
      %dma_wait3A_260 = arith.constant 0 : i32
      %dma_wait3A_261 = arith.constant 0 : i32
      %dma_wait3A_262 = tpu.memref_slice %arg34[%dma_wait3A_260, %dma_wait3A_261] : memref<48x64xf32, #tpu.memory_space<vmem>> -> memref<48x64xf32, #tpu.memory_space<vmem>>
      tpu.wait_dma2 semaphore(%run_scoped3A : memref<!tpu.dma_semaphore, #tpu.memory_space<semaphore_mem>>) src(%dma_wait3A_262 : memref<48x64xf32, #tpu.memory_space<vmem>>) dst(%dma_wait3A_259 : memref<48x64xf32, #tpu.memory_space<vmem_shared>>)
      tpu.yield
    }) : () -> ()
    %mul3A_37 = arith.constant 632 : i32
    %mul3A_38 = arith.muli %arg1, %mul3A_37 : i32
    %add3A_39 = arith.constant 432 : i32
    %add3A_40 = arith.addi %mul3A_38, %add3A_39 : i32
    "tpu.region"() ({
      %run_scoped3A = tpu.sem_alloc : memref<!tpu.dma_semaphore, #tpu.memory_space<semaphore_mem>>
      %dma_start3A_243 = arith.constant 0 : i32
      %dma_start3A_244 = arith.constant 0 : i32
      %dma_start3A_245 = tpu.memref_slice %arg34[%dma_start3A_243, %dma_start3A_244] : memref<48x64xf32, #tpu.memory_space<vmem>> -> memref<48x64xf32, #tpu.memory_space<vmem>>
      %dma_start3A_246 = arith.constant 0 : i32
      %dma_start3A_247 = tpu.memref_slice %arg33[%add3A_40, %dma_start3A_246] : memref<10112x64xf32, #tpu.memory_space<vmem_shared>> -> memref<48x64xf32, #tpu.memory_space<vmem_shared>>
      %dma_start3A_248 = arith.constant 0 : i32
      %dma_start3A_249 = tpu.memref_slice %arg33[%add3A_40, %dma_start3A_248] : memref<10112x64xf32, #tpu.memory_space<vmem_shared>> -> memref<48x64xf32, #tpu.memory_space<vmem_shared>>
      %dma_start3A_250 = arith.constant 0 : i32
      %dma_start3A_251 = arith.constant 0 : i32
      %dma_start3A_252 = tpu.memref_slice %arg34[%dma_start3A_250, %dma_start3A_251] : memref<48x64xf32, #tpu.memory_space<vmem>> -> memref<48x64xf32, #tpu.memory_space<vmem>>
      tpu.enqueue_dma source(%dma_start3A_252 : memref<48x64xf32, #tpu.memory_space<vmem>>) target(%dma_start3A_249 : memref<48x64xf32, #tpu.memory_space<vmem_shared>>) target_semaphore(%run_scoped3A : memref<!tpu.dma_semaphore, #tpu.memory_space<semaphore_mem>>)
      %dma_wait3A_253 = arith.constant 0 : i32
      %dma_wait3A_254 = arith.constant 0 : i32
      %dma_wait3A_255 = tpu.memref_slice %arg34[%dma_wait3A_253, %dma_wait3A_254] : memref<48x64xf32, #tpu.memory_space<vmem>> -> memref<48x64xf32, #tpu.memory_space<vmem>>
      %dma_wait3A_256 = arith.constant 0 : i32
      %dma_wait3A_257 = tpu.memref_slice %arg33[%add3A_40, %dma_wait3A_256] : memref<10112x64xf32, #tpu.memory_space<vmem_shared>> -> memref<48x64xf32, #tpu.memory_space<vmem_shared>>
      %dma_wait3A_258 = arith.constant 0 : i32
      %dma_wait3A_259 = tpu.memref_slice %arg33[%add3A_40, %dma_wait3A_258] : memref<10112x64xf32, #tpu.memory_space<vmem_shared>> -> memref<48x64xf32, #tpu.memory_space<vmem_shared>>
      %dma_wait3A_260 = arith.constant 0 : i32
      %dma_wait3A_261 = arith.constant 0 : i32
      %dma_wait3A_262 = tpu.memref_slice %arg34[%dma_wait3A_260, %dma_wait3A_261] : memref<48x64xf32, #tpu.memory_space<vmem>> -> memref<48x64xf32, #tpu.memory_space<vmem>>
      tpu.wait_dma2 semaphore(%run_scoped3A : memref<!tpu.dma_semaphore, #tpu.memory_space<semaphore_mem>>) src(%dma_wait3A_262 : memref<48x64xf32, #tpu.memory_space<vmem>>) dst(%dma_wait3A_259 : memref<48x64xf32, #tpu.memory_space<vmem_shared>>)
      tpu.yield
    }) : () -> ()
    %mul3A_41 = arith.constant 632 : i32
    %mul3A_42 = arith.muli %arg1, %mul3A_41 : i32
    %add3A_43 = arith.constant 480 : i32
    %add3A_44 = arith.addi %mul3A_42, %add3A_43 : i32
    "tpu.region"() ({
      %run_scoped3A = tpu.sem_alloc : memref<!tpu.dma_semaphore, #tpu.memory_space<semaphore_mem>>
      %dma_start3A_243 = arith.constant 0 : i32
      %dma_start3A_244 = arith.constant 0 : i32
      %dma_start3A_245 = tpu.memref_slice %arg34[%dma_start3A_243, %dma_start3A_244] : memref<48x64xf32, #tpu.memory_space<vmem>> -> memref<48x64xf32, #tpu.memory_space<vmem>>
      %dma_start3A_246 = arith.constant 0 : i32
      %dma_start3A_247 = tpu.memref_slice %arg33[%add3A_44, %dma_start3A_246] : memref<10112x64xf32, #tpu.memory_space<vmem_shared>> -> memref<48x64xf32, #tpu.memory_space<vmem_shared>>
      %dma_start3A_248 = arith.constant 0 : i32
      %dma_start3A_249 = tpu.memref_slice %arg33[%add3A_44, %dma_start3A_248] : memref<10112x64xf32, #tpu.memory_space<vmem_shared>> -> memref<48x64xf32, #tpu.memory_space<vmem_shared>>
      %dma_start3A_250 = arith.constant 0 : i32
      %dma_start3A_251 = arith.constant 0 : i32
      %dma_start3A_252 = tpu.memref_slice %arg34[%dma_start3A_250, %dma_start3A_251] : memref<48x64xf32, #tpu.memory_space<vmem>> -> memref<48x64xf32, #tpu.memory_space<vmem>>
      tpu.enqueue_dma source(%dma_start3A_252 : memref<48x64xf32, #tpu.memory_space<vmem>>) target(%dma_start3A_249 : memref<48x64xf32, #tpu.memory_space<vmem_shared>>) target_semaphore(%run_scoped3A : memref<!tpu.dma_semaphore, #tpu.memory_space<semaphore_mem>>)
      %dma_wait3A_253 = arith.constant 0 : i32
      %dma_wait3A_254 = arith.constant 0 : i32
      %dma_wait3A_255 = tpu.memref_slice %arg34[%dma_wait3A_253, %dma_wait3A_254] : memref<48x64xf32, #tpu.memory_space<vmem>> -> memref<48x64xf32, #tpu.memory_space<vmem>>
      %dma_wait3A_256 = arith.constant 0 : i32
      %dma_wait3A_257 = tpu.memref_slice %arg33[%add3A_44, %dma_wait3A_256] : memref<10112x64xf32, #tpu.memory_space<vmem_shared>> -> memref<48x64xf32, #tpu.memory_space<vmem_shared>>
      %dma_wait3A_258 = arith.constant 0 : i32
      %dma_wait3A_259 = tpu.memref_slice %arg33[%add3A_44, %dma_wait3A_258] : memref<10112x64xf32, #tpu.memory_space<vmem_shared>> -> memref<48x64xf32, #tpu.memory_space<vmem_shared>>
      %dma_wait3A_260 = arith.constant 0 : i32
      %dma_wait3A_261 = arith.constant 0 : i32
      %dma_wait3A_262 = tpu.memref_slice %arg34[%dma_wait3A_260, %dma_wait3A_261] : memref<48x64xf32, #tpu.memory_space<vmem>> -> memref<48x64xf32, #tpu.memory_space<vmem>>
      tpu.wait_dma2 semaphore(%run_scoped3A : memref<!tpu.dma_semaphore, #tpu.memory_space<semaphore_mem>>) src(%dma_wait3A_262 : memref<48x64xf32, #tpu.memory_space<vmem>>) dst(%dma_wait3A_259 : memref<48x64xf32, #tpu.memory_space<vmem_shared>>)
      tpu.yield
    }) : () -> ()
    %mul3A_45 = arith.constant 632 : i32
    %mul3A_46 = arith.muli %arg1, %mul3A_45 : i32
    %add3A_47 = arith.constant 528 : i32
    %add3A_48 = arith.addi %mul3A_46, %add3A_47 : i32
    "tpu.region"() ({
      %run_scoped3A = tpu.sem_alloc : memref<!tpu.dma_semaphore, #tpu.memory_space<semaphore_mem>>
      %dma_start3A_243 = arith.constant 0 : i32
      %dma_start3A_244 = arith.constant 0 : i32
      %dma_start3A_245 = tpu.memref_slice %arg34[%dma_start3A_243, %dma_start3A_244] : memref<48x64xf32, #tpu.memory_space<vmem>> -> memref<48x64xf32, #tpu.memory_space<vmem>>
      %dma_start3A_246 = arith.constant 0 : i32
      %dma_start3A_247 = tpu.memref_slice %arg33[%add3A_48, %dma_start3A_246] : memref<10112x64xf32, #tpu.memory_space<vmem_shared>> -> memref<48x64xf32, #tpu.memory_space<vmem_shared>>
      %dma_start3A_248 = arith.constant 0 : i32
      %dma_start3A_249 = tpu.memref_slice %arg33[%add3A_48, %dma_start3A_248] : memref<10112x64xf32, #tpu.memory_space<vmem_shared>> -> memref<48x64xf32, #tpu.memory_space<vmem_shared>>
      %dma_start3A_250 = arith.constant 0 : i32
      %dma_start3A_251 = arith.constant 0 : i32
      %dma_start3A_252 = tpu.memref_slice %arg34[%dma_start3A_250, %dma_start3A_251] : memref<48x64xf32, #tpu.memory_space<vmem>> -> memref<48x64xf32, #tpu.memory_space<vmem>>
      tpu.enqueue_dma source(%dma_start3A_252 : memref<48x64xf32, #tpu.memory_space<vmem>>) target(%dma_start3A_249 : memref<48x64xf32, #tpu.memory_space<vmem_shared>>) target_semaphore(%run_scoped3A : memref<!tpu.dma_semaphore, #tpu.memory_space<semaphore_mem>>)
      %dma_wait3A_253 = arith.constant 0 : i32
      %dma_wait3A_254 = arith.constant 0 : i32
      %dma_wait3A_255 = tpu.memref_slice %arg34[%dma_wait3A_253, %dma_wait3A_254] : memref<48x64xf32, #tpu.memory_space<vmem>> -> memref<48x64xf32, #tpu.memory_space<vmem>>
      %dma_wait3A_256 = arith.constant 0 : i32
      %dma_wait3A_257 = tpu.memref_slice %arg33[%add3A_48, %dma_wait3A_256] : memref<10112x64xf32, #tpu.memory_space<vmem_shared>> -> memref<48x64xf32, #tpu.memory_space<vmem_shared>>
      %dma_wait3A_258 = arith.constant 0 : i32
      %dma_wait3A_259 = tpu.memref_slice %arg33[%add3A_48, %dma_wait3A_258] : memref<10112x64xf32, #tpu.memory_space<vmem_shared>> -> memref<48x64xf32, #tpu.memory_space<vmem_shared>>
      %dma_wait3A_260 = arith.constant 0 : i32
      %dma_wait3A_261 = arith.constant 0 : i32
      %dma_wait3A_262 = tpu.memref_slice %arg34[%dma_wait3A_260, %dma_wait3A_261] : memref<48x64xf32, #tpu.memory_space<vmem>> -> memref<48x64xf32, #tpu.memory_space<vmem>>
      tpu.wait_dma2 semaphore(%run_scoped3A : memref<!tpu.dma_semaphore, #tpu.memory_space<semaphore_mem>>) src(%dma_wait3A_262 : memref<48x64xf32, #tpu.memory_space<vmem>>) dst(%dma_wait3A_259 : memref<48x64xf32, #tpu.memory_space<vmem_shared>>)
      tpu.yield
    }) : () -> ()
    %mul3A_49 = arith.constant 632 : i32
    %mul3A_50 = arith.muli %arg1, %mul3A_49 : i32
    %add3A_51 = arith.constant 576 : i32
    %add3A_52 = arith.addi %mul3A_50, %add3A_51 : i32
    "tpu.region"() ({
      %run_scoped3A = tpu.sem_alloc : memref<!tpu.dma_semaphore, #tpu.memory_space<semaphore_mem>>
      %dma_start3A_243 = arith.constant 0 : i32
      %dma_start3A_244 = arith.constant 0 : i32
      %dma_start3A_245 = tpu.memref_slice %arg34[%dma_start3A_243, %dma_start3A_244] : memref<48x64xf32, #tpu.memory_space<vmem>> -> memref<48x64xf32, #tpu.memory_space<vmem>>
      %dma_start3A_246 = arith.constant 0 : i32
      %dma_start3A_247 = tpu.memref_slice %arg33[%add3A_52, %dma_start3A_246] : memref<10112x64xf32, #tpu.memory_space<vmem_shared>> -> memref<48x64xf32, #tpu.memory_space<vmem_shared>>
      %dma_start3A_248 = arith.constant 0 : i32
      %dma_start3A_249 = tpu.memref_slice %arg33[%add3A_52, %dma_start3A_248] : memref<10112x64xf32, #tpu.memory_space<vmem_shared>> -> memref<48x64xf32, #tpu.memory_space<vmem_shared>>
      %dma_start3A_250 = arith.constant 0 : i32
      %dma_start3A_251 = arith.constant 0 : i32
      %dma_start3A_252 = tpu.memref_slice %arg34[%dma_start3A_250, %dma_start3A_251] : memref<48x64xf32, #tpu.memory_space<vmem>> -> memref<48x64xf32, #tpu.memory_space<vmem>>
      tpu.enqueue_dma source(%dma_start3A_252 : memref<48x64xf32, #tpu.memory_space<vmem>>) target(%dma_start3A_249 : memref<48x64xf32, #tpu.memory_space<vmem_shared>>) target_semaphore(%run_scoped3A : memref<!tpu.dma_semaphore, #tpu.memory_space<semaphore_mem>>)
      %dma_wait3A_253 = arith.constant 0 : i32
      %dma_wait3A_254 = arith.constant 0 : i32
      %dma_wait3A_255 = tpu.memref_slice %arg34[%dma_wait3A_253, %dma_wait3A_254] : memref<48x64xf32, #tpu.memory_space<vmem>> -> memref<48x64xf32, #tpu.memory_space<vmem>>
      %dma_wait3A_256 = arith.constant 0 : i32
      %dma_wait3A_257 = tpu.memref_slice %arg33[%add3A_52, %dma_wait3A_256] : memref<10112x64xf32, #tpu.memory_space<vmem_shared>> -> memref<48x64xf32, #tpu.memory_space<vmem_shared>>
      %dma_wait3A_258 = arith.constant 0 : i32
      %dma_wait3A_259 = tpu.memref_slice %arg33[%add3A_52, %dma_wait3A_258] : memref<10112x64xf32, #tpu.memory_space<vmem_shared>> -> memref<48x64xf32, #tpu.memory_space<vmem_shared>>
      %dma_wait3A_260 = arith.constant 0 : i32
      %dma_wait3A_261 = arith.constant 0 : i32
      %dma_wait3A_262 = tpu.memref_slice %arg34[%dma_wait3A_260, %dma_wait3A_261] : memref<48x64xf32, #tpu.memory_space<vmem>> -> memref<48x64xf32, #tpu.memory_space<vmem>>
      tpu.wait_dma2 semaphore(%run_scoped3A : memref<!tpu.dma_semaphore, #tpu.memory_space<semaphore_mem>>) src(%dma_wait3A_262 : memref<48x64xf32, #tpu.memory_space<vmem>>) dst(%dma_wait3A_259 : memref<48x64xf32, #tpu.memory_space<vmem_shared>>)
      tpu.yield
    }) : () -> ()
    %mul3A_53 = arith.constant 632 : i32
    %mul3A_54 = arith.muli %arg1, %mul3A_53 : i32
    %add3A_55 = arith.constant 624 : i32
    %add3A_56 = arith.addi %mul3A_54, %add3A_55 : i32
    "tpu.region"() ({
      %run_scoped3A = tpu.sem_alloc : memref<!tpu.dma_semaphore, #tpu.memory_space<semaphore_mem>>
      %dma_start3A_243 = arith.constant 0 : i32
      %dma_start3A_244 = arith.constant 0 : i32
      %dma_start3A_245 = tpu.memref_slice %arg34[%dma_start3A_243, %dma_start3A_244] : memref<48x64xf32, #tpu.memory_space<vmem>> -> memref<8x64xf32, #tpu.memory_space<vmem>>
      %dma_start3A_246 = arith.constant 0 : i32
      %dma_start3A_247 = tpu.memref_slice %arg33[%add3A_56, %dma_start3A_246] : memref<10112x64xf32, #tpu.memory_space<vmem_shared>> -> memref<8x64xf32, #tpu.memory_space<vmem_shared>>
      %dma_start3A_248 = arith.constant 0 : i32
      %dma_start3A_249 = tpu.memref_slice %arg33[%add3A_56, %dma_start3A_248] : memref<10112x64xf32, #tpu.memory_space<vmem_shared>> -> memref<8x64xf32, #tpu.memory_space<vmem_shared>>
      %dma_start3A_250 = arith.constant 0 : i32
      %dma_start3A_251 = arith.constant 0 : i32
      %dma_start3A_252 = tpu.memref_slice %arg34[%dma_start3A_250, %dma_start3A_251] : memref<48x64xf32, #tpu.memory_space<vmem>> -> memref<8x64xf32, #tpu.memory_space<vmem>>
      tpu.enqueue_dma source(%dma_start3A_252 : memref<8x64xf32, #tpu.memory_space<vmem>>) target(%dma_start3A_249 : memref<8x64xf32, #tpu.memory_space<vmem_shared>>) target_semaphore(%run_scoped3A : memref<!tpu.dma_semaphore, #tpu.memory_space<semaphore_mem>>)
      %dma_wait3A_253 = arith.constant 0 : i32
      %dma_wait3A_254 = arith.constant 0 : i32
      %dma_wait3A_255 = tpu.memref_slice %arg34[%dma_wait3A_253, %dma_wait3A_254] : memref<48x64xf32, #tpu.memory_space<vmem>> -> memref<8x64xf32, #tpu.memory_space<vmem>>
      %dma_wait3A_256 = arith.constant 0 : i32
      %dma_wait3A_257 = tpu.memref_slice %arg33[%add3A_56, %dma_wait3A_256] : memref<10112x64xf32, #tpu.memory_space<vmem_shared>> -> memref<8x64xf32, #tpu.memory_space<vmem_shared>>
      %dma_wait3A_258 = arith.constant 0 : i32
      %dma_wait3A_259 = tpu.memref_slice %arg33[%add3A_56, %dma_wait3A_258] : memref<10112x64xf32, #tpu.memory_space<vmem_shared>> -> memref<8x64xf32, #tpu.memory_space<vmem_shared>>
      %dma_wait3A_260 = arith.constant 0 : i32
      %dma_wait3A_261 = arith.constant 0 : i32
      %dma_wait3A_262 = tpu.memref_slice %arg34[%dma_wait3A_260, %dma_wait3A_261] : memref<48x64xf32, #tpu.memory_space<vmem>> -> memref<8x64xf32, #tpu.memory_space<vmem>>
      tpu.wait_dma2 semaphore(%run_scoped3A : memref<!tpu.dma_semaphore, #tpu.memory_space<semaphore_mem>>) src(%dma_wait3A_262 : memref<8x64xf32, #tpu.memory_space<vmem>>) dst(%dma_wait3A_259 : memref<8x64xf32, #tpu.memory_space<vmem_shared>>)
      tpu.yield
    }) : () -> ()
    %barrier3A = arith.constant 0 : index
    tpu.barrier barrier_id(%barrier3A)
    %mul3A_57 = arith.constant 5000 : i32
    %mul3A_58 = arith.muli %add3A, %mul3A_57 : i32
    %mul3A_59 = arith.constant 125 : i32
    %mul3A_60 = arith.muli %add3A, %mul3A_59 : i32
    %add3A_61 = arith.constant 0 : i32
    %add3A_62 = arith.addi %mul3A_60, %add3A_61 : i32
    %add3A_63 = arith.constant 0 : i32
    %add3A_64 = arith.addi %mul3A_58, %add3A_63 : i32
    %dma_start3A = tpu.memref_slice %arg4[%add3A_64] : memref<160000xi32, #tpu.memory_space<hbm>> -> memref<40xi32, #tpu.memory_space<hbm>>
    %dma_start3A_65 = tpu.memref_slice %arg4[%add3A_64] : memref<160000xi32, #tpu.memory_space<hbm>> -> memref<40xi32, #tpu.memory_space<hbm>>
    tpu.enqueue_dma source(%dma_start3A_65 : memref<40xi32, #tpu.memory_space<hbm>>) target(%arg8 : memref<40xi32, #tpu.memory_space<vmem>>) target_semaphore(%arg18 : memref<!tpu.dma_semaphore, #tpu.memory_space<semaphore_mem>>)
    %dma_start3A_66 = arith.constant 0 : i32
    %dma_start3A_67 = arith.constant 0 : i32
    %dma_start3A_68 = tpu.memref_slice %arg2[%add3A_62, %dma_start3A_66, %dma_start3A_67] : memref<4000x40x64xf32, #tpu.memory_space<hbm>> -> memref<1x40x64xf32, #tpu.memory_space<hbm>>
    %dma_start3A_69 = tpu.memref_squeeze %dma_start3A_68 : memref<1x40x64xf32, #tpu.memory_space<hbm>> -> memref<40x64xf32, #tpu.memory_space<hbm>>
    %dma_start3A_70 = arith.constant 0 : i32
    %dma_start3A_71 = arith.constant 0 : i32
    %dma_start3A_72 = tpu.memref_slice %arg2[%add3A_62, %dma_start3A_70, %dma_start3A_71] : memref<4000x40x64xf32, #tpu.memory_space<hbm>> -> memref<1x40x64xf32, #tpu.memory_space<hbm>>
    %dma_start3A_73 = tpu.memref_squeeze %dma_start3A_72 : memref<1x40x64xf32, #tpu.memory_space<hbm>> -> memref<40x64xf32, #tpu.memory_space<hbm>>
    tpu.enqueue_dma source(%dma_start3A_73 : memref<40x64xf32, #tpu.memory_space<hbm>>) target(%arg13 : memref<40x64xf32, #tpu.memory_space<vmem>>) target_semaphore(%arg23 : memref<!tpu.dma_semaphore, #tpu.memory_space<semaphore_mem>>)
    %scan3A = arith.constant 0 : i32
    %scan3A_74 = arith.constant 25 : i32
    %scan3A_75 = arith.addi %scan3A, %scan3A_74 : i32
    %scan3A_76 = arith.constant 1 : i32
    scf.for %scan3A_243 = %scan3A to %scan3A_75 step %scan3A_76  : i32 {
      %mul3A_244 = arith.constant 5 : i32
      %mul3A_245 = arith.muli %mul3A_244, %scan3A_243 : i32
      %add3A_246 = arith.constant 0 : i32
      %add3A_247 = arith.addi %mul3A_245, %add3A_246 : i32
      %add3A_248 = arith.constant 1 : i32
      %add3A_249 = arith.addi %add3A_247, %add3A_248 : i32
      %lt3A = arith.constant 125 : i32
      %lt3A_250 = arith.cmpi slt, %add3A_249, %lt3A : i32
      %convert_element_type3A = arith.extui %lt3A_250 : i1 to i32
      %cond3A = arith.constant 0 : i32
      %cond3A_251 = arith.cmpi ne, %convert_element_type3A, %cond3A : i32
      scf.if %cond3A_251 {
        %ge3A = arith.constant 4 : i32
        %ge3A_391 = arith.cmpi sge, %add3A_247, %ge3A : i32
        %convert_element_type3A_392 = arith.extui %ge3A_391 : i1 to i32
        %cond3A_393 = arith.constant 0 : i32
        %cond3A_394 = arith.cmpi ne, %convert_element_type3A_392, %cond3A_393 : i32
        scf.if %cond3A_394 {
          %dma_wait3A_413 = arith.constant 0 : i32
          %dma_wait3A_414 = arith.constant 0 : i32
          %dma_wait3A_415 = tpu.memref_slice %arg33[%dma_wait3A_413, %dma_wait3A_414] : memref<10112x64xf32, #tpu.memory_space<vmem_shared>> -> memref<10112x64xf32, #tpu.memory_space<vmem_shared>>
          tpu.wait_indirect_dma semaphore(%arg29 : memref<!tpu.dma_semaphore, #tpu.memory_space<semaphore_mem>>) src(%arg14 : memref<40x64xf32, #tpu.memory_space<vmem>>) dst(%dma_wait3A_415 : memref<10112x64xf32, #tpu.memory_space<vmem_shared>>)
        } else {
        }
        %add3A_395 = arith.constant 1 : i32
        %add3A_396 = arith.addi %add3A_247, %add3A_395 : i32
        %mul3A_397 = arith.constant 125 : i32
        %mul3A_398 = arith.muli %add3A, %mul3A_397 : i32
        %add3A_399 = arith.addi %mul3A_398, %add3A_396 : i32
        %mul3A_400 = arith.constant 40 : i32
        %mul3A_401 = arith.muli %add3A_396, %mul3A_400 : i32
        %add3A_402 = arith.addi %mul3A_58, %mul3A_401 : i32
        %dma_start3A_403 = tpu.memref_slice %arg4[%add3A_402] : memref<160000xi32, #tpu.memory_space<hbm>> -> memref<40xi32, #tpu.memory_space<hbm>>
        %dma_start3A_404 = tpu.memref_slice %arg4[%add3A_402] : memref<160000xi32, #tpu.memory_space<hbm>> -> memref<40xi32, #tpu.memory_space<hbm>>
        tpu.enqueue_dma source(%dma_start3A_404 : memref<40xi32, #tpu.memory_space<hbm>>) target(%arg9 : memref<40xi32, #tpu.memory_space<vmem>>) target_semaphore(%arg19 : memref<!tpu.dma_semaphore, #tpu.memory_space<semaphore_mem>>)
        %dma_start3A_405 = arith.constant 0 : i32
        %dma_start3A_406 = arith.constant 0 : i32
        %dma_start3A_407 = tpu.memref_slice %arg2[%add3A_399, %dma_start3A_405, %dma_start3A_406] : memref<4000x40x64xf32, #tpu.memory_space<hbm>> -> memref<1x40x64xf32, #tpu.memory_space<hbm>>
        %dma_start3A_408 = tpu.memref_squeeze %dma_start3A_407 : memref<1x40x64xf32, #tpu.memory_space<hbm>> -> memref<40x64xf32, #tpu.memory_space<hbm>>
        %dma_start3A_409 = arith.constant 0 : i32
        %dma_start3A_410 = arith.constant 0 : i32
        %dma_start3A_411 = tpu.memref_slice %arg2[%add3A_399, %dma_start3A_409, %dma_start3A_410] : memref<4000x40x64xf32, #tpu.memory_space<hbm>> -> memref<1x40x64xf32, #tpu.memory_space<hbm>>
        %dma_start3A_412 = tpu.memref_squeeze %dma_start3A_411 : memref<1x40x64xf32, #tpu.memory_space<hbm>> -> memref<40x64xf32, #tpu.memory_space<hbm>>
        tpu.enqueue_dma source(%dma_start3A_412 : memref<40x64xf32, #tpu.memory_space<hbm>>) target(%arg14 : memref<40x64xf32, #tpu.memory_space<vmem>>) target_semaphore(%arg24 : memref<!tpu.dma_semaphore, #tpu.memory_space<semaphore_mem>>)
      } else {
      }
      %mul3A_252 = arith.constant 125 : i32
      %mul3A_253 = arith.muli %add3A, %mul3A_252 : i32
      %add3A_254 = arith.addi %mul3A_253, %add3A_247 : i32
      %mul3A_255 = arith.constant 40 : i32
      %mul3A_256 = arith.muli %add3A_247, %mul3A_255 : i32
      %add3A_257 = arith.addi %mul3A_58, %mul3A_256 : i32
      %dma_wait3A_258 = tpu.memref_slice %arg4[%add3A_257] : memref<160000xi32, #tpu.memory_space<hbm>> -> memref<40xi32, #tpu.memory_space<hbm>>
      %dma_wait3A_259 = tpu.memref_slice %arg4[%add3A_257] : memref<160000xi32, #tpu.memory_space<hbm>> -> memref<40xi32, #tpu.memory_space<hbm>>
      tpu.wait_dma2 semaphore(%arg18 : memref<!tpu.dma_semaphore, #tpu.memory_space<semaphore_mem>>) src(%dma_wait3A_259 : memref<40xi32, #tpu.memory_space<hbm>>) dst(%arg8 : memref<40xi32, #tpu.memory_space<vmem>>)
      %dma_wait3A_260 = arith.constant 0 : i32
      %dma_wait3A_261 = arith.constant 0 : i32
      %dma_wait3A_262 = tpu.memref_slice %arg2[%add3A_254, %dma_wait3A_260, %dma_wait3A_261] : memref<4000x40x64xf32, #tpu.memory_space<hbm>> -> memref<1x40x64xf32, #tpu.memory_space<hbm>>
      %dma_wait3A_263 = tpu.memref_squeeze %dma_wait3A_262 : memref<1x40x64xf32, #tpu.memory_space<hbm>> -> memref<40x64xf32, #tpu.memory_space<hbm>>
      %dma_wait3A_264 = arith.constant 0 : i32
      %dma_wait3A_265 = arith.constant 0 : i32
      %dma_wait3A_266 = tpu.memref_slice %arg2[%add3A_254, %dma_wait3A_264, %dma_wait3A_265] : memref<4000x40x64xf32, #tpu.memory_space<hbm>> -> memref<1x40x64xf32, #tpu.memory_space<hbm>>
      %dma_wait3A_267 = tpu.memref_squeeze %dma_wait3A_266 : memref<1x40x64xf32, #tpu.memory_space<hbm>> -> memref<40x64xf32, #tpu.memory_space<hbm>>
      tpu.wait_dma2 semaphore(%arg23 : memref<!tpu.dma_semaphore, #tpu.memory_space<semaphore_mem>>) src(%dma_wait3A_267 : memref<40x64xf32, #tpu.memory_space<hbm>>) dst(%arg13 : memref<40x64xf32, #tpu.memory_space<vmem>>)
      %dma_start3A_268 = arith.constant 0 : i32
      %dma_start3A_269 = arith.constant 0 : i32
      %dma_start3A_270 = tpu.memref_slice %arg33[%dma_start3A_268, %dma_start3A_269] : memref<10112x64xf32, #tpu.memory_space<vmem_shared>> -> memref<10112x64xf32, #tpu.memory_space<vmem_shared>>
      tpu.enqueue_indirect_dma source(%arg13 : memref<40x64xf32, #tpu.memory_space<vmem>>) target(%dma_start3A_270 : memref<10112x64xf32, #tpu.memory_space<vmem_shared>>) offsets(%arg8 : memref<40xi32, #tpu.memory_space<vmem>>) semaphore(%arg28 : memref<!tpu.dma_semaphore, #tpu.memory_space<semaphore_mem>>) {add = true}
      %mul3A_271 = arith.constant 5 : i32
      %mul3A_272 = arith.muli %mul3A_271, %scan3A_243 : i32
      %add3A_273 = arith.constant 1 : i32
      %add3A_274 = arith.addi %mul3A_272, %add3A_273 : i32
      %add3A_275 = arith.constant 1 : i32
      %add3A_276 = arith.addi %add3A_274, %add3A_275 : i32
      %lt3A_277 = arith.constant 125 : i32
      %lt3A_278 = arith.cmpi slt, %add3A_276, %lt3A_277 : i32
      %convert_element_type3A_279 = arith.extui %lt3A_278 : i1 to i32
      %cond3A_280 = arith.constant 0 : i32
      %cond3A_281 = arith.cmpi ne, %convert_element_type3A_279, %cond3A_280 : i32
      scf.if %cond3A_281 {
        %ge3A = arith.constant 4 : i32
        %ge3A_391 = arith.cmpi sge, %add3A_274, %ge3A : i32
        %convert_element_type3A_392 = arith.extui %ge3A_391 : i1 to i32
        %cond3A_393 = arith.constant 0 : i32
        %cond3A_394 = arith.cmpi ne, %convert_element_type3A_392, %cond3A_393 : i32
        scf.if %cond3A_394 {
          %dma_wait3A_413 = arith.constant 0 : i32
          %dma_wait3A_414 = arith.constant 0 : i32
          %dma_wait3A_415 = tpu.memref_slice %arg33[%dma_wait3A_413, %dma_wait3A_414] : memref<10112x64xf32, #tpu.memory_space<vmem_shared>> -> memref<10112x64xf32, #tpu.memory_space<vmem_shared>>
          tpu.wait_indirect_dma semaphore(%arg30 : memref<!tpu.dma_semaphore, #tpu.memory_space<semaphore_mem>>) src(%arg15 : memref<40x64xf32, #tpu.memory_space<vmem>>) dst(%dma_wait3A_415 : memref<10112x64xf32, #tpu.memory_space<vmem_shared>>)
        } else {
        }
        %add3A_395 = arith.constant 1 : i32
        %add3A_396 = arith.addi %add3A_274, %add3A_395 : i32
        %mul3A_397 = arith.constant 125 : i32
        %mul3A_398 = arith.muli %add3A, %mul3A_397 : i32
        %add3A_399 = arith.addi %mul3A_398, %add3A_396 : i32
        %mul3A_400 = arith.constant 40 : i32
        %mul3A_401 = arith.muli %add3A_396, %mul3A_400 : i32
        %add3A_402 = arith.addi %mul3A_58, %mul3A_401 : i32
        %dma_start3A_403 = tpu.memref_slice %arg4[%add3A_402] : memref<160000xi32, #tpu.memory_space<hbm>> -> memref<40xi32, #tpu.memory_space<hbm>>
        %dma_start3A_404 = tpu.memref_slice %arg4[%add3A_402] : memref<160000xi32, #tpu.memory_space<hbm>> -> memref<40xi32, #tpu.memory_space<hbm>>
        tpu.enqueue_dma source(%dma_start3A_404 : memref<40xi32, #tpu.memory_space<hbm>>) target(%arg10 : memref<40xi32, #tpu.memory_space<vmem>>) target_semaphore(%arg20 : memref<!tpu.dma_semaphore, #tpu.memory_space<semaphore_mem>>)
        %dma_start3A_405 = arith.constant 0 : i32
        %dma_start3A_406 = arith.constant 0 : i32
        %dma_start3A_407 = tpu.memref_slice %arg2[%add3A_399, %dma_start3A_405, %dma_start3A_406] : memref<4000x40x64xf32, #tpu.memory_space<hbm>> -> memref<1x40x64xf32, #tpu.memory_space<hbm>>
        %dma_start3A_408 = tpu.memref_squeeze %dma_start3A_407 : memref<1x40x64xf32, #tpu.memory_space<hbm>> -> memref<40x64xf32, #tpu.memory_space<hbm>>
        %dma_start3A_409 = arith.constant 0 : i32
        %dma_start3A_410 = arith.constant 0 : i32
        %dma_start3A_411 = tpu.memref_slice %arg2[%add3A_399, %dma_start3A_409, %dma_start3A_410] : memref<4000x40x64xf32, #tpu.memory_space<hbm>> -> memref<1x40x64xf32, #tpu.memory_space<hbm>>
        %dma_start3A_412 = tpu.memref_squeeze %dma_start3A_411 : memref<1x40x64xf32, #tpu.memory_space<hbm>> -> memref<40x64xf32, #tpu.memory_space<hbm>>
        tpu.enqueue_dma source(%dma_start3A_412 : memref<40x64xf32, #tpu.memory_space<hbm>>) target(%arg15 : memref<40x64xf32, #tpu.memory_space<vmem>>) target_semaphore(%arg25 : memref<!tpu.dma_semaphore, #tpu.memory_space<semaphore_mem>>)
      } else {
      }
      %mul3A_282 = arith.constant 125 : i32
      %mul3A_283 = arith.muli %add3A, %mul3A_282 : i32
      %add3A_284 = arith.addi %mul3A_283, %add3A_274 : i32
      %mul3A_285 = arith.constant 40 : i32
      %mul3A_286 = arith.muli %add3A_274, %mul3A_285 : i32
      %add3A_287 = arith.addi %mul3A_58, %mul3A_286 : i32
      %dma_wait3A_288 = tpu.memref_slice %arg4[%add3A_287] : memref<160000xi32, #tpu.memory_space<hbm>> -> memref<40xi32, #tpu.memory_space<hbm>>
      %dma_wait3A_289 = tpu.memref_slice %arg4[%add3A_287] : memref<160000xi32, #tpu.memory_space<hbm>> -> memref<40xi32, #tpu.memory_space<hbm>>
      tpu.wait_dma2 semaphore(%arg19 : memref<!tpu.dma_semaphore, #tpu.memory_space<semaphore_mem>>) src(%dma_wait3A_289 : memref<40xi32, #tpu.memory_space<hbm>>) dst(%arg9 : memref<40xi32, #tpu.memory_space<vmem>>)
      %dma_wait3A_290 = arith.constant 0 : i32
      %dma_wait3A_291 = arith.constant 0 : i32
      %dma_wait3A_292 = tpu.memref_slice %arg2[%add3A_284, %dma_wait3A_290, %dma_wait3A_291] : memref<4000x40x64xf32, #tpu.memory_space<hbm>> -> memref<1x40x64xf32, #tpu.memory_space<hbm>>
      %dma_wait3A_293 = tpu.memref_squeeze %dma_wait3A_292 : memref<1x40x64xf32, #tpu.memory_space<hbm>> -> memref<40x64xf32, #tpu.memory_space<hbm>>
      %dma_wait3A_294 = arith.constant 0 : i32
      %dma_wait3A_295 = arith.constant 0 : i32
      %dma_wait3A_296 = tpu.memref_slice %arg2[%add3A_284, %dma_wait3A_294, %dma_wait3A_295] : memref<4000x40x64xf32, #tpu.memory_space<hbm>> -> memref<1x40x64xf32, #tpu.memory_space<hbm>>
      %dma_wait3A_297 = tpu.memref_squeeze %dma_wait3A_296 : memref<1x40x64xf32, #tpu.memory_space<hbm>> -> memref<40x64xf32, #tpu.memory_space<hbm>>
      tpu.wait_dma2 semaphore(%arg24 : memref<!tpu.dma_semaphore, #tpu.memory_space<semaphore_mem>>) src(%dma_wait3A_297 : memref<40x64xf32, #tpu.memory_space<hbm>>) dst(%arg14 : memref<40x64xf32, #tpu.memory_space<vmem>>)
      %dma_start3A_298 = arith.constant 0 : i32
      %dma_start3A_299 = arith.constant 0 : i32
      %dma_start3A_300 = tpu.memref_slice %arg33[%dma_start3A_298, %dma_start3A_299] : memref<10112x64xf32, #tpu.memory_space<vmem_shared>> -> memref<10112x64xf32, #tpu.memory_space<vmem_shared>>
      tpu.enqueue_indirect_dma source(%arg14 : memref<40x64xf32, #tpu.memory_space<vmem>>) target(%dma_start3A_300 : memref<10112x64xf32, #tpu.memory_space<vmem_shared>>) offsets(%arg9 : memref<40xi32, #tpu.memory_space<vmem>>) semaphore(%arg29 : memref<!tpu.dma_semaphore, #tpu.memory_space<semaphore_mem>>) {add = true}
      %mul3A_301 = arith.constant 5 : i32
      %mul3A_302 = arith.muli %mul3A_301, %scan3A_243 : i32
      %add3A_303 = arith.constant 2 : i32
      %add3A_304 = arith.addi %mul3A_302, %add3A_303 : i32
      %add3A_305 = arith.constant 1 : i32
      %add3A_306 = arith.addi %add3A_304, %add3A_305 : i32
      %lt3A_307 = arith.constant 125 : i32
      %lt3A_308 = arith.cmpi slt, %add3A_306, %lt3A_307 : i32
      %convert_element_type3A_309 = arith.extui %lt3A_308 : i1 to i32
      %cond3A_310 = arith.constant 0 : i32
      %cond3A_311 = arith.cmpi ne, %convert_element_type3A_309, %cond3A_310 : i32
      scf.if %cond3A_311 {
        %ge3A = arith.constant 4 : i32
        %ge3A_391 = arith.cmpi sge, %add3A_304, %ge3A : i32
        %convert_element_type3A_392 = arith.extui %ge3A_391 : i1 to i32
        %cond3A_393 = arith.constant 0 : i32
        %cond3A_394 = arith.cmpi ne, %convert_element_type3A_392, %cond3A_393 : i32
        scf.if %cond3A_394 {
          %dma_wait3A_413 = arith.constant 0 : i32
          %dma_wait3A_414 = arith.constant 0 : i32
          %dma_wait3A_415 = tpu.memref_slice %arg33[%dma_wait3A_413, %dma_wait3A_414] : memref<10112x64xf32, #tpu.memory_space<vmem_shared>> -> memref<10112x64xf32, #tpu.memory_space<vmem_shared>>
          tpu.wait_indirect_dma semaphore(%arg31 : memref<!tpu.dma_semaphore, #tpu.memory_space<semaphore_mem>>) src(%arg16 : memref<40x64xf32, #tpu.memory_space<vmem>>) dst(%dma_wait3A_415 : memref<10112x64xf32, #tpu.memory_space<vmem_shared>>)
        } else {
        }
        %add3A_395 = arith.constant 1 : i32
        %add3A_396 = arith.addi %add3A_304, %add3A_395 : i32
        %mul3A_397 = arith.constant 125 : i32
        %mul3A_398 = arith.muli %add3A, %mul3A_397 : i32
        %add3A_399 = arith.addi %mul3A_398, %add3A_396 : i32
        %mul3A_400 = arith.constant 40 : i32
        %mul3A_401 = arith.muli %add3A_396, %mul3A_400 : i32
        %add3A_402 = arith.addi %mul3A_58, %mul3A_401 : i32
        %dma_start3A_403 = tpu.memref_slice %arg4[%add3A_402] : memref<160000xi32, #tpu.memory_space<hbm>> -> memref<40xi32, #tpu.memory_space<hbm>>
        %dma_start3A_404 = tpu.memref_slice %arg4[%add3A_402] : memref<160000xi32, #tpu.memory_space<hbm>> -> memref<40xi32, #tpu.memory_space<hbm>>
        tpu.enqueue_dma source(%dma_start3A_404 : memref<40xi32, #tpu.memory_space<hbm>>) target(%arg11 : memref<40xi32, #tpu.memory_space<vmem>>) target_semaphore(%arg21 : memref<!tpu.dma_semaphore, #tpu.memory_space<semaphore_mem>>)
        %dma_start3A_405 = arith.constant 0 : i32
        %dma_start3A_406 = arith.constant 0 : i32
        %dma_start3A_407 = tpu.memref_slice %arg2[%add3A_399, %dma_start3A_405, %dma_start3A_406] : memref<4000x40x64xf32, #tpu.memory_space<hbm>> -> memref<1x40x64xf32, #tpu.memory_space<hbm>>
        %dma_start3A_408 = tpu.memref_squeeze %dma_start3A_407 : memref<1x40x64xf32, #tpu.memory_space<hbm>> -> memref<40x64xf32, #tpu.memory_space<hbm>>
        %dma_start3A_409 = arith.constant 0 : i32
        %dma_start3A_410 = arith.constant 0 : i32
        %dma_start3A_411 = tpu.memref_slice %arg2[%add3A_399, %dma_start3A_409, %dma_start3A_410] : memref<4000x40x64xf32, #tpu.memory_space<hbm>> -> memref<1x40x64xf32, #tpu.memory_space<hbm>>
        %dma_start3A_412 = tpu.memref_squeeze %dma_start3A_411 : memref<1x40x64xf32, #tpu.memory_space<hbm>> -> memref<40x64xf32, #tpu.memory_space<hbm>>
        tpu.enqueue_dma source(%dma_start3A_412 : memref<40x64xf32, #tpu.memory_space<hbm>>) target(%arg16 : memref<40x64xf32, #tpu.memory_space<vmem>>) target_semaphore(%arg26 : memref<!tpu.dma_semaphore, #tpu.memory_space<semaphore_mem>>)
      } else {
      }
      %mul3A_312 = arith.constant 125 : i32
      %mul3A_313 = arith.muli %add3A, %mul3A_312 : i32
      %add3A_314 = arith.addi %mul3A_313, %add3A_304 : i32
      %mul3A_315 = arith.constant 40 : i32
      %mul3A_316 = arith.muli %add3A_304, %mul3A_315 : i32
      %add3A_317 = arith.addi %mul3A_58, %mul3A_316 : i32
      %dma_wait3A_318 = tpu.memref_slice %arg4[%add3A_317] : memref<160000xi32, #tpu.memory_space<hbm>> -> memref<40xi32, #tpu.memory_space<hbm>>
      %dma_wait3A_319 = tpu.memref_slice %arg4[%add3A_317] : memref<160000xi32, #tpu.memory_space<hbm>> -> memref<40xi32, #tpu.memory_space<hbm>>
      tpu.wait_dma2 semaphore(%arg20 : memref<!tpu.dma_semaphore, #tpu.memory_space<semaphore_mem>>) src(%dma_wait3A_319 : memref<40xi32, #tpu.memory_space<hbm>>) dst(%arg10 : memref<40xi32, #tpu.memory_space<vmem>>)
      %dma_wait3A_320 = arith.constant 0 : i32
      %dma_wait3A_321 = arith.constant 0 : i32
      %dma_wait3A_322 = tpu.memref_slice %arg2[%add3A_314, %dma_wait3A_320, %dma_wait3A_321] : memref<4000x40x64xf32, #tpu.memory_space<hbm>> -> memref<1x40x64xf32, #tpu.memory_space<hbm>>
      %dma_wait3A_323 = tpu.memref_squeeze %dma_wait3A_322 : memref<1x40x64xf32, #tpu.memory_space<hbm>> -> memref<40x64xf32, #tpu.memory_space<hbm>>
      %dma_wait3A_324 = arith.constant 0 : i32
      %dma_wait3A_325 = arith.constant 0 : i32
      %dma_wait3A_326 = tpu.memref_slice %arg2[%add3A_314, %dma_wait3A_324, %dma_wait3A_325] : memref<4000x40x64xf32, #tpu.memory_space<hbm>> -> memref<1x40x64xf32, #tpu.memory_space<hbm>>
      %dma_wait3A_327 = tpu.memref_squeeze %dma_wait3A_326 : memref<1x40x64xf32, #tpu.memory_space<hbm>> -> memref<40x64xf32, #tpu.memory_space<hbm>>
      tpu.wait_dma2 semaphore(%arg25 : memref<!tpu.dma_semaphore, #tpu.memory_space<semaphore_mem>>) src(%dma_wait3A_327 : memref<40x64xf32, #tpu.memory_space<hbm>>) dst(%arg15 : memref<40x64xf32, #tpu.memory_space<vmem>>)
      %dma_start3A_328 = arith.constant 0 : i32
      %dma_start3A_329 = arith.constant 0 : i32
      %dma_start3A_330 = tpu.memref_slice %arg33[%dma_start3A_328, %dma_start3A_329] : memref<10112x64xf32, #tpu.memory_space<vmem_shared>> -> memref<10112x64xf32, #tpu.memory_space<vmem_shared>>
      tpu.enqueue_indirect_dma source(%arg15 : memref<40x64xf32, #tpu.memory_space<vmem>>) target(%dma_start3A_330 : memref<10112x64xf32, #tpu.memory_space<vmem_shared>>) offsets(%arg10 : memref<40xi32, #tpu.memory_space<vmem>>) semaphore(%arg30 : memref<!tpu.dma_semaphore, #tpu.memory_space<semaphore_mem>>) {add = true}
      %mul3A_331 = arith.constant 5 : i32
      %mul3A_332 = arith.muli %mul3A_331, %scan3A_243 : i32
      %add3A_333 = arith.constant 3 : i32
      %add3A_334 = arith.addi %mul3A_332, %add3A_333 : i32
      %add3A_335 = arith.constant 1 : i32
      %add3A_336 = arith.addi %add3A_334, %add3A_335 : i32
      %lt3A_337 = arith.constant 125 : i32
      %lt3A_338 = arith.cmpi slt, %add3A_336, %lt3A_337 : i32
      %convert_element_type3A_339 = arith.extui %lt3A_338 : i1 to i32
      %cond3A_340 = arith.constant 0 : i32
      %cond3A_341 = arith.cmpi ne, %convert_element_type3A_339, %cond3A_340 : i32
      scf.if %cond3A_341 {
        %ge3A = arith.constant 4 : i32
        %ge3A_391 = arith.cmpi sge, %add3A_334, %ge3A : i32
        %convert_element_type3A_392 = arith.extui %ge3A_391 : i1 to i32
        %cond3A_393 = arith.constant 0 : i32
        %cond3A_394 = arith.cmpi ne, %convert_element_type3A_392, %cond3A_393 : i32
        scf.if %cond3A_394 {
          %dma_wait3A_413 = arith.constant 0 : i32
          %dma_wait3A_414 = arith.constant 0 : i32
          %dma_wait3A_415 = tpu.memref_slice %arg33[%dma_wait3A_413, %dma_wait3A_414] : memref<10112x64xf32, #tpu.memory_space<vmem_shared>> -> memref<10112x64xf32, #tpu.memory_space<vmem_shared>>
          tpu.wait_indirect_dma semaphore(%arg32 : memref<!tpu.dma_semaphore, #tpu.memory_space<semaphore_mem>>) src(%arg17 : memref<40x64xf32, #tpu.memory_space<vmem>>) dst(%dma_wait3A_415 : memref<10112x64xf32, #tpu.memory_space<vmem_shared>>)
        } else {
        }
        %add3A_395 = arith.constant 1 : i32
        %add3A_396 = arith.addi %add3A_334, %add3A_395 : i32
        %mul3A_397 = arith.constant 125 : i32
        %mul3A_398 = arith.muli %add3A, %mul3A_397 : i32
        %add3A_399 = arith.addi %mul3A_398, %add3A_396 : i32
        %mul3A_400 = arith.constant 40 : i32
        %mul3A_401 = arith.muli %add3A_396, %mul3A_400 : i32
        %add3A_402 = arith.addi %mul3A_58, %mul3A_401 : i32
        %dma_start3A_403 = tpu.memref_slice %arg4[%add3A_402] : memref<160000xi32, #tpu.memory_space<hbm>> -> memref<40xi32, #tpu.memory_space<hbm>>
        %dma_start3A_404 = tpu.memref_slice %arg4[%add3A_402] : memref<160000xi32, #tpu.memory_space<hbm>> -> memref<40xi32, #tpu.memory_space<hbm>>
        tpu.enqueue_dma source(%dma_start3A_404 : memref<40xi32, #tpu.memory_space<hbm>>) target(%arg12 : memref<40xi32, #tpu.memory_space<vmem>>) target_semaphore(%arg22 : memref<!tpu.dma_semaphore, #tpu.memory_space<semaphore_mem>>)
        %dma_start3A_405 = arith.constant 0 : i32
        %dma_start3A_406 = arith.constant 0 : i32
        %dma_start3A_407 = tpu.memref_slice %arg2[%add3A_399, %dma_start3A_405, %dma_start3A_406] : memref<4000x40x64xf32, #tpu.memory_space<hbm>> -> memref<1x40x64xf32, #tpu.memory_space<hbm>>
        %dma_start3A_408 = tpu.memref_squeeze %dma_start3A_407 : memref<1x40x64xf32, #tpu.memory_space<hbm>> -> memref<40x64xf32, #tpu.memory_space<hbm>>
        %dma_start3A_409 = arith.constant 0 : i32
        %dma_start3A_410 = arith.constant 0 : i32
        %dma_start3A_411 = tpu.memref_slice %arg2[%add3A_399, %dma_start3A_409, %dma_start3A_410] : memref<4000x40x64xf32, #tpu.memory_space<hbm>> -> memref<1x40x64xf32, #tpu.memory_space<hbm>>
        %dma_start3A_412 = tpu.memref_squeeze %dma_start3A_411 : memref<1x40x64xf32, #tpu.memory_space<hbm>> -> memref<40x64xf32, #tpu.memory_space<hbm>>
        tpu.enqueue_dma source(%dma_start3A_412 : memref<40x64xf32, #tpu.memory_space<hbm>>) target(%arg17 : memref<40x64xf32, #tpu.memory_space<vmem>>) target_semaphore(%arg27 : memref<!tpu.dma_semaphore, #tpu.memory_space<semaphore_mem>>)
      } else {
      }
      %mul3A_342 = arith.constant 125 : i32
      %mul3A_343 = arith.muli %add3A, %mul3A_342 : i32
      %add3A_344 = arith.addi %mul3A_343, %add3A_334 : i32
      %mul3A_345 = arith.constant 40 : i32
      %mul3A_346 = arith.muli %add3A_334, %mul3A_345 : i32
      %add3A_347 = arith.addi %mul3A_58, %mul3A_346 : i32
      %dma_wait3A_348 = tpu.memref_slice %arg4[%add3A_347] : memref<160000xi32, #tpu.memory_space<hbm>> -> memref<40xi32, #tpu.memory_space<hbm>>
      %dma_wait3A_349 = tpu.memref_slice %arg4[%add3A_347] : memref<160000xi32, #tpu.memory_space<hbm>> -> memref<40xi32, #tpu.memory_space<hbm>>
      tpu.wait_dma2 semaphore(%arg21 : memref<!tpu.dma_semaphore, #tpu.memory_space<semaphore_mem>>) src(%dma_wait3A_349 : memref<40xi32, #tpu.memory_space<hbm>>) dst(%arg11 : memref<40xi32, #tpu.memory_space<vmem>>)
      %dma_wait3A_350 = arith.constant 0 : i32
      %dma_wait3A_351 = arith.constant 0 : i32
      %dma_wait3A_352 = tpu.memref_slice %arg2[%add3A_344, %dma_wait3A_350, %dma_wait3A_351] : memref<4000x40x64xf32, #tpu.memory_space<hbm>> -> memref<1x40x64xf32, #tpu.memory_space<hbm>>
      %dma_wait3A_353 = tpu.memref_squeeze %dma_wait3A_352 : memref<1x40x64xf32, #tpu.memory_space<hbm>> -> memref<40x64xf32, #tpu.memory_space<hbm>>
      %dma_wait3A_354 = arith.constant 0 : i32
      %dma_wait3A_355 = arith.constant 0 : i32
      %dma_wait3A_356 = tpu.memref_slice %arg2[%add3A_344, %dma_wait3A_354, %dma_wait3A_355] : memref<4000x40x64xf32, #tpu.memory_space<hbm>> -> memref<1x40x64xf32, #tpu.memory_space<hbm>>
      %dma_wait3A_357 = tpu.memref_squeeze %dma_wait3A_356 : memref<1x40x64xf32, #tpu.memory_space<hbm>> -> memref<40x64xf32, #tpu.memory_space<hbm>>
      tpu.wait_dma2 semaphore(%arg26 : memref<!tpu.dma_semaphore, #tpu.memory_space<semaphore_mem>>) src(%dma_wait3A_357 : memref<40x64xf32, #tpu.memory_space<hbm>>) dst(%arg16 : memref<40x64xf32, #tpu.memory_space<vmem>>)
      %dma_start3A_358 = arith.constant 0 : i32
      %dma_start3A_359 = arith.constant 0 : i32
      %dma_start3A_360 = tpu.memref_slice %arg33[%dma_start3A_358, %dma_start3A_359] : memref<10112x64xf32, #tpu.memory_space<vmem_shared>> -> memref<10112x64xf32, #tpu.memory_space<vmem_shared>>
      tpu.enqueue_indirect_dma source(%arg16 : memref<40x64xf32, #tpu.memory_space<vmem>>) target(%dma_start3A_360 : memref<10112x64xf32, #tpu.memory_space<vmem_shared>>) offsets(%arg11 : memref<40xi32, #tpu.memory_space<vmem>>) semaphore(%arg31 : memref<!tpu.dma_semaphore, #tpu.memory_space<semaphore_mem>>) {add = true}
      %mul3A_361 = arith.constant 5 : i32
      %mul3A_362 = arith.muli %mul3A_361, %scan3A_243 : i32
      %add3A_363 = arith.constant 4 : i32
      %add3A_364 = arith.addi %mul3A_362, %add3A_363 : i32
      %add3A_365 = arith.constant 1 : i32
      %add3A_366 = arith.addi %add3A_364, %add3A_365 : i32
      %lt3A_367 = arith.constant 125 : i32
      %lt3A_368 = arith.cmpi slt, %add3A_366, %lt3A_367 : i32
      %convert_element_type3A_369 = arith.extui %lt3A_368 : i1 to i32
      %cond3A_370 = arith.constant 0 : i32
      %cond3A_371 = arith.cmpi ne, %convert_element_type3A_369, %cond3A_370 : i32
      scf.if %cond3A_371 {
        %ge3A = arith.constant 4 : i32
        %ge3A_391 = arith.cmpi sge, %add3A_364, %ge3A : i32
        %convert_element_type3A_392 = arith.extui %ge3A_391 : i1 to i32
        %cond3A_393 = arith.constant 0 : i32
        %cond3A_394 = arith.cmpi ne, %convert_element_type3A_392, %cond3A_393 : i32
        scf.if %cond3A_394 {
          %dma_wait3A_413 = arith.constant 0 : i32
          %dma_wait3A_414 = arith.constant 0 : i32
          %dma_wait3A_415 = tpu.memref_slice %arg33[%dma_wait3A_413, %dma_wait3A_414] : memref<10112x64xf32, #tpu.memory_space<vmem_shared>> -> memref<10112x64xf32, #tpu.memory_space<vmem_shared>>
          tpu.wait_indirect_dma semaphore(%arg28 : memref<!tpu.dma_semaphore, #tpu.memory_space<semaphore_mem>>) src(%arg13 : memref<40x64xf32, #tpu.memory_space<vmem>>) dst(%dma_wait3A_415 : memref<10112x64xf32, #tpu.memory_space<vmem_shared>>)
        } else {
        }
        %add3A_395 = arith.constant 1 : i32
        %add3A_396 = arith.addi %add3A_364, %add3A_395 : i32
        %mul3A_397 = arith.constant 125 : i32
        %mul3A_398 = arith.muli %add3A, %mul3A_397 : i32
        %add3A_399 = arith.addi %mul3A_398, %add3A_396 : i32
        %mul3A_400 = arith.constant 40 : i32
        %mul3A_401 = arith.muli %add3A_396, %mul3A_400 : i32
        %add3A_402 = arith.addi %mul3A_58, %mul3A_401 : i32
        %dma_start3A_403 = tpu.memref_slice %arg4[%add3A_402] : memref<160000xi32, #tpu.memory_space<hbm>> -> memref<40xi32, #tpu.memory_space<hbm>>
        %dma_start3A_404 = tpu.memref_slice %arg4[%add3A_402] : memref<160000xi32, #tpu.memory_space<hbm>> -> memref<40xi32, #tpu.memory_space<hbm>>
        tpu.enqueue_dma source(%dma_start3A_404 : memref<40xi32, #tpu.memory_space<hbm>>) target(%arg8 : memref<40xi32, #tpu.memory_space<vmem>>) target_semaphore(%arg18 : memref<!tpu.dma_semaphore, #tpu.memory_space<semaphore_mem>>)
        %dma_start3A_405 = arith.constant 0 : i32
        %dma_start3A_406 = arith.constant 0 : i32
        %dma_start3A_407 = tpu.memref_slice %arg2[%add3A_399, %dma_start3A_405, %dma_start3A_406] : memref<4000x40x64xf32, #tpu.memory_space<hbm>> -> memref<1x40x64xf32, #tpu.memory_space<hbm>>
        %dma_start3A_408 = tpu.memref_squeeze %dma_start3A_407 : memref<1x40x64xf32, #tpu.memory_space<hbm>> -> memref<40x64xf32, #tpu.memory_space<hbm>>
        %dma_start3A_409 = arith.constant 0 : i32
        %dma_start3A_410 = arith.constant 0 : i32
        %dma_start3A_411 = tpu.memref_slice %arg2[%add3A_399, %dma_start3A_409, %dma_start3A_410] : memref<4000x40x64xf32, #tpu.memory_space<hbm>> -> memref<1x40x64xf32, #tpu.memory_space<hbm>>
        %dma_start3A_412 = tpu.memref_squeeze %dma_start3A_411 : memref<1x40x64xf32, #tpu.memory_space<hbm>> -> memref<40x64xf32, #tpu.memory_space<hbm>>
        tpu.enqueue_dma source(%dma_start3A_412 : memref<40x64xf32, #tpu.memory_space<hbm>>) target(%arg13 : memref<40x64xf32, #tpu.memory_space<vmem>>) target_semaphore(%arg23 : memref<!tpu.dma_semaphore, #tpu.memory_space<semaphore_mem>>)
      } else {
      }
      %mul3A_372 = arith.constant 125 : i32
      %mul3A_373 = arith.muli %add3A, %mul3A_372 : i32
      %add3A_374 = arith.addi %mul3A_373, %add3A_364 : i32
      %mul3A_375 = arith.constant 40 : i32
      %mul3A_376 = arith.muli %add3A_364, %mul3A_375 : i32
      %add3A_377 = arith.addi %mul3A_58, %mul3A_376 : i32
      %dma_wait3A_378 = tpu.memref_slice %arg4[%add3A_377] : memref<160000xi32, #tpu.memory_space<hbm>> -> memref<40xi32, #tpu.memory_space<hbm>>
      %dma_wait3A_379 = tpu.memref_slice %arg4[%add3A_377] : memref<160000xi32, #tpu.memory_space<hbm>> -> memref<40xi32, #tpu.memory_space<hbm>>
      tpu.wait_dma2 semaphore(%arg22 : memref<!tpu.dma_semaphore, #tpu.memory_space<semaphore_mem>>) src(%dma_wait3A_379 : memref<40xi32, #tpu.memory_space<hbm>>) dst(%arg12 : memref<40xi32, #tpu.memory_space<vmem>>)
      %dma_wait3A_380 = arith.constant 0 : i32
      %dma_wait3A_381 = arith.constant 0 : i32
      %dma_wait3A_382 = tpu.memref_slice %arg2[%add3A_374, %dma_wait3A_380, %dma_wait3A_381] : memref<4000x40x64xf32, #tpu.memory_space<hbm>> -> memref<1x40x64xf32, #tpu.memory_space<hbm>>
      %dma_wait3A_383 = tpu.memref_squeeze %dma_wait3A_382 : memref<1x40x64xf32, #tpu.memory_space<hbm>> -> memref<40x64xf32, #tpu.memory_space<hbm>>
      %dma_wait3A_384 = arith.constant 0 : i32
      %dma_wait3A_385 = arith.constant 0 : i32
      %dma_wait3A_386 = tpu.memref_slice %arg2[%add3A_374, %dma_wait3A_384, %dma_wait3A_385] : memref<4000x40x64xf32, #tpu.memory_space<hbm>> -> memref<1x40x64xf32, #tpu.memory_space<hbm>>
      %dma_wait3A_387 = tpu.memref_squeeze %dma_wait3A_386 : memref<1x40x64xf32, #tpu.memory_space<hbm>> -> memref<40x64xf32, #tpu.memory_space<hbm>>
      tpu.wait_dma2 semaphore(%arg27 : memref<!tpu.dma_semaphore, #tpu.memory_space<semaphore_mem>>) src(%dma_wait3A_387 : memref<40x64xf32, #tpu.memory_space<hbm>>) dst(%arg17 : memref<40x64xf32, #tpu.memory_space<vmem>>)
      %dma_start3A_388 = arith.constant 0 : i32
      %dma_start3A_389 = arith.constant 0 : i32
      %dma_start3A_390 = tpu.memref_slice %arg33[%dma_start3A_388, %dma_start3A_389] : memref<10112x64xf32, #tpu.memory_space<vmem_shared>> -> memref<10112x64xf32, #tpu.memory_space<vmem_shared>>
      tpu.enqueue_indirect_dma source(%arg17 : memref<40x64xf32, #tpu.memory_space<vmem>>) target(%dma_start3A_390 : memref<10112x64xf32, #tpu.memory_space<vmem_shared>>) offsets(%arg12 : memref<40xi32, #tpu.memory_space<vmem>>) semaphore(%arg32 : memref<!tpu.dma_semaphore, #tpu.memory_space<semaphore_mem>>) {add = true}
    }
    %scan3A_77 = arith.constant 25 : i32
    %dma_wait3A = arith.constant 0 : i32
    %dma_wait3A_78 = arith.constant 0 : i32
    %dma_wait3A_79 = tpu.memref_slice %arg33[%dma_wait3A, %dma_wait3A_78] : memref<10112x64xf32, #tpu.memory_space<vmem_shared>> -> memref<10112x64xf32, #tpu.memory_space<vmem_shared>>
    tpu.wait_indirect_dma semaphore(%arg28 : memref<!tpu.dma_semaphore, #tpu.memory_space<semaphore_mem>>) src(%arg13 : memref<40x64xf32, #tpu.memory_space<vmem>>) dst(%dma_wait3A_79 : memref<10112x64xf32, #tpu.memory_space<vmem_shared>>)
    %dma_wait3A_80 = arith.constant 0 : i32
    %dma_wait3A_81 = arith.constant 0 : i32
    %dma_wait3A_82 = tpu.memref_slice %arg33[%dma_wait3A_80, %dma_wait3A_81] : memref<10112x64xf32, #tpu.memory_space<vmem_shared>> -> memref<10112x64xf32, #tpu.memory_space<vmem_shared>>
    tpu.wait_indirect_dma semaphore(%arg29 : memref<!tpu.dma_semaphore, #tpu.memory_space<semaphore_mem>>) src(%arg14 : memref<40x64xf32, #tpu.memory_space<vmem>>) dst(%dma_wait3A_82 : memref<10112x64xf32, #tpu.memory_space<vmem_shared>>)
    %dma_wait3A_83 = arith.constant 0 : i32
    %dma_wait3A_84 = arith.constant 0 : i32
    %dma_wait3A_85 = tpu.memref_slice %arg33[%dma_wait3A_83, %dma_wait3A_84] : memref<10112x64xf32, #tpu.memory_space<vmem_shared>> -> memref<10112x64xf32, #tpu.memory_space<vmem_shared>>
    tpu.wait_indirect_dma semaphore(%arg30 : memref<!tpu.dma_semaphore, #tpu.memory_space<semaphore_mem>>) src(%arg15 : memref<40x64xf32, #tpu.memory_space<vmem>>) dst(%dma_wait3A_85 : memref<10112x64xf32, #tpu.memory_space<vmem_shared>>)
    %dma_wait3A_86 = arith.constant 0 : i32
    %dma_wait3A_87 = arith.constant 0 : i32
    %dma_wait3A_88 = tpu.memref_slice %arg33[%dma_wait3A_86, %dma_wait3A_87] : memref<10112x64xf32, #tpu.memory_space<vmem_shared>> -> memref<10112x64xf32, #tpu.memory_space<vmem_shared>>
    tpu.wait_indirect_dma semaphore(%arg31 : memref<!tpu.dma_semaphore, #tpu.memory_space<semaphore_mem>>) src(%arg16 : memref<40x64xf32, #tpu.memory_space<vmem>>) dst(%dma_wait3A_88 : memref<10112x64xf32, #tpu.memory_space<vmem_shared>>)
    %dma_wait3A_89 = arith.constant 0 : i32
    %dma_wait3A_90 = arith.constant 0 : i32
    %dma_wait3A_91 = tpu.memref_slice %arg33[%dma_wait3A_89, %dma_wait3A_90] : memref<10112x64xf32, #tpu.memory_space<vmem_shared>> -> memref<10112x64xf32, #tpu.memory_space<vmem_shared>>
    tpu.wait_indirect_dma semaphore(%arg32 : memref<!tpu.dma_semaphore, #tpu.memory_space<semaphore_mem>>) src(%arg17 : memref<40x64xf32, #tpu.memory_space<vmem>>) dst(%dma_wait3A_91 : memref<10112x64xf32, #tpu.memory_space<vmem_shared>>)
    %mul3A_92 = arith.constant 5000 : i32
    %mul3A_93 = arith.muli %add3A, %mul3A_92 : i32
    %mul3A_94 = arith.constant 125 : i32
    %mul3A_95 = arith.muli %add3A, %mul3A_94 : i32
    %add3A_96 = arith.constant 0 : i32
    %add3A_97 = arith.addi %mul3A_95, %add3A_96 : i32
    %add3A_98 = arith.constant 0 : i32
    %add3A_99 = arith.addi %mul3A_93, %add3A_98 : i32
    %dma_start3A_100 = tpu.memref_slice %arg5[%add3A_99] : memref<160000xi32, #tpu.memory_space<hbm>> -> memref<40xi32, #tpu.memory_space<hbm>>
    %dma_start3A_101 = tpu.memref_slice %arg5[%add3A_99] : memref<160000xi32, #tpu.memory_space<hbm>> -> memref<40xi32, #tpu.memory_space<hbm>>
    tpu.enqueue_dma source(%dma_start3A_101 : memref<40xi32, #tpu.memory_space<hbm>>) target(%arg8 : memref<40xi32, #tpu.memory_space<vmem>>) target_semaphore(%arg18 : memref<!tpu.dma_semaphore, #tpu.memory_space<semaphore_mem>>)
    %dma_start3A_102 = arith.constant 0 : i32
    %dma_start3A_103 = arith.constant 0 : i32
    %dma_start3A_104 = tpu.memref_slice %arg3[%add3A_97, %dma_start3A_102, %dma_start3A_103] : memref<4000x40x64xf32, #tpu.memory_space<hbm>> -> memref<1x40x64xf32, #tpu.memory_space<hbm>>
    %dma_start3A_105 = tpu.memref_squeeze %dma_start3A_104 : memref<1x40x64xf32, #tpu.memory_space<hbm>> -> memref<40x64xf32, #tpu.memory_space<hbm>>
    %dma_start3A_106 = arith.constant 0 : i32
    %dma_start3A_107 = arith.constant 0 : i32
    %dma_start3A_108 = tpu.memref_slice %arg3[%add3A_97, %dma_start3A_106, %dma_start3A_107] : memref<4000x40x64xf32, #tpu.memory_space<hbm>> -> memref<1x40x64xf32, #tpu.memory_space<hbm>>
    %dma_start3A_109 = tpu.memref_squeeze %dma_start3A_108 : memref<1x40x64xf32, #tpu.memory_space<hbm>> -> memref<40x64xf32, #tpu.memory_space<hbm>>
    tpu.enqueue_dma source(%dma_start3A_109 : memref<40x64xf32, #tpu.memory_space<hbm>>) target(%arg13 : memref<40x64xf32, #tpu.memory_space<vmem>>) target_semaphore(%arg23 : memref<!tpu.dma_semaphore, #tpu.memory_space<semaphore_mem>>)
    %scan3A_110 = arith.constant 0 : i32
    %scan3A_111 = arith.constant 25 : i32
    %scan3A_112 = arith.addi %scan3A_110, %scan3A_111 : i32
    %scan3A_113 = arith.constant 1 : i32
    scf.for %scan3A_243 = %scan3A_110 to %scan3A_112 step %scan3A_113  : i32 {
      %mul3A_244 = arith.constant 5 : i32
      %mul3A_245 = arith.muli %mul3A_244, %scan3A_243 : i32
      %add3A_246 = arith.constant 0 : i32
      %add3A_247 = arith.addi %mul3A_245, %add3A_246 : i32
      %add3A_248 = arith.constant 1 : i32
      %add3A_249 = arith.addi %add3A_247, %add3A_248 : i32
      %lt3A = arith.constant 125 : i32
      %lt3A_250 = arith.cmpi slt, %add3A_249, %lt3A : i32
      %convert_element_type3A = arith.extui %lt3A_250 : i1 to i32
      %cond3A = arith.constant 0 : i32
      %cond3A_251 = arith.cmpi ne, %convert_element_type3A, %cond3A : i32
      scf.if %cond3A_251 {
        %ge3A = arith.constant 4 : i32
        %ge3A_391 = arith.cmpi sge, %add3A_247, %ge3A : i32
        %convert_element_type3A_392 = arith.extui %ge3A_391 : i1 to i32
        %cond3A_393 = arith.constant 0 : i32
        %cond3A_394 = arith.cmpi ne, %convert_element_type3A_392, %cond3A_393 : i32
        scf.if %cond3A_394 {
          %dma_wait3A_413 = arith.constant 0 : i32
          %dma_wait3A_414 = arith.constant 0 : i32
          %dma_wait3A_415 = tpu.memref_slice %arg33[%dma_wait3A_413, %dma_wait3A_414] : memref<10112x64xf32, #tpu.memory_space<vmem_shared>> -> memref<10112x64xf32, #tpu.memory_space<vmem_shared>>
          tpu.wait_indirect_dma semaphore(%arg29 : memref<!tpu.dma_semaphore, #tpu.memory_space<semaphore_mem>>) src(%arg14 : memref<40x64xf32, #tpu.memory_space<vmem>>) dst(%dma_wait3A_415 : memref<10112x64xf32, #tpu.memory_space<vmem_shared>>)
        } else {
        }
        %add3A_395 = arith.constant 1 : i32
        %add3A_396 = arith.addi %add3A_247, %add3A_395 : i32
        %mul3A_397 = arith.constant 125 : i32
        %mul3A_398 = arith.muli %add3A, %mul3A_397 : i32
        %add3A_399 = arith.addi %mul3A_398, %add3A_396 : i32
        %mul3A_400 = arith.constant 40 : i32
        %mul3A_401 = arith.muli %add3A_396, %mul3A_400 : i32
        %add3A_402 = arith.addi %mul3A_93, %mul3A_401 : i32
        %dma_start3A_403 = tpu.memref_slice %arg5[%add3A_402] : memref<160000xi32, #tpu.memory_space<hbm>> -> memref<40xi32, #tpu.memory_space<hbm>>
        %dma_start3A_404 = tpu.memref_slice %arg5[%add3A_402] : memref<160000xi32, #tpu.memory_space<hbm>> -> memref<40xi32, #tpu.memory_space<hbm>>
        tpu.enqueue_dma source(%dma_start3A_404 : memref<40xi32, #tpu.memory_space<hbm>>) target(%arg9 : memref<40xi32, #tpu.memory_space<vmem>>) target_semaphore(%arg19 : memref<!tpu.dma_semaphore, #tpu.memory_space<semaphore_mem>>)
        %dma_start3A_405 = arith.constant 0 : i32
        %dma_start3A_406 = arith.constant 0 : i32
        %dma_start3A_407 = tpu.memref_slice %arg3[%add3A_399, %dma_start3A_405, %dma_start3A_406] : memref<4000x40x64xf32, #tpu.memory_space<hbm>> -> memref<1x40x64xf32, #tpu.memory_space<hbm>>
        %dma_start3A_408 = tpu.memref_squeeze %dma_start3A_407 : memref<1x40x64xf32, #tpu.memory_space<hbm>> -> memref<40x64xf32, #tpu.memory_space<hbm>>
        %dma_start3A_409 = arith.constant 0 : i32
        %dma_start3A_410 = arith.constant 0 : i32
        %dma_start3A_411 = tpu.memref_slice %arg3[%add3A_399, %dma_start3A_409, %dma_start3A_410] : memref<4000x40x64xf32, #tpu.memory_space<hbm>> -> memref<1x40x64xf32, #tpu.memory_space<hbm>>
        %dma_start3A_412 = tpu.memref_squeeze %dma_start3A_411 : memref<1x40x64xf32, #tpu.memory_space<hbm>> -> memref<40x64xf32, #tpu.memory_space<hbm>>
        tpu.enqueue_dma source(%dma_start3A_412 : memref<40x64xf32, #tpu.memory_space<hbm>>) target(%arg14 : memref<40x64xf32, #tpu.memory_space<vmem>>) target_semaphore(%arg24 : memref<!tpu.dma_semaphore, #tpu.memory_space<semaphore_mem>>)
      } else {
      }
      %mul3A_252 = arith.constant 125 : i32
      %mul3A_253 = arith.muli %add3A, %mul3A_252 : i32
      %add3A_254 = arith.addi %mul3A_253, %add3A_247 : i32
      %mul3A_255 = arith.constant 40 : i32
      %mul3A_256 = arith.muli %add3A_247, %mul3A_255 : i32
      %add3A_257 = arith.addi %mul3A_93, %mul3A_256 : i32
      %dma_wait3A_258 = tpu.memref_slice %arg5[%add3A_257] : memref<160000xi32, #tpu.memory_space<hbm>> -> memref<40xi32, #tpu.memory_space<hbm>>
      %dma_wait3A_259 = tpu.memref_slice %arg5[%add3A_257] : memref<160000xi32, #tpu.memory_space<hbm>> -> memref<40xi32, #tpu.memory_space<hbm>>
      tpu.wait_dma2 semaphore(%arg18 : memref<!tpu.dma_semaphore, #tpu.memory_space<semaphore_mem>>) src(%dma_wait3A_259 : memref<40xi32, #tpu.memory_space<hbm>>) dst(%arg8 : memref<40xi32, #tpu.memory_space<vmem>>)
      %dma_wait3A_260 = arith.constant 0 : i32
      %dma_wait3A_261 = arith.constant 0 : i32
      %dma_wait3A_262 = tpu.memref_slice %arg3[%add3A_254, %dma_wait3A_260, %dma_wait3A_261] : memref<4000x40x64xf32, #tpu.memory_space<hbm>> -> memref<1x40x64xf32, #tpu.memory_space<hbm>>
      %dma_wait3A_263 = tpu.memref_squeeze %dma_wait3A_262 : memref<1x40x64xf32, #tpu.memory_space<hbm>> -> memref<40x64xf32, #tpu.memory_space<hbm>>
      %dma_wait3A_264 = arith.constant 0 : i32
      %dma_wait3A_265 = arith.constant 0 : i32
      %dma_wait3A_266 = tpu.memref_slice %arg3[%add3A_254, %dma_wait3A_264, %dma_wait3A_265] : memref<4000x40x64xf32, #tpu.memory_space<hbm>> -> memref<1x40x64xf32, #tpu.memory_space<hbm>>
      %dma_wait3A_267 = tpu.memref_squeeze %dma_wait3A_266 : memref<1x40x64xf32, #tpu.memory_space<hbm>> -> memref<40x64xf32, #tpu.memory_space<hbm>>
      tpu.wait_dma2 semaphore(%arg23 : memref<!tpu.dma_semaphore, #tpu.memory_space<semaphore_mem>>) src(%dma_wait3A_267 : memref<40x64xf32, #tpu.memory_space<hbm>>) dst(%arg13 : memref<40x64xf32, #tpu.memory_space<vmem>>)
      %dma_start3A_268 = arith.constant 0 : i32
      %dma_start3A_269 = arith.constant 0 : i32
      %dma_start3A_270 = tpu.memref_slice %arg33[%dma_start3A_268, %dma_start3A_269] : memref<10112x64xf32, #tpu.memory_space<vmem_shared>> -> memref<10112x64xf32, #tpu.memory_space<vmem_shared>>
      tpu.enqueue_indirect_dma source(%arg13 : memref<40x64xf32, #tpu.memory_space<vmem>>) target(%dma_start3A_270 : memref<10112x64xf32, #tpu.memory_space<vmem_shared>>) offsets(%arg8 : memref<40xi32, #tpu.memory_space<vmem>>) semaphore(%arg28 : memref<!tpu.dma_semaphore, #tpu.memory_space<semaphore_mem>>) {add = true}
      %mul3A_271 = arith.constant 5 : i32
      %mul3A_272 = arith.muli %mul3A_271, %scan3A_243 : i32
      %add3A_273 = arith.constant 1 : i32
      %add3A_274 = arith.addi %mul3A_272, %add3A_273 : i32
      %add3A_275 = arith.constant 1 : i32
      %add3A_276 = arith.addi %add3A_274, %add3A_275 : i32
      %lt3A_277 = arith.constant 125 : i32
      %lt3A_278 = arith.cmpi slt, %add3A_276, %lt3A_277 : i32
      %convert_element_type3A_279 = arith.extui %lt3A_278 : i1 to i32
      %cond3A_280 = arith.constant 0 : i32
      %cond3A_281 = arith.cmpi ne, %convert_element_type3A_279, %cond3A_280 : i32
      scf.if %cond3A_281 {
        %ge3A = arith.constant 4 : i32
        %ge3A_391 = arith.cmpi sge, %add3A_274, %ge3A : i32
        %convert_element_type3A_392 = arith.extui %ge3A_391 : i1 to i32
        %cond3A_393 = arith.constant 0 : i32
        %cond3A_394 = arith.cmpi ne, %convert_element_type3A_392, %cond3A_393 : i32
        scf.if %cond3A_394 {
          %dma_wait3A_413 = arith.constant 0 : i32
          %dma_wait3A_414 = arith.constant 0 : i32
          %dma_wait3A_415 = tpu.memref_slice %arg33[%dma_wait3A_413, %dma_wait3A_414] : memref<10112x64xf32, #tpu.memory_space<vmem_shared>> -> memref<10112x64xf32, #tpu.memory_space<vmem_shared>>
          tpu.wait_indirect_dma semaphore(%arg30 : memref<!tpu.dma_semaphore, #tpu.memory_space<semaphore_mem>>) src(%arg15 : memref<40x64xf32, #tpu.memory_space<vmem>>) dst(%dma_wait3A_415 : memref<10112x64xf32, #tpu.memory_space<vmem_shared>>)
        } else {
        }
        %add3A_395 = arith.constant 1 : i32
        %add3A_396 = arith.addi %add3A_274, %add3A_395 : i32
        %mul3A_397 = arith.constant 125 : i32
        %mul3A_398 = arith.muli %add3A, %mul3A_397 : i32
        %add3A_399 = arith.addi %mul3A_398, %add3A_396 : i32
        %mul3A_400 = arith.constant 40 : i32
        %mul3A_401 = arith.muli %add3A_396, %mul3A_400 : i32
        %add3A_402 = arith.addi %mul3A_93, %mul3A_401 : i32
        %dma_start3A_403 = tpu.memref_slice %arg5[%add3A_402] : memref<160000xi32, #tpu.memory_space<hbm>> -> memref<40xi32, #tpu.memory_space<hbm>>
        %dma_start3A_404 = tpu.memref_slice %arg5[%add3A_402] : memref<160000xi32, #tpu.memory_space<hbm>> -> memref<40xi32, #tpu.memory_space<hbm>>
        tpu.enqueue_dma source(%dma_start3A_404 : memref<40xi32, #tpu.memory_space<hbm>>) target(%arg10 : memref<40xi32, #tpu.memory_space<vmem>>) target_semaphore(%arg20 : memref<!tpu.dma_semaphore, #tpu.memory_space<semaphore_mem>>)
        %dma_start3A_405 = arith.constant 0 : i32
        %dma_start3A_406 = arith.constant 0 : i32
        %dma_start3A_407 = tpu.memref_slice %arg3[%add3A_399, %dma_start3A_405, %dma_start3A_406] : memref<4000x40x64xf32, #tpu.memory_space<hbm>> -> memref<1x40x64xf32, #tpu.memory_space<hbm>>
        %dma_start3A_408 = tpu.memref_squeeze %dma_start3A_407 : memref<1x40x64xf32, #tpu.memory_space<hbm>> -> memref<40x64xf32, #tpu.memory_space<hbm>>
        %dma_start3A_409 = arith.constant 0 : i32
        %dma_start3A_410 = arith.constant 0 : i32
        %dma_start3A_411 = tpu.memref_slice %arg3[%add3A_399, %dma_start3A_409, %dma_start3A_410] : memref<4000x40x64xf32, #tpu.memory_space<hbm>> -> memref<1x40x64xf32, #tpu.memory_space<hbm>>
        %dma_start3A_412 = tpu.memref_squeeze %dma_start3A_411 : memref<1x40x64xf32, #tpu.memory_space<hbm>> -> memref<40x64xf32, #tpu.memory_space<hbm>>
        tpu.enqueue_dma source(%dma_start3A_412 : memref<40x64xf32, #tpu.memory_space<hbm>>) target(%arg15 : memref<40x64xf32, #tpu.memory_space<vmem>>) target_semaphore(%arg25 : memref<!tpu.dma_semaphore, #tpu.memory_space<semaphore_mem>>)
      } else {
      }
      %mul3A_282 = arith.constant 125 : i32
      %mul3A_283 = arith.muli %add3A, %mul3A_282 : i32
      %add3A_284 = arith.addi %mul3A_283, %add3A_274 : i32
      %mul3A_285 = arith.constant 40 : i32
      %mul3A_286 = arith.muli %add3A_274, %mul3A_285 : i32
      %add3A_287 = arith.addi %mul3A_93, %mul3A_286 : i32
      %dma_wait3A_288 = tpu.memref_slice %arg5[%add3A_287] : memref<160000xi32, #tpu.memory_space<hbm>> -> memref<40xi32, #tpu.memory_space<hbm>>
      %dma_wait3A_289 = tpu.memref_slice %arg5[%add3A_287] : memref<160000xi32, #tpu.memory_space<hbm>> -> memref<40xi32, #tpu.memory_space<hbm>>
      tpu.wait_dma2 semaphore(%arg19 : memref<!tpu.dma_semaphore, #tpu.memory_space<semaphore_mem>>) src(%dma_wait3A_289 : memref<40xi32, #tpu.memory_space<hbm>>) dst(%arg9 : memref<40xi32, #tpu.memory_space<vmem>>)
      %dma_wait3A_290 = arith.constant 0 : i32
      %dma_wait3A_291 = arith.constant 0 : i32
      %dma_wait3A_292 = tpu.memref_slice %arg3[%add3A_284, %dma_wait3A_290, %dma_wait3A_291] : memref<4000x40x64xf32, #tpu.memory_space<hbm>> -> memref<1x40x64xf32, #tpu.memory_space<hbm>>
      %dma_wait3A_293 = tpu.memref_squeeze %dma_wait3A_292 : memref<1x40x64xf32, #tpu.memory_space<hbm>> -> memref<40x64xf32, #tpu.memory_space<hbm>>
      %dma_wait3A_294 = arith.constant 0 : i32
      %dma_wait3A_295 = arith.constant 0 : i32
      %dma_wait3A_296 = tpu.memref_slice %arg3[%add3A_284, %dma_wait3A_294, %dma_wait3A_295] : memref<4000x40x64xf32, #tpu.memory_space<hbm>> -> memref<1x40x64xf32, #tpu.memory_space<hbm>>
      %dma_wait3A_297 = tpu.memref_squeeze %dma_wait3A_296 : memref<1x40x64xf32, #tpu.memory_space<hbm>> -> memref<40x64xf32, #tpu.memory_space<hbm>>
      tpu.wait_dma2 semaphore(%arg24 : memref<!tpu.dma_semaphore, #tpu.memory_space<semaphore_mem>>) src(%dma_wait3A_297 : memref<40x64xf32, #tpu.memory_space<hbm>>) dst(%arg14 : memref<40x64xf32, #tpu.memory_space<vmem>>)
      %dma_start3A_298 = arith.constant 0 : i32
      %dma_start3A_299 = arith.constant 0 : i32
      %dma_start3A_300 = tpu.memref_slice %arg33[%dma_start3A_298, %dma_start3A_299] : memref<10112x64xf32, #tpu.memory_space<vmem_shared>> -> memref<10112x64xf32, #tpu.memory_space<vmem_shared>>
      tpu.enqueue_indirect_dma source(%arg14 : memref<40x64xf32, #tpu.memory_space<vmem>>) target(%dma_start3A_300 : memref<10112x64xf32, #tpu.memory_space<vmem_shared>>) offsets(%arg9 : memref<40xi32, #tpu.memory_space<vmem>>) semaphore(%arg29 : memref<!tpu.dma_semaphore, #tpu.memory_space<semaphore_mem>>) {add = true}
      %mul3A_301 = arith.constant 5 : i32
      %mul3A_302 = arith.muli %mul3A_301, %scan3A_243 : i32
      %add3A_303 = arith.constant 2 : i32
      %add3A_304 = arith.addi %mul3A_302, %add3A_303 : i32
      %add3A_305 = arith.constant 1 : i32
      %add3A_306 = arith.addi %add3A_304, %add3A_305 : i32
      %lt3A_307 = arith.constant 125 : i32
      %lt3A_308 = arith.cmpi slt, %add3A_306, %lt3A_307 : i32
      %convert_element_type3A_309 = arith.extui %lt3A_308 : i1 to i32
      %cond3A_310 = arith.constant 0 : i32
      %cond3A_311 = arith.cmpi ne, %convert_element_type3A_309, %cond3A_310 : i32
      scf.if %cond3A_311 {
        %ge3A = arith.constant 4 : i32
        %ge3A_391 = arith.cmpi sge, %add3A_304, %ge3A : i32
        %convert_element_type3A_392 = arith.extui %ge3A_391 : i1 to i32
        %cond3A_393 = arith.constant 0 : i32
        %cond3A_394 = arith.cmpi ne, %convert_element_type3A_392, %cond3A_393 : i32
        scf.if %cond3A_394 {
          %dma_wait3A_413 = arith.constant 0 : i32
          %dma_wait3A_414 = arith.constant 0 : i32
          %dma_wait3A_415 = tpu.memref_slice %arg33[%dma_wait3A_413, %dma_wait3A_414] : memref<10112x64xf32, #tpu.memory_space<vmem_shared>> -> memref<10112x64xf32, #tpu.memory_space<vmem_shared>>
          tpu.wait_indirect_dma semaphore(%arg31 : memref<!tpu.dma_semaphore, #tpu.memory_space<semaphore_mem>>) src(%arg16 : memref<40x64xf32, #tpu.memory_space<vmem>>) dst(%dma_wait3A_415 : memref<10112x64xf32, #tpu.memory_space<vmem_shared>>)
        } else {
        }
        %add3A_395 = arith.constant 1 : i32
        %add3A_396 = arith.addi %add3A_304, %add3A_395 : i32
        %mul3A_397 = arith.constant 125 : i32
        %mul3A_398 = arith.muli %add3A, %mul3A_397 : i32
        %add3A_399 = arith.addi %mul3A_398, %add3A_396 : i32
        %mul3A_400 = arith.constant 40 : i32
        %mul3A_401 = arith.muli %add3A_396, %mul3A_400 : i32
        %add3A_402 = arith.addi %mul3A_93, %mul3A_401 : i32
        %dma_start3A_403 = tpu.memref_slice %arg5[%add3A_402] : memref<160000xi32, #tpu.memory_space<hbm>> -> memref<40xi32, #tpu.memory_space<hbm>>
        %dma_start3A_404 = tpu.memref_slice %arg5[%add3A_402] : memref<160000xi32, #tpu.memory_space<hbm>> -> memref<40xi32, #tpu.memory_space<hbm>>
        tpu.enqueue_dma source(%dma_start3A_404 : memref<40xi32, #tpu.memory_space<hbm>>) target(%arg11 : memref<40xi32, #tpu.memory_space<vmem>>) target_semaphore(%arg21 : memref<!tpu.dma_semaphore, #tpu.memory_space<semaphore_mem>>)
        %dma_start3A_405 = arith.constant 0 : i32
        %dma_start3A_406 = arith.constant 0 : i32
        %dma_start3A_407 = tpu.memref_slice %arg3[%add3A_399, %dma_start3A_405, %dma_start3A_406] : memref<4000x40x64xf32, #tpu.memory_space<hbm>> -> memref<1x40x64xf32, #tpu.memory_space<hbm>>
        %dma_start3A_408 = tpu.memref_squeeze %dma_start3A_407 : memref<1x40x64xf32, #tpu.memory_space<hbm>> -> memref<40x64xf32, #tpu.memory_space<hbm>>
        %dma_start3A_409 = arith.constant 0 : i32
        %dma_start3A_410 = arith.constant 0 : i32
        %dma_start3A_411 = tpu.memref_slice %arg3[%add3A_399, %dma_start3A_409, %dma_start3A_410] : memref<4000x40x64xf32, #tpu.memory_space<hbm>> -> memref<1x40x64xf32, #tpu.memory_space<hbm>>
        %dma_start3A_412 = tpu.memref_squeeze %dma_start3A_411 : memref<1x40x64xf32, #tpu.memory_space<hbm>> -> memref<40x64xf32, #tpu.memory_space<hbm>>
        tpu.enqueue_dma source(%dma_start3A_412 : memref<40x64xf32, #tpu.memory_space<hbm>>) target(%arg16 : memref<40x64xf32, #tpu.memory_space<vmem>>) target_semaphore(%arg26 : memref<!tpu.dma_semaphore, #tpu.memory_space<semaphore_mem>>)
      } else {
      }
      %mul3A_312 = arith.constant 125 : i32
      %mul3A_313 = arith.muli %add3A, %mul3A_312 : i32
      %add3A_314 = arith.addi %mul3A_313, %add3A_304 : i32
      %mul3A_315 = arith.constant 40 : i32
      %mul3A_316 = arith.muli %add3A_304, %mul3A_315 : i32
      %add3A_317 = arith.addi %mul3A_93, %mul3A_316 : i32
      %dma_wait3A_318 = tpu.memref_slice %arg5[%add3A_317] : memref<160000xi32, #tpu.memory_space<hbm>> -> memref<40xi32, #tpu.memory_space<hbm>>
      %dma_wait3A_319 = tpu.memref_slice %arg5[%add3A_317] : memref<160000xi32, #tpu.memory_space<hbm>> -> memref<40xi32, #tpu.memory_space<hbm>>
      tpu.wait_dma2 semaphore(%arg20 : memref<!tpu.dma_semaphore, #tpu.memory_space<semaphore_mem>>) src(%dma_wait3A_319 : memref<40xi32, #tpu.memory_space<hbm>>) dst(%arg10 : memref<40xi32, #tpu.memory_space<vmem>>)
      %dma_wait3A_320 = arith.constant 0 : i32
      %dma_wait3A_321 = arith.constant 0 : i32
      %dma_wait3A_322 = tpu.memref_slice %arg3[%add3A_314, %dma_wait3A_320, %dma_wait3A_321] : memref<4000x40x64xf32, #tpu.memory_space<hbm>> -> memref<1x40x64xf32, #tpu.memory_space<hbm>>
      %dma_wait3A_323 = tpu.memref_squeeze %dma_wait3A_322 : memref<1x40x64xf32, #tpu.memory_space<hbm>> -> memref<40x64xf32, #tpu.memory_space<hbm>>
      %dma_wait3A_324 = arith.constant 0 : i32
      %dma_wait3A_325 = arith.constant 0 : i32
      %dma_wait3A_326 = tpu.memref_slice %arg3[%add3A_314, %dma_wait3A_324, %dma_wait3A_325] : memref<4000x40x64xf32, #tpu.memory_space<hbm>> -> memref<1x40x64xf32, #tpu.memory_space<hbm>>
      %dma_wait3A_327 = tpu.memref_squeeze %dma_wait3A_326 : memref<1x40x64xf32, #tpu.memory_space<hbm>> -> memref<40x64xf32, #tpu.memory_space<hbm>>
      tpu.wait_dma2 semaphore(%arg25 : memref<!tpu.dma_semaphore, #tpu.memory_space<semaphore_mem>>) src(%dma_wait3A_327 : memref<40x64xf32, #tpu.memory_space<hbm>>) dst(%arg15 : memref<40x64xf32, #tpu.memory_space<vmem>>)
      %dma_start3A_328 = arith.constant 0 : i32
      %dma_start3A_329 = arith.constant 0 : i32
      %dma_start3A_330 = tpu.memref_slice %arg33[%dma_start3A_328, %dma_start3A_329] : memref<10112x64xf32, #tpu.memory_space<vmem_shared>> -> memref<10112x64xf32, #tpu.memory_space<vmem_shared>>
      tpu.enqueue_indirect_dma source(%arg15 : memref<40x64xf32, #tpu.memory_space<vmem>>) target(%dma_start3A_330 : memref<10112x64xf32, #tpu.memory_space<vmem_shared>>) offsets(%arg10 : memref<40xi32, #tpu.memory_space<vmem>>) semaphore(%arg30 : memref<!tpu.dma_semaphore, #tpu.memory_space<semaphore_mem>>) {add = true}
      %mul3A_331 = arith.constant 5 : i32
      %mul3A_332 = arith.muli %mul3A_331, %scan3A_243 : i32
      %add3A_333 = arith.constant 3 : i32
      %add3A_334 = arith.addi %mul3A_332, %add3A_333 : i32
      %add3A_335 = arith.constant 1 : i32
      %add3A_336 = arith.addi %add3A_334, %add3A_335 : i32
      %lt3A_337 = arith.constant 125 : i32
      %lt3A_338 = arith.cmpi slt, %add3A_336, %lt3A_337 : i32
      %convert_element_type3A_339 = arith.extui %lt3A_338 : i1 to i32
      %cond3A_340 = arith.constant 0 : i32
      %cond3A_341 = arith.cmpi ne, %convert_element_type3A_339, %cond3A_340 : i32
      scf.if %cond3A_341 {
        %ge3A = arith.constant 4 : i32
        %ge3A_391 = arith.cmpi sge, %add3A_334, %ge3A : i32
        %convert_element_type3A_392 = arith.extui %ge3A_391 : i1 to i32
        %cond3A_393 = arith.constant 0 : i32
        %cond3A_394 = arith.cmpi ne, %convert_element_type3A_392, %cond3A_393 : i32
        scf.if %cond3A_394 {
          %dma_wait3A_413 = arith.constant 0 : i32
          %dma_wait3A_414 = arith.constant 0 : i32
          %dma_wait3A_415 = tpu.memref_slice %arg33[%dma_wait3A_413, %dma_wait3A_414] : memref<10112x64xf32, #tpu.memory_space<vmem_shared>> -> memref<10112x64xf32, #tpu.memory_space<vmem_shared>>
          tpu.wait_indirect_dma semaphore(%arg32 : memref<!tpu.dma_semaphore, #tpu.memory_space<semaphore_mem>>) src(%arg17 : memref<40x64xf32, #tpu.memory_space<vmem>>) dst(%dma_wait3A_415 : memref<10112x64xf32, #tpu.memory_space<vmem_shared>>)
        } else {
        }
        %add3A_395 = arith.constant 1 : i32
        %add3A_396 = arith.addi %add3A_334, %add3A_395 : i32
        %mul3A_397 = arith.constant 125 : i32
        %mul3A_398 = arith.muli %add3A, %mul3A_397 : i32
        %add3A_399 = arith.addi %mul3A_398, %add3A_396 : i32
        %mul3A_400 = arith.constant 40 : i32
        %mul3A_401 = arith.muli %add3A_396, %mul3A_400 : i32
        %add3A_402 = arith.addi %mul3A_93, %mul3A_401 : i32
        %dma_start3A_403 = tpu.memref_slice %arg5[%add3A_402] : memref<160000xi32, #tpu.memory_space<hbm>> -> memref<40xi32, #tpu.memory_space<hbm>>
        %dma_start3A_404 = tpu.memref_slice %arg5[%add3A_402] : memref<160000xi32, #tpu.memory_space<hbm>> -> memref<40xi32, #tpu.memory_space<hbm>>
        tpu.enqueue_dma source(%dma_start3A_404 : memref<40xi32, #tpu.memory_space<hbm>>) target(%arg12 : memref<40xi32, #tpu.memory_space<vmem>>) target_semaphore(%arg22 : memref<!tpu.dma_semaphore, #tpu.memory_space<semaphore_mem>>)
        %dma_start3A_405 = arith.constant 0 : i32
        %dma_start3A_406 = arith.constant 0 : i32
        %dma_start3A_407 = tpu.memref_slice %arg3[%add3A_399, %dma_start3A_405, %dma_start3A_406] : memref<4000x40x64xf32, #tpu.memory_space<hbm>> -> memref<1x40x64xf32, #tpu.memory_space<hbm>>
        %dma_start3A_408 = tpu.memref_squeeze %dma_start3A_407 : memref<1x40x64xf32, #tpu.memory_space<hbm>> -> memref<40x64xf32, #tpu.memory_space<hbm>>
        %dma_start3A_409 = arith.constant 0 : i32
        %dma_start3A_410 = arith.constant 0 : i32
        %dma_start3A_411 = tpu.memref_slice %arg3[%add3A_399, %dma_start3A_409, %dma_start3A_410] : memref<4000x40x64xf32, #tpu.memory_space<hbm>> -> memref<1x40x64xf32, #tpu.memory_space<hbm>>
        %dma_start3A_412 = tpu.memref_squeeze %dma_start3A_411 : memref<1x40x64xf32, #tpu.memory_space<hbm>> -> memref<40x64xf32, #tpu.memory_space<hbm>>
        tpu.enqueue_dma source(%dma_start3A_412 : memref<40x64xf32, #tpu.memory_space<hbm>>) target(%arg17 : memref<40x64xf32, #tpu.memory_space<vmem>>) target_semaphore(%arg27 : memref<!tpu.dma_semaphore, #tpu.memory_space<semaphore_mem>>)
      } else {
      }
      %mul3A_342 = arith.constant 125 : i32
      %mul3A_343 = arith.muli %add3A, %mul3A_342 : i32
      %add3A_344 = arith.addi %mul3A_343, %add3A_334 : i32
      %mul3A_345 = arith.constant 40 : i32
      %mul3A_346 = arith.muli %add3A_334, %mul3A_345 : i32
      %add3A_347 = arith.addi %mul3A_93, %mul3A_346 : i32
      %dma_wait3A_348 = tpu.memref_slice %arg5[%add3A_347] : memref<160000xi32, #tpu.memory_space<hbm>> -> memref<40xi32, #tpu.memory_space<hbm>>
      %dma_wait3A_349 = tpu.memref_slice %arg5[%add3A_347] : memref<160000xi32, #tpu.memory_space<hbm>> -> memref<40xi32, #tpu.memory_space<hbm>>
      tpu.wait_dma2 semaphore(%arg21 : memref<!tpu.dma_semaphore, #tpu.memory_space<semaphore_mem>>) src(%dma_wait3A_349 : memref<40xi32, #tpu.memory_space<hbm>>) dst(%arg11 : memref<40xi32, #tpu.memory_space<vmem>>)
      %dma_wait3A_350 = arith.constant 0 : i32
      %dma_wait3A_351 = arith.constant 0 : i32
      %dma_wait3A_352 = tpu.memref_slice %arg3[%add3A_344, %dma_wait3A_350, %dma_wait3A_351] : memref<4000x40x64xf32, #tpu.memory_space<hbm>> -> memref<1x40x64xf32, #tpu.memory_space<hbm>>
      %dma_wait3A_353 = tpu.memref_squeeze %dma_wait3A_352 : memref<1x40x64xf32, #tpu.memory_space<hbm>> -> memref<40x64xf32, #tpu.memory_space<hbm>>
      %dma_wait3A_354 = arith.constant 0 : i32
      %dma_wait3A_355 = arith.constant 0 : i32
      %dma_wait3A_356 = tpu.memref_slice %arg3[%add3A_344, %dma_wait3A_354, %dma_wait3A_355] : memref<4000x40x64xf32, #tpu.memory_space<hbm>> -> memref<1x40x64xf32, #tpu.memory_space<hbm>>
      %dma_wait3A_357 = tpu.memref_squeeze %dma_wait3A_356 : memref<1x40x64xf32, #tpu.memory_space<hbm>> -> memref<40x64xf32, #tpu.memory_space<hbm>>
      tpu.wait_dma2 semaphore(%arg26 : memref<!tpu.dma_semaphore, #tpu.memory_space<semaphore_mem>>) src(%dma_wait3A_357 : memref<40x64xf32, #tpu.memory_space<hbm>>) dst(%arg16 : memref<40x64xf32, #tpu.memory_space<vmem>>)
      %dma_start3A_358 = arith.constant 0 : i32
      %dma_start3A_359 = arith.constant 0 : i32
      %dma_start3A_360 = tpu.memref_slice %arg33[%dma_start3A_358, %dma_start3A_359] : memref<10112x64xf32, #tpu.memory_space<vmem_shared>> -> memref<10112x64xf32, #tpu.memory_space<vmem_shared>>
      tpu.enqueue_indirect_dma source(%arg16 : memref<40x64xf32, #tpu.memory_space<vmem>>) target(%dma_start3A_360 : memref<10112x64xf32, #tpu.memory_space<vmem_shared>>) offsets(%arg11 : memref<40xi32, #tpu.memory_space<vmem>>) semaphore(%arg31 : memref<!tpu.dma_semaphore, #tpu.memory_space<semaphore_mem>>) {add = true}
      %mul3A_361 = arith.constant 5 : i32
      %mul3A_362 = arith.muli %mul3A_361, %scan3A_243 : i32
      %add3A_363 = arith.constant 4 : i32
      %add3A_364 = arith.addi %mul3A_362, %add3A_363 : i32
      %add3A_365 = arith.constant 1 : i32
      %add3A_366 = arith.addi %add3A_364, %add3A_365 : i32
      %lt3A_367 = arith.constant 125 : i32
      %lt3A_368 = arith.cmpi slt, %add3A_366, %lt3A_367 : i32
      %convert_element_type3A_369 = arith.extui %lt3A_368 : i1 to i32
      %cond3A_370 = arith.constant 0 : i32
      %cond3A_371 = arith.cmpi ne, %convert_element_type3A_369, %cond3A_370 : i32
      scf.if %cond3A_371 {
        %ge3A = arith.constant 4 : i32
        %ge3A_391 = arith.cmpi sge, %add3A_364, %ge3A : i32
        %convert_element_type3A_392 = arith.extui %ge3A_391 : i1 to i32
        %cond3A_393 = arith.constant 0 : i32
        %cond3A_394 = arith.cmpi ne, %convert_element_type3A_392, %cond3A_393 : i32
        scf.if %cond3A_394 {
          %dma_wait3A_413 = arith.constant 0 : i32
          %dma_wait3A_414 = arith.constant 0 : i32
          %dma_wait3A_415 = tpu.memref_slice %arg33[%dma_wait3A_413, %dma_wait3A_414] : memref<10112x64xf32, #tpu.memory_space<vmem_shared>> -> memref<10112x64xf32, #tpu.memory_space<vmem_shared>>
          tpu.wait_indirect_dma semaphore(%arg28 : memref<!tpu.dma_semaphore, #tpu.memory_space<semaphore_mem>>) src(%arg13 : memref<40x64xf32, #tpu.memory_space<vmem>>) dst(%dma_wait3A_415 : memref<10112x64xf32, #tpu.memory_space<vmem_shared>>)
        } else {
        }
        %add3A_395 = arith.constant 1 : i32
        %add3A_396 = arith.addi %add3A_364, %add3A_395 : i32
        %mul3A_397 = arith.constant 125 : i32
        %mul3A_398 = arith.muli %add3A, %mul3A_397 : i32
        %add3A_399 = arith.addi %mul3A_398, %add3A_396 : i32
        %mul3A_400 = arith.constant 40 : i32
        %mul3A_401 = arith.muli %add3A_396, %mul3A_400 : i32
        %add3A_402 = arith.addi %mul3A_93, %mul3A_401 : i32
        %dma_start3A_403 = tpu.memref_slice %arg5[%add3A_402] : memref<160000xi32, #tpu.memory_space<hbm>> -> memref<40xi32, #tpu.memory_space<hbm>>
        %dma_start3A_404 = tpu.memref_slice %arg5[%add3A_402] : memref<160000xi32, #tpu.memory_space<hbm>> -> memref<40xi32, #tpu.memory_space<hbm>>
        tpu.enqueue_dma source(%dma_start3A_404 : memref<40xi32, #tpu.memory_space<hbm>>) target(%arg8 : memref<40xi32, #tpu.memory_space<vmem>>) target_semaphore(%arg18 : memref<!tpu.dma_semaphore, #tpu.memory_space<semaphore_mem>>)
        %dma_start3A_405 = arith.constant 0 : i32
        %dma_start3A_406 = arith.constant 0 : i32
        %dma_start3A_407 = tpu.memref_slice %arg3[%add3A_399, %dma_start3A_405, %dma_start3A_406] : memref<4000x40x64xf32, #tpu.memory_space<hbm>> -> memref<1x40x64xf32, #tpu.memory_space<hbm>>
        %dma_start3A_408 = tpu.memref_squeeze %dma_start3A_407 : memref<1x40x64xf32, #tpu.memory_space<hbm>> -> memref<40x64xf32, #tpu.memory_space<hbm>>
        %dma_start3A_409 = arith.constant 0 : i32
        %dma_start3A_410 = arith.constant 0 : i32
        %dma_start3A_411 = tpu.memref_slice %arg3[%add3A_399, %dma_start3A_409, %dma_start3A_410] : memref<4000x40x64xf32, #tpu.memory_space<hbm>> -> memref<1x40x64xf32, #tpu.memory_space<hbm>>
        %dma_start3A_412 = tpu.memref_squeeze %dma_start3A_411 : memref<1x40x64xf32, #tpu.memory_space<hbm>> -> memref<40x64xf32, #tpu.memory_space<hbm>>
        tpu.enqueue_dma source(%dma_start3A_412 : memref<40x64xf32, #tpu.memory_space<hbm>>) target(%arg13 : memref<40x64xf32, #tpu.memory_space<vmem>>) target_semaphore(%arg23 : memref<!tpu.dma_semaphore, #tpu.memory_space<semaphore_mem>>)
      } else {
      }
      %mul3A_372 = arith.constant 125 : i32
      %mul3A_373 = arith.muli %add3A, %mul3A_372 : i32
      %add3A_374 = arith.addi %mul3A_373, %add3A_364 : i32
      %mul3A_375 = arith.constant 40 : i32
      %mul3A_376 = arith.muli %add3A_364, %mul3A_375 : i32
      %add3A_377 = arith.addi %mul3A_93, %mul3A_376 : i32
      %dma_wait3A_378 = tpu.memref_slice %arg5[%add3A_377] : memref<160000xi32, #tpu.memory_space<hbm>> -> memref<40xi32, #tpu.memory_space<hbm>>
      %dma_wait3A_379 = tpu.memref_slice %arg5[%add3A_377] : memref<160000xi32, #tpu.memory_space<hbm>> -> memref<40xi32, #tpu.memory_space<hbm>>
      tpu.wait_dma2 semaphore(%arg22 : memref<!tpu.dma_semaphore, #tpu.memory_space<semaphore_mem>>) src(%dma_wait3A_379 : memref<40xi32, #tpu.memory_space<hbm>>) dst(%arg12 : memref<40xi32, #tpu.memory_space<vmem>>)
      %dma_wait3A_380 = arith.constant 0 : i32
      %dma_wait3A_381 = arith.constant 0 : i32
      %dma_wait3A_382 = tpu.memref_slice %arg3[%add3A_374, %dma_wait3A_380, %dma_wait3A_381] : memref<4000x40x64xf32, #tpu.memory_space<hbm>> -> memref<1x40x64xf32, #tpu.memory_space<hbm>>
      %dma_wait3A_383 = tpu.memref_squeeze %dma_wait3A_382 : memref<1x40x64xf32, #tpu.memory_space<hbm>> -> memref<40x64xf32, #tpu.memory_space<hbm>>
      %dma_wait3A_384 = arith.constant 0 : i32
      %dma_wait3A_385 = arith.constant 0 : i32
      %dma_wait3A_386 = tpu.memref_slice %arg3[%add3A_374, %dma_wait3A_384, %dma_wait3A_385] : memref<4000x40x64xf32, #tpu.memory_space<hbm>> -> memref<1x40x64xf32, #tpu.memory_space<hbm>>
      %dma_wait3A_387 = tpu.memref_squeeze %dma_wait3A_386 : memref<1x40x64xf32, #tpu.memory_space<hbm>> -> memref<40x64xf32, #tpu.memory_space<hbm>>
      tpu.wait_dma2 semaphore(%arg27 : memref<!tpu.dma_semaphore, #tpu.memory_space<semaphore_mem>>) src(%dma_wait3A_387 : memref<40x64xf32, #tpu.memory_space<hbm>>) dst(%arg17 : memref<40x64xf32, #tpu.memory_space<vmem>>)
      %dma_start3A_388 = arith.constant 0 : i32
      %dma_start3A_389 = arith.constant 0 : i32
      %dma_start3A_390 = tpu.memref_slice %arg33[%dma_start3A_388, %dma_start3A_389] : memref<10112x64xf32, #tpu.memory_space<vmem_shared>> -> memref<10112x64xf32, #tpu.memory_space<vmem_shared>>
      tpu.enqueue_indirect_dma source(%arg17 : memref<40x64xf32, #tpu.memory_space<vmem>>) target(%dma_start3A_390 : memref<10112x64xf32, #tpu.memory_space<vmem_shared>>) offsets(%arg12 : memref<40xi32, #tpu.memory_space<vmem>>) semaphore(%arg32 : memref<!tpu.dma_semaphore, #tpu.memory_space<semaphore_mem>>) {add = true}
    }
    %scan3A_114 = arith.constant 25 : i32
    %dma_wait3A_115 = arith.constant 0 : i32
    %dma_wait3A_116 = arith.constant 0 : i32
    %dma_wait3A_117 = tpu.memref_slice %arg33[%dma_wait3A_115, %dma_wait3A_116] : memref<10112x64xf32, #tpu.memory_space<vmem_shared>> -> memref<10112x64xf32, #tpu.memory_space<vmem_shared>>
    tpu.wait_indirect_dma semaphore(%arg28 : memref<!tpu.dma_semaphore, #tpu.memory_space<semaphore_mem>>) src(%arg13 : memref<40x64xf32, #tpu.memory_space<vmem>>) dst(%dma_wait3A_117 : memref<10112x64xf32, #tpu.memory_space<vmem_shared>>)
    %dma_wait3A_118 = arith.constant 0 : i32
    %dma_wait3A_119 = arith.constant 0 : i32
    %dma_wait3A_120 = tpu.memref_slice %arg33[%dma_wait3A_118, %dma_wait3A_119] : memref<10112x64xf32, #tpu.memory_space<vmem_shared>> -> memref<10112x64xf32, #tpu.memory_space<vmem_shared>>
    tpu.wait_indirect_dma semaphore(%arg29 : memref<!tpu.dma_semaphore, #tpu.memory_space<semaphore_mem>>) src(%arg14 : memref<40x64xf32, #tpu.memory_space<vmem>>) dst(%dma_wait3A_120 : memref<10112x64xf32, #tpu.memory_space<vmem_shared>>)
    %dma_wait3A_121 = arith.constant 0 : i32
    %dma_wait3A_122 = arith.constant 0 : i32
    %dma_wait3A_123 = tpu.memref_slice %arg33[%dma_wait3A_121, %dma_wait3A_122] : memref<10112x64xf32, #tpu.memory_space<vmem_shared>> -> memref<10112x64xf32, #tpu.memory_space<vmem_shared>>
    tpu.wait_indirect_dma semaphore(%arg30 : memref<!tpu.dma_semaphore, #tpu.memory_space<semaphore_mem>>) src(%arg15 : memref<40x64xf32, #tpu.memory_space<vmem>>) dst(%dma_wait3A_123 : memref<10112x64xf32, #tpu.memory_space<vmem_shared>>)
    %dma_wait3A_124 = arith.constant 0 : i32
    %dma_wait3A_125 = arith.constant 0 : i32
    %dma_wait3A_126 = tpu.memref_slice %arg33[%dma_wait3A_124, %dma_wait3A_125] : memref<10112x64xf32, #tpu.memory_space<vmem_shared>> -> memref<10112x64xf32, #tpu.memory_space<vmem_shared>>
    tpu.wait_indirect_dma semaphore(%arg31 : memref<!tpu.dma_semaphore, #tpu.memory_space<semaphore_mem>>) src(%arg16 : memref<40x64xf32, #tpu.memory_space<vmem>>) dst(%dma_wait3A_126 : memref<10112x64xf32, #tpu.memory_space<vmem_shared>>)
    %dma_wait3A_127 = arith.constant 0 : i32
    %dma_wait3A_128 = arith.constant 0 : i32
    %dma_wait3A_129 = tpu.memref_slice %arg33[%dma_wait3A_127, %dma_wait3A_128] : memref<10112x64xf32, #tpu.memory_space<vmem_shared>> -> memref<10112x64xf32, #tpu.memory_space<vmem_shared>>
    tpu.wait_indirect_dma semaphore(%arg32 : memref<!tpu.dma_semaphore, #tpu.memory_space<semaphore_mem>>) src(%arg17 : memref<40x64xf32, #tpu.memory_space<vmem>>) dst(%dma_wait3A_129 : memref<10112x64xf32, #tpu.memory_space<vmem_shared>>)
    %barrier3A_130 = arith.constant 0 : index
    tpu.barrier barrier_id(%barrier3A_130)
    %mul3A_131 = arith.constant 632 : i32
    %mul3A_132 = arith.muli %arg1, %mul3A_131 : i32
    %add3A_133 = arith.constant 0 : i32
    %add3A_134 = arith.addi %mul3A_132, %add3A_133 : i32
    "tpu.region"() ({
      %run_scoped3A = tpu.sem_alloc : memref<!tpu.dma_semaphore, #tpu.memory_space<semaphore_mem>>
      %dma_start3A_243 = arith.constant 0 : i32
      %dma_start3A_244 = arith.constant 0 : i32
      %dma_start3A_245 = tpu.memref_slice %arg34[%dma_start3A_243, %dma_start3A_244] : memref<48x64xf32, #tpu.memory_space<vmem>> -> memref<48x64xf32, #tpu.memory_space<vmem>>
      %dma_start3A_246 = arith.constant 0 : i32
      %dma_start3A_247 = tpu.memref_slice %arg33[%add3A_134, %dma_start3A_246] : memref<10112x64xf32, #tpu.memory_space<vmem_shared>> -> memref<48x64xf32, #tpu.memory_space<vmem_shared>>
      %dma_start3A_248 = arith.constant 0 : i32
      %dma_start3A_249 = arith.constant 0 : i32
      %dma_start3A_250 = tpu.memref_slice %arg34[%dma_start3A_248, %dma_start3A_249] : memref<48x64xf32, #tpu.memory_space<vmem>> -> memref<48x64xf32, #tpu.memory_space<vmem>>
      %dma_start3A_251 = arith.constant 0 : i32
      %dma_start3A_252 = tpu.memref_slice %arg33[%add3A_134, %dma_start3A_251] : memref<10112x64xf32, #tpu.memory_space<vmem_shared>> -> memref<48x64xf32, #tpu.memory_space<vmem_shared>>
      tpu.enqueue_dma source(%dma_start3A_252 : memref<48x64xf32, #tpu.memory_space<vmem_shared>>) target(%dma_start3A_250 : memref<48x64xf32, #tpu.memory_space<vmem>>) target_semaphore(%run_scoped3A : memref<!tpu.dma_semaphore, #tpu.memory_space<semaphore_mem>>)
      %dma_wait3A_253 = arith.constant 0 : i32
      %dma_wait3A_254 = arith.constant 0 : i32
      %dma_wait3A_255 = tpu.memref_slice %arg34[%dma_wait3A_253, %dma_wait3A_254] : memref<48x64xf32, #tpu.memory_space<vmem>> -> memref<48x64xf32, #tpu.memory_space<vmem>>
      %dma_wait3A_256 = arith.constant 0 : i32
      %dma_wait3A_257 = tpu.memref_slice %arg33[%add3A_134, %dma_wait3A_256] : memref<10112x64xf32, #tpu.memory_space<vmem_shared>> -> memref<48x64xf32, #tpu.memory_space<vmem_shared>>
      %dma_wait3A_258 = arith.constant 0 : i32
      %dma_wait3A_259 = arith.constant 0 : i32
      %dma_wait3A_260 = tpu.memref_slice %arg34[%dma_wait3A_258, %dma_wait3A_259] : memref<48x64xf32, #tpu.memory_space<vmem>> -> memref<48x64xf32, #tpu.memory_space<vmem>>
      %dma_wait3A_261 = arith.constant 0 : i32
      %dma_wait3A_262 = tpu.memref_slice %arg33[%add3A_134, %dma_wait3A_261] : memref<10112x64xf32, #tpu.memory_space<vmem_shared>> -> memref<48x64xf32, #tpu.memory_space<vmem_shared>>
      tpu.wait_dma2 semaphore(%run_scoped3A : memref<!tpu.dma_semaphore, #tpu.memory_space<semaphore_mem>>) src(%dma_wait3A_262 : memref<48x64xf32, #tpu.memory_space<vmem_shared>>) dst(%dma_wait3A_260 : memref<48x64xf32, #tpu.memory_space<vmem>>)
      tpu.yield
    }) : () -> ()
    %mul3A_135 = arith.constant 632 : i32
    %mul3A_136 = arith.muli %arg1, %mul3A_135 : i32
    %add3A_137 = arith.constant 0 : i32
    %add3A_138 = arith.addi %mul3A_136, %add3A_137 : i32
    "tpu.region"() ({
      %run_scoped3A = tpu.sem_alloc : memref<!tpu.dma_semaphore, #tpu.memory_space<semaphore_mem>>
      %dma_start3A_243 = arith.constant 0 : i32
      %dma_start3A_244 = arith.constant 0 : i32
      %dma_start3A_245 = tpu.memref_slice %arg34[%dma_start3A_243, %dma_start3A_244] : memref<48x64xf32, #tpu.memory_space<vmem>> -> memref<48x64xf32, #tpu.memory_space<vmem>>
      %dma_start3A_246 = arith.constant 0 : i32
      %dma_start3A_247 = tpu.memref_slice %arg7[%arg0, %add3A_138, %dma_start3A_246] : memref<2x10112x64xf32, #tpu.memory_space<hbm>> -> memref<1x48x64xf32, #tpu.memory_space<hbm>>
      %dma_start3A_248 = tpu.memref_squeeze %dma_start3A_247 : memref<1x48x64xf32, #tpu.memory_space<hbm>> -> memref<48x64xf32, #tpu.memory_space<hbm>>
      %dma_start3A_249 = arith.constant 0 : i32
      %dma_start3A_250 = tpu.memref_slice %arg7[%arg0, %add3A_138, %dma_start3A_249] : memref<2x10112x64xf32, #tpu.memory_space<hbm>> -> memref<1x48x64xf32, #tpu.memory_space<hbm>>
      %dma_start3A_251 = tpu.memref_squeeze %dma_start3A_250 : memref<1x48x64xf32, #tpu.memory_space<hbm>> -> memref<48x64xf32, #tpu.memory_space<hbm>>
      %dma_start3A_252 = arith.constant 0 : i32
      %dma_start3A_253 = arith.constant 0 : i32
      %dma_start3A_254 = tpu.memref_slice %arg34[%dma_start3A_252, %dma_start3A_253] : memref<48x64xf32, #tpu.memory_space<vmem>> -> memref<48x64xf32, #tpu.memory_space<vmem>>
      tpu.enqueue_dma source(%dma_start3A_254 : memref<48x64xf32, #tpu.memory_space<vmem>>) target(%dma_start3A_251 : memref<48x64xf32, #tpu.memory_space<hbm>>) target_semaphore(%run_scoped3A : memref<!tpu.dma_semaphore, #tpu.memory_space<semaphore_mem>>)
      %dma_wait3A_255 = arith.constant 0 : i32
      %dma_wait3A_256 = arith.constant 0 : i32
      %dma_wait3A_257 = tpu.memref_slice %arg34[%dma_wait3A_255, %dma_wait3A_256] : memref<48x64xf32, #tpu.memory_space<vmem>> -> memref<48x64xf32, #tpu.memory_space<vmem>>
      %dma_wait3A_258 = arith.constant 0 : i32
      %dma_wait3A_259 = tpu.memref_slice %arg7[%arg0, %add3A_138, %dma_wait3A_258] : memref<2x10112x64xf32, #tpu.memory_space<hbm>> -> memref<1x48x64xf32, #tpu.memory_space<hbm>>
      %dma_wait3A_260 = tpu.memref_squeeze %dma_wait3A_259 : memref<1x48x64xf32, #tpu.memory_space<hbm>> -> memref<48x64xf32, #tpu.memory_space<hbm>>
      %dma_wait3A_261 = arith.constant 0 : i32
      %dma_wait3A_262 = tpu.memref_slice %arg7[%arg0, %add3A_138, %dma_wait3A_261] : memref<2x10112x64xf32, #tpu.memory_space<hbm>> -> memref<1x48x64xf32, #tpu.memory_space<hbm>>
      %dma_wait3A_263 = tpu.memref_squeeze %dma_wait3A_262 : memref<1x48x64xf32, #tpu.memory_space<hbm>> -> memref<48x64xf32, #tpu.memory_space<hbm>>
      %dma_wait3A_264 = arith.constant 0 : i32
      %dma_wait3A_265 = arith.constant 0 : i32
      %dma_wait3A_266 = tpu.memref_slice %arg34[%dma_wait3A_264, %dma_wait3A_265] : memref<48x64xf32, #tpu.memory_space<vmem>> -> memref<48x64xf32, #tpu.memory_space<vmem>>
      tpu.wait_dma2 semaphore(%run_scoped3A : memref<!tpu.dma_semaphore, #tpu.memory_space<semaphore_mem>>) src(%dma_wait3A_266 : memref<48x64xf32, #tpu.memory_space<vmem>>) dst(%dma_wait3A_263 : memref<48x64xf32, #tpu.memory_space<hbm>>)
      tpu.yield
    }) : () -> ()
    %mul3A_139 = arith.constant 632 : i32
    %mul3A_140 = arith.muli %arg1, %mul3A_139 : i32
    %add3A_141 = arith.constant 48 : i32
    %add3A_142 = arith.addi %mul3A_140, %add3A_141 : i32
    "tpu.region"() ({
      %run_scoped3A = tpu.sem_alloc : memref<!tpu.dma_semaphore, #tpu.memory_space<semaphore_mem>>
      %dma_start3A_243 = arith.constant 0 : i32
      %dma_start3A_244 = arith.constant 0 : i32
      %dma_start3A_245 = tpu.memref_slice %arg34[%dma_start3A_243, %dma_start3A_244] : memref<48x64xf32, #tpu.memory_space<vmem>> -> memref<48x64xf32, #tpu.memory_space<vmem>>
      %dma_start3A_246 = arith.constant 0 : i32
      %dma_start3A_247 = tpu.memref_slice %arg33[%add3A_142, %dma_start3A_246] : memref<10112x64xf32, #tpu.memory_space<vmem_shared>> -> memref<48x64xf32, #tpu.memory_space<vmem_shared>>
      %dma_start3A_248 = arith.constant 0 : i32
      %dma_start3A_249 = arith.constant 0 : i32
      %dma_start3A_250 = tpu.memref_slice %arg34[%dma_start3A_248, %dma_start3A_249] : memref<48x64xf32, #tpu.memory_space<vmem>> -> memref<48x64xf32, #tpu.memory_space<vmem>>
      %dma_start3A_251 = arith.constant 0 : i32
      %dma_start3A_252 = tpu.memref_slice %arg33[%add3A_142, %dma_start3A_251] : memref<10112x64xf32, #tpu.memory_space<vmem_shared>> -> memref<48x64xf32, #tpu.memory_space<vmem_shared>>
      tpu.enqueue_dma source(%dma_start3A_252 : memref<48x64xf32, #tpu.memory_space<vmem_shared>>) target(%dma_start3A_250 : memref<48x64xf32, #tpu.memory_space<vmem>>) target_semaphore(%run_scoped3A : memref<!tpu.dma_semaphore, #tpu.memory_space<semaphore_mem>>)
      %dma_wait3A_253 = arith.constant 0 : i32
      %dma_wait3A_254 = arith.constant 0 : i32
      %dma_wait3A_255 = tpu.memref_slice %arg34[%dma_wait3A_253, %dma_wait3A_254] : memref<48x64xf32, #tpu.memory_space<vmem>> -> memref<48x64xf32, #tpu.memory_space<vmem>>
      %dma_wait3A_256 = arith.constant 0 : i32
      %dma_wait3A_257 = tpu.memref_slice %arg33[%add3A_142, %dma_wait3A_256] : memref<10112x64xf32, #tpu.memory_space<vmem_shared>> -> memref<48x64xf32, #tpu.memory_space<vmem_shared>>
      %dma_wait3A_258 = arith.constant 0 : i32
      %dma_wait3A_259 = arith.constant 0 : i32
      %dma_wait3A_260 = tpu.memref_slice %arg34[%dma_wait3A_258, %dma_wait3A_259] : memref<48x64xf32, #tpu.memory_space<vmem>> -> memref<48x64xf32, #tpu.memory_space<vmem>>
      %dma_wait3A_261 = arith.constant 0 : i32
      %dma_wait3A_262 = tpu.memref_slice %arg33[%add3A_142, %dma_wait3A_261] : memref<10112x64xf32, #tpu.memory_space<vmem_shared>> -> memref<48x64xf32, #tpu.memory_space<vmem_shared>>
      tpu.wait_dma2 semaphore(%run_scoped3A : memref<!tpu.dma_semaphore, #tpu.memory_space<semaphore_mem>>) src(%dma_wait3A_262 : memref<48x64xf32, #tpu.memory_space<vmem_shared>>) dst(%dma_wait3A_260 : memref<48x64xf32, #tpu.memory_space<vmem>>)
      tpu.yield
    }) : () -> ()
    %mul3A_143 = arith.constant 632 : i32
    %mul3A_144 = arith.muli %arg1, %mul3A_143 : i32
    %add3A_145 = arith.constant 48 : i32
    %add3A_146 = arith.addi %mul3A_144, %add3A_145 : i32
    "tpu.region"() ({
      %run_scoped3A = tpu.sem_alloc : memref<!tpu.dma_semaphore, #tpu.memory_space<semaphore_mem>>
      %dma_start3A_243 = arith.constant 0 : i32
      %dma_start3A_244 = arith.constant 0 : i32
      %dma_start3A_245 = tpu.memref_slice %arg34[%dma_start3A_243, %dma_start3A_244] : memref<48x64xf32, #tpu.memory_space<vmem>> -> memref<48x64xf32, #tpu.memory_space<vmem>>
      %dma_start3A_246 = arith.constant 0 : i32
      %dma_start3A_247 = tpu.memref_slice %arg7[%arg0, %add3A_146, %dma_start3A_246] : memref<2x10112x64xf32, #tpu.memory_space<hbm>> -> memref<1x48x64xf32, #tpu.memory_space<hbm>>
      %dma_start3A_248 = tpu.memref_squeeze %dma_start3A_247 : memref<1x48x64xf32, #tpu.memory_space<hbm>> -> memref<48x64xf32, #tpu.memory_space<hbm>>
      %dma_start3A_249 = arith.constant 0 : i32
      %dma_start3A_250 = tpu.memref_slice %arg7[%arg0, %add3A_146, %dma_start3A_249] : memref<2x10112x64xf32, #tpu.memory_space<hbm>> -> memref<1x48x64xf32, #tpu.memory_space<hbm>>
      %dma_start3A_251 = tpu.memref_squeeze %dma_start3A_250 : memref<1x48x64xf32, #tpu.memory_space<hbm>> -> memref<48x64xf32, #tpu.memory_space<hbm>>
      %dma_start3A_252 = arith.constant 0 : i32
      %dma_start3A_253 = arith.constant 0 : i32
      %dma_start3A_254 = tpu.memref_slice %arg34[%dma_start3A_252, %dma_start3A_253] : memref<48x64xf32, #tpu.memory_space<vmem>> -> memref<48x64xf32, #tpu.memory_space<vmem>>
      tpu.enqueue_dma source(%dma_start3A_254 : memref<48x64xf32, #tpu.memory_space<vmem>>) target(%dma_start3A_251 : memref<48x64xf32, #tpu.memory_space<hbm>>) target_semaphore(%run_scoped3A : memref<!tpu.dma_semaphore, #tpu.memory_space<semaphore_mem>>)
      %dma_wait3A_255 = arith.constant 0 : i32
      %dma_wait3A_256 = arith.constant 0 : i32
      %dma_wait3A_257 = tpu.memref_slice %arg34[%dma_wait3A_255, %dma_wait3A_256] : memref<48x64xf32, #tpu.memory_space<vmem>> -> memref<48x64xf32, #tpu.memory_space<vmem>>
      %dma_wait3A_258 = arith.constant 0 : i32
      %dma_wait3A_259 = tpu.memref_slice %arg7[%arg0, %add3A_146, %dma_wait3A_258] : memref<2x10112x64xf32, #tpu.memory_space<hbm>> -> memref<1x48x64xf32, #tpu.memory_space<hbm>>
      %dma_wait3A_260 = tpu.memref_squeeze %dma_wait3A_259 : memref<1x48x64xf32, #tpu.memory_space<hbm>> -> memref<48x64xf32, #tpu.memory_space<hbm>>
      %dma_wait3A_261 = arith.constant 0 : i32
      %dma_wait3A_262 = tpu.memref_slice %arg7[%arg0, %add3A_146, %dma_wait3A_261] : memref<2x10112x64xf32, #tpu.memory_space<hbm>> -> memref<1x48x64xf32, #tpu.memory_space<hbm>>
      %dma_wait3A_263 = tpu.memref_squeeze %dma_wait3A_262 : memref<1x48x64xf32, #tpu.memory_space<hbm>> -> memref<48x64xf32, #tpu.memory_space<hbm>>
      %dma_wait3A_264 = arith.constant 0 : i32
      %dma_wait3A_265 = arith.constant 0 : i32
      %dma_wait3A_266 = tpu.memref_slice %arg34[%dma_wait3A_264, %dma_wait3A_265] : memref<48x64xf32, #tpu.memory_space<vmem>> -> memref<48x64xf32, #tpu.memory_space<vmem>>
      tpu.wait_dma2 semaphore(%run_scoped3A : memref<!tpu.dma_semaphore, #tpu.memory_space<semaphore_mem>>) src(%dma_wait3A_266 : memref<48x64xf32, #tpu.memory_space<vmem>>) dst(%dma_wait3A_263 : memref<48x64xf32, #tpu.memory_space<hbm>>)
      tpu.yield
    }) : () -> ()
    %mul3A_147 = arith.constant 632 : i32
    %mul3A_148 = arith.muli %arg1, %mul3A_147 : i32
    %add3A_149 = arith.constant 96 : i32
    %add3A_150 = arith.addi %mul3A_148, %add3A_149 : i32
    "tpu.region"() ({
      %run_scoped3A = tpu.sem_alloc : memref<!tpu.dma_semaphore, #tpu.memory_space<semaphore_mem>>
      %dma_start3A_243 = arith.constant 0 : i32
      %dma_start3A_244 = arith.constant 0 : i32
      %dma_start3A_245 = tpu.memref_slice %arg34[%dma_start3A_243, %dma_start3A_244] : memref<48x64xf32, #tpu.memory_space<vmem>> -> memref<48x64xf32, #tpu.memory_space<vmem>>
      %dma_start3A_246 = arith.constant 0 : i32
      %dma_start3A_247 = tpu.memref_slice %arg33[%add3A_150, %dma_start3A_246] : memref<10112x64xf32, #tpu.memory_space<vmem_shared>> -> memref<48x64xf32, #tpu.memory_space<vmem_shared>>
      %dma_start3A_248 = arith.constant 0 : i32
      %dma_start3A_249 = arith.constant 0 : i32
      %dma_start3A_250 = tpu.memref_slice %arg34[%dma_start3A_248, %dma_start3A_249] : memref<48x64xf32, #tpu.memory_space<vmem>> -> memref<48x64xf32, #tpu.memory_space<vmem>>
      %dma_start3A_251 = arith.constant 0 : i32
      %dma_start3A_252 = tpu.memref_slice %arg33[%add3A_150, %dma_start3A_251] : memref<10112x64xf32, #tpu.memory_space<vmem_shared>> -> memref<48x64xf32, #tpu.memory_space<vmem_shared>>
      tpu.enqueue_dma source(%dma_start3A_252 : memref<48x64xf32, #tpu.memory_space<vmem_shared>>) target(%dma_start3A_250 : memref<48x64xf32, #tpu.memory_space<vmem>>) target_semaphore(%run_scoped3A : memref<!tpu.dma_semaphore, #tpu.memory_space<semaphore_mem>>)
      %dma_wait3A_253 = arith.constant 0 : i32
      %dma_wait3A_254 = arith.constant 0 : i32
      %dma_wait3A_255 = tpu.memref_slice %arg34[%dma_wait3A_253, %dma_wait3A_254] : memref<48x64xf32, #tpu.memory_space<vmem>> -> memref<48x64xf32, #tpu.memory_space<vmem>>
      %dma_wait3A_256 = arith.constant 0 : i32
      %dma_wait3A_257 = tpu.memref_slice %arg33[%add3A_150, %dma_wait3A_256] : memref<10112x64xf32, #tpu.memory_space<vmem_shared>> -> memref<48x64xf32, #tpu.memory_space<vmem_shared>>
      %dma_wait3A_258 = arith.constant 0 : i32
      %dma_wait3A_259 = arith.constant 0 : i32
      %dma_wait3A_260 = tpu.memref_slice %arg34[%dma_wait3A_258, %dma_wait3A_259] : memref<48x64xf32, #tpu.memory_space<vmem>> -> memref<48x64xf32, #tpu.memory_space<vmem>>
      %dma_wait3A_261 = arith.constant 0 : i32
      %dma_wait3A_262 = tpu.memref_slice %arg33[%add3A_150, %dma_wait3A_261] : memref<10112x64xf32, #tpu.memory_space<vmem_shared>> -> memref<48x64xf32, #tpu.memory_space<vmem_shared>>
      tpu.wait_dma2 semaphore(%run_scoped3A : memref<!tpu.dma_semaphore, #tpu.memory_space<semaphore_mem>>) src(%dma_wait3A_262 : memref<48x64xf32, #tpu.memory_space<vmem_shared>>) dst(%dma_wait3A_260 : memref<48x64xf32, #tpu.memory_space<vmem>>)
      tpu.yield
    }) : () -> ()
    %mul3A_151 = arith.constant 632 : i32
    %mul3A_152 = arith.muli %arg1, %mul3A_151 : i32
    %add3A_153 = arith.constant 96 : i32
    %add3A_154 = arith.addi %mul3A_152, %add3A_153 : i32
    "tpu.region"() ({
      %run_scoped3A = tpu.sem_alloc : memref<!tpu.dma_semaphore, #tpu.memory_space<semaphore_mem>>
      %dma_start3A_243 = arith.constant 0 : i32
      %dma_start3A_244 = arith.constant 0 : i32
      %dma_start3A_245 = tpu.memref_slice %arg34[%dma_start3A_243, %dma_start3A_244] : memref<48x64xf32, #tpu.memory_space<vmem>> -> memref<48x64xf32, #tpu.memory_space<vmem>>
      %dma_start3A_246 = arith.constant 0 : i32
      %dma_start3A_247 = tpu.memref_slice %arg7[%arg0, %add3A_154, %dma_start3A_246] : memref<2x10112x64xf32, #tpu.memory_space<hbm>> -> memref<1x48x64xf32, #tpu.memory_space<hbm>>
      %dma_start3A_248 = tpu.memref_squeeze %dma_start3A_247 : memref<1x48x64xf32, #tpu.memory_space<hbm>> -> memref<48x64xf32, #tpu.memory_space<hbm>>
      %dma_start3A_249 = arith.constant 0 : i32
      %dma_start3A_250 = tpu.memref_slice %arg7[%arg0, %add3A_154, %dma_start3A_249] : memref<2x10112x64xf32, #tpu.memory_space<hbm>> -> memref<1x48x64xf32, #tpu.memory_space<hbm>>
      %dma_start3A_251 = tpu.memref_squeeze %dma_start3A_250 : memref<1x48x64xf32, #tpu.memory_space<hbm>> -> memref<48x64xf32, #tpu.memory_space<hbm>>
      %dma_start3A_252 = arith.constant 0 : i32
      %dma_start3A_253 = arith.constant 0 : i32
      %dma_start3A_254 = tpu.memref_slice %arg34[%dma_start3A_252, %dma_start3A_253] : memref<48x64xf32, #tpu.memory_space<vmem>> -> memref<48x64xf32, #tpu.memory_space<vmem>>
      tpu.enqueue_dma source(%dma_start3A_254 : memref<48x64xf32, #tpu.memory_space<vmem>>) target(%dma_start3A_251 : memref<48x64xf32, #tpu.memory_space<hbm>>) target_semaphore(%run_scoped3A : memref<!tpu.dma_semaphore, #tpu.memory_space<semaphore_mem>>)
      %dma_wait3A_255 = arith.constant 0 : i32
      %dma_wait3A_256 = arith.constant 0 : i32
      %dma_wait3A_257 = tpu.memref_slice %arg34[%dma_wait3A_255, %dma_wait3A_256] : memref<48x64xf32, #tpu.memory_space<vmem>> -> memref<48x64xf32, #tpu.memory_space<vmem>>
      %dma_wait3A_258 = arith.constant 0 : i32
      %dma_wait3A_259 = tpu.memref_slice %arg7[%arg0, %add3A_154, %dma_wait3A_258] : memref<2x10112x64xf32, #tpu.memory_space<hbm>> -> memref<1x48x64xf32, #tpu.memory_space<hbm>>
      %dma_wait3A_260 = tpu.memref_squeeze %dma_wait3A_259 : memref<1x48x64xf32, #tpu.memory_space<hbm>> -> memref<48x64xf32, #tpu.memory_space<hbm>>
      %dma_wait3A_261 = arith.constant 0 : i32
      %dma_wait3A_262 = tpu.memref_slice %arg7[%arg0, %add3A_154, %dma_wait3A_261] : memref<2x10112x64xf32, #tpu.memory_space<hbm>> -> memref<1x48x64xf32, #tpu.memory_space<hbm>>
      %dma_wait3A_263 = tpu.memref_squeeze %dma_wait3A_262 : memref<1x48x64xf32, #tpu.memory_space<hbm>> -> memref<48x64xf32, #tpu.memory_space<hbm>>
      %dma_wait3A_264 = arith.constant 0 : i32
      %dma_wait3A_265 = arith.constant 0 : i32
      %dma_wait3A_266 = tpu.memref_slice %arg34[%dma_wait3A_264, %dma_wait3A_265] : memref<48x64xf32, #tpu.memory_space<vmem>> -> memref<48x64xf32, #tpu.memory_space<vmem>>
      tpu.wait_dma2 semaphore(%run_scoped3A : memref<!tpu.dma_semaphore, #tpu.memory_space<semaphore_mem>>) src(%dma_wait3A_266 : memref<48x64xf32, #tpu.memory_space<vmem>>) dst(%dma_wait3A_263 : memref<48x64xf32, #tpu.memory_space<hbm>>)
      tpu.yield
    }) : () -> ()
    %mul3A_155 = arith.constant 632 : i32
    %mul3A_156 = arith.muli %arg1, %mul3A_155 : i32
    %add3A_157 = arith.constant 144 : i32
    %add3A_158 = arith.addi %mul3A_156, %add3A_157 : i32
    "tpu.region"() ({
      %run_scoped3A = tpu.sem_alloc : memref<!tpu.dma_semaphore, #tpu.memory_space<semaphore_mem>>
      %dma_start3A_243 = arith.constant 0 : i32
      %dma_start3A_244 = arith.constant 0 : i32
      %dma_start3A_245 = tpu.memref_slice %arg34[%dma_start3A_243, %dma_start3A_244] : memref<48x64xf32, #tpu.memory_space<vmem>> -> memref<48x64xf32, #tpu.memory_space<vmem>>
      %dma_start3A_246 = arith.constant 0 : i32
      %dma_start3A_247 = tpu.memref_slice %arg33[%add3A_158, %dma_start3A_246] : memref<10112x64xf32, #tpu.memory_space<vmem_shared>> -> memref<48x64xf32, #tpu.memory_space<vmem_shared>>
      %dma_start3A_248 = arith.constant 0 : i32
      %dma_start3A_249 = arith.constant 0 : i32
      %dma_start3A_250 = tpu.memref_slice %arg34[%dma_start3A_248, %dma_start3A_249] : memref<48x64xf32, #tpu.memory_space<vmem>> -> memref<48x64xf32, #tpu.memory_space<vmem>>
      %dma_start3A_251 = arith.constant 0 : i32
      %dma_start3A_252 = tpu.memref_slice %arg33[%add3A_158, %dma_start3A_251] : memref<10112x64xf32, #tpu.memory_space<vmem_shared>> -> memref<48x64xf32, #tpu.memory_space<vmem_shared>>
      tpu.enqueue_dma source(%dma_start3A_252 : memref<48x64xf32, #tpu.memory_space<vmem_shared>>) target(%dma_start3A_250 : memref<48x64xf32, #tpu.memory_space<vmem>>) target_semaphore(%run_scoped3A : memref<!tpu.dma_semaphore, #tpu.memory_space<semaphore_mem>>)
      %dma_wait3A_253 = arith.constant 0 : i32
      %dma_wait3A_254 = arith.constant 0 : i32
      %dma_wait3A_255 = tpu.memref_slice %arg34[%dma_wait3A_253, %dma_wait3A_254] : memref<48x64xf32, #tpu.memory_space<vmem>> -> memref<48x64xf32, #tpu.memory_space<vmem>>
      %dma_wait3A_256 = arith.constant 0 : i32
      %dma_wait3A_257 = tpu.memref_slice %arg33[%add3A_158, %dma_wait3A_256] : memref<10112x64xf32, #tpu.memory_space<vmem_shared>> -> memref<48x64xf32, #tpu.memory_space<vmem_shared>>
      %dma_wait3A_258 = arith.constant 0 : i32
      %dma_wait3A_259 = arith.constant 0 : i32
      %dma_wait3A_260 = tpu.memref_slice %arg34[%dma_wait3A_258, %dma_wait3A_259] : memref<48x64xf32, #tpu.memory_space<vmem>> -> memref<48x64xf32, #tpu.memory_space<vmem>>
      %dma_wait3A_261 = arith.constant 0 : i32
      %dma_wait3A_262 = tpu.memref_slice %arg33[%add3A_158, %dma_wait3A_261] : memref<10112x64xf32, #tpu.memory_space<vmem_shared>> -> memref<48x64xf32, #tpu.memory_space<vmem_shared>>
      tpu.wait_dma2 semaphore(%run_scoped3A : memref<!tpu.dma_semaphore, #tpu.memory_space<semaphore_mem>>) src(%dma_wait3A_262 : memref<48x64xf32, #tpu.memory_space<vmem_shared>>) dst(%dma_wait3A_260 : memref<48x64xf32, #tpu.memory_space<vmem>>)
      tpu.yield
    }) : () -> ()
    %mul3A_159 = arith.constant 632 : i32
    %mul3A_160 = arith.muli %arg1, %mul3A_159 : i32
    %add3A_161 = arith.constant 144 : i32
    %add3A_162 = arith.addi %mul3A_160, %add3A_161 : i32
    "tpu.region"() ({
      %run_scoped3A = tpu.sem_alloc : memref<!tpu.dma_semaphore, #tpu.memory_space<semaphore_mem>>
      %dma_start3A_243 = arith.constant 0 : i32
      %dma_start3A_244 = arith.constant 0 : i32
      %dma_start3A_245 = tpu.memref_slice %arg34[%dma_start3A_243, %dma_start3A_244] : memref<48x64xf32, #tpu.memory_space<vmem>> -> memref<48x64xf32, #tpu.memory_space<vmem>>
      %dma_start3A_246 = arith.constant 0 : i32
      %dma_start3A_247 = tpu.memref_slice %arg7[%arg0, %add3A_162, %dma_start3A_246] : memref<2x10112x64xf32, #tpu.memory_space<hbm>> -> memref<1x48x64xf32, #tpu.memory_space<hbm>>
      %dma_start3A_248 = tpu.memref_squeeze %dma_start3A_247 : memref<1x48x64xf32, #tpu.memory_space<hbm>> -> memref<48x64xf32, #tpu.memory_space<hbm>>
      %dma_start3A_249 = arith.constant 0 : i32
      %dma_start3A_250 = tpu.memref_slice %arg7[%arg0, %add3A_162, %dma_start3A_249] : memref<2x10112x64xf32, #tpu.memory_space<hbm>> -> memref<1x48x64xf32, #tpu.memory_space<hbm>>
      %dma_start3A_251 = tpu.memref_squeeze %dma_start3A_250 : memref<1x48x64xf32, #tpu.memory_space<hbm>> -> memref<48x64xf32, #tpu.memory_space<hbm>>
      %dma_start3A_252 = arith.constant 0 : i32
      %dma_start3A_253 = arith.constant 0 : i32
      %dma_start3A_254 = tpu.memref_slice %arg34[%dma_start3A_252, %dma_start3A_253] : memref<48x64xf32, #tpu.memory_space<vmem>> -> memref<48x64xf32, #tpu.memory_space<vmem>>
      tpu.enqueue_dma source(%dma_start3A_254 : memref<48x64xf32, #tpu.memory_space<vmem>>) target(%dma_start3A_251 : memref<48x64xf32, #tpu.memory_space<hbm>>) target_semaphore(%run_scoped3A : memref<!tpu.dma_semaphore, #tpu.memory_space<semaphore_mem>>)
      %dma_wait3A_255 = arith.constant 0 : i32
      %dma_wait3A_256 = arith.constant 0 : i32
      %dma_wait3A_257 = tpu.memref_slice %arg34[%dma_wait3A_255, %dma_wait3A_256] : memref<48x64xf32, #tpu.memory_space<vmem>> -> memref<48x64xf32, #tpu.memory_space<vmem>>
      %dma_wait3A_258 = arith.constant 0 : i32
      %dma_wait3A_259 = tpu.memref_slice %arg7[%arg0, %add3A_162, %dma_wait3A_258] : memref<2x10112x64xf32, #tpu.memory_space<hbm>> -> memref<1x48x64xf32, #tpu.memory_space<hbm>>
      %dma_wait3A_260 = tpu.memref_squeeze %dma_wait3A_259 : memref<1x48x64xf32, #tpu.memory_space<hbm>> -> memref<48x64xf32, #tpu.memory_space<hbm>>
      %dma_wait3A_261 = arith.constant 0 : i32
      %dma_wait3A_262 = tpu.memref_slice %arg7[%arg0, %add3A_162, %dma_wait3A_261] : memref<2x10112x64xf32, #tpu.memory_space<hbm>> -> memref<1x48x64xf32, #tpu.memory_space<hbm>>
      %dma_wait3A_263 = tpu.memref_squeeze %dma_wait3A_262 : memref<1x48x64xf32, #tpu.memory_space<hbm>> -> memref<48x64xf32, #tpu.memory_space<hbm>>
      %dma_wait3A_264 = arith.constant 0 : i32
      %dma_wait3A_265 = arith.constant 0 : i32
      %dma_wait3A_266 = tpu.memref_slice %arg34[%dma_wait3A_264, %dma_wait3A_265] : memref<48x64xf32, #tpu.memory_space<vmem>> -> memref<48x64xf32, #tpu.memory_space<vmem>>
      tpu.wait_dma2 semaphore(%run_scoped3A : memref<!tpu.dma_semaphore, #tpu.memory_space<semaphore_mem>>) src(%dma_wait3A_266 : memref<48x64xf32, #tpu.memory_space<vmem>>) dst(%dma_wait3A_263 : memref<48x64xf32, #tpu.memory_space<hbm>>)
      tpu.yield
    }) : () -> ()
    %mul3A_163 = arith.constant 632 : i32
    %mul3A_164 = arith.muli %arg1, %mul3A_163 : i32
    %add3A_165 = arith.constant 192 : i32
    %add3A_166 = arith.addi %mul3A_164, %add3A_165 : i32
    "tpu.region"() ({
      %run_scoped3A = tpu.sem_alloc : memref<!tpu.dma_semaphore, #tpu.memory_space<semaphore_mem>>
      %dma_start3A_243 = arith.constant 0 : i32
      %dma_start3A_244 = arith.constant 0 : i32
      %dma_start3A_245 = tpu.memref_slice %arg34[%dma_start3A_243, %dma_start3A_244] : memref<48x64xf32, #tpu.memory_space<vmem>> -> memref<48x64xf32, #tpu.memory_space<vmem>>
      %dma_start3A_246 = arith.constant 0 : i32
      %dma_start3A_247 = tpu.memref_slice %arg33[%add3A_166, %dma_start3A_246] : memref<10112x64xf32, #tpu.memory_space<vmem_shared>> -> memref<48x64xf32, #tpu.memory_space<vmem_shared>>
      %dma_start3A_248 = arith.constant 0 : i32
      %dma_start3A_249 = arith.constant 0 : i32
      %dma_start3A_250 = tpu.memref_slice %arg34[%dma_start3A_248, %dma_start3A_249] : memref<48x64xf32, #tpu.memory_space<vmem>> -> memref<48x64xf32, #tpu.memory_space<vmem>>
      %dma_start3A_251 = arith.constant 0 : i32
      %dma_start3A_252 = tpu.memref_slice %arg33[%add3A_166, %dma_start3A_251] : memref<10112x64xf32, #tpu.memory_space<vmem_shared>> -> memref<48x64xf32, #tpu.memory_space<vmem_shared>>
      tpu.enqueue_dma source(%dma_start3A_252 : memref<48x64xf32, #tpu.memory_space<vmem_shared>>) target(%dma_start3A_250 : memref<48x64xf32, #tpu.memory_space<vmem>>) target_semaphore(%run_scoped3A : memref<!tpu.dma_semaphore, #tpu.memory_space<semaphore_mem>>)
      %dma_wait3A_253 = arith.constant 0 : i32
      %dma_wait3A_254 = arith.constant 0 : i32
      %dma_wait3A_255 = tpu.memref_slice %arg34[%dma_wait3A_253, %dma_wait3A_254] : memref<48x64xf32, #tpu.memory_space<vmem>> -> memref<48x64xf32, #tpu.memory_space<vmem>>
      %dma_wait3A_256 = arith.constant 0 : i32
      %dma_wait3A_257 = tpu.memref_slice %arg33[%add3A_166, %dma_wait3A_256] : memref<10112x64xf32, #tpu.memory_space<vmem_shared>> -> memref<48x64xf32, #tpu.memory_space<vmem_shared>>
      %dma_wait3A_258 = arith.constant 0 : i32
      %dma_wait3A_259 = arith.constant 0 : i32
      %dma_wait3A_260 = tpu.memref_slice %arg34[%dma_wait3A_258, %dma_wait3A_259] : memref<48x64xf32, #tpu.memory_space<vmem>> -> memref<48x64xf32, #tpu.memory_space<vmem>>
      %dma_wait3A_261 = arith.constant 0 : i32
      %dma_wait3A_262 = tpu.memref_slice %arg33[%add3A_166, %dma_wait3A_261] : memref<10112x64xf32, #tpu.memory_space<vmem_shared>> -> memref<48x64xf32, #tpu.memory_space<vmem_shared>>
      tpu.wait_dma2 semaphore(%run_scoped3A : memref<!tpu.dma_semaphore, #tpu.memory_space<semaphore_mem>>) src(%dma_wait3A_262 : memref<48x64xf32, #tpu.memory_space<vmem_shared>>) dst(%dma_wait3A_260 : memref<48x64xf32, #tpu.memory_space<vmem>>)
      tpu.yield
    }) : () -> ()
    %mul3A_167 = arith.constant 632 : i32
    %mul3A_168 = arith.muli %arg1, %mul3A_167 : i32
    %add3A_169 = arith.constant 192 : i32
    %add3A_170 = arith.addi %mul3A_168, %add3A_169 : i32
    "tpu.region"() ({
      %run_scoped3A = tpu.sem_alloc : memref<!tpu.dma_semaphore, #tpu.memory_space<semaphore_mem>>
      %dma_start3A_243 = arith.constant 0 : i32
      %dma_start3A_244 = arith.constant 0 : i32
      %dma_start3A_245 = tpu.memref_slice %arg34[%dma_start3A_243, %dma_start3A_244] : memref<48x64xf32, #tpu.memory_space<vmem>> -> memref<48x64xf32, #tpu.memory_space<vmem>>
      %dma_start3A_246 = arith.constant 0 : i32
      %dma_start3A_247 = tpu.memref_slice %arg7[%arg0, %add3A_170, %dma_start3A_246] : memref<2x10112x64xf32, #tpu.memory_space<hbm>> -> memref<1x48x64xf32, #tpu.memory_space<hbm>>
      %dma_start3A_248 = tpu.memref_squeeze %dma_start3A_247 : memref<1x48x64xf32, #tpu.memory_space<hbm>> -> memref<48x64xf32, #tpu.memory_space<hbm>>
      %dma_start3A_249 = arith.constant 0 : i32
      %dma_start3A_250 = tpu.memref_slice %arg7[%arg0, %add3A_170, %dma_start3A_249] : memref<2x10112x64xf32, #tpu.memory_space<hbm>> -> memref<1x48x64xf32, #tpu.memory_space<hbm>>
      %dma_start3A_251 = tpu.memref_squeeze %dma_start3A_250 : memref<1x48x64xf32, #tpu.memory_space<hbm>> -> memref<48x64xf32, #tpu.memory_space<hbm>>
      %dma_start3A_252 = arith.constant 0 : i32
      %dma_start3A_253 = arith.constant 0 : i32
      %dma_start3A_254 = tpu.memref_slice %arg34[%dma_start3A_252, %dma_start3A_253] : memref<48x64xf32, #tpu.memory_space<vmem>> -> memref<48x64xf32, #tpu.memory_space<vmem>>
      tpu.enqueue_dma source(%dma_start3A_254 : memref<48x64xf32, #tpu.memory_space<vmem>>) target(%dma_start3A_251 : memref<48x64xf32, #tpu.memory_space<hbm>>) target_semaphore(%run_scoped3A : memref<!tpu.dma_semaphore, #tpu.memory_space<semaphore_mem>>)
      %dma_wait3A_255 = arith.constant 0 : i32
      %dma_wait3A_256 = arith.constant 0 : i32
      %dma_wait3A_257 = tpu.memref_slice %arg34[%dma_wait3A_255, %dma_wait3A_256] : memref<48x64xf32, #tpu.memory_space<vmem>> -> memref<48x64xf32, #tpu.memory_space<vmem>>
      %dma_wait3A_258 = arith.constant 0 : i32
      %dma_wait3A_259 = tpu.memref_slice %arg7[%arg0, %add3A_170, %dma_wait3A_258] : memref<2x10112x64xf32, #tpu.memory_space<hbm>> -> memref<1x48x64xf32, #tpu.memory_space<hbm>>
      %dma_wait3A_260 = tpu.memref_squeeze %dma_wait3A_259 : memref<1x48x64xf32, #tpu.memory_space<hbm>> -> memref<48x64xf32, #tpu.memory_space<hbm>>
      %dma_wait3A_261 = arith.constant 0 : i32
      %dma_wait3A_262 = tpu.memref_slice %arg7[%arg0, %add3A_170, %dma_wait3A_261] : memref<2x10112x64xf32, #tpu.memory_space<hbm>> -> memref<1x48x64xf32, #tpu.memory_space<hbm>>
      %dma_wait3A_263 = tpu.memref_squeeze %dma_wait3A_262 : memref<1x48x64xf32, #tpu.memory_space<hbm>> -> memref<48x64xf32, #tpu.memory_space<hbm>>
      %dma_wait3A_264 = arith.constant 0 : i32
      %dma_wait3A_265 = arith.constant 0 : i32
      %dma_wait3A_266 = tpu.memref_slice %arg34[%dma_wait3A_264, %dma_wait3A_265] : memref<48x64xf32, #tpu.memory_space<vmem>> -> memref<48x64xf32, #tpu.memory_space<vmem>>
      tpu.wait_dma2 semaphore(%run_scoped3A : memref<!tpu.dma_semaphore, #tpu.memory_space<semaphore_mem>>) src(%dma_wait3A_266 : memref<48x64xf32, #tpu.memory_space<vmem>>) dst(%dma_wait3A_263 : memref<48x64xf32, #tpu.memory_space<hbm>>)
      tpu.yield
    }) : () -> ()
    %mul3A_171 = arith.constant 632 : i32
    %mul3A_172 = arith.muli %arg1, %mul3A_171 : i32
    %add3A_173 = arith.constant 240 : i32
    %add3A_174 = arith.addi %mul3A_172, %add3A_173 : i32
    "tpu.region"() ({
      %run_scoped3A = tpu.sem_alloc : memref<!tpu.dma_semaphore, #tpu.memory_space<semaphore_mem>>
      %dma_start3A_243 = arith.constant 0 : i32
      %dma_start3A_244 = arith.constant 0 : i32
      %dma_start3A_245 = tpu.memref_slice %arg34[%dma_start3A_243, %dma_start3A_244] : memref<48x64xf32, #tpu.memory_space<vmem>> -> memref<48x64xf32, #tpu.memory_space<vmem>>
      %dma_start3A_246 = arith.constant 0 : i32
      %dma_start3A_247 = tpu.memref_slice %arg33[%add3A_174, %dma_start3A_246] : memref<10112x64xf32, #tpu.memory_space<vmem_shared>> -> memref<48x64xf32, #tpu.memory_space<vmem_shared>>
      %dma_start3A_248 = arith.constant 0 : i32
      %dma_start3A_249 = arith.constant 0 : i32
      %dma_start3A_250 = tpu.memref_slice %arg34[%dma_start3A_248, %dma_start3A_249] : memref<48x64xf32, #tpu.memory_space<vmem>> -> memref<48x64xf32, #tpu.memory_space<vmem>>
      %dma_start3A_251 = arith.constant 0 : i32
      %dma_start3A_252 = tpu.memref_slice %arg33[%add3A_174, %dma_start3A_251] : memref<10112x64xf32, #tpu.memory_space<vmem_shared>> -> memref<48x64xf32, #tpu.memory_space<vmem_shared>>
      tpu.enqueue_dma source(%dma_start3A_252 : memref<48x64xf32, #tpu.memory_space<vmem_shared>>) target(%dma_start3A_250 : memref<48x64xf32, #tpu.memory_space<vmem>>) target_semaphore(%run_scoped3A : memref<!tpu.dma_semaphore, #tpu.memory_space<semaphore_mem>>)
      %dma_wait3A_253 = arith.constant 0 : i32
      %dma_wait3A_254 = arith.constant 0 : i32
      %dma_wait3A_255 = tpu.memref_slice %arg34[%dma_wait3A_253, %dma_wait3A_254] : memref<48x64xf32, #tpu.memory_space<vmem>> -> memref<48x64xf32, #tpu.memory_space<vmem>>
      %dma_wait3A_256 = arith.constant 0 : i32
      %dma_wait3A_257 = tpu.memref_slice %arg33[%add3A_174, %dma_wait3A_256] : memref<10112x64xf32, #tpu.memory_space<vmem_shared>> -> memref<48x64xf32, #tpu.memory_space<vmem_shared>>
      %dma_wait3A_258 = arith.constant 0 : i32
      %dma_wait3A_259 = arith.constant 0 : i32
      %dma_wait3A_260 = tpu.memref_slice %arg34[%dma_wait3A_258, %dma_wait3A_259] : memref<48x64xf32, #tpu.memory_space<vmem>> -> memref<48x64xf32, #tpu.memory_space<vmem>>
      %dma_wait3A_261 = arith.constant 0 : i32
      %dma_wait3A_262 = tpu.memref_slice %arg33[%add3A_174, %dma_wait3A_261] : memref<10112x64xf32, #tpu.memory_space<vmem_shared>> -> memref<48x64xf32, #tpu.memory_space<vmem_shared>>
      tpu.wait_dma2 semaphore(%run_scoped3A : memref<!tpu.dma_semaphore, #tpu.memory_space<semaphore_mem>>) src(%dma_wait3A_262 : memref<48x64xf32, #tpu.memory_space<vmem_shared>>) dst(%dma_wait3A_260 : memref<48x64xf32, #tpu.memory_space<vmem>>)
      tpu.yield
    }) : () -> ()
    %mul3A_175 = arith.constant 632 : i32
    %mul3A_176 = arith.muli %arg1, %mul3A_175 : i32
    %add3A_177 = arith.constant 240 : i32
    %add3A_178 = arith.addi %mul3A_176, %add3A_177 : i32
    "tpu.region"() ({
      %run_scoped3A = tpu.sem_alloc : memref<!tpu.dma_semaphore, #tpu.memory_space<semaphore_mem>>
      %dma_start3A_243 = arith.constant 0 : i32
      %dma_start3A_244 = arith.constant 0 : i32
      %dma_start3A_245 = tpu.memref_slice %arg34[%dma_start3A_243, %dma_start3A_244] : memref<48x64xf32, #tpu.memory_space<vmem>> -> memref<48x64xf32, #tpu.memory_space<vmem>>
      %dma_start3A_246 = arith.constant 0 : i32
      %dma_start3A_247 = tpu.memref_slice %arg7[%arg0, %add3A_178, %dma_start3A_246] : memref<2x10112x64xf32, #tpu.memory_space<hbm>> -> memref<1x48x64xf32, #tpu.memory_space<hbm>>
      %dma_start3A_248 = tpu.memref_squeeze %dma_start3A_247 : memref<1x48x64xf32, #tpu.memory_space<hbm>> -> memref<48x64xf32, #tpu.memory_space<hbm>>
      %dma_start3A_249 = arith.constant 0 : i32
      %dma_start3A_250 = tpu.memref_slice %arg7[%arg0, %add3A_178, %dma_start3A_249] : memref<2x10112x64xf32, #tpu.memory_space<hbm>> -> memref<1x48x64xf32, #tpu.memory_space<hbm>>
      %dma_start3A_251 = tpu.memref_squeeze %dma_start3A_250 : memref<1x48x64xf32, #tpu.memory_space<hbm>> -> memref<48x64xf32, #tpu.memory_space<hbm>>
      %dma_start3A_252 = arith.constant 0 : i32
      %dma_start3A_253 = arith.constant 0 : i32
      %dma_start3A_254 = tpu.memref_slice %arg34[%dma_start3A_252, %dma_start3A_253] : memref<48x64xf32, #tpu.memory_space<vmem>> -> memref<48x64xf32, #tpu.memory_space<vmem>>
      tpu.enqueue_dma source(%dma_start3A_254 : memref<48x64xf32, #tpu.memory_space<vmem>>) target(%dma_start3A_251 : memref<48x64xf32, #tpu.memory_space<hbm>>) target_semaphore(%run_scoped3A : memref<!tpu.dma_semaphore, #tpu.memory_space<semaphore_mem>>)
      %dma_wait3A_255 = arith.constant 0 : i32
      %dma_wait3A_256 = arith.constant 0 : i32
      %dma_wait3A_257 = tpu.memref_slice %arg34[%dma_wait3A_255, %dma_wait3A_256] : memref<48x64xf32, #tpu.memory_space<vmem>> -> memref<48x64xf32, #tpu.memory_space<vmem>>
      %dma_wait3A_258 = arith.constant 0 : i32
      %dma_wait3A_259 = tpu.memref_slice %arg7[%arg0, %add3A_178, %dma_wait3A_258] : memref<2x10112x64xf32, #tpu.memory_space<hbm>> -> memref<1x48x64xf32, #tpu.memory_space<hbm>>
      %dma_wait3A_260 = tpu.memref_squeeze %dma_wait3A_259 : memref<1x48x64xf32, #tpu.memory_space<hbm>> -> memref<48x64xf32, #tpu.memory_space<hbm>>
      %dma_wait3A_261 = arith.constant 0 : i32
      %dma_wait3A_262 = tpu.memref_slice %arg7[%arg0, %add3A_178, %dma_wait3A_261] : memref<2x10112x64xf32, #tpu.memory_space<hbm>> -> memref<1x48x64xf32, #tpu.memory_space<hbm>>
      %dma_wait3A_263 = tpu.memref_squeeze %dma_wait3A_262 : memref<1x48x64xf32, #tpu.memory_space<hbm>> -> memref<48x64xf32, #tpu.memory_space<hbm>>
      %dma_wait3A_264 = arith.constant 0 : i32
      %dma_wait3A_265 = arith.constant 0 : i32
      %dma_wait3A_266 = tpu.memref_slice %arg34[%dma_wait3A_264, %dma_wait3A_265] : memref<48x64xf32, #tpu.memory_space<vmem>> -> memref<48x64xf32, #tpu.memory_space<vmem>>
      tpu.wait_dma2 semaphore(%run_scoped3A : memref<!tpu.dma_semaphore, #tpu.memory_space<semaphore_mem>>) src(%dma_wait3A_266 : memref<48x64xf32, #tpu.memory_space<vmem>>) dst(%dma_wait3A_263 : memref<48x64xf32, #tpu.memory_space<hbm>>)
      tpu.yield
    }) : () -> ()
    %mul3A_179 = arith.constant 632 : i32
    %mul3A_180 = arith.muli %arg1, %mul3A_179 : i32
    %add3A_181 = arith.constant 288 : i32
    %add3A_182 = arith.addi %mul3A_180, %add3A_181 : i32
    "tpu.region"() ({
      %run_scoped3A = tpu.sem_alloc : memref<!tpu.dma_semaphore, #tpu.memory_space<semaphore_mem>>
      %dma_start3A_243 = arith.constant 0 : i32
      %dma_start3A_244 = arith.constant 0 : i32
      %dma_start3A_245 = tpu.memref_slice %arg34[%dma_start3A_243, %dma_start3A_244] : memref<48x64xf32, #tpu.memory_space<vmem>> -> memref<48x64xf32, #tpu.memory_space<vmem>>
      %dma_start3A_246 = arith.constant 0 : i32
      %dma_start3A_247 = tpu.memref_slice %arg33[%add3A_182, %dma_start3A_246] : memref<10112x64xf32, #tpu.memory_space<vmem_shared>> -> memref<48x64xf32, #tpu.memory_space<vmem_shared>>
      %dma_start3A_248 = arith.constant 0 : i32
      %dma_start3A_249 = arith.constant 0 : i32
      %dma_start3A_250 = tpu.memref_slice %arg34[%dma_start3A_248, %dma_start3A_249] : memref<48x64xf32, #tpu.memory_space<vmem>> -> memref<48x64xf32, #tpu.memory_space<vmem>>
      %dma_start3A_251 = arith.constant 0 : i32
      %dma_start3A_252 = tpu.memref_slice %arg33[%add3A_182, %dma_start3A_251] : memref<10112x64xf32, #tpu.memory_space<vmem_shared>> -> memref<48x64xf32, #tpu.memory_space<vmem_shared>>
      tpu.enqueue_dma source(%dma_start3A_252 : memref<48x64xf32, #tpu.memory_space<vmem_shared>>) target(%dma_start3A_250 : memref<48x64xf32, #tpu.memory_space<vmem>>) target_semaphore(%run_scoped3A : memref<!tpu.dma_semaphore, #tpu.memory_space<semaphore_mem>>)
      %dma_wait3A_253 = arith.constant 0 : i32
      %dma_wait3A_254 = arith.constant 0 : i32
      %dma_wait3A_255 = tpu.memref_slice %arg34[%dma_wait3A_253, %dma_wait3A_254] : memref<48x64xf32, #tpu.memory_space<vmem>> -> memref<48x64xf32, #tpu.memory_space<vmem>>
      %dma_wait3A_256 = arith.constant 0 : i32
      %dma_wait3A_257 = tpu.memref_slice %arg33[%add3A_182, %dma_wait3A_256] : memref<10112x64xf32, #tpu.memory_space<vmem_shared>> -> memref<48x64xf32, #tpu.memory_space<vmem_shared>>
      %dma_wait3A_258 = arith.constant 0 : i32
      %dma_wait3A_259 = arith.constant 0 : i32
      %dma_wait3A_260 = tpu.memref_slice %arg34[%dma_wait3A_258, %dma_wait3A_259] : memref<48x64xf32, #tpu.memory_space<vmem>> -> memref<48x64xf32, #tpu.memory_space<vmem>>
      %dma_wait3A_261 = arith.constant 0 : i32
      %dma_wait3A_262 = tpu.memref_slice %arg33[%add3A_182, %dma_wait3A_261] : memref<10112x64xf32, #tpu.memory_space<vmem_shared>> -> memref<48x64xf32, #tpu.memory_space<vmem_shared>>
      tpu.wait_dma2 semaphore(%run_scoped3A : memref<!tpu.dma_semaphore, #tpu.memory_space<semaphore_mem>>) src(%dma_wait3A_262 : memref<48x64xf32, #tpu.memory_space<vmem_shared>>) dst(%dma_wait3A_260 : memref<48x64xf32, #tpu.memory_space<vmem>>)
      tpu.yield
    }) : () -> ()
    %mul3A_183 = arith.constant 632 : i32
    %mul3A_184 = arith.muli %arg1, %mul3A_183 : i32
    %add3A_185 = arith.constant 288 : i32
    %add3A_186 = arith.addi %mul3A_184, %add3A_185 : i32
    "tpu.region"() ({
      %run_scoped3A = tpu.sem_alloc : memref<!tpu.dma_semaphore, #tpu.memory_space<semaphore_mem>>
      %dma_start3A_243 = arith.constant 0 : i32
      %dma_start3A_244 = arith.constant 0 : i32
      %dma_start3A_245 = tpu.memref_slice %arg34[%dma_start3A_243, %dma_start3A_244] : memref<48x64xf32, #tpu.memory_space<vmem>> -> memref<48x64xf32, #tpu.memory_space<vmem>>
      %dma_start3A_246 = arith.constant 0 : i32
      %dma_start3A_247 = tpu.memref_slice %arg7[%arg0, %add3A_186, %dma_start3A_246] : memref<2x10112x64xf32, #tpu.memory_space<hbm>> -> memref<1x48x64xf32, #tpu.memory_space<hbm>>
      %dma_start3A_248 = tpu.memref_squeeze %dma_start3A_247 : memref<1x48x64xf32, #tpu.memory_space<hbm>> -> memref<48x64xf32, #tpu.memory_space<hbm>>
      %dma_start3A_249 = arith.constant 0 : i32
      %dma_start3A_250 = tpu.memref_slice %arg7[%arg0, %add3A_186, %dma_start3A_249] : memref<2x10112x64xf32, #tpu.memory_space<hbm>> -> memref<1x48x64xf32, #tpu.memory_space<hbm>>
      %dma_start3A_251 = tpu.memref_squeeze %dma_start3A_250 : memref<1x48x64xf32, #tpu.memory_space<hbm>> -> memref<48x64xf32, #tpu.memory_space<hbm>>
      %dma_start3A_252 = arith.constant 0 : i32
      %dma_start3A_253 = arith.constant 0 : i32
      %dma_start3A_254 = tpu.memref_slice %arg34[%dma_start3A_252, %dma_start3A_253] : memref<48x64xf32, #tpu.memory_space<vmem>> -> memref<48x64xf32, #tpu.memory_space<vmem>>
      tpu.enqueue_dma source(%dma_start3A_254 : memref<48x64xf32, #tpu.memory_space<vmem>>) target(%dma_start3A_251 : memref<48x64xf32, #tpu.memory_space<hbm>>) target_semaphore(%run_scoped3A : memref<!tpu.dma_semaphore, #tpu.memory_space<semaphore_mem>>)
      %dma_wait3A_255 = arith.constant 0 : i32
      %dma_wait3A_256 = arith.constant 0 : i32
      %dma_wait3A_257 = tpu.memref_slice %arg34[%dma_wait3A_255, %dma_wait3A_256] : memref<48x64xf32, #tpu.memory_space<vmem>> -> memref<48x64xf32, #tpu.memory_space<vmem>>
      %dma_wait3A_258 = arith.constant 0 : i32
      %dma_wait3A_259 = tpu.memref_slice %arg7[%arg0, %add3A_186, %dma_wait3A_258] : memref<2x10112x64xf32, #tpu.memory_space<hbm>> -> memref<1x48x64xf32, #tpu.memory_space<hbm>>
      %dma_wait3A_260 = tpu.memref_squeeze %dma_wait3A_259 : memref<1x48x64xf32, #tpu.memory_space<hbm>> -> memref<48x64xf32, #tpu.memory_space<hbm>>
      %dma_wait3A_261 = arith.constant 0 : i32
      %dma_wait3A_262 = tpu.memref_slice %arg7[%arg0, %add3A_186, %dma_wait3A_261] : memref<2x10112x64xf32, #tpu.memory_space<hbm>> -> memref<1x48x64xf32, #tpu.memory_space<hbm>>
      %dma_wait3A_263 = tpu.memref_squeeze %dma_wait3A_262 : memref<1x48x64xf32, #tpu.memory_space<hbm>> -> memref<48x64xf32, #tpu.memory_space<hbm>>
      %dma_wait3A_264 = arith.constant 0 : i32
      %dma_wait3A_265 = arith.constant 0 : i32
      %dma_wait3A_266 = tpu.memref_slice %arg34[%dma_wait3A_264, %dma_wait3A_265] : memref<48x64xf32, #tpu.memory_space<vmem>> -> memref<48x64xf32, #tpu.memory_space<vmem>>
      tpu.wait_dma2 semaphore(%run_scoped3A : memref<!tpu.dma_semaphore, #tpu.memory_space<semaphore_mem>>) src(%dma_wait3A_266 : memref<48x64xf32, #tpu.memory_space<vmem>>) dst(%dma_wait3A_263 : memref<48x64xf32, #tpu.memory_space<hbm>>)
      tpu.yield
    }) : () -> ()
    %mul3A_187 = arith.constant 632 : i32
    %mul3A_188 = arith.muli %arg1, %mul3A_187 : i32
    %add3A_189 = arith.constant 336 : i32
    %add3A_190 = arith.addi %mul3A_188, %add3A_189 : i32
    "tpu.region"() ({
      %run_scoped3A = tpu.sem_alloc : memref<!tpu.dma_semaphore, #tpu.memory_space<semaphore_mem>>
      %dma_start3A_243 = arith.constant 0 : i32
      %dma_start3A_244 = arith.constant 0 : i32
      %dma_start3A_245 = tpu.memref_slice %arg34[%dma_start3A_243, %dma_start3A_244] : memref<48x64xf32, #tpu.memory_space<vmem>> -> memref<48x64xf32, #tpu.memory_space<vmem>>
      %dma_start3A_246 = arith.constant 0 : i32
      %dma_start3A_247 = tpu.memref_slice %arg33[%add3A_190, %dma_start3A_246] : memref<10112x64xf32, #tpu.memory_space<vmem_shared>> -> memref<48x64xf32, #tpu.memory_space<vmem_shared>>
      %dma_start3A_248 = arith.constant 0 : i32
      %dma_start3A_249 = arith.constant 0 : i32
      %dma_start3A_250 = tpu.memref_slice %arg34[%dma_start3A_248, %dma_start3A_249] : memref<48x64xf32, #tpu.memory_space<vmem>> -> memref<48x64xf32, #tpu.memory_space<vmem>>
      %dma_start3A_251 = arith.constant 0 : i32
      %dma_start3A_252 = tpu.memref_slice %arg33[%add3A_190, %dma_start3A_251] : memref<10112x64xf32, #tpu.memory_space<vmem_shared>> -> memref<48x64xf32, #tpu.memory_space<vmem_shared>>
      tpu.enqueue_dma source(%dma_start3A_252 : memref<48x64xf32, #tpu.memory_space<vmem_shared>>) target(%dma_start3A_250 : memref<48x64xf32, #tpu.memory_space<vmem>>) target_semaphore(%run_scoped3A : memref<!tpu.dma_semaphore, #tpu.memory_space<semaphore_mem>>)
      %dma_wait3A_253 = arith.constant 0 : i32
      %dma_wait3A_254 = arith.constant 0 : i32
      %dma_wait3A_255 = tpu.memref_slice %arg34[%dma_wait3A_253, %dma_wait3A_254] : memref<48x64xf32, #tpu.memory_space<vmem>> -> memref<48x64xf32, #tpu.memory_space<vmem>>
      %dma_wait3A_256 = arith.constant 0 : i32
      %dma_wait3A_257 = tpu.memref_slice %arg33[%add3A_190, %dma_wait3A_256] : memref<10112x64xf32, #tpu.memory_space<vmem_shared>> -> memref<48x64xf32, #tpu.memory_space<vmem_shared>>
      %dma_wait3A_258 = arith.constant 0 : i32
      %dma_wait3A_259 = arith.constant 0 : i32
      %dma_wait3A_260 = tpu.memref_slice %arg34[%dma_wait3A_258, %dma_wait3A_259] : memref<48x64xf32, #tpu.memory_space<vmem>> -> memref<48x64xf32, #tpu.memory_space<vmem>>
      %dma_wait3A_261 = arith.constant 0 : i32
      %dma_wait3A_262 = tpu.memref_slice %arg33[%add3A_190, %dma_wait3A_261] : memref<10112x64xf32, #tpu.memory_space<vmem_shared>> -> memref<48x64xf32, #tpu.memory_space<vmem_shared>>
      tpu.wait_dma2 semaphore(%run_scoped3A : memref<!tpu.dma_semaphore, #tpu.memory_space<semaphore_mem>>) src(%dma_wait3A_262 : memref<48x64xf32, #tpu.memory_space<vmem_shared>>) dst(%dma_wait3A_260 : memref<48x64xf32, #tpu.memory_space<vmem>>)
      tpu.yield
    }) : () -> ()
    %mul3A_191 = arith.constant 632 : i32
    %mul3A_192 = arith.muli %arg1, %mul3A_191 : i32
    %add3A_193 = arith.constant 336 : i32
    %add3A_194 = arith.addi %mul3A_192, %add3A_193 : i32
    "tpu.region"() ({
      %run_scoped3A = tpu.sem_alloc : memref<!tpu.dma_semaphore, #tpu.memory_space<semaphore_mem>>
      %dma_start3A_243 = arith.constant 0 : i32
      %dma_start3A_244 = arith.constant 0 : i32
      %dma_start3A_245 = tpu.memref_slice %arg34[%dma_start3A_243, %dma_start3A_244] : memref<48x64xf32, #tpu.memory_space<vmem>> -> memref<48x64xf32, #tpu.memory_space<vmem>>
      %dma_start3A_246 = arith.constant 0 : i32
      %dma_start3A_247 = tpu.memref_slice %arg7[%arg0, %add3A_194, %dma_start3A_246] : memref<2x10112x64xf32, #tpu.memory_space<hbm>> -> memref<1x48x64xf32, #tpu.memory_space<hbm>>
      %dma_start3A_248 = tpu.memref_squeeze %dma_start3A_247 : memref<1x48x64xf32, #tpu.memory_space<hbm>> -> memref<48x64xf32, #tpu.memory_space<hbm>>
      %dma_start3A_249 = arith.constant 0 : i32
      %dma_start3A_250 = tpu.memref_slice %arg7[%arg0, %add3A_194, %dma_start3A_249] : memref<2x10112x64xf32, #tpu.memory_space<hbm>> -> memref<1x48x64xf32, #tpu.memory_space<hbm>>
      %dma_start3A_251 = tpu.memref_squeeze %dma_start3A_250 : memref<1x48x64xf32, #tpu.memory_space<hbm>> -> memref<48x64xf32, #tpu.memory_space<hbm>>
      %dma_start3A_252 = arith.constant 0 : i32
      %dma_start3A_253 = arith.constant 0 : i32
      %dma_start3A_254 = tpu.memref_slice %arg34[%dma_start3A_252, %dma_start3A_253] : memref<48x64xf32, #tpu.memory_space<vmem>> -> memref<48x64xf32, #tpu.memory_space<vmem>>
      tpu.enqueue_dma source(%dma_start3A_254 : memref<48x64xf32, #tpu.memory_space<vmem>>) target(%dma_start3A_251 : memref<48x64xf32, #tpu.memory_space<hbm>>) target_semaphore(%run_scoped3A : memref<!tpu.dma_semaphore, #tpu.memory_space<semaphore_mem>>)
      %dma_wait3A_255 = arith.constant 0 : i32
      %dma_wait3A_256 = arith.constant 0 : i32
      %dma_wait3A_257 = tpu.memref_slice %arg34[%dma_wait3A_255, %dma_wait3A_256] : memref<48x64xf32, #tpu.memory_space<vmem>> -> memref<48x64xf32, #tpu.memory_space<vmem>>
      %dma_wait3A_258 = arith.constant 0 : i32
      %dma_wait3A_259 = tpu.memref_slice %arg7[%arg0, %add3A_194, %dma_wait3A_258] : memref<2x10112x64xf32, #tpu.memory_space<hbm>> -> memref<1x48x64xf32, #tpu.memory_space<hbm>>
      %dma_wait3A_260 = tpu.memref_squeeze %dma_wait3A_259 : memref<1x48x64xf32, #tpu.memory_space<hbm>> -> memref<48x64xf32, #tpu.memory_space<hbm>>
      %dma_wait3A_261 = arith.constant 0 : i32
      %dma_wait3A_262 = tpu.memref_slice %arg7[%arg0, %add3A_194, %dma_wait3A_261] : memref<2x10112x64xf32, #tpu.memory_space<hbm>> -> memref<1x48x64xf32, #tpu.memory_space<hbm>>
      %dma_wait3A_263 = tpu.memref_squeeze %dma_wait3A_262 : memref<1x48x64xf32, #tpu.memory_space<hbm>> -> memref<48x64xf32, #tpu.memory_space<hbm>>
      %dma_wait3A_264 = arith.constant 0 : i32
      %dma_wait3A_265 = arith.constant 0 : i32
      %dma_wait3A_266 = tpu.memref_slice %arg34[%dma_wait3A_264, %dma_wait3A_265] : memref<48x64xf32, #tpu.memory_space<vmem>> -> memref<48x64xf32, #tpu.memory_space<vmem>>
      tpu.wait_dma2 semaphore(%run_scoped3A : memref<!tpu.dma_semaphore, #tpu.memory_space<semaphore_mem>>) src(%dma_wait3A_266 : memref<48x64xf32, #tpu.memory_space<vmem>>) dst(%dma_wait3A_263 : memref<48x64xf32, #tpu.memory_space<hbm>>)
      tpu.yield
    }) : () -> ()
    %mul3A_195 = arith.constant 632 : i32
    %mul3A_196 = arith.muli %arg1, %mul3A_195 : i32
    %add3A_197 = arith.constant 384 : i32
    %add3A_198 = arith.addi %mul3A_196, %add3A_197 : i32
    "tpu.region"() ({
      %run_scoped3A = tpu.sem_alloc : memref<!tpu.dma_semaphore, #tpu.memory_space<semaphore_mem>>
      %dma_start3A_243 = arith.constant 0 : i32
      %dma_start3A_244 = arith.constant 0 : i32
      %dma_start3A_245 = tpu.memref_slice %arg34[%dma_start3A_243, %dma_start3A_244] : memref<48x64xf32, #tpu.memory_space<vmem>> -> memref<48x64xf32, #tpu.memory_space<vmem>>
      %dma_start3A_246 = arith.constant 0 : i32
      %dma_start3A_247 = tpu.memref_slice %arg33[%add3A_198, %dma_start3A_246] : memref<10112x64xf32, #tpu.memory_space<vmem_shared>> -> memref<48x64xf32, #tpu.memory_space<vmem_shared>>
      %dma_start3A_248 = arith.constant 0 : i32
      %dma_start3A_249 = arith.constant 0 : i32
      %dma_start3A_250 = tpu.memref_slice %arg34[%dma_start3A_248, %dma_start3A_249] : memref<48x64xf32, #tpu.memory_space<vmem>> -> memref<48x64xf32, #tpu.memory_space<vmem>>
      %dma_start3A_251 = arith.constant 0 : i32
      %dma_start3A_252 = tpu.memref_slice %arg33[%add3A_198, %dma_start3A_251] : memref<10112x64xf32, #tpu.memory_space<vmem_shared>> -> memref<48x64xf32, #tpu.memory_space<vmem_shared>>
      tpu.enqueue_dma source(%dma_start3A_252 : memref<48x64xf32, #tpu.memory_space<vmem_shared>>) target(%dma_start3A_250 : memref<48x64xf32, #tpu.memory_space<vmem>>) target_semaphore(%run_scoped3A : memref<!tpu.dma_semaphore, #tpu.memory_space<semaphore_mem>>)
      %dma_wait3A_253 = arith.constant 0 : i32
      %dma_wait3A_254 = arith.constant 0 : i32
      %dma_wait3A_255 = tpu.memref_slice %arg34[%dma_wait3A_253, %dma_wait3A_254] : memref<48x64xf32, #tpu.memory_space<vmem>> -> memref<48x64xf32, #tpu.memory_space<vmem>>
      %dma_wait3A_256 = arith.constant 0 : i32
      %dma_wait3A_257 = tpu.memref_slice %arg33[%add3A_198, %dma_wait3A_256] : memref<10112x64xf32, #tpu.memory_space<vmem_shared>> -> memref<48x64xf32, #tpu.memory_space<vmem_shared>>
      %dma_wait3A_258 = arith.constant 0 : i32
      %dma_wait3A_259 = arith.constant 0 : i32
      %dma_wait3A_260 = tpu.memref_slice %arg34[%dma_wait3A_258, %dma_wait3A_259] : memref<48x64xf32, #tpu.memory_space<vmem>> -> memref<48x64xf32, #tpu.memory_space<vmem>>
      %dma_wait3A_261 = arith.constant 0 : i32
      %dma_wait3A_262 = tpu.memref_slice %arg33[%add3A_198, %dma_wait3A_261] : memref<10112x64xf32, #tpu.memory_space<vmem_shared>> -> memref<48x64xf32, #tpu.memory_space<vmem_shared>>
      tpu.wait_dma2 semaphore(%run_scoped3A : memref<!tpu.dma_semaphore, #tpu.memory_space<semaphore_mem>>) src(%dma_wait3A_262 : memref<48x64xf32, #tpu.memory_space<vmem_shared>>) dst(%dma_wait3A_260 : memref<48x64xf32, #tpu.memory_space<vmem>>)
      tpu.yield
    }) : () -> ()
    %mul3A_199 = arith.constant 632 : i32
    %mul3A_200 = arith.muli %arg1, %mul3A_199 : i32
    %add3A_201 = arith.constant 384 : i32
    %add3A_202 = arith.addi %mul3A_200, %add3A_201 : i32
    "tpu.region"() ({
      %run_scoped3A = tpu.sem_alloc : memref<!tpu.dma_semaphore, #tpu.memory_space<semaphore_mem>>
      %dma_start3A_243 = arith.constant 0 : i32
      %dma_start3A_244 = arith.constant 0 : i32
      %dma_start3A_245 = tpu.memref_slice %arg34[%dma_start3A_243, %dma_start3A_244] : memref<48x64xf32, #tpu.memory_space<vmem>> -> memref<48x64xf32, #tpu.memory_space<vmem>>
      %dma_start3A_246 = arith.constant 0 : i32
      %dma_start3A_247 = tpu.memref_slice %arg7[%arg0, %add3A_202, %dma_start3A_246] : memref<2x10112x64xf32, #tpu.memory_space<hbm>> -> memref<1x48x64xf32, #tpu.memory_space<hbm>>
      %dma_start3A_248 = tpu.memref_squeeze %dma_start3A_247 : memref<1x48x64xf32, #tpu.memory_space<hbm>> -> memref<48x64xf32, #tpu.memory_space<hbm>>
      %dma_start3A_249 = arith.constant 0 : i32
      %dma_start3A_250 = tpu.memref_slice %arg7[%arg0, %add3A_202, %dma_start3A_249] : memref<2x10112x64xf32, #tpu.memory_space<hbm>> -> memref<1x48x64xf32, #tpu.memory_space<hbm>>
      %dma_start3A_251 = tpu.memref_squeeze %dma_start3A_250 : memref<1x48x64xf32, #tpu.memory_space<hbm>> -> memref<48x64xf32, #tpu.memory_space<hbm>>
      %dma_start3A_252 = arith.constant 0 : i32
      %dma_start3A_253 = arith.constant 0 : i32
      %dma_start3A_254 = tpu.memref_slice %arg34[%dma_start3A_252, %dma_start3A_253] : memref<48x64xf32, #tpu.memory_space<vmem>> -> memref<48x64xf32, #tpu.memory_space<vmem>>
      tpu.enqueue_dma source(%dma_start3A_254 : memref<48x64xf32, #tpu.memory_space<vmem>>) target(%dma_start3A_251 : memref<48x64xf32, #tpu.memory_space<hbm>>) target_semaphore(%run_scoped3A : memref<!tpu.dma_semaphore, #tpu.memory_space<semaphore_mem>>)
      %dma_wait3A_255 = arith.constant 0 : i32
      %dma_wait3A_256 = arith.constant 0 : i32
      %dma_wait3A_257 = tpu.memref_slice %arg34[%dma_wait3A_255, %dma_wait3A_256] : memref<48x64xf32, #tpu.memory_space<vmem>> -> memref<48x64xf32, #tpu.memory_space<vmem>>
      %dma_wait3A_258 = arith.constant 0 : i32
      %dma_wait3A_259 = tpu.memref_slice %arg7[%arg0, %add3A_202, %dma_wait3A_258] : memref<2x10112x64xf32, #tpu.memory_space<hbm>> -> memref<1x48x64xf32, #tpu.memory_space<hbm>>
      %dma_wait3A_260 = tpu.memref_squeeze %dma_wait3A_259 : memref<1x48x64xf32, #tpu.memory_space<hbm>> -> memref<48x64xf32, #tpu.memory_space<hbm>>
      %dma_wait3A_261 = arith.constant 0 : i32
      %dma_wait3A_262 = tpu.memref_slice %arg7[%arg0, %add3A_202, %dma_wait3A_261] : memref<2x10112x64xf32, #tpu.memory_space<hbm>> -> memref<1x48x64xf32, #tpu.memory_space<hbm>>
      %dma_wait3A_263 = tpu.memref_squeeze %dma_wait3A_262 : memref<1x48x64xf32, #tpu.memory_space<hbm>> -> memref<48x64xf32, #tpu.memory_space<hbm>>
      %dma_wait3A_264 = arith.constant 0 : i32
      %dma_wait3A_265 = arith.constant 0 : i32
      %dma_wait3A_266 = tpu.memref_slice %arg34[%dma_wait3A_264, %dma_wait3A_265] : memref<48x64xf32, #tpu.memory_space<vmem>> -> memref<48x64xf32, #tpu.memory_space<vmem>>
      tpu.wait_dma2 semaphore(%run_scoped3A : memref<!tpu.dma_semaphore, #tpu.memory_space<semaphore_mem>>) src(%dma_wait3A_266 : memref<48x64xf32, #tpu.memory_space<vmem>>) dst(%dma_wait3A_263 : memref<48x64xf32, #tpu.memory_space<hbm>>)
      tpu.yield
    }) : () -> ()
    %mul3A_203 = arith.constant 632 : i32
    %mul3A_204 = arith.muli %arg1, %mul3A_203 : i32
    %add3A_205 = arith.constant 432 : i32
    %add3A_206 = arith.addi %mul3A_204, %add3A_205 : i32
    "tpu.region"() ({
      %run_scoped3A = tpu.sem_alloc : memref<!tpu.dma_semaphore, #tpu.memory_space<semaphore_mem>>
      %dma_start3A_243 = arith.constant 0 : i32
      %dma_start3A_244 = arith.constant 0 : i32
      %dma_start3A_245 = tpu.memref_slice %arg34[%dma_start3A_243, %dma_start3A_244] : memref<48x64xf32, #tpu.memory_space<vmem>> -> memref<48x64xf32, #tpu.memory_space<vmem>>
      %dma_start3A_246 = arith.constant 0 : i32
      %dma_start3A_247 = tpu.memref_slice %arg33[%add3A_206, %dma_start3A_246] : memref<10112x64xf32, #tpu.memory_space<vmem_shared>> -> memref<48x64xf32, #tpu.memory_space<vmem_shared>>
      %dma_start3A_248 = arith.constant 0 : i32
      %dma_start3A_249 = arith.constant 0 : i32
      %dma_start3A_250 = tpu.memref_slice %arg34[%dma_start3A_248, %dma_start3A_249] : memref<48x64xf32, #tpu.memory_space<vmem>> -> memref<48x64xf32, #tpu.memory_space<vmem>>
      %dma_start3A_251 = arith.constant 0 : i32
      %dma_start3A_252 = tpu.memref_slice %arg33[%add3A_206, %dma_start3A_251] : memref<10112x64xf32, #tpu.memory_space<vmem_shared>> -> memref<48x64xf32, #tpu.memory_space<vmem_shared>>
      tpu.enqueue_dma source(%dma_start3A_252 : memref<48x64xf32, #tpu.memory_space<vmem_shared>>) target(%dma_start3A_250 : memref<48x64xf32, #tpu.memory_space<vmem>>) target_semaphore(%run_scoped3A : memref<!tpu.dma_semaphore, #tpu.memory_space<semaphore_mem>>)
      %dma_wait3A_253 = arith.constant 0 : i32
      %dma_wait3A_254 = arith.constant 0 : i32
      %dma_wait3A_255 = tpu.memref_slice %arg34[%dma_wait3A_253, %dma_wait3A_254] : memref<48x64xf32, #tpu.memory_space<vmem>> -> memref<48x64xf32, #tpu.memory_space<vmem>>
      %dma_wait3A_256 = arith.constant 0 : i32
      %dma_wait3A_257 = tpu.memref_slice %arg33[%add3A_206, %dma_wait3A_256] : memref<10112x64xf32, #tpu.memory_space<vmem_shared>> -> memref<48x64xf32, #tpu.memory_space<vmem_shared>>
      %dma_wait3A_258 = arith.constant 0 : i32
      %dma_wait3A_259 = arith.constant 0 : i32
      %dma_wait3A_260 = tpu.memref_slice %arg34[%dma_wait3A_258, %dma_wait3A_259] : memref<48x64xf32, #tpu.memory_space<vmem>> -> memref<48x64xf32, #tpu.memory_space<vmem>>
      %dma_wait3A_261 = arith.constant 0 : i32
      %dma_wait3A_262 = tpu.memref_slice %arg33[%add3A_206, %dma_wait3A_261] : memref<10112x64xf32, #tpu.memory_space<vmem_shared>> -> memref<48x64xf32, #tpu.memory_space<vmem_shared>>
      tpu.wait_dma2 semaphore(%run_scoped3A : memref<!tpu.dma_semaphore, #tpu.memory_space<semaphore_mem>>) src(%dma_wait3A_262 : memref<48x64xf32, #tpu.memory_space<vmem_shared>>) dst(%dma_wait3A_260 : memref<48x64xf32, #tpu.memory_space<vmem>>)
      tpu.yield
    }) : () -> ()
    %mul3A_207 = arith.constant 632 : i32
    %mul3A_208 = arith.muli %arg1, %mul3A_207 : i32
    %add3A_209 = arith.constant 432 : i32
    %add3A_210 = arith.addi %mul3A_208, %add3A_209 : i32
    "tpu.region"() ({
      %run_scoped3A = tpu.sem_alloc : memref<!tpu.dma_semaphore, #tpu.memory_space<semaphore_mem>>
      %dma_start3A_243 = arith.constant 0 : i32
      %dma_start3A_244 = arith.constant 0 : i32
      %dma_start3A_245 = tpu.memref_slice %arg34[%dma_start3A_243, %dma_start3A_244] : memref<48x64xf32, #tpu.memory_space<vmem>> -> memref<48x64xf32, #tpu.memory_space<vmem>>
      %dma_start3A_246 = arith.constant 0 : i32
      %dma_start3A_247 = tpu.memref_slice %arg7[%arg0, %add3A_210, %dma_start3A_246] : memref<2x10112x64xf32, #tpu.memory_space<hbm>> -> memref<1x48x64xf32, #tpu.memory_space<hbm>>
      %dma_start3A_248 = tpu.memref_squeeze %dma_start3A_247 : memref<1x48x64xf32, #tpu.memory_space<hbm>> -> memref<48x64xf32, #tpu.memory_space<hbm>>
      %dma_start3A_249 = arith.constant 0 : i32
      %dma_start3A_250 = tpu.memref_slice %arg7[%arg0, %add3A_210, %dma_start3A_249] : memref<2x10112x64xf32, #tpu.memory_space<hbm>> -> memref<1x48x64xf32, #tpu.memory_space<hbm>>
      %dma_start3A_251 = tpu.memref_squeeze %dma_start3A_250 : memref<1x48x64xf32, #tpu.memory_space<hbm>> -> memref<48x64xf32, #tpu.memory_space<hbm>>
      %dma_start3A_252 = arith.constant 0 : i32
      %dma_start3A_253 = arith.constant 0 : i32
      %dma_start3A_254 = tpu.memref_slice %arg34[%dma_start3A_252, %dma_start3A_253] : memref<48x64xf32, #tpu.memory_space<vmem>> -> memref<48x64xf32, #tpu.memory_space<vmem>>
      tpu.enqueue_dma source(%dma_start3A_254 : memref<48x64xf32, #tpu.memory_space<vmem>>) target(%dma_start3A_251 : memref<48x64xf32, #tpu.memory_space<hbm>>) target_semaphore(%run_scoped3A : memref<!tpu.dma_semaphore, #tpu.memory_space<semaphore_mem>>)
      %dma_wait3A_255 = arith.constant 0 : i32
      %dma_wait3A_256 = arith.constant 0 : i32
      %dma_wait3A_257 = tpu.memref_slice %arg34[%dma_wait3A_255, %dma_wait3A_256] : memref<48x64xf32, #tpu.memory_space<vmem>> -> memref<48x64xf32, #tpu.memory_space<vmem>>
      %dma_wait3A_258 = arith.constant 0 : i32
      %dma_wait3A_259 = tpu.memref_slice %arg7[%arg0, %add3A_210, %dma_wait3A_258] : memref<2x10112x64xf32, #tpu.memory_space<hbm>> -> memref<1x48x64xf32, #tpu.memory_space<hbm>>
      %dma_wait3A_260 = tpu.memref_squeeze %dma_wait3A_259 : memref<1x48x64xf32, #tpu.memory_space<hbm>> -> memref<48x64xf32, #tpu.memory_space<hbm>>
      %dma_wait3A_261 = arith.constant 0 : i32
      %dma_wait3A_262 = tpu.memref_slice %arg7[%arg0, %add3A_210, %dma_wait3A_261] : memref<2x10112x64xf32, #tpu.memory_space<hbm>> -> memref<1x48x64xf32, #tpu.memory_space<hbm>>
      %dma_wait3A_263 = tpu.memref_squeeze %dma_wait3A_262 : memref<1x48x64xf32, #tpu.memory_space<hbm>> -> memref<48x64xf32, #tpu.memory_space<hbm>>
      %dma_wait3A_264 = arith.constant 0 : i32
      %dma_wait3A_265 = arith.constant 0 : i32
      %dma_wait3A_266 = tpu.memref_slice %arg34[%dma_wait3A_264, %dma_wait3A_265] : memref<48x64xf32, #tpu.memory_space<vmem>> -> memref<48x64xf32, #tpu.memory_space<vmem>>
      tpu.wait_dma2 semaphore(%run_scoped3A : memref<!tpu.dma_semaphore, #tpu.memory_space<semaphore_mem>>) src(%dma_wait3A_266 : memref<48x64xf32, #tpu.memory_space<vmem>>) dst(%dma_wait3A_263 : memref<48x64xf32, #tpu.memory_space<hbm>>)
      tpu.yield
    }) : () -> ()
    %mul3A_211 = arith.constant 632 : i32
    %mul3A_212 = arith.muli %arg1, %mul3A_211 : i32
    %add3A_213 = arith.constant 480 : i32
    %add3A_214 = arith.addi %mul3A_212, %add3A_213 : i32
    "tpu.region"() ({
      %run_scoped3A = tpu.sem_alloc : memref<!tpu.dma_semaphore, #tpu.memory_space<semaphore_mem>>
      %dma_start3A_243 = arith.constant 0 : i32
      %dma_start3A_244 = arith.constant 0 : i32
      %dma_start3A_245 = tpu.memref_slice %arg34[%dma_start3A_243, %dma_start3A_244] : memref<48x64xf32, #tpu.memory_space<vmem>> -> memref<48x64xf32, #tpu.memory_space<vmem>>
      %dma_start3A_246 = arith.constant 0 : i32
      %dma_start3A_247 = tpu.memref_slice %arg33[%add3A_214, %dma_start3A_246] : memref<10112x64xf32, #tpu.memory_space<vmem_shared>> -> memref<48x64xf32, #tpu.memory_space<vmem_shared>>
      %dma_start3A_248 = arith.constant 0 : i32
      %dma_start3A_249 = arith.constant 0 : i32
      %dma_start3A_250 = tpu.memref_slice %arg34[%dma_start3A_248, %dma_start3A_249] : memref<48x64xf32, #tpu.memory_space<vmem>> -> memref<48x64xf32, #tpu.memory_space<vmem>>
      %dma_start3A_251 = arith.constant 0 : i32
      %dma_start3A_252 = tpu.memref_slice %arg33[%add3A_214, %dma_start3A_251] : memref<10112x64xf32, #tpu.memory_space<vmem_shared>> -> memref<48x64xf32, #tpu.memory_space<vmem_shared>>
      tpu.enqueue_dma source(%dma_start3A_252 : memref<48x64xf32, #tpu.memory_space<vmem_shared>>) target(%dma_start3A_250 : memref<48x64xf32, #tpu.memory_space<vmem>>) target_semaphore(%run_scoped3A : memref<!tpu.dma_semaphore, #tpu.memory_space<semaphore_mem>>)
      %dma_wait3A_253 = arith.constant 0 : i32
      %dma_wait3A_254 = arith.constant 0 : i32
      %dma_wait3A_255 = tpu.memref_slice %arg34[%dma_wait3A_253, %dma_wait3A_254] : memref<48x64xf32, #tpu.memory_space<vmem>> -> memref<48x64xf32, #tpu.memory_space<vmem>>
      %dma_wait3A_256 = arith.constant 0 : i32
      %dma_wait3A_257 = tpu.memref_slice %arg33[%add3A_214, %dma_wait3A_256] : memref<10112x64xf32, #tpu.memory_space<vmem_shared>> -> memref<48x64xf32, #tpu.memory_space<vmem_shared>>
      %dma_wait3A_258 = arith.constant 0 : i32
      %dma_wait3A_259 = arith.constant 0 : i32
      %dma_wait3A_260 = tpu.memref_slice %arg34[%dma_wait3A_258, %dma_wait3A_259] : memref<48x64xf32, #tpu.memory_space<vmem>> -> memref<48x64xf32, #tpu.memory_space<vmem>>
      %dma_wait3A_261 = arith.constant 0 : i32
      %dma_wait3A_262 = tpu.memref_slice %arg33[%add3A_214, %dma_wait3A_261] : memref<10112x64xf32, #tpu.memory_space<vmem_shared>> -> memref<48x64xf32, #tpu.memory_space<vmem_shared>>
      tpu.wait_dma2 semaphore(%run_scoped3A : memref<!tpu.dma_semaphore, #tpu.memory_space<semaphore_mem>>) src(%dma_wait3A_262 : memref<48x64xf32, #tpu.memory_space<vmem_shared>>) dst(%dma_wait3A_260 : memref<48x64xf32, #tpu.memory_space<vmem>>)
      tpu.yield
    }) : () -> ()
    %mul3A_215 = arith.constant 632 : i32
    %mul3A_216 = arith.muli %arg1, %mul3A_215 : i32
    %add3A_217 = arith.constant 480 : i32
    %add3A_218 = arith.addi %mul3A_216, %add3A_217 : i32
    "tpu.region"() ({
      %run_scoped3A = tpu.sem_alloc : memref<!tpu.dma_semaphore, #tpu.memory_space<semaphore_mem>>
      %dma_start3A_243 = arith.constant 0 : i32
      %dma_start3A_244 = arith.constant 0 : i32
      %dma_start3A_245 = tpu.memref_slice %arg34[%dma_start3A_243, %dma_start3A_244] : memref<48x64xf32, #tpu.memory_space<vmem>> -> memref<48x64xf32, #tpu.memory_space<vmem>>
      %dma_start3A_246 = arith.constant 0 : i32
      %dma_start3A_247 = tpu.memref_slice %arg7[%arg0, %add3A_218, %dma_start3A_246] : memref<2x10112x64xf32, #tpu.memory_space<hbm>> -> memref<1x48x64xf32, #tpu.memory_space<hbm>>
      %dma_start3A_248 = tpu.memref_squeeze %dma_start3A_247 : memref<1x48x64xf32, #tpu.memory_space<hbm>> -> memref<48x64xf32, #tpu.memory_space<hbm>>
      %dma_start3A_249 = arith.constant 0 : i32
      %dma_start3A_250 = tpu.memref_slice %arg7[%arg0, %add3A_218, %dma_start3A_249] : memref<2x10112x64xf32, #tpu.memory_space<hbm>> -> memref<1x48x64xf32, #tpu.memory_space<hbm>>
      %dma_start3A_251 = tpu.memref_squeeze %dma_start3A_250 : memref<1x48x64xf32, #tpu.memory_space<hbm>> -> memref<48x64xf32, #tpu.memory_space<hbm>>
      %dma_start3A_252 = arith.constant 0 : i32
      %dma_start3A_253 = arith.constant 0 : i32
      %dma_start3A_254 = tpu.memref_slice %arg34[%dma_start3A_252, %dma_start3A_253] : memref<48x64xf32, #tpu.memory_space<vmem>> -> memref<48x64xf32, #tpu.memory_space<vmem>>
      tpu.enqueue_dma source(%dma_start3A_254 : memref<48x64xf32, #tpu.memory_space<vmem>>) target(%dma_start3A_251 : memref<48x64xf32, #tpu.memory_space<hbm>>) target_semaphore(%run_scoped3A : memref<!tpu.dma_semaphore, #tpu.memory_space<semaphore_mem>>)
      %dma_wait3A_255 = arith.constant 0 : i32
      %dma_wait3A_256 = arith.constant 0 : i32
      %dma_wait3A_257 = tpu.memref_slice %arg34[%dma_wait3A_255, %dma_wait3A_256] : memref<48x64xf32, #tpu.memory_space<vmem>> -> memref<48x64xf32, #tpu.memory_space<vmem>>
      %dma_wait3A_258 = arith.constant 0 : i32
      %dma_wait3A_259 = tpu.memref_slice %arg7[%arg0, %add3A_218, %dma_wait3A_258] : memref<2x10112x64xf32, #tpu.memory_space<hbm>> -> memref<1x48x64xf32, #tpu.memory_space<hbm>>
      %dma_wait3A_260 = tpu.memref_squeeze %dma_wait3A_259 : memref<1x48x64xf32, #tpu.memory_space<hbm>> -> memref<48x64xf32, #tpu.memory_space<hbm>>
      %dma_wait3A_261 = arith.constant 0 : i32
      %dma_wait3A_262 = tpu.memref_slice %arg7[%arg0, %add3A_218, %dma_wait3A_261] : memref<2x10112x64xf32, #tpu.memory_space<hbm>> -> memref<1x48x64xf32, #tpu.memory_space<hbm>>
      %dma_wait3A_263 = tpu.memref_squeeze %dma_wait3A_262 : memref<1x48x64xf32, #tpu.memory_space<hbm>> -> memref<48x64xf32, #tpu.memory_space<hbm>>
      %dma_wait3A_264 = arith.constant 0 : i32
      %dma_wait3A_265 = arith.constant 0 : i32
      %dma_wait3A_266 = tpu.memref_slice %arg34[%dma_wait3A_264, %dma_wait3A_265] : memref<48x64xf32, #tpu.memory_space<vmem>> -> memref<48x64xf32, #tpu.memory_space<vmem>>
      tpu.wait_dma2 semaphore(%run_scoped3A : memref<!tpu.dma_semaphore, #tpu.memory_space<semaphore_mem>>) src(%dma_wait3A_266 : memref<48x64xf32, #tpu.memory_space<vmem>>) dst(%dma_wait3A_263 : memref<48x64xf32, #tpu.memory_space<hbm>>)
      tpu.yield
    }) : () -> ()
    %mul3A_219 = arith.constant 632 : i32
    %mul3A_220 = arith.muli %arg1, %mul3A_219 : i32
    %add3A_221 = arith.constant 528 : i32
    %add3A_222 = arith.addi %mul3A_220, %add3A_221 : i32
    "tpu.region"() ({
      %run_scoped3A = tpu.sem_alloc : memref<!tpu.dma_semaphore, #tpu.memory_space<semaphore_mem>>
      %dma_start3A_243 = arith.constant 0 : i32
      %dma_start3A_244 = arith.constant 0 : i32
      %dma_start3A_245 = tpu.memref_slice %arg34[%dma_start3A_243, %dma_start3A_244] : memref<48x64xf32, #tpu.memory_space<vmem>> -> memref<48x64xf32, #tpu.memory_space<vmem>>
      %dma_start3A_246 = arith.constant 0 : i32
      %dma_start3A_247 = tpu.memref_slice %arg33[%add3A_222, %dma_start3A_246] : memref<10112x64xf32, #tpu.memory_space<vmem_shared>> -> memref<48x64xf32, #tpu.memory_space<vmem_shared>>
      %dma_start3A_248 = arith.constant 0 : i32
      %dma_start3A_249 = arith.constant 0 : i32
      %dma_start3A_250 = tpu.memref_slice %arg34[%dma_start3A_248, %dma_start3A_249] : memref<48x64xf32, #tpu.memory_space<vmem>> -> memref<48x64xf32, #tpu.memory_space<vmem>>
      %dma_start3A_251 = arith.constant 0 : i32
      %dma_start3A_252 = tpu.memref_slice %arg33[%add3A_222, %dma_start3A_251] : memref<10112x64xf32, #tpu.memory_space<vmem_shared>> -> memref<48x64xf32, #tpu.memory_space<vmem_shared>>
      tpu.enqueue_dma source(%dma_start3A_252 : memref<48x64xf32, #tpu.memory_space<vmem_shared>>) target(%dma_start3A_250 : memref<48x64xf32, #tpu.memory_space<vmem>>) target_semaphore(%run_scoped3A : memref<!tpu.dma_semaphore, #tpu.memory_space<semaphore_mem>>)
      %dma_wait3A_253 = arith.constant 0 : i32
      %dma_wait3A_254 = arith.constant 0 : i32
      %dma_wait3A_255 = tpu.memref_slice %arg34[%dma_wait3A_253, %dma_wait3A_254] : memref<48x64xf32, #tpu.memory_space<vmem>> -> memref<48x64xf32, #tpu.memory_space<vmem>>
      %dma_wait3A_256 = arith.constant 0 : i32
      %dma_wait3A_257 = tpu.memref_slice %arg33[%add3A_222, %dma_wait3A_256] : memref<10112x64xf32, #tpu.memory_space<vmem_shared>> -> memref<48x64xf32, #tpu.memory_space<vmem_shared>>
      %dma_wait3A_258 = arith.constant 0 : i32
      %dma_wait3A_259 = arith.constant 0 : i32
      %dma_wait3A_260 = tpu.memref_slice %arg34[%dma_wait3A_258, %dma_wait3A_259] : memref<48x64xf32, #tpu.memory_space<vmem>> -> memref<48x64xf32, #tpu.memory_space<vmem>>
      %dma_wait3A_261 = arith.constant 0 : i32
      %dma_wait3A_262 = tpu.memref_slice %arg33[%add3A_222, %dma_wait3A_261] : memref<10112x64xf32, #tpu.memory_space<vmem_shared>> -> memref<48x64xf32, #tpu.memory_space<vmem_shared>>
      tpu.wait_dma2 semaphore(%run_scoped3A : memref<!tpu.dma_semaphore, #tpu.memory_space<semaphore_mem>>) src(%dma_wait3A_262 : memref<48x64xf32, #tpu.memory_space<vmem_shared>>) dst(%dma_wait3A_260 : memref<48x64xf32, #tpu.memory_space<vmem>>)
      tpu.yield
    }) : () -> ()
    %mul3A_223 = arith.constant 632 : i32
    %mul3A_224 = arith.muli %arg1, %mul3A_223 : i32
    %add3A_225 = arith.constant 528 : i32
    %add3A_226 = arith.addi %mul3A_224, %add3A_225 : i32
    "tpu.region"() ({
      %run_scoped3A = tpu.sem_alloc : memref<!tpu.dma_semaphore, #tpu.memory_space<semaphore_mem>>
      %dma_start3A_243 = arith.constant 0 : i32
      %dma_start3A_244 = arith.constant 0 : i32
      %dma_start3A_245 = tpu.memref_slice %arg34[%dma_start3A_243, %dma_start3A_244] : memref<48x64xf32, #tpu.memory_space<vmem>> -> memref<48x64xf32, #tpu.memory_space<vmem>>
      %dma_start3A_246 = arith.constant 0 : i32
      %dma_start3A_247 = tpu.memref_slice %arg7[%arg0, %add3A_226, %dma_start3A_246] : memref<2x10112x64xf32, #tpu.memory_space<hbm>> -> memref<1x48x64xf32, #tpu.memory_space<hbm>>
      %dma_start3A_248 = tpu.memref_squeeze %dma_start3A_247 : memref<1x48x64xf32, #tpu.memory_space<hbm>> -> memref<48x64xf32, #tpu.memory_space<hbm>>
      %dma_start3A_249 = arith.constant 0 : i32
      %dma_start3A_250 = tpu.memref_slice %arg7[%arg0, %add3A_226, %dma_start3A_249] : memref<2x10112x64xf32, #tpu.memory_space<hbm>> -> memref<1x48x64xf32, #tpu.memory_space<hbm>>
      %dma_start3A_251 = tpu.memref_squeeze %dma_start3A_250 : memref<1x48x64xf32, #tpu.memory_space<hbm>> -> memref<48x64xf32, #tpu.memory_space<hbm>>
      %dma_start3A_252 = arith.constant 0 : i32
      %dma_start3A_253 = arith.constant 0 : i32
      %dma_start3A_254 = tpu.memref_slice %arg34[%dma_start3A_252, %dma_start3A_253] : memref<48x64xf32, #tpu.memory_space<vmem>> -> memref<48x64xf32, #tpu.memory_space<vmem>>
      tpu.enqueue_dma source(%dma_start3A_254 : memref<48x64xf32, #tpu.memory_space<vmem>>) target(%dma_start3A_251 : memref<48x64xf32, #tpu.memory_space<hbm>>) target_semaphore(%run_scoped3A : memref<!tpu.dma_semaphore, #tpu.memory_space<semaphore_mem>>)
      %dma_wait3A_255 = arith.constant 0 : i32
      %dma_wait3A_256 = arith.constant 0 : i32
      %dma_wait3A_257 = tpu.memref_slice %arg34[%dma_wait3A_255, %dma_wait3A_256] : memref<48x64xf32, #tpu.memory_space<vmem>> -> memref<48x64xf32, #tpu.memory_space<vmem>>
      %dma_wait3A_258 = arith.constant 0 : i32
      %dma_wait3A_259 = tpu.memref_slice %arg7[%arg0, %add3A_226, %dma_wait3A_258] : memref<2x10112x64xf32, #tpu.memory_space<hbm>> -> memref<1x48x64xf32, #tpu.memory_space<hbm>>
      %dma_wait3A_260 = tpu.memref_squeeze %dma_wait3A_259 : memref<1x48x64xf32, #tpu.memory_space<hbm>> -> memref<48x64xf32, #tpu.memory_space<hbm>>
      %dma_wait3A_261 = arith.constant 0 : i32
      %dma_wait3A_262 = tpu.memref_slice %arg7[%arg0, %add3A_226, %dma_wait3A_261] : memref<2x10112x64xf32, #tpu.memory_space<hbm>> -> memref<1x48x64xf32, #tpu.memory_space<hbm>>
      %dma_wait3A_263 = tpu.memref_squeeze %dma_wait3A_262 : memref<1x48x64xf32, #tpu.memory_space<hbm>> -> memref<48x64xf32, #tpu.memory_space<hbm>>
      %dma_wait3A_264 = arith.constant 0 : i32
      %dma_wait3A_265 = arith.constant 0 : i32
      %dma_wait3A_266 = tpu.memref_slice %arg34[%dma_wait3A_264, %dma_wait3A_265] : memref<48x64xf32, #tpu.memory_space<vmem>> -> memref<48x64xf32, #tpu.memory_space<vmem>>
      tpu.wait_dma2 semaphore(%run_scoped3A : memref<!tpu.dma_semaphore, #tpu.memory_space<semaphore_mem>>) src(%dma_wait3A_266 : memref<48x64xf32, #tpu.memory_space<vmem>>) dst(%dma_wait3A_263 : memref<48x64xf32, #tpu.memory_space<hbm>>)
      tpu.yield
    }) : () -> ()
    %mul3A_227 = arith.constant 632 : i32
    %mul3A_228 = arith.muli %arg1, %mul3A_227 : i32
    %add3A_229 = arith.constant 576 : i32
    %add3A_230 = arith.addi %mul3A_228, %add3A_229 : i32
    "tpu.region"() ({
      %run_scoped3A = tpu.sem_alloc : memref<!tpu.dma_semaphore, #tpu.memory_space<semaphore_mem>>
      %dma_start3A_243 = arith.constant 0 : i32
      %dma_start3A_244 = arith.constant 0 : i32
      %dma_start3A_245 = tpu.memref_slice %arg34[%dma_start3A_243, %dma_start3A_244] : memref<48x64xf32, #tpu.memory_space<vmem>> -> memref<48x64xf32, #tpu.memory_space<vmem>>
      %dma_start3A_246 = arith.constant 0 : i32
      %dma_start3A_247 = tpu.memref_slice %arg33[%add3A_230, %dma_start3A_246] : memref<10112x64xf32, #tpu.memory_space<vmem_shared>> -> memref<48x64xf32, #tpu.memory_space<vmem_shared>>
      %dma_start3A_248 = arith.constant 0 : i32
      %dma_start3A_249 = arith.constant 0 : i32
      %dma_start3A_250 = tpu.memref_slice %arg34[%dma_start3A_248, %dma_start3A_249] : memref<48x64xf32, #tpu.memory_space<vmem>> -> memref<48x64xf32, #tpu.memory_space<vmem>>
      %dma_start3A_251 = arith.constant 0 : i32
      %dma_start3A_252 = tpu.memref_slice %arg33[%add3A_230, %dma_start3A_251] : memref<10112x64xf32, #tpu.memory_space<vmem_shared>> -> memref<48x64xf32, #tpu.memory_space<vmem_shared>>
      tpu.enqueue_dma source(%dma_start3A_252 : memref<48x64xf32, #tpu.memory_space<vmem_shared>>) target(%dma_start3A_250 : memref<48x64xf32, #tpu.memory_space<vmem>>) target_semaphore(%run_scoped3A : memref<!tpu.dma_semaphore, #tpu.memory_space<semaphore_mem>>)
      %dma_wait3A_253 = arith.constant 0 : i32
      %dma_wait3A_254 = arith.constant 0 : i32
      %dma_wait3A_255 = tpu.memref_slice %arg34[%dma_wait3A_253, %dma_wait3A_254] : memref<48x64xf32, #tpu.memory_space<vmem>> -> memref<48x64xf32, #tpu.memory_space<vmem>>
      %dma_wait3A_256 = arith.constant 0 : i32
      %dma_wait3A_257 = tpu.memref_slice %arg33[%add3A_230, %dma_wait3A_256] : memref<10112x64xf32, #tpu.memory_space<vmem_shared>> -> memref<48x64xf32, #tpu.memory_space<vmem_shared>>
      %dma_wait3A_258 = arith.constant 0 : i32
      %dma_wait3A_259 = arith.constant 0 : i32
      %dma_wait3A_260 = tpu.memref_slice %arg34[%dma_wait3A_258, %dma_wait3A_259] : memref<48x64xf32, #tpu.memory_space<vmem>> -> memref<48x64xf32, #tpu.memory_space<vmem>>
      %dma_wait3A_261 = arith.constant 0 : i32
      %dma_wait3A_262 = tpu.memref_slice %arg33[%add3A_230, %dma_wait3A_261] : memref<10112x64xf32, #tpu.memory_space<vmem_shared>> -> memref<48x64xf32, #tpu.memory_space<vmem_shared>>
      tpu.wait_dma2 semaphore(%run_scoped3A : memref<!tpu.dma_semaphore, #tpu.memory_space<semaphore_mem>>) src(%dma_wait3A_262 : memref<48x64xf32, #tpu.memory_space<vmem_shared>>) dst(%dma_wait3A_260 : memref<48x64xf32, #tpu.memory_space<vmem>>)
      tpu.yield
    }) : () -> ()
    %mul3A_231 = arith.constant 632 : i32
    %mul3A_232 = arith.muli %arg1, %mul3A_231 : i32
    %add3A_233 = arith.constant 576 : i32
    %add3A_234 = arith.addi %mul3A_232, %add3A_233 : i32
    "tpu.region"() ({
      %run_scoped3A = tpu.sem_alloc : memref<!tpu.dma_semaphore, #tpu.memory_space<semaphore_mem>>
      %dma_start3A_243 = arith.constant 0 : i32
      %dma_start3A_244 = arith.constant 0 : i32
      %dma_start3A_245 = tpu.memref_slice %arg34[%dma_start3A_243, %dma_start3A_244] : memref<48x64xf32, #tpu.memory_space<vmem>> -> memref<48x64xf32, #tpu.memory_space<vmem>>
      %dma_start3A_246 = arith.constant 0 : i32
      %dma_start3A_247 = tpu.memref_slice %arg7[%arg0, %add3A_234, %dma_start3A_246] : memref<2x10112x64xf32, #tpu.memory_space<hbm>> -> memref<1x48x64xf32, #tpu.memory_space<hbm>>
      %dma_start3A_248 = tpu.memref_squeeze %dma_start3A_247 : memref<1x48x64xf32, #tpu.memory_space<hbm>> -> memref<48x64xf32, #tpu.memory_space<hbm>>
      %dma_start3A_249 = arith.constant 0 : i32
      %dma_start3A_250 = tpu.memref_slice %arg7[%arg0, %add3A_234, %dma_start3A_249] : memref<2x10112x64xf32, #tpu.memory_space<hbm>> -> memref<1x48x64xf32, #tpu.memory_space<hbm>>
      %dma_start3A_251 = tpu.memref_squeeze %dma_start3A_250 : memref<1x48x64xf32, #tpu.memory_space<hbm>> -> memref<48x64xf32, #tpu.memory_space<hbm>>
      %dma_start3A_252 = arith.constant 0 : i32
      %dma_start3A_253 = arith.constant 0 : i32
      %dma_start3A_254 = tpu.memref_slice %arg34[%dma_start3A_252, %dma_start3A_253] : memref<48x64xf32, #tpu.memory_space<vmem>> -> memref<48x64xf32, #tpu.memory_space<vmem>>
      tpu.enqueue_dma source(%dma_start3A_254 : memref<48x64xf32, #tpu.memory_space<vmem>>) target(%dma_start3A_251 : memref<48x64xf32, #tpu.memory_space<hbm>>) target_semaphore(%run_scoped3A : memref<!tpu.dma_semaphore, #tpu.memory_space<semaphore_mem>>)
      %dma_wait3A_255 = arith.constant 0 : i32
      %dma_wait3A_256 = arith.constant 0 : i32
      %dma_wait3A_257 = tpu.memref_slice %arg34[%dma_wait3A_255, %dma_wait3A_256] : memref<48x64xf32, #tpu.memory_space<vmem>> -> memref<48x64xf32, #tpu.memory_space<vmem>>
      %dma_wait3A_258 = arith.constant 0 : i32
      %dma_wait3A_259 = tpu.memref_slice %arg7[%arg0, %add3A_234, %dma_wait3A_258] : memref<2x10112x64xf32, #tpu.memory_space<hbm>> -> memref<1x48x64xf32, #tpu.memory_space<hbm>>
      %dma_wait3A_260 = tpu.memref_squeeze %dma_wait3A_259 : memref<1x48x64xf32, #tpu.memory_space<hbm>> -> memref<48x64xf32, #tpu.memory_space<hbm>>
      %dma_wait3A_261 = arith.constant 0 : i32
      %dma_wait3A_262 = tpu.memref_slice %arg7[%arg0, %add3A_234, %dma_wait3A_261] : memref<2x10112x64xf32, #tpu.memory_space<hbm>> -> memref<1x48x64xf32, #tpu.memory_space<hbm>>
      %dma_wait3A_263 = tpu.memref_squeeze %dma_wait3A_262 : memref<1x48x64xf32, #tpu.memory_space<hbm>> -> memref<48x64xf32, #tpu.memory_space<hbm>>
      %dma_wait3A_264 = arith.constant 0 : i32
      %dma_wait3A_265 = arith.constant 0 : i32
      %dma_wait3A_266 = tpu.memref_slice %arg34[%dma_wait3A_264, %dma_wait3A_265] : memref<48x64xf32, #tpu.memory_space<vmem>> -> memref<48x64xf32, #tpu.memory_space<vmem>>
      tpu.wait_dma2 semaphore(%run_scoped3A : memref<!tpu.dma_semaphore, #tpu.memory_space<semaphore_mem>>) src(%dma_wait3A_266 : memref<48x64xf32, #tpu.memory_space<vmem>>) dst(%dma_wait3A_263 : memref<48x64xf32, #tpu.memory_space<hbm>>)
      tpu.yield
    }) : () -> ()
    %mul3A_235 = arith.constant 632 : i32
    %mul3A_236 = arith.muli %arg1, %mul3A_235 : i32
    %add3A_237 = arith.constant 624 : i32
    %add3A_238 = arith.addi %mul3A_236, %add3A_237 : i32
    "tpu.region"() ({
      %run_scoped3A = tpu.sem_alloc : memref<!tpu.dma_semaphore, #tpu.memory_space<semaphore_mem>>
      %dma_start3A_243 = arith.constant 0 : i32
      %dma_start3A_244 = arith.constant 0 : i32
      %dma_start3A_245 = tpu.memref_slice %arg34[%dma_start3A_243, %dma_start3A_244] : memref<48x64xf32, #tpu.memory_space<vmem>> -> memref<8x64xf32, #tpu.memory_space<vmem>>
      %dma_start3A_246 = arith.constant 0 : i32
      %dma_start3A_247 = tpu.memref_slice %arg33[%add3A_238, %dma_start3A_246] : memref<10112x64xf32, #tpu.memory_space<vmem_shared>> -> memref<8x64xf32, #tpu.memory_space<vmem_shared>>
      %dma_start3A_248 = arith.constant 0 : i32
      %dma_start3A_249 = arith.constant 0 : i32
      %dma_start3A_250 = tpu.memref_slice %arg34[%dma_start3A_248, %dma_start3A_249] : memref<48x64xf32, #tpu.memory_space<vmem>> -> memref<8x64xf32, #tpu.memory_space<vmem>>
      %dma_start3A_251 = arith.constant 0 : i32
      %dma_start3A_252 = tpu.memref_slice %arg33[%add3A_238, %dma_start3A_251] : memref<10112x64xf32, #tpu.memory_space<vmem_shared>> -> memref<8x64xf32, #tpu.memory_space<vmem_shared>>
      tpu.enqueue_dma source(%dma_start3A_252 : memref<8x64xf32, #tpu.memory_space<vmem_shared>>) target(%dma_start3A_250 : memref<8x64xf32, #tpu.memory_space<vmem>>) target_semaphore(%run_scoped3A : memref<!tpu.dma_semaphore, #tpu.memory_space<semaphore_mem>>)
      %dma_wait3A_253 = arith.constant 0 : i32
      %dma_wait3A_254 = arith.constant 0 : i32
      %dma_wait3A_255 = tpu.memref_slice %arg34[%dma_wait3A_253, %dma_wait3A_254] : memref<48x64xf32, #tpu.memory_space<vmem>> -> memref<8x64xf32, #tpu.memory_space<vmem>>
      %dma_wait3A_256 = arith.constant 0 : i32
      %dma_wait3A_257 = tpu.memref_slice %arg33[%add3A_238, %dma_wait3A_256] : memref<10112x64xf32, #tpu.memory_space<vmem_shared>> -> memref<8x64xf32, #tpu.memory_space<vmem_shared>>
      %dma_wait3A_258 = arith.constant 0 : i32
      %dma_wait3A_259 = arith.constant 0 : i32
      %dma_wait3A_260 = tpu.memref_slice %arg34[%dma_wait3A_258, %dma_wait3A_259] : memref<48x64xf32, #tpu.memory_space<vmem>> -> memref<8x64xf32, #tpu.memory_space<vmem>>
      %dma_wait3A_261 = arith.constant 0 : i32
      %dma_wait3A_262 = tpu.memref_slice %arg33[%add3A_238, %dma_wait3A_261] : memref<10112x64xf32, #tpu.memory_space<vmem_shared>> -> memref<8x64xf32, #tpu.memory_space<vmem_shared>>
      tpu.wait_dma2 semaphore(%run_scoped3A : memref<!tpu.dma_semaphore, #tpu.memory_space<semaphore_mem>>) src(%dma_wait3A_262 : memref<8x64xf32, #tpu.memory_space<vmem_shared>>) dst(%dma_wait3A_260 : memref<8x64xf32, #tpu.memory_space<vmem>>)
      tpu.yield
    }) : () -> ()
    %mul3A_239 = arith.constant 632 : i32
    %mul3A_240 = arith.muli %arg1, %mul3A_239 : i32
    %add3A_241 = arith.constant 624 : i32
    %add3A_242 = arith.addi %mul3A_240, %add3A_241 : i32
    "tpu.region"() ({
      %run_scoped3A = tpu.sem_alloc : memref<!tpu.dma_semaphore, #tpu.memory_space<semaphore_mem>>
      %dma_start3A_243 = arith.constant 0 : i32
      %dma_start3A_244 = arith.constant 0 : i32
      %dma_start3A_245 = tpu.memref_slice %arg34[%dma_start3A_243, %dma_start3A_244] : memref<48x64xf32, #tpu.memory_space<vmem>> -> memref<8x64xf32, #tpu.memory_space<vmem>>
      %dma_start3A_246 = arith.constant 0 : i32
      %dma_start3A_247 = tpu.memref_slice %arg7[%arg0, %add3A_242, %dma_start3A_246] : memref<2x10112x64xf32, #tpu.memory_space<hbm>> -> memref<1x8x64xf32, #tpu.memory_space<hbm>>
      %dma_start3A_248 = tpu.memref_squeeze %dma_start3A_247 : memref<1x8x64xf32, #tpu.memory_space<hbm>> -> memref<8x64xf32, #tpu.memory_space<hbm>>
      %dma_start3A_249 = arith.constant 0 : i32
      %dma_start3A_250 = tpu.memref_slice %arg7[%arg0, %add3A_242, %dma_start3A_249] : memref<2x10112x64xf32, #tpu.memory_space<hbm>> -> memref<1x8x64xf32, #tpu.memory_space<hbm>>
      %dma_start3A_251 = tpu.memref_squeeze %dma_start3A_250 : memref<1x8x64xf32, #tpu.memory_space<hbm>> -> memref<8x64xf32, #tpu.memory_space<hbm>>
      %dma_start3A_252 = arith.constant 0 : i32
      %dma_start3A_253 = arith.constant 0 : i32
      %dma_start3A_254 = tpu.memref_slice %arg34[%dma_start3A_252, %dma_start3A_253] : memref<48x64xf32, #tpu.memory_space<vmem>> -> memref<8x64xf32, #tpu.memory_space<vmem>>
      tpu.enqueue_dma source(%dma_start3A_254 : memref<8x64xf32, #tpu.memory_space<vmem>>) target(%dma_start3A_251 : memref<8x64xf32, #tpu.memory_space<hbm>>) target_semaphore(%run_scoped3A : memref<!tpu.dma_semaphore, #tpu.memory_space<semaphore_mem>>)
      %dma_wait3A_255 = arith.constant 0 : i32
      %dma_wait3A_256 = arith.constant 0 : i32
      %dma_wait3A_257 = tpu.memref_slice %arg34[%dma_wait3A_255, %dma_wait3A_256] : memref<48x64xf32, #tpu.memory_space<vmem>> -> memref<8x64xf32, #tpu.memory_space<vmem>>
      %dma_wait3A_258 = arith.constant 0 : i32
      %dma_wait3A_259 = tpu.memref_slice %arg7[%arg0, %add3A_242, %dma_wait3A_258] : memref<2x10112x64xf32, #tpu.memory_space<hbm>> -> memref<1x8x64xf32, #tpu.memory_space<hbm>>
      %dma_wait3A_260 = tpu.memref_squeeze %dma_wait3A_259 : memref<1x8x64xf32, #tpu.memory_space<hbm>> -> memref<8x64xf32, #tpu.memory_space<hbm>>
      %dma_wait3A_261 = arith.constant 0 : i32
      %dma_wait3A_262 = tpu.memref_slice %arg7[%arg0, %add3A_242, %dma_wait3A_261] : memref<2x10112x64xf32, #tpu.memory_space<hbm>> -> memref<1x8x64xf32, #tpu.memory_space<hbm>>
      %dma_wait3A_263 = tpu.memref_squeeze %dma_wait3A_262 : memref<1x8x64xf32, #tpu.memory_space<hbm>> -> memref<8x64xf32, #tpu.memory_space<hbm>>
      %dma_wait3A_264 = arith.constant 0 : i32
      %dma_wait3A_265 = arith.constant 0 : i32
      %dma_wait3A_266 = tpu.memref_slice %arg34[%dma_wait3A_264, %dma_wait3A_265] : memref<48x64xf32, #tpu.memory_space<vmem>> -> memref<8x64xf32, #tpu.memory_space<vmem>>
      tpu.wait_dma2 semaphore(%run_scoped3A : memref<!tpu.dma_semaphore, #tpu.memory_space<semaphore_mem>>) src(%dma_wait3A_266 : memref<8x64xf32, #tpu.memory_space<vmem>>) dst(%dma_wait3A_263 : memref<8x64xf32, #tpu.memory_space<hbm>>)
      tpu.yield
    }) : () -> ()
    return
  }
}

module attributes {stable_mosaic.version = 14 : i64} {
  func.func @_pre_body(%arg0: i32, %arg1: memref<1000x128xf32, #tpu.memory_space<vmem>>, %arg2: memref<128x128xf32, #tpu.memory_space<vmem>>, %arg3: memref<128x128xf32, #tpu.memory_space<vmem>>, %arg4: memref<1000x128xf32, #tpu.memory_space<vmem>>, %arg5: memref<1000x128xf32, #tpu.memory_space<vmem>>) attributes {dimension_semantics = [#tpu.dimension_semantics<arbitrary>], iteration_bounds = array<i64: 10>, scalar_prefetch = 0 : i64, scratch_operands = 0 : i64, tpu.core_type = #tpu.core_type<tc>, window_params = [{transform_indices = @transform_0, window_bounds = array<i64: 1000, 128>}, {pipeline_mode = #tpu.pipeline_mode<synchronous>, transform_indices = @transform_1, window_bounds = array<i64: 128, 128>}, {pipeline_mode = #tpu.pipeline_mode<synchronous>, transform_indices = @transform_2, window_bounds = array<i64: 128, 128>}, {transform_indices = @transform_3, window_bounds = array<i64: 1000, 128>}, {transform_indices = @transform_4, window_bounds = array<i64: 1000, 128>}]} {
    %get3A = arith.constant 0 : index
    %get3A_0 = arith.constant 0 : index
    %get3A_1 = vector.load %arg1[%get3A, %get3A_0] : memref<1000x128xf32, #tpu.memory_space<vmem>>, vector<1000x128xf32>
    %get3A_2 = arith.constant 0 : index
    %get3A_3 = arith.constant 0 : index
    %get3A_4 = vector.load %arg2[%get3A_2, %get3A_3] : memref<128x128xf32, #tpu.memory_space<vmem>>, vector<128x128xf32>
    %dot_general3A = arith.constant dense<0.000000e+00> : vector<1000x128xf32>
    %dot_general3A_5 = tpu.matmul %get3A_1, %get3A_4, %dot_general3A {dimension_numbers = #tpu.dot_dimension_numbers<[1], [0], [0], [1], [0, 0, 1, 1], [], []>, transpose_lhs_hint = false} : vector<1000x128xf32>, vector<128x128xf32>, vector<1000x128xf32> -> vector<1000x128xf32>
    %swap3A = arith.constant 0 : index
    %swap3A_6 = arith.constant 0 : index
    %swap3A_7 = vector.load %arg4[%swap3A, %swap3A_6] : memref<1000x128xf32, #tpu.memory_space<vmem>>, vector<1000x128xf32>
    tpu.vector_store %arg4[%swap3A, %swap3A_6], %dot_general3A_5 {strides = array<i32>} : memref<1000x128xf32, #tpu.memory_space<vmem>>, vector<1000x128xf32>,
    %get3A_8 = arith.constant 0 : index
    %get3A_9 = arith.constant 0 : index
    %get3A_10 = vector.load %arg3[%get3A_8, %get3A_9] : memref<128x128xf32, #tpu.memory_space<vmem>>, vector<128x128xf32>
    %dot_general3A_11 = arith.constant dense<0.000000e+00> : vector<1000x128xf32>
    %dot_general3A_12 = tpu.matmul %get3A_1, %get3A_10, %dot_general3A_11 {dimension_numbers = #tpu.dot_dimension_numbers<[1], [0], [0], [1], [0, 0, 1, 1], [], []>, transpose_lhs_hint = false} : vector<1000x128xf32>, vector<128x128xf32>, vector<1000x128xf32> -> vector<1000x128xf32>
    %swap3A_13 = arith.constant 0 : index
    %swap3A_14 = arith.constant 0 : index
    %swap3A_15 = vector.load %arg5[%swap3A_13, %swap3A_14] : memref<1000x128xf32, #tpu.memory_space<vmem>>, vector<1000x128xf32>
    tpu.vector_store %arg5[%swap3A_13, %swap3A_14], %dot_general3A_12 {strides = array<i32>} : memref<1000x128xf32, #tpu.memory_space<vmem>>, vector<1000x128xf32>,
    return
  }
  func.func @transform_0(%arg0: i32) -> (i32, i32) {
    %c0_i32 = arith.constant 0 : i32
    %c0_i32_0 = arith.constant 0 : i32
    return %arg0, %c0_i32 : i32, i32
  }
  func.func @transform_1(%arg0: i32) -> (i32, i32) {
    %c0_i32 = arith.constant 0 : i32
    %c0_i32_0 = arith.constant 0 : i32
    %c0_i32_1 = arith.constant 0 : i32
    return %c0_i32, %c0_i32_0 : i32, i32
  }
  func.func @transform_2(%arg0: i32) -> (i32, i32) {
    %c0_i32 = arith.constant 0 : i32
    %c0_i32_0 = arith.constant 0 : i32
    %c0_i32_1 = arith.constant 0 : i32
    return %c0_i32, %c0_i32_0 : i32, i32
  }
  func.func @transform_3(%arg0: i32) -> (i32, i32) {
    %c0_i32 = arith.constant 0 : i32
    %c0_i32_0 = arith.constant 0 : i32
    return %arg0, %c0_i32 : i32, i32
  }
  func.func @transform_4(%arg0: i32) -> (i32, i32) {
    %c0_i32 = arith.constant 0 : i32
    %c0_i32_0 = arith.constant 0 : i32
    return %arg0, %c0_i32 : i32, i32
  }
}

module attributes {stable_mosaic.version = 14 : i64} {
  func.func @_edge_body(%arg0: i32, %arg1: memref<2000x128xf32, #tpu.memory_space<vmem>>, %arg2: memref<2000x128xf32, #tpu.memory_space<vmem>>, %arg3: memref<2000x128xf32, #tpu.memory_space<vmem>>, %arg4: memref<128x128xf32, #tpu.memory_space<vmem>>, %arg5: memref<1x128xf32, #tpu.memory_space<vmem>>, %arg6: memref<128x128xf32, #tpu.memory_space<vmem>>, %arg7: memref<1x128xf32, #tpu.memory_space<vmem>>, %arg8: memref<128x128xf32, #tpu.memory_space<vmem>>, %arg9: memref<1x128xf32, #tpu.memory_space<vmem>>, %arg10: memref<1x128xf32, #tpu.memory_space<vmem>>, %arg11: memref<1x128xf32, #tpu.memory_space<vmem>>, %arg12: memref<2000x128xf32, #tpu.memory_space<vmem>>, %arg13: memref<2000x64xf32, #tpu.memory_space<vmem>>, %arg14: memref<2000x64xf32, #tpu.memory_space<vmem>>) attributes {dimension_semantics = [#tpu.dimension_semantics<arbitrary>], iteration_bounds = array<i64: 80>, scalar_prefetch = 0 : i64, scratch_operands = 0 : i64, tpu.core_type = #tpu.core_type<tc>, window_params = [{transform_indices = @transform_0, window_bounds = array<i64: 2000, 128>}, {transform_indices = @transform_1, window_bounds = array<i64: 2000, 128>}, {transform_indices = @transform_2, window_bounds = array<i64: 2000, 128>}, {pipeline_mode = #tpu.pipeline_mode<synchronous>, transform_indices = @transform_3, window_bounds = array<i64: 128, 128>}, {pipeline_mode = #tpu.pipeline_mode<synchronous>, transform_indices = @transform_4, window_bounds = array<i64: 1, 128>}, {pipeline_mode = #tpu.pipeline_mode<synchronous>, transform_indices = @transform_5, window_bounds = array<i64: 128, 128>}, {pipeline_mode = #tpu.pipeline_mode<synchronous>, transform_indices = @transform_6, window_bounds = array<i64: 1, 128>}, {pipeline_mode = #tpu.pipeline_mode<synchronous>, transform_indices = @transform_7, window_bounds = array<i64: 128, 128>}, {pipeline_mode = #tpu.pipeline_mode<synchronous>, transform_indices = @transform_8, window_bounds = array<i64: 1, 128>}, {pipeline_mode = #tpu.pipeline_mode<synchronous>, transform_indices = @transform_9, window_bounds = array<i64: 1, 128>}, {pipeline_mode = #tpu.pipeline_mode<synchronous>, transform_indices = @transform_10, window_bounds = array<i64: 1, 128>}, {transform_indices = @transform_11, window_bounds = array<i64: 2000, 128>}, {transform_indices = @transform_12, window_bounds = array<i64: 2000, 64>}, {transform_indices = @transform_13, window_bounds = array<i64: 2000, 64>}]} {
    %get3A = arith.constant 0 : index
    %get3A_0 = arith.constant 0 : index
    %get3A_1 = vector.load %arg3[%get3A, %get3A_0] : memref<2000x128xf32, #tpu.memory_space<vmem>>, vector<2000x128xf32>
    %get3A_2 = arith.constant 0 : index
    %get3A_3 = arith.constant 0 : index
    %get3A_4 = vector.load %arg1[%get3A_2, %get3A_3] : memref<2000x128xf32, #tpu.memory_space<vmem>>, vector<2000x128xf32>
    %get3A_5 = arith.constant 0 : index
    %get3A_6 = arith.constant 0 : index
    %get3A_7 = vector.load %arg2[%get3A_5, %get3A_6] : memref<2000x128xf32, #tpu.memory_space<vmem>>, vector<2000x128xf32>
    %add3A = arith.addf %get3A_4, %get3A_7 : vector<2000x128xf32>
    %get3A_8 = arith.constant 0 : index
    %get3A_9 = arith.constant 0 : index
    %get3A_10 = vector.load %arg5[%get3A_8, %get3A_9] : memref<1x128xf32, #tpu.memory_space<vmem>>, vector<1x128xf32>
    %add3A_11 = vector.broadcast %get3A_10 : vector<1x128xf32> to vector<2000x128xf32>
    %add3A_12 = arith.addf %add3A, %add3A_11 : vector<2000x128xf32>
    %get3A_13 = arith.constant 0 : index
    %get3A_14 = arith.constant 0 : index
    %get3A_15 = vector.load %arg4[%get3A_13, %get3A_14] : memref<128x128xf32, #tpu.memory_space<vmem>>, vector<128x128xf32>
    %dot_general3A = arith.constant dense<0.000000e+00> : vector<2000x128xf32>
    %dot_general3A_16 = tpu.matmul %get3A_1, %get3A_15, %dot_general3A {dimension_numbers = #tpu.dot_dimension_numbers<[1], [0], [0], [1], [0, 0, 1, 1], [], []>, transpose_lhs_hint = false} : vector<2000x128xf32>, vector<128x128xf32>, vector<2000x128xf32> -> vector<2000x128xf32>
    %add3A_17 = arith.addf %add3A_12, %dot_general3A_16 : vector<2000x128xf32>
    %logistic3A = arith.negf %add3A_17 : vector<2000x128xf32>
    %logistic3A_18 = math.exp %logistic3A : vector<2000x128xf32>
    %logistic3A_19 = arith.constant 1.000000e+00 : f32
    %logistic3A_20 = vector.broadcast %logistic3A_19 : f32 to vector<2000x128xf32>
    %logistic3A_21 = arith.addf %logistic3A_20, %logistic3A_18 : vector<2000x128xf32>
    %logistic3A_22 = arith.divf %logistic3A_20, %logistic3A_21 : vector<2000x128xf32>
    %mul3A = arith.mulf %add3A_17, %logistic3A_22 : vector<2000x128xf32>
    %get3A_23 = arith.constant 0 : index
    %get3A_24 = arith.constant 0 : index
    %get3A_25 = vector.load %arg6[%get3A_23, %get3A_24] : memref<128x128xf32, #tpu.memory_space<vmem>>, vector<128x128xf32>
    %dot_general3A_26 = arith.constant dense<0.000000e+00> : vector<2000x128xf32>
    %dot_general3A_27 = tpu.matmul %mul3A, %get3A_25, %dot_general3A_26 {dimension_numbers = #tpu.dot_dimension_numbers<[1], [0], [0], [1], [0, 0, 1, 1], [], []>, transpose_lhs_hint = false} : vector<2000x128xf32>, vector<128x128xf32>, vector<2000x128xf32> -> vector<2000x128xf32>
    %get3A_28 = arith.constant 0 : index
    %get3A_29 = arith.constant 0 : index
    %get3A_30 = vector.load %arg7[%get3A_28, %get3A_29] : memref<1x128xf32, #tpu.memory_space<vmem>>, vector<1x128xf32>
    %add3A_31 = vector.broadcast %get3A_30 : vector<1x128xf32> to vector<2000x128xf32>
    %add3A_32 = arith.addf %dot_general3A_27, %add3A_31 : vector<2000x128xf32>
    %logistic3A_33 = arith.negf %add3A_32 : vector<2000x128xf32>
    %logistic3A_34 = math.exp %logistic3A_33 : vector<2000x128xf32>
    %logistic3A_35 = arith.constant 1.000000e+00 : f32
    %logistic3A_36 = vector.broadcast %logistic3A_35 : f32 to vector<2000x128xf32>
    %logistic3A_37 = arith.addf %logistic3A_36, %logistic3A_34 : vector<2000x128xf32>
    %logistic3A_38 = arith.divf %logistic3A_36, %logistic3A_37 : vector<2000x128xf32>
    %mul3A_39 = arith.mulf %add3A_32, %logistic3A_38 : vector<2000x128xf32>
    %get3A_40 = arith.constant 0 : index
    %get3A_41 = arith.constant 0 : index
    %get3A_42 = vector.load %arg8[%get3A_40, %get3A_41] : memref<128x128xf32, #tpu.memory_space<vmem>>, vector<128x128xf32>
    %dot_general3A_43 = arith.constant dense<0.000000e+00> : vector<2000x128xf32>
    %dot_general3A_44 = tpu.matmul %mul3A_39, %get3A_42, %dot_general3A_43 {dimension_numbers = #tpu.dot_dimension_numbers<[1], [0], [0], [1], [0, 0, 1, 1], [], []>, transpose_lhs_hint = false} : vector<2000x128xf32>, vector<128x128xf32>, vector<2000x128xf32> -> vector<2000x128xf32>
    %get3A_45 = arith.constant 0 : index
    %get3A_46 = arith.constant 0 : index
    %get3A_47 = vector.load %arg9[%get3A_45, %get3A_46] : memref<1x128xf32, #tpu.memory_space<vmem>>, vector<1x128xf32>
    %add3A_48 = vector.broadcast %get3A_47 : vector<1x128xf32> to vector<2000x128xf32>
    %add3A_49 = arith.addf %dot_general3A_44, %add3A_48 : vector<2000x128xf32>
    %get3A_50 = arith.constant 0 : index
    %get3A_51 = arith.constant 0 : index
    %get3A_52 = vector.load %arg10[%get3A_50, %get3A_51] : memref<1x128xf32, #tpu.memory_space<vmem>>, vector<1x128xf32>
    %get3A_53 = arith.constant 0 : index
    %get3A_54 = arith.constant 0 : index
    %get3A_55 = vector.load %arg11[%get3A_53, %get3A_54] : memref<1x128xf32, #tpu.memory_space<vmem>>, vector<1x128xf32>
    %reduce_sum3A = arith.constant dense<0.000000e+00> : vector<2000xf32>
    %reduce_sum3A_56 = vector.multi_reduction <add>, %add3A_49, %reduce_sum3A [1] : vector<2000x128xf32> to vector<2000xf32>
    %broadcast_in_dim3A = vector.shape_cast %reduce_sum3A_56 : vector<2000xf32> to vector<2000x1xf32>
    %div3A = arith.constant 1.280000e+02 : f32
    %div3A_57 = vector.broadcast %div3A : f32 to vector<2000x1xf32>
    %div3A_58 = arith.divf %broadcast_in_dim3A, %div3A_57 : vector<2000x1xf32>
    %jit3A = arith.constant 0 : i32
    %reduce_sum3A_59 = arith.constant dense<0.000000e+00> : vector<2000xf32>
    %reduce_sum3A_60 = vector.multi_reduction <add>, %add3A_49, %reduce_sum3A_59 [1] : vector<2000x128xf32> to vector<2000xf32>
    %broadcast_in_dim3A_61 = vector.shape_cast %reduce_sum3A_60 : vector<2000xf32> to vector<2000x1xf32>
    %div3A_62 = arith.constant 1.280000e+02 : f32
    %div3A_63 = vector.broadcast %div3A_62 : f32 to vector<2000x1xf32>
    %div3A_64 = arith.divf %broadcast_in_dim3A_61, %div3A_63 : vector<2000x1xf32>
    %sub3A = vector.broadcast %div3A_64 : vector<2000x1xf32> to vector<2000x128xf32>
    %sub3A_65 = arith.subf %add3A_49, %sub3A : vector<2000x128xf32>
    %square3A = arith.mulf %sub3A_65, %sub3A_65 : vector<2000x128xf32>
    %convert_element_type3A = arith.sitofp %jit3A : i32 to f32
    %sub3A_66 = arith.constant 1.280000e+02 : f32
    %sub3A_67 = arith.subf %sub3A_66, %convert_element_type3A : f32
    %reduce_sum3A_68 = arith.constant dense<0.000000e+00> : vector<2000xf32>
    %reduce_sum3A_69 = vector.multi_reduction <add>, %square3A, %reduce_sum3A_68 [1] : vector<2000x128xf32> to vector<2000xf32>
    %broadcast_in_dim3A_70 = vector.shape_cast %reduce_sum3A_69 : vector<2000xf32> to vector<2000x1xf32>
    %div3A_71 = vector.broadcast %sub3A_67 : f32 to vector<2000x1xf32>
    %div3A_72 = arith.divf %broadcast_in_dim3A_70, %div3A_71 : vector<2000x1xf32>
    %gt3A = arith.constant 0.000000e+00 : f32
    %gt3A_73 = arith.cmpf ogt, %sub3A_67, %gt3A : f32
    %jit3A_74 = arith.constant 0x7FC00000 : f32
    %broadcast_in_dim3A_75 = vector.broadcast %jit3A_74 : f32 to vector<2000x1xf32>
    %select_n3A = arith.select %gt3A_73, %div3A_72, %broadcast_in_dim3A_75 : vector<2000x1xf32>
    %sub3A_76 = vector.broadcast %div3A_58 : vector<2000x1xf32> to vector<2000x128xf32>
    %sub3A_77 = arith.subf %add3A_49, %sub3A_76 : vector<2000x128xf32>
    %add3A_78 = arith.constant 9.99999974E-6 : f32
    %add3A_79 = vector.broadcast %add3A_78 : f32 to vector<2000x1xf32>
    %add3A_80 = arith.addf %select_n3A, %add3A_79 : vector<2000x1xf32>
    %sqrt3A = math.sqrt %add3A_80 : vector<2000x1xf32>
    %div3A_81 = vector.broadcast %sqrt3A : vector<2000x1xf32> to vector<2000x128xf32>
    %div3A_82 = arith.divf %sub3A_77, %div3A_81 : vector<2000x128xf32>
    %mul3A_83 = vector.broadcast %get3A_52 : vector<1x128xf32> to vector<2000x128xf32>
    %mul3A_84 = arith.mulf %div3A_82, %mul3A_83 : vector<2000x128xf32>
    %add3A_85 = vector.broadcast %get3A_55 : vector<1x128xf32> to vector<2000x128xf32>
    %add3A_86 = arith.addf %mul3A_84, %add3A_85 : vector<2000x128xf32>
    %add3A_87 = arith.addf %add3A_86, %get3A_1 : vector<2000x128xf32>
    %swap3A = arith.constant 0 : index
    %swap3A_88 = arith.constant 0 : index
    %swap3A_89 = vector.load %arg12[%swap3A, %swap3A_88] : memref<2000x128xf32, #tpu.memory_space<vmem>>, vector<2000x128xf32>
    tpu.vector_store %arg12[%swap3A, %swap3A_88], %add3A_87 {strides = array<i32>} : memref<2000x128xf32, #tpu.memory_space<vmem>>, vector<2000x128xf32>,
    %slice3A = vector.extract_strided_slice %add3A_86 {offsets = [0, 0], sizes = [2000, 64], strides = [1, 1]} : vector<2000x128xf32> to vector<2000x64xf32>
    %swap3A_90 = arith.constant 0 : index
    %swap3A_91 = arith.constant 0 : index
    %swap3A_92 = vector.load %arg13[%swap3A_90, %swap3A_91] : memref<2000x64xf32, #tpu.memory_space<vmem>>, vector<2000x64xf32>
    tpu.vector_store %arg13[%swap3A_90, %swap3A_91], %slice3A {strides = array<i32>} : memref<2000x64xf32, #tpu.memory_space<vmem>>, vector<2000x64xf32>,
    %slice3A_93 = vector.extract_strided_slice %add3A_86 {offsets = [0, 64], sizes = [2000, 64], strides = [1, 1]} : vector<2000x128xf32> to vector<2000x64xf32>
    %swap3A_94 = arith.constant 0 : index
    %swap3A_95 = arith.constant 0 : index
    %swap3A_96 = vector.load %arg14[%swap3A_94, %swap3A_95] : memref<2000x64xf32, #tpu.memory_space<vmem>>, vector<2000x64xf32>
    tpu.vector_store %arg14[%swap3A_94, %swap3A_95], %slice3A_93 {strides = array<i32>} : memref<2000x64xf32, #tpu.memory_space<vmem>>, vector<2000x64xf32>,
    return
  }
  func.func @transform_0(%arg0: i32) -> (i32, i32) {
    %c0_i32 = arith.constant 0 : i32
    %c0_i32_0 = arith.constant 0 : i32
    return %arg0, %c0_i32 : i32, i32
  }
  func.func @transform_1(%arg0: i32) -> (i32, i32) {
    %c0_i32 = arith.constant 0 : i32
    %c0_i32_0 = arith.constant 0 : i32
    return %arg0, %c0_i32 : i32, i32
  }
  func.func @transform_2(%arg0: i32) -> (i32, i32) {
    %c0_i32 = arith.constant 0 : i32
    %c0_i32_0 = arith.constant 0 : i32
    return %arg0, %c0_i32 : i32, i32
  }
  func.func @transform_3(%arg0: i32) -> (i32, i32) {
    %c0_i32 = arith.constant 0 : i32
    %c0_i32_0 = arith.constant 0 : i32
    %c0_i32_1 = arith.constant 0 : i32
    return %c0_i32, %c0_i32_0 : i32, i32
  }
  func.func @transform_4(%arg0: i32) -> (i32, i32) {
    %c0_i32 = arith.constant 0 : i32
    %c0_i32_0 = arith.constant 0 : i32
    %c0_i32_1 = arith.constant 0 : i32
    return %c0_i32, %c0_i32_0 : i32, i32
  }
  func.func @transform_5(%arg0: i32) -> (i32, i32) {
    %c0_i32 = arith.constant 0 : i32
    %c0_i32_0 = arith.constant 0 : i32
    %c0_i32_1 = arith.constant 0 : i32
    return %c0_i32, %c0_i32_0 : i32, i32
  }
  func.func @transform_6(%arg0: i32) -> (i32, i32) {
    %c0_i32 = arith.constant 0 : i32
    %c0_i32_0 = arith.constant 0 : i32
    %c0_i32_1 = arith.constant 0 : i32
    return %c0_i32, %c0_i32_0 : i32, i32
  }
  func.func @transform_7(%arg0: i32) -> (i32, i32) {
    %c0_i32 = arith.constant 0 : i32
    %c0_i32_0 = arith.constant 0 : i32
    %c0_i32_1 = arith.constant 0 : i32
    return %c0_i32, %c0_i32_0 : i32, i32
  }
  func.func @transform_8(%arg0: i32) -> (i32, i32) {
    %c0_i32 = arith.constant 0 : i32
    %c0_i32_0 = arith.constant 0 : i32
    %c0_i32_1 = arith.constant 0 : i32
    return %c0_i32, %c0_i32_0 : i32, i32
  }
  func.func @transform_9(%arg0: i32) -> (i32, i32) {
    %c0_i32 = arith.constant 0 : i32
    %c0_i32_0 = arith.constant 0 : i32
    %c0_i32_1 = arith.constant 0 : i32
    return %c0_i32, %c0_i32_0 : i32, i32
  }
  func.func @transform_10(%arg0: i32) -> (i32, i32) {
    %c0_i32 = arith.constant 0 : i32
    %c0_i32_0 = arith.constant 0 : i32
    %c0_i32_1 = arith.constant 0 : i32
    return %c0_i32, %c0_i32_0 : i32, i32
  }
  func.func @transform_11(%arg0: i32) -> (i32, i32) {
    %c0_i32 = arith.constant 0 : i32
    %c0_i32_0 = arith.constant 0 : i32
    return %arg0, %c0_i32 : i32, i32
  }
  func.func @transform_12(%arg0: i32) -> (i32, i32) {
    %c0_i32 = arith.constant 0 : i32
    %c0_i32_0 = arith.constant 0 : i32
    return %arg0, %c0_i32 : i32, i32
  }
  func.func @transform_13(%arg0: i32) -> (i32, i32) {
    %c0_i32 = arith.constant 0 : i32
    %c0_i32_0 = arith.constant 0 : i32
    return %arg0, %c0_i32 : i32, i32
  }
}

module attributes {stable_mosaic.version = 14 : i64} {
  func.func @_node_body(%arg0: i32, %arg1: memref<1000x128xf32, #tpu.memory_space<vmem>>, %arg2: memref<1000x64xf32, #tpu.memory_space<vmem>>, %arg3: memref<1000x64xf32, #tpu.memory_space<vmem>>, %arg4: memref<128x128xf32, #tpu.memory_space<vmem>>, %arg5: memref<64x128xf32, #tpu.memory_space<vmem>>, %arg6: memref<1x128xf32, #tpu.memory_space<vmem>>, %arg7: memref<128x128xf32, #tpu.memory_space<vmem>>, %arg8: memref<1x128xf32, #tpu.memory_space<vmem>>, %arg9: memref<128x128xf32, #tpu.memory_space<vmem>>, %arg10: memref<1x128xf32, #tpu.memory_space<vmem>>, %arg11: memref<1x128xf32, #tpu.memory_space<vmem>>, %arg12: memref<1x128xf32, #tpu.memory_space<vmem>>, %arg13: memref<1000x128xf32, #tpu.memory_space<vmem>>) attributes {dimension_semantics = [#tpu.dimension_semantics<arbitrary>], iteration_bounds = array<i64: 10>, scalar_prefetch = 0 : i64, scratch_operands = 0 : i64, tpu.core_type = #tpu.core_type<tc>, window_params = [{transform_indices = @transform_0, window_bounds = array<i64: 1000, 128>}, {transform_indices = @transform_1, window_bounds = array<i64: 1000, 64>}, {transform_indices = @transform_2, window_bounds = array<i64: 1000, 64>}, {pipeline_mode = #tpu.pipeline_mode<synchronous>, transform_indices = @transform_3, window_bounds = array<i64: 128, 128>}, {pipeline_mode = #tpu.pipeline_mode<synchronous>, transform_indices = @transform_4, window_bounds = array<i64: 64, 128>}, {pipeline_mode = #tpu.pipeline_mode<synchronous>, transform_indices = @transform_5, window_bounds = array<i64: 1, 128>}, {pipeline_mode = #tpu.pipeline_mode<synchronous>, transform_indices = @transform_6, window_bounds = array<i64: 128, 128>}, {pipeline_mode = #tpu.pipeline_mode<synchronous>, transform_indices = @transform_7, window_bounds = array<i64: 1, 128>}, {pipeline_mode = #tpu.pipeline_mode<synchronous>, transform_indices = @transform_8, window_bounds = array<i64: 128, 128>}, {pipeline_mode = #tpu.pipeline_mode<synchronous>, transform_indices = @transform_9, window_bounds = array<i64: 1, 128>}, {pipeline_mode = #tpu.pipeline_mode<synchronous>, transform_indices = @transform_10, window_bounds = array<i64: 1, 128>}, {pipeline_mode = #tpu.pipeline_mode<synchronous>, transform_indices = @transform_11, window_bounds = array<i64: 1, 128>}, {transform_indices = @transform_12, window_bounds = array<i64: 1000, 128>}]} {
    %get3A = arith.constant 0 : index
    %get3A_0 = arith.constant 0 : index
    %get3A_1 = vector.load %arg1[%get3A, %get3A_0] : memref<1000x128xf32, #tpu.memory_space<vmem>>, vector<1000x128xf32>
    %get3A_2 = arith.constant 0 : index
    %get3A_3 = arith.constant 0 : index
    %get3A_4 = vector.load %arg2[%get3A_2, %get3A_3] : memref<1000x64xf32, #tpu.memory_space<vmem>>, vector<1000x64xf32>
    %get3A_5 = arith.constant 0 : index
    %get3A_6 = arith.constant 0 : index
    %get3A_7 = vector.load %arg3[%get3A_5, %get3A_6] : memref<1000x64xf32, #tpu.memory_space<vmem>>, vector<1000x64xf32>
    %add3A = arith.addf %get3A_4, %get3A_7 : vector<1000x64xf32>
    %get3A_8 = arith.constant 0 : index
    %get3A_9 = arith.constant 0 : index
    %get3A_10 = vector.load %arg4[%get3A_8, %get3A_9] : memref<128x128xf32, #tpu.memory_space<vmem>>, vector<128x128xf32>
    %dot_general3A = arith.constant dense<0.000000e+00> : vector<1000x128xf32>
    %dot_general3A_11 = tpu.matmul %get3A_1, %get3A_10, %dot_general3A {dimension_numbers = #tpu.dot_dimension_numbers<[1], [0], [0], [1], [0, 0, 1, 1], [], []>, transpose_lhs_hint = false} : vector<1000x128xf32>, vector<128x128xf32>, vector<1000x128xf32> -> vector<1000x128xf32>
    %get3A_12 = arith.constant 0 : index
    %get3A_13 = arith.constant 0 : index
    %get3A_14 = vector.load %arg5[%get3A_12, %get3A_13] : memref<64x128xf32, #tpu.memory_space<vmem>>, vector<64x128xf32>
    %dot_general3A_15 = arith.constant dense<0.000000e+00> : vector<1000x128xf32>
    %dot_general3A_16 = tpu.matmul %add3A, %get3A_14, %dot_general3A_15 {dimension_numbers = #tpu.dot_dimension_numbers<[1], [0], [0], [1], [0, 0, 1, 1], [], []>, transpose_lhs_hint = false} : vector<1000x64xf32>, vector<64x128xf32>, vector<1000x128xf32> -> vector<1000x128xf32>
    %add3A_17 = arith.addf %dot_general3A_11, %dot_general3A_16 : vector<1000x128xf32>
    %get3A_18 = arith.constant 0 : index
    %get3A_19 = arith.constant 0 : index
    %get3A_20 = vector.load %arg6[%get3A_18, %get3A_19] : memref<1x128xf32, #tpu.memory_space<vmem>>, vector<1x128xf32>
    %add3A_21 = vector.broadcast %get3A_20 : vector<1x128xf32> to vector<1000x128xf32>
    %add3A_22 = arith.addf %add3A_17, %add3A_21 : vector<1000x128xf32>
    %logistic3A = arith.negf %add3A_22 : vector<1000x128xf32>
    %logistic3A_23 = math.exp %logistic3A : vector<1000x128xf32>
    %logistic3A_24 = arith.constant 1.000000e+00 : f32
    %logistic3A_25 = vector.broadcast %logistic3A_24 : f32 to vector<1000x128xf32>
    %logistic3A_26 = arith.addf %logistic3A_25, %logistic3A_23 : vector<1000x128xf32>
    %logistic3A_27 = arith.divf %logistic3A_25, %logistic3A_26 : vector<1000x128xf32>
    %mul3A = arith.mulf %add3A_22, %logistic3A_27 : vector<1000x128xf32>
    %get3A_28 = arith.constant 0 : index
    %get3A_29 = arith.constant 0 : index
    %get3A_30 = vector.load %arg7[%get3A_28, %get3A_29] : memref<128x128xf32, #tpu.memory_space<vmem>>, vector<128x128xf32>
    %dot_general3A_31 = arith.constant dense<0.000000e+00> : vector<1000x128xf32>
    %dot_general3A_32 = tpu.matmul %mul3A, %get3A_30, %dot_general3A_31 {dimension_numbers = #tpu.dot_dimension_numbers<[1], [0], [0], [1], [0, 0, 1, 1], [], []>, transpose_lhs_hint = false} : vector<1000x128xf32>, vector<128x128xf32>, vector<1000x128xf32> -> vector<1000x128xf32>
    %get3A_33 = arith.constant 0 : index
    %get3A_34 = arith.constant 0 : index
    %get3A_35 = vector.load %arg8[%get3A_33, %get3A_34] : memref<1x128xf32, #tpu.memory_space<vmem>>, vector<1x128xf32>
    %add3A_36 = vector.broadcast %get3A_35 : vector<1x128xf32> to vector<1000x128xf32>
    %add3A_37 = arith.addf %dot_general3A_32, %add3A_36 : vector<1000x128xf32>
    %logistic3A_38 = arith.negf %add3A_37 : vector<1000x128xf32>
    %logistic3A_39 = math.exp %logistic3A_38 : vector<1000x128xf32>
    %logistic3A_40 = arith.constant 1.000000e+00 : f32
    %logistic3A_41 = vector.broadcast %logistic3A_40 : f32 to vector<1000x128xf32>
    %logistic3A_42 = arith.addf %logistic3A_41, %logistic3A_39 : vector<1000x128xf32>
    %logistic3A_43 = arith.divf %logistic3A_41, %logistic3A_42 : vector<1000x128xf32>
    %mul3A_44 = arith.mulf %add3A_37, %logistic3A_43 : vector<1000x128xf32>
    %get3A_45 = arith.constant 0 : index
    %get3A_46 = arith.constant 0 : index
    %get3A_47 = vector.load %arg9[%get3A_45, %get3A_46] : memref<128x128xf32, #tpu.memory_space<vmem>>, vector<128x128xf32>
    %dot_general3A_48 = arith.constant dense<0.000000e+00> : vector<1000x128xf32>
    %dot_general3A_49 = tpu.matmul %mul3A_44, %get3A_47, %dot_general3A_48 {dimension_numbers = #tpu.dot_dimension_numbers<[1], [0], [0], [1], [0, 0, 1, 1], [], []>, transpose_lhs_hint = false} : vector<1000x128xf32>, vector<128x128xf32>, vector<1000x128xf32> -> vector<1000x128xf32>
    %get3A_50 = arith.constant 0 : index
    %get3A_51 = arith.constant 0 : index
    %get3A_52 = vector.load %arg10[%get3A_50, %get3A_51] : memref<1x128xf32, #tpu.memory_space<vmem>>, vector<1x128xf32>
    %add3A_53 = vector.broadcast %get3A_52 : vector<1x128xf32> to vector<1000x128xf32>
    %add3A_54 = arith.addf %dot_general3A_49, %add3A_53 : vector<1000x128xf32>
    %get3A_55 = arith.constant 0 : index
    %get3A_56 = arith.constant 0 : index
    %get3A_57 = vector.load %arg11[%get3A_55, %get3A_56] : memref<1x128xf32, #tpu.memory_space<vmem>>, vector<1x128xf32>
    %get3A_58 = arith.constant 0 : index
    %get3A_59 = arith.constant 0 : index
    %get3A_60 = vector.load %arg12[%get3A_58, %get3A_59] : memref<1x128xf32, #tpu.memory_space<vmem>>, vector<1x128xf32>
    %reduce_sum3A = arith.constant dense<0.000000e+00> : vector<1000xf32>
    %reduce_sum3A_61 = vector.multi_reduction <add>, %add3A_54, %reduce_sum3A [1] : vector<1000x128xf32> to vector<1000xf32>
    %broadcast_in_dim3A = vector.shape_cast %reduce_sum3A_61 : vector<1000xf32> to vector<1000x1xf32>
    %div3A = arith.constant 1.280000e+02 : f32
    %div3A_62 = vector.broadcast %div3A : f32 to vector<1000x1xf32>
    %div3A_63 = arith.divf %broadcast_in_dim3A, %div3A_62 : vector<1000x1xf32>
    %jit3A = arith.constant 0 : i32
    %reduce_sum3A_64 = arith.constant dense<0.000000e+00> : vector<1000xf32>
    %reduce_sum3A_65 = vector.multi_reduction <add>, %add3A_54, %reduce_sum3A_64 [1] : vector<1000x128xf32> to vector<1000xf32>
    %broadcast_in_dim3A_66 = vector.shape_cast %reduce_sum3A_65 : vector<1000xf32> to vector<1000x1xf32>
    %div3A_67 = arith.constant 1.280000e+02 : f32
    %div3A_68 = vector.broadcast %div3A_67 : f32 to vector<1000x1xf32>
    %div3A_69 = arith.divf %broadcast_in_dim3A_66, %div3A_68 : vector<1000x1xf32>
    %sub3A = vector.broadcast %div3A_69 : vector<1000x1xf32> to vector<1000x128xf32>
    %sub3A_70 = arith.subf %add3A_54, %sub3A : vector<1000x128xf32>
    %square3A = arith.mulf %sub3A_70, %sub3A_70 : vector<1000x128xf32>
    %convert_element_type3A = arith.sitofp %jit3A : i32 to f32
    %sub3A_71 = arith.constant 1.280000e+02 : f32
    %sub3A_72 = arith.subf %sub3A_71, %convert_element_type3A : f32
    %reduce_sum3A_73 = arith.constant dense<0.000000e+00> : vector<1000xf32>
    %reduce_sum3A_74 = vector.multi_reduction <add>, %square3A, %reduce_sum3A_73 [1] : vector<1000x128xf32> to vector<1000xf32>
    %broadcast_in_dim3A_75 = vector.shape_cast %reduce_sum3A_74 : vector<1000xf32> to vector<1000x1xf32>
    %div3A_76 = vector.broadcast %sub3A_72 : f32 to vector<1000x1xf32>
    %div3A_77 = arith.divf %broadcast_in_dim3A_75, %div3A_76 : vector<1000x1xf32>
    %gt3A = arith.constant 0.000000e+00 : f32
    %gt3A_78 = arith.cmpf ogt, %sub3A_72, %gt3A : f32
    %jit3A_79 = arith.constant 0x7FC00000 : f32
    %broadcast_in_dim3A_80 = vector.broadcast %jit3A_79 : f32 to vector<1000x1xf32>
    %select_n3A = arith.select %gt3A_78, %div3A_77, %broadcast_in_dim3A_80 : vector<1000x1xf32>
    %sub3A_81 = vector.broadcast %div3A_63 : vector<1000x1xf32> to vector<1000x128xf32>
    %sub3A_82 = arith.subf %add3A_54, %sub3A_81 : vector<1000x128xf32>
    %add3A_83 = arith.constant 9.99999974E-6 : f32
    %add3A_84 = vector.broadcast %add3A_83 : f32 to vector<1000x1xf32>
    %add3A_85 = arith.addf %select_n3A, %add3A_84 : vector<1000x1xf32>
    %sqrt3A = math.sqrt %add3A_85 : vector<1000x1xf32>
    %div3A_86 = vector.broadcast %sqrt3A : vector<1000x1xf32> to vector<1000x128xf32>
    %div3A_87 = arith.divf %sub3A_82, %div3A_86 : vector<1000x128xf32>
    %mul3A_88 = vector.broadcast %get3A_57 : vector<1x128xf32> to vector<1000x128xf32>
    %mul3A_89 = arith.mulf %div3A_87, %mul3A_88 : vector<1000x128xf32>
    %add3A_90 = vector.broadcast %get3A_60 : vector<1x128xf32> to vector<1000x128xf32>
    %add3A_91 = arith.addf %mul3A_89, %add3A_90 : vector<1000x128xf32>
    %add3A_92 = arith.addf %add3A_91, %get3A_1 : vector<1000x128xf32>
    %swap3A = arith.constant 0 : index
    %swap3A_93 = arith.constant 0 : index
    %swap3A_94 = vector.load %arg13[%swap3A, %swap3A_93] : memref<1000x128xf32, #tpu.memory_space<vmem>>, vector<1000x128xf32>
    tpu.vector_store %arg13[%swap3A, %swap3A_93], %add3A_92 {strides = array<i32>} : memref<1000x128xf32, #tpu.memory_space<vmem>>, vector<1000x128xf32>,
    return
  }
  func.func @transform_0(%arg0: i32) -> (i32, i32) {
    %c0_i32 = arith.constant 0 : i32
    %c0_i32_0 = arith.constant 0 : i32
    return %arg0, %c0_i32 : i32, i32
  }
  func.func @transform_1(%arg0: i32) -> (i32, i32) {
    %c0_i32 = arith.constant 0 : i32
    %c0_i32_0 = arith.constant 0 : i32
    return %arg0, %c0_i32 : i32, i32
  }
  func.func @transform_2(%arg0: i32) -> (i32, i32) {
    %c0_i32 = arith.constant 0 : i32
    %c0_i32_0 = arith.constant 0 : i32
    return %arg0, %c0_i32 : i32, i32
  }
  func.func @transform_3(%arg0: i32) -> (i32, i32) {
    %c0_i32 = arith.constant 0 : i32
    %c0_i32_0 = arith.constant 0 : i32
    %c0_i32_1 = arith.constant 0 : i32
    return %c0_i32, %c0_i32_0 : i32, i32
  }
  func.func @transform_4(%arg0: i32) -> (i32, i32) {
    %c0_i32 = arith.constant 0 : i32
    %c0_i32_0 = arith.constant 0 : i32
    %c0_i32_1 = arith.constant 0 : i32
    return %c0_i32, %c0_i32_0 : i32, i32
  }
  func.func @transform_5(%arg0: i32) -> (i32, i32) {
    %c0_i32 = arith.constant 0 : i32
    %c0_i32_0 = arith.constant 0 : i32
    %c0_i32_1 = arith.constant 0 : i32
    return %c0_i32, %c0_i32_0 : i32, i32
  }
  func.func @transform_6(%arg0: i32) -> (i32, i32) {
    %c0_i32 = arith.constant 0 : i32
    %c0_i32_0 = arith.constant 0 : i32
    %c0_i32_1 = arith.constant 0 : i32
    return %c0_i32, %c0_i32_0 : i32, i32
  }
  func.func @transform_7(%arg0: i32) -> (i32, i32) {
    %c0_i32 = arith.constant 0 : i32
    %c0_i32_0 = arith.constant 0 : i32
    %c0_i32_1 = arith.constant 0 : i32
    return %c0_i32, %c0_i32_0 : i32, i32
  }
  func.func @transform_8(%arg0: i32) -> (i32, i32) {
    %c0_i32 = arith.constant 0 : i32
    %c0_i32_0 = arith.constant 0 : i32
    %c0_i32_1 = arith.constant 0 : i32
    return %c0_i32, %c0_i32_0 : i32, i32
  }
  func.func @transform_9(%arg0: i32) -> (i32, i32) {
    %c0_i32 = arith.constant 0 : i32
    %c0_i32_0 = arith.constant 0 : i32
    %c0_i32_1 = arith.constant 0 : i32
    return %c0_i32, %c0_i32_0 : i32, i32
  }
  func.func @transform_10(%arg0: i32) -> (i32, i32) {
    %c0_i32 = arith.constant 0 : i32
    %c0_i32_0 = arith.constant 0 : i32
    %c0_i32_1 = arith.constant 0 : i32
    return %c0_i32, %c0_i32_0 : i32, i32
  }
  func.func @transform_11(%arg0: i32) -> (i32, i32) {
    %c0_i32 = arith.constant 0 : i32
    %c0_i32_0 = arith.constant 0 : i32
    %c0_i32_1 = arith.constant 0 : i32
    return %c0_i32, %c0_i32_0 : i32, i32
  }
  func.func @transform_12(%arg0: i32) -> (i32, i32) {
    %c0_i32 = arith.constant 0 : i32
    %c0_i32_0 = arith.constant 0 : i32
    return %arg0, %c0_i32 : i32, i32
  }
}

</mosaic_0001>

<sc_bundles>
// kernel: kernel.10.cloned.1.call-start
scs
__scs_entry_jumppad:
0x0: {  	(pc) =	sbr.rel $0x88, $3  }
0x1: {  	(tag) =	ssettag $0x0;
	lr =	simm.s32 $0x1  }
0x2: {  	[smem:$0x3F8E] =	sst lr;
	_ =	strace $0xD0000000  }
0x3: {  	_ = 	snop  }
0x4: {  	_ = 	snop  }
0x5: {  	_ = 	snop  }
0x6: {  	_ = 	snop  }
0x7: {  	_ = 	snop  }
__scs_overlays_trampoline_lowered:
0x8: {  	[smem:$0x3F9D] =	sst s0  }
0x9: {  	[smem:$0x3F9E] =	sst s1  }
0xa: {  	[smem:$0x3F9F] =	sst s2  }
0xb: {  	[smem:$0x3FA0] =	sst s3  }
0xc: {  	[smem:$0x3FA1] =	sst s4  }
0xd: {  	[smem:$0x3FA2] =	sst s5  }
0xe: {  	[smem:$0x3FA3] =	sst s6  }
0xf: {  	[smem:$0x3FA4] =	sst s7  }
0x10: {  	[smem:$0x3FA5] =	sst s8  }
0x11: {  	[smem:$0x3FA6] =	sst s9;
	s0 =	simm.s32 @!p0 $0x0  }
0x12: {  	s1 =	sld [smem:$0x3F8C];
	s0 =	simm.s32 @p0 $0x1  }
0x13: {  	[smem:$0x3FA7] =	sst s0;
	s0 =	simm.s32 @!p1 $0x0  }
0x14: {  	s2 =	sld [smem:$0x3F8B];
	s0 =	simm.s32 @p1 $0x1  }
0x15: {  	[smem:$0x3FA8] =	sst s0;
	s0 =	simm.s32 @!p2 $0x0  }
0x16: {  	s3 =	sld [smem:$0x3FDB];
	s0 =	simm.s32 @p2 $0x1  }
0x17: {  	s4 =	simm.s32 $0x1BF5;
	[smem:$0x3FAA] =	sst s0  }
0x18: {  	s0 =	sld [smem:$0x3F8D];
	_ =	swait.ge [sflag:s4], $0x0  }
0x19: {  	s7 =	sld [smem:$0x3F8E]  }
0x1a: {  	s8 =	sadd.s32 $0xFFFFE003, lr  }
0x1b: {  	s9 =	sadd.s32 $0xFFFFFEF7, lr;
	s5 =	simm.s32 $0xFFFFFFFF;
	p2 =	slt.u32 s8, $0xFFFFF086  }
0x1c: {  	p1 =	slt.u32 s9, $0xF7A;
	s5 =	simm.s32 @!p2 $0x0  }
0x1d: {  	s5 =	simm.s32 @p1 $0x1;
	p0 =	seq.s32 s7, s2  }
0x1e: {  	s7 =	smul.u32 @!p0 $0xF7A, s2;
	p2 =	seq.s32 @!p0 s5, $0x0  }
0x1f: {  	s9 =	smul.u32 $0xF7A, s1;
	s8 =	simm.s32 @!p0 $0x1BF5;
	p2 =	por !p2, p0  }
0x20: {  	[sflag:s8] =	ssyncset.s32 @!p0 $0xFFFFF086;
	s6 =	sadd.s32 @!p0 s3, s7;
	s7 =	simm.s32 @!p0 $0x108  }
0x21: {  	s3 =	sadd.s32 s3, s9;
	s6 =	sadd.s32 @!p0 $0x88, s6;
	s7 =	simm.s32 @p2 $0x1082  }
0x22: {  	[simem:s7], [sflag:s8] =	dma.local @!p0 [hbm:s6], $0xF7A  }
0x23: {  	s9 =	sor.u32 $0xD0000000, s2;
	s6 =	simm.s32 $0x108;
	_ =	swait.ge @!p0 [sflag:s8], $0x0  }
0x24: {  	s3 =	sadd.s32 $0x88, s3;
	s6 =	simm.s32 @!p1 $0x1082;
	[sflag:s4] =	ssyncset.s32 $0xFFFFF086  }
0x25: {  	[simem:s6], [sflag:s4] =	dma.local [hbm:s3], $0xF7A  }
0x26: {  	[smem:$0x3F8E] =	sst s1;
	(tag) =	ssettag s2;
	_ =	strace s9  }
0x27: {  	s1 =	sld [smem:$0x3F9E]  }
0x28: {  	s2 =	sld [smem:$0x3F9F]  }
0x29: {  	s4 =	sld [smem:$0x3FA1]  }
0x2a: {  	p0 =	seq.s32 s5, $0x0;
	s5 =	sld [smem:$0x3FA2]  }
0x2b: {  	s6 =	sld [smem:$0x3FA3]  }
0x2c: {  	s7 =	sld [smem:$0x3FA4]  }
0x2d: {  	s3 =	simm.s32 $0x108;
	s8 =	sld [smem:$0x3FA5]  }
0x2e: {  	s3 =	simm.s32 @!p0 $0x1082;
	s9 =	sld [smem:$0x3FA6]  }
0x2f: {  	lr =	sadd.s32 s0, s3;
	s0 =	sld [smem:$0x3F9D]  }
0x30: {  	s3 =	sld [smem:$0x3FA0]  }
0x31: {  	[smem:$0x3FA9] =	sst s10  }
0x32: {  	s10 =	sld [smem:$0x3FA7];
	_ =	sdelay $0x3  }
0x33: {  	p0 =	seq.s32 s10, $0x1;
	s10 =	sld [smem:$0x3FA9];
	_ =	sdelay $0x3  }
0x34: {  	[smem:$0x3FA9] =	sst s10  }
0x35: {  	s10 =	sld [smem:$0x3FA8];
	_ =	sdelay $0x3  }
0x36: {  	p1 =	seq.s32 s10, $0x1;
	s10 =	sld [smem:$0x3FA9];
	_ =	sdelay $0x3  }
0x37: {  	[smem:$0x3FA9] =	sst s10  }
0x38: {  	s10 =	sld [smem:$0x3FAA]  }
0x39: {  	_ = 	snop;
	(pc) =	sbr.ind lr, $3  }
0x3a: {  	_ = 	snop  }
0x3b: {  	_ = 	snop  }
0x3c: {  	p2 =	seq.s32 s10, $0x1;
	s10 =	sld [smem:$0x3FA9]  }
0x3d: {  	_ =	shalt  }
0x3e: {  	_ =	shalt  }
0x3f: {  	_ =	shalt  }
0x40: {  	_ =	shalt  }
0x41: {  	_ =	shalt  }
0x42: {  	_ =	shalt  }
0x43: {  	_ =	shalt  }
0x44: {  	_ =	shalt  }
0x45: {  	_ =	shalt  }
0x46: {  	_ =	shalt  }
0x47: {  	_ =	shalt  }
0x48: {  	_ =	shalt  }
0x49: {  	_ =	shalt  }
0x4a: {  	_ =	shalt  }
0x4b: {  	_ =	shalt  }
0x4c: {  	_ =	shalt  }
0x4d: {  	_ =	shalt  }
0x4e: {  	_ =	shalt  }
0x4f: {  	_ =	shalt  }
0x50: {  	_ =	shalt  }
0x51: {  	_ =	shalt  }
0x52: {  	_ =	shalt  }
0x53: {  	_ =	shalt  }
0x54: {  	_ =	shalt  }
0x55: {  	_ =	shalt  }
0x56: {  	_ =	shalt  }
0x57: {  	_ =	shalt  }
0x58: {  	_ =	shalt  }
0x59: {  	_ =	shalt  }
0x5a: {  	_ =	shalt  }
0x5b: {  	_ =	shalt  }
0x5c: {  	_ =	shalt  }
0x5d: {  	_ =	shalt  }
0x5e: {  	_ =	shalt  }
0x5f: {  	_ =	shalt  }
0x60: {  	_ =	shalt  }
0x61: {  	_ =	shalt  }
0x62: {  	_ =	shalt  }
0x63: {  	_ =	shalt  }
0x64: {  	_ =	shalt  }
0x65: {  	_ =	shalt  }
0x66: {  	_ =	shalt  }
0x67: {  	_ =	shalt  }
0x68: {  	_ =	shalt  }
0x69: {  	_ =	shalt  }
0x6a: {  	_ =	shalt  }
0x6b: {  	_ =	shalt  }
0x6c: {  	_ =	shalt  }
0x6d: {  	_ =	shalt  }
0x6e: {  	_ =	shalt  }
0x6f: {  	_ =	shalt  }
0x70: {  	_ =	shalt  }
0x71: {  	_ =	shalt  }
0x72: {  	_ =	shalt  }
0x73: {  	_ =	shalt  }
0x74: {  	_ =	shalt  }
0x75: {  	_ =	shalt  }
0x76: {  	_ =	shalt  }
0x77: {  	_ =	shalt  }
0x78: {  	_ =	shalt  }
0x79: {  	_ =	shalt  }
0x7a: {  	_ =	shalt  }
0x7b: {  	_ =	shalt  }
0x7c: {  	_ =	shalt  }
0x7d: {  	_ =	shalt  }
0x7e: {  	_ =	shalt  }
0x7f: {  	_ =	shalt  }
0x80: {  	_ =	shalt  }
0x81: {  	_ =	shalt  }
0x82: {  	_ =	shalt  }
0x83: {  	_ =	shalt  }
0x84: {  	_ =	shalt  }
0x85: {  	_ =	shalt  }
0x86: {  	_ =	shalt  }
0x87: {  	_ =	shalt  }
.Lfunc_end0:
.L_simem_size_0:
called_computation.1_lowered:
.L_overlay_start_0:
0x88: {  	s2 =	sld [smem:$0x3FD9]  }
0x89: {  	s3 =	sld [smem:$0x3FFE];
	_ =	sdelay $0x1  }
0x8a: {  	s1 =	srdreg.scid  }
0x8b: {  	s0 =	sand.u32 $0x1, s1  }
0x8c: {  	s14 =	sshll.u32 s0, $0xA;
	s2 =	sadd.s32 s3, s2  }
0x8d: {  	s2 =	sadd.s32 s2, s14  }
0x8e: {  	[smem:$0x3FB5] =	sst s2  }
0x8f: {  	_ = 	snop  }
0x90: {  	s2 =	sld [smem:$0x3FD0];
	_ =	sdelay $0x2  }
0x91: {  	s15 =	simm.s32 $0xA;
	s4 =	simm.s32 $0x10  }
0x92: {  	[smem:s4], [sflag:s15] =	dma.local [hbm:s2], $0x1  }
0x93: {  	_ =	swait.eq [sflag:s15], $0x1  }
0x94: {  	[sflag:s15] =	ssyncset.done $0x0  }
0x95: {  	[sflag:s15] =	ssyncadd.s32 $0xFFFFFFFF  }
0x96: {  	s16 =	sld [smem:$0x10];
	(tm) =	ssettm $0x1  }
0x97: {  	s17 =	sld [smem:$0x3FFB];
	_ =	sdelay $0x3  }
0x98: {  	_ =	strace s17  }
0x99: {  	s3 =	sld [smem:$0x3FFC];
	_ =	sdelay $0x3  }
0x9a: {  	_ =	strace s3  }
0x9b: {  	s3 =	sld [smem:$0x3FFD];
	_ =	sdelay $0x3  }
0x9c: {  	_ =	strace s3  }
0x9d: {  	_ =	strace $0x8FFFFFFF  }
0x9e: {  	s18 =	sld [smem:$0x3FDB];
	_ =	sdelay $0x1  }
0x9f: {  	s19 =	simm.s32 $_scs_section_size  }
0xa0: {  	s5 =	simm.s32 $_size__tile_overlayer_lowered;
	s6 =	simm.s32 $_tile_overlayer_lowered  }
0xa1: {  	s22 =	simm.s32 $0x1BFF;
	s21 =	sshll.u32 s6, $0x1;
	s3 =	sadd.s32 s19, s18  }
0xa2: {  	s7 =	simm.s32 $0x0;
	s20 =	sshll.u32 s5, $0x1;
	s5 =	sadd.s32 s21, s3  }
0xa3: {  	[timem:s7], [sflag:s22] =	dma.local [hbm:s5], s20  }
0xa4: {  	_ =	swait.ge [sflag:s22], s20  }
0xa5: {  	s4 =	ssub.s32 $0x0, s20;
	[sflag:s22] =	ssyncset.done $0x0  }
0xa6: {  	[sflag:s22] =	ssyncadd.s32 s4;
	_ =	sdelay $0x1  }
0xa7: {  	s23 =	simm.s32 $0x1B8B  }
0xa8: {  	_ =	swait.ge [sflag:s23], $0x1  }
0xa9: {  	[sflag:s23] =	ssyncset.done $0x0  }
0xaa: {  	s25 =	simm.s32 $0x1B8E;
	s24 =	sld [smem:$0x3FFE];
	[sflag:s23] =	ssyncadd.s32 $0xFFFFFFFF  }
0xab: {  	s26 =	simm.s32 $execute0_lowered;
	[smem:$0x3FD2] =	sst s25  }
0xac: {  	s5 =	sshll.u32 s26, $0x1;
	_ =	strace $0x80000049;
	[dreg:$0x1] =	wrdreg $0xFFFFFFFF  }
0xad: {  	s28 =	simm.s32 $_size_execute0_lowered;
	s3 =	sadd.s32 s3, s5;
	[dreg:$0x0] =	wrdreg $0x0  }
0xae: {  	s5 =	sshll.u32 s28, $0x1;
	[dreg:$0x2] =	wrdreg s3  }
0xaf: {  	[dreg:$0x3] =	wrdreg s5  }
0xb0: {  	[dreg:$0x4] =	wrdreg $0xC0  }
0xb1: {  	_ =	task [dreg:s7], $0x5FFFF  }
0xb2: {  	[dreg:$0x1] =	wrdreg $0xFFFFFFFF  }
0xb3: {  	[dreg:$0x0] =	wrdreg $0x60  }
0xb4: {  	[dreg:$0x2] =	wrdreg s24  }
0xb5: {  	[dreg:$0x3] =	wrdreg s16  }
0xb6: {  	[dreg:$0x4] =	wrdreg $0x66800  }
0xb7: {  	[dreg:$0x5] =	wrdreg $0x9  }
0xb8: {  	_ =	task.clear_ibuf [dreg:s7], $0x6FFFF;
	_ =	strace $0x90000049  }
0xb9: {  	s29 =	simm.s32 $0x9;
	_ =	strace $0x8000004B  }
0xba: {  	_ =	swait.ge [sflag:s29], $0x1  }
0xbb: {  	[sflag:s29] =	ssyncadd.s32 $0xFFFFFFFF  }
0xbc: {  	_ =	strace $0x9000004B  }
0xbd: {  	_ =	sfence  }
0xbe: {  	s30 =	sld [smem:$0x0];
	_ =	sdelay $0x2  }
0xbf: {  	s31 =	sshll.u32 s1, $0xD;
	s1 =	sshrl.u32 s1, $0x2  }
0xc0: {  	s3 =	sand.u32 $0x4000, s31;
	s1 =	sadd.s32 s1, s30  }
0xc1: {  	s0 =	sor.u32 s3, s0;
	s1 =	sshll.u32 s1, $0x11  }
0xc2: {  	s0 =	sor.u32 s1, s0  }
0xc3: {  	s0 =	sadd.s32 $0x8F2B, s0  }
0xc4: {  	[sflag:s0] =	ssyncadd.remote.s32 $0x1  }
0xc5: {  	_ =	sfence.sel $0xFFFF  }
0xc6: {  	[dreg:$0x0] =	wrdreg $0xFFFFFFFF;
	(pc) =	sbr.abs _section_cstart, $3  }
0xc7: {  	[dreg:$0x1] =	wrdreg $0xFFFFFFFF  }
0xc8: {  	_ =	task.clear_ibuf [dreg:s7], $0x2FFFF;
	_ =	strace $0x9FFFFFFF  }
0xc9: {  	(tm) =	ssettm $0x7FFFFFFF  }
tec
execute0_lowered:
.L_overlay_start_1:
0x0: {  	(tag) =	ssettag $0x1  }
0x1: {  	s0 =	srdreg.scid  }
0x2: {  	s2 =	rddreg [dreg:$0x0];
	s23 =	stileid.u32;
	s17 =	sand.u32 $0x1, s0  }
0x3: {  	s3 =	sshll.u32 s23, $0x1;
	s15 =	smul.u32 $0x13C00, s23;
	s0 =	ssub.s32 $0x2, s17  }
0x4: {  	s18 =	sadd.s32 $0xDC00, s2;
	s19 =	smul.u32 $0x13C000, s17;
	s1 =	sshrl.u32 s0, $0x1  }
0x5: {  	s4 =	sadd.s32 $0x3000, s15;
	s5 =	sadd.s32 $0x4800, s15;
	s6 =	sadd.s32 $0x6000, s15  }
0x6: {  	s7 =	sadd.s32 $0x7800, s15;
	s8 =	sadd.s32 $0x9000, s15;
	s9 =	sadd.s32 $0xA800, s15  }
0x7: {  	s24 =	sadd.s32 $0xC000, s15;
	s11 =	sadd.s32 $0xD800, s15;
	s12 =	sadd.s32 $0xF000, s15  }
0x8: {  	s13 =	sadd.s32 $0x10800, s15;
	s14 =	sadd.s32 $0x12000, s15;
	s16 =	sadd.s32 $0x13800, s15  }
0x9: {  	s0 =	ssub.s32 s0, s1;
	s1 =	sor.u32 s17, s3;
	s3 =	sadd.s32 $0x1800, s15  }
0xa: {  	s15 =	sadd.s32 s15, s19;
	s21 =	sadd.s32 s19, s4;
	s26 =	sadd.s32 s19, s5  }
0xb: {  	s28 =	sadd.s32 s19, s6;
	s10 =	sadd.s32 s19, s7;
	s15 =	sshrl.u32 s15, $0x3  }
0xc: {  	s20 =	sadd.s32 s19, s3;
	s22 =	sshrl.u32 s21, $0x3;
	s15 =	sadd.s32 s18, s15  }
0xd: {  	s20 =	sshrl.u32 s20, $0x3;
	s25 =	sadd.s32 s18, s22;
	s22 =	sshrl.u32 s10, $0x3  }
0xe: {  	s10 =	sadd.s32 s19, s24;
	[dreg:$0x7] =	wrdreg s15;
	s15 =	sadd.s32 s18, s20  }
0xf: {  	[dreg:$0x9] =	wrdreg s25;
	s20 =	sshrl.u32 s28, $0x3;
	s25 =	sadd.s32 s18, s22  }
0x10: {  	s28 =	sadd.s32 s19, s9;
	s22 =	sshrl.u32 s10, $0x3;
	[dreg:$0x8] =	wrdreg s15  }
0x11: {  	s10 =	sadd.s32 s19, s13;
	s15 =	sshrl.u32 s26, $0x3;
	[dreg:$0xc] =	wrdreg s25  }
0x12: {  	s26 =	sadd.s32 s19, s8;
	s25 =	sadd.s32 s18, s22;
	s21 =	sshrl.u32 s10, $0x3  }
0x13: {  	s10 =	smul.u32 $0x1388, s17;
	s15 =	sadd.s32 s18, s15;
	[dreg:$0xf] =	wrdreg s25  }
0x14: {  	s22 =	sadd.s32 s18, s21;
	s25 =	sadd.s32 s19, s14;
	s21 =	smul.u32 $0x13880, s1  }
0x15: {  	s1 =	smul.u32 $0x1388, s1;
	[dreg:$0xa] =	wrdreg s15;
	s15 =	sadd.s32 s18, s20  }
0x16: {  	s20 =	sshrl.u32 s28, $0x3;
	[dreg:$0xb] =	wrdreg s15;
	s15 =	sshrl.u32 s26, $0x3  }
0x17: {  	s28 =	sadd.s32 s19, s12;
	[dreg:$0x12] =	wrdreg s22;
	s15 =	sadd.s32 s18, s15  }
0x18: {  	s26 =	sadd.s32 s19, s11;
	[dreg:$0xd] =	wrdreg s15;
	s15 =	sadd.s32 s18, s20  }
0x19: {  	s19 =	sadd.s32 s19, s16;
	[dreg:$0xe] =	wrdreg s15;
	s15 =	sshrl.u32 s26, $0x3  }
0x1a: {  	s1 =	sshrl.u32 s1, $0x3;
	s20 =	sshrl.u32 s28, $0x3;
	s15 =	sadd.s32 s18, s15  }
0x1b: {  	s28 =	sshrl.u32 s19, $0x3;
	[dreg:$0x10] =	wrdreg s15;
	s15 =	sadd.s32 s18, s20  }
0x1c: {  	s26 =	smul.u32 $0x2710, s23;
	[dreg:$0x11] =	wrdreg s15;
	s15 =	sshrl.u32 s25, $0x3  }
0x1d: {  	s20 =	rddreg [dreg:$0x2];
	s25 =	sadd.s32 $0x27EC00, s2;
	s15 =	sadd.s32 s18, s15  }
0x1e: {  	s19 =	sadd.s32 s10, s26;
	s22 =	sadd.s32 s25, s21;
	[dreg:$0x13] =	wrdreg s15  }
0x1f: {  	s26 =	sadd.s32 $0x7A0C00, s2;
	s15 =	sadd.s32 s18, s28;
	[dreg:$0x15] =	wrdreg s22  }
0x20: {  	s28 =	smul.u32 $0x27100, s23;
	s18 =	sadd.s32 s26, s21;
	[dreg:$0x14] =	wrdreg s15  }
0x21: {  	s23 =	smul.u32 $0x4F000, s23;
	s15 =	simm.s32 $0x0;
	[dreg:$0x16] =	wrdreg s18  }
0x22: {  	s7 =	sadd.s32 s7, s20;
	s18 =	sadd.s32 $0x3C00, s2;
	[smem:$0x7FF] =	sst s15  }
0x23: {  	s10 =	sadd.s32 s28, s25;
	s25 =	sshrl.u32 s23, $0x2;
	s23 =	sadd.s32 s13, s20  }
0x24: {  	s13 =	sadd.s32 s18, s1;
	_ =	strace $0x8000004A;
	[dreg:$0x1c] =	wrdreg s7  }
0x25: {  	s0 =	smax.u32 s0, $0x1;
	[smem:$0x7ED] =	sst s13  }
0x26: {  	[smem:$0x7EF] =	sst s0  }
0x27: {  	s8 =	sadd.s32 s8, s20;
	[dreg:$0x5] =	wrdreg s18  }
0x28: {  	s17 =	smul.u32 $0x13880, s17;
	s9 =	sadd.s32 s9, s20;
	[dreg:$0x1d] =	wrdreg s8  }
0x29: {  	s31 =	sadd.s32 s4, s20;
	s22 =	sadd.s32 s12, s20;
	[dreg:$0x1e] =	wrdreg s9  }
0x2a: {  	s4 =	sadd.s32 s24, s20;
	s21 =	sadd.s32 s28, s26;
	[smem:$0x7FA] =	sst s22  }
0x2b: {  	s24 =	sadd.s32 s14, s20;
	s28 =	sadd.s32 s17, s21;
	[smem:$0x7FB] =	sst s23  }
0x2c: {  	s21 =	sadd.s32 $0x8C00, s2;
	s2 =	sadd.s32 $0xC8, s19;
	[smem:$0x7FC] =	sst s24  }
0x2d: {  	s30 =	sadd.s32 s3, s20;
	s5 =	sadd.s32 s5, s20;
	[smem:$0x7F0] =	sst s2  }
0x2e: {  	s14 =	sadd.s32 $0xA0, s19;
	s3 =	sadd.s32 $0x78, s19;
	[dreg:$0x6] =	wrdreg s21  }
0x2f: {  	s26 =	sadd.s32 s17, s10;
	s29 =	sadd.s32 s25, s20;
	[dreg:$0x4] =	wrdreg s28  }
0x30: {  	s17 =	sadd.s32 s11, s20;
	s11 =	smov.u32 s5;
	[dreg:$0x17] =	wrdreg s29  }
0x31: {  	s10 =	sadd.s32 s6, s20;
	s25 =	sadd.s32 s16, s20;
	[dreg:$0x1a] =	wrdreg s11  }
0x32: {  	s16 =	sshrl.u32 s14, $0x3;
	s5 =	sadd.s32 $0x50, s19;
	[dreg:$0x1b] =	wrdreg s10  }
0x33: {  	s6 =	sadd.s32 $0x28, s19;
	s1 =	sadd.s32 s21, s1;
	[smem:$0x7F9] =	sst s17  }
0x34: {  	s2 =	sshrl.u32 s5, $0x3;
	s7 =	sadd.s32 s16, s18;
	[smem:$0x7FD] =	sst s25  }
0x35: {  	s0 =	sadd.s32 s16, s21;
	s5 =	simm.s32 $0x8;
	[smem:$0x7EE] =	sst s1  }
0x36: {  	s1 =	sshrl.u32 s3, $0x3;
	s3 =	sshrl.u32 s6, $0x3;
	[smem:$0x7F1] =	sst s7  }
0x37: {  	[smem:$0x7F2] =	sst s0;
	s14 =	sadd.s32 s2, s18;
	s16 =	sadd.s32 s2, s21  }
0x38: {  	s2 =	smov.u32 s30;
	s30 =	simm.s32 $0x6;
	[smem:$0x7F5] =	sst s14  }
0x39: {  	s0 =	simm.s32 $0x0;
	s12 =	sadd.s32 s1, s18;
	[smem:$0x7F6] =	sst s16  }
0x3a: {  	s13 =	sadd.s32 s1, s21;
	s19 =	sadd.s32 s3, s18;
	[dreg:$0x18] =	wrdreg s2  }
0x3b: {  	s21 =	sadd.s32 s3, s21;
	s3 =	smov.u32 s31;
	[smem:$0x7F3] =	sst s12  }
0x3c: {  	s18 =	simm.s32 $0x10480;
	s31 =	simm.s32 $0x28;
	[smem:$0x7F4] =	sst s13  }
0x3d: {  	s1 =	simm.s32 $0x7;
	s14 =	simm.s32 $0x5;
	[smem:$0x7F7] =	sst s19  }
0x3e: {  	s16 =	simm.s32 $0xA;
	[smem:$0x7F8] =	sst s21;
	s21 =	smov.u32 s4  }
0x3f: {  	s19 =	simm.s32 $0x2;
	s4 =	simm.s32 $0x3;
	[dreg:$0x19] =	wrdreg s3  }
0x40: {  	s12 =	simm.s32 $0x4;
	s13 =	simm.s32 $0x9;
	[dreg:$0x1f] =	wrdreg s21  }
.LBB2_1:
0x41: {  	[smem:$0x7EC] =	sst s0  }
0x42: {  	s7 =	simm.s32 $0x10;
	s6 =	rddreg [dreg:$0x1]  }
0x43: {  	[tilespmem:s18], [sflag:$0x10] =	stream.linear.gather [hbm4b:s6+s15], $0x1800, $0x38;
	[tilespmem:$0x11C80] =	vst v63  }
0x44: {  	_ =	swait.ge [sflag:s7], $0x1800  }
0x45: {  	[sflag:s7] =	ssyncset.done $0x0  }
0x46: {  	[sflag:s7] =	ssyncadd.s32 $0xFFFFE800  }
0x47: {  	[spmem:s29] =	stream.linear.scatter [tilespmem:s18], [sflag:$0x10], $0x1800, $0x38;
	[tilespmem:$0x11C80] =	vst v63  }
0x48: {  	_ =	swait.ge [sflag:s7], $0x1800  }
0x49: {  	[sflag:s7] =	ssyncset.done $0x0  }
0x4a: {  	[sflag:s7] =	ssyncadd.s32 $0xFFFFE800  }
0x4b: {  	[spmem:s2] =	stream.linear.scatter [tilespmem:s18], [sflag:$0x10], $0x1800, $0x38;
	[tilespmem:$0x11C80] =	vst v63  }
0x4c: {  	_ =	swait.ge [sflag:s7], $0x1800  }
0x4d: {  	[sflag:s7] =	ssyncset.done $0x0  }
0x4e: {  	[sflag:s7] =	ssyncadd.s32 $0xFFFFE800  }
0x4f: {  	[spmem:s3] =	stream.linear.scatter [tilespmem:s18], [sflag:$0x10], $0x1800, $0x38;
	[tilespmem:$0x11C80] =	vst v63  }
0x50: {  	_ =	swait.ge [sflag:s7], $0x1800  }
0x51: {  	[sflag:s7] =	ssyncset.done $0x0  }
0x52: {  	[sflag:s7] =	ssyncadd.s32 $0xFFFFE800  }
0x53: {  	[spmem:s11] =	stream.linear.scatter [tilespmem:s18], [sflag:$0x10], $0x1800, $0x38;
	[tilespmem:$0x11C80] =	vst v63  }
0x54: {  	_ =	swait.ge [sflag:s7], $0x1800  }
0x55: {  	[sflag:s7] =	ssyncset.done $0x0  }
0x56: {  	[sflag:s7] =	ssyncadd.s32 $0xFFFFE800  }
0x57: {  	[spmem:s10] =	stream.linear.scatter [tilespmem:s18], [sflag:$0x10], $0x1800, $0x38;
	[tilespmem:$0x11C80] =	vst v63  }
0x58: {  	_ =	swait.ge [sflag:s7], $0x1800  }
0x59: {  	[sflag:s7] =	ssyncset.done $0x0  }
0x5a: {  	s11 =	rddreg [dreg:$0x1c];
	[sflag:s7] =	ssyncadd.s32 $0xFFFFE800  }
0x5b: {  	[spmem:s11] =	stream.linear.scatter [tilespmem:s18], [sflag:$0x10], $0x1800, $0x38;
	[tilespmem:$0x11C80] =	vst v63  }
0x5c: {  	_ =	swait.ge [sflag:s7], $0x1800  }
0x5d: {  	[sflag:s7] =	ssyncset.done $0x0  }
0x5e: {  	[sflag:s7] =	ssyncadd.s32 $0xFFFFE800  }
0x5f: {  	[spmem:s8] =	stream.linear.scatter [tilespmem:s18], [sflag:$0x10], $0x1800, $0x38;
	[tilespmem:$0x11C80] =	vst v63  }
0x60: {  	_ =	swait.ge [sflag:s7], $0x1800  }
0x61: {  	[sflag:s7] =	ssyncset.done $0x0  }
0x62: {  	[sflag:s7] =	ssyncadd.s32 $0xFFFFE800  }
0x63: {  	[spmem:s9] =	stream.linear.scatter [tilespmem:s18], [sflag:$0x10], $0x1800, $0x38;
	[tilespmem:$0x11C80] =	vst v63  }
0x64: {  	_ =	swait.ge [sflag:s7], $0x1800  }
0x65: {  	[sflag:s7] =	ssyncset.done $0x0  }
0x66: {  	[sflag:s7] =	ssyncadd.s32 $0xFFFFE800  }
0x67: {  	[spmem:s21] =	stream.linear.scatter [tilespmem:s18], [sflag:$0x10], $0x1800, $0x38;
	[tilespmem:$0x11C80] =	vst v63  }
0x68: {  	_ =	swait.ge [sflag:s7], $0x1800  }
0x69: {  	[sflag:s7] =	ssyncset.done $0x0  }
0x6a: {  	[sflag:s7] =	ssyncadd.s32 $0xFFFFE800  }
0x6b: {  	[spmem:s17] =	stream.linear.scatter [tilespmem:s18], [sflag:$0x10], $0x1800, $0x38;
	[tilespmem:$0x11C80] =	vst v63  }
0x6c: {  	_ =	swait.ge [sflag:s7], $0x1800  }
0x6d: {  	[sflag:s7] =	ssyncset.done $0x0  }
0x6e: {  	[sflag:s7] =	ssyncadd.s32 $0xFFFFE800  }
0x6f: {  	[spmem:s22] =	stream.linear.scatter [tilespmem:s18], [sflag:$0x10], $0x1800, $0x38;
	[tilespmem:$0x11C80] =	vst v63  }
0x70: {  	_ =	swait.ge [sflag:s7], $0x1800  }
0x71: {  	[sflag:s7] =	ssyncset.done $0x0  }
0x72: {  	[sflag:s7] =	ssyncadd.s32 $0xFFFFE800  }
0x73: {  	[spmem:s23] =	stream.linear.scatter [tilespmem:s18], [sflag:$0x10], $0x1800, $0x38;
	[tilespmem:$0x11C80] =	vst v63  }
0x74: {  	_ =	swait.ge [sflag:s7], $0x1800  }
0x75: {  	[sflag:s7] =	ssyncset.done $0x0  }
0x76: {  	[sflag:s7] =	ssyncadd.s32 $0xFFFFE800  }
0x77: {  	[spmem:s24] =	stream.linear.scatter [tilespmem:s18], [sflag:$0x10], $0x1800, $0x38;
	[tilespmem:$0x11C80] =	vst v63  }
0x78: {  	_ =	swait.ge [sflag:s7], $0x1800  }
0x79: {  	[sflag:s7] =	ssyncset.done $0x0  }
0x7a: {  	[sflag:s7] =	ssyncadd.s32 $0xFFFFE800  }
0x7b: {  	[spmem:s25] =	stream.linear.scatter [tilespmem:s18], [sflag:$0x10], $0x400, $0x38;
	[tilespmem:$0x11C80] =	vst v63  }
0x7c: {  	_ =	swait.ge [sflag:s7], $0x400  }
0x7d: {  	[sflag:s7] =	ssyncset.done $0x0  }
0x7e: {  	[sflag:s7] =	ssyncadd.s32 $0xFFFFFC00  }
0x7f: {  	[bflag:$0x0] =	sbarrier.arrive $0xFFFF  }
0x80: {  	s23 =	sld [smem:$0x7ED]  }
0x81: {  	p0 =	por $0x1, $0x1  }
0x82: {  	p0 =	por p0, p0  }
0x83: {  	[tilespmem:s15], [sflag:$0x1] =	stream.linear.gather [hbm4b:s23+s15], $0x28, $0x38;
	[tilespmem:$0x11C80] =	vst v63  }
0x84: {  	s6 =	simm.s32 @!p0 $0xC;
	s25 =	simm.s32 $0x280;
	s24 =	rddreg [dreg:$0x15]  }
0x85: {  	[tilespmem:s25], [sflag:$0x6] =	stream.linear.gather [hbm4b:s24+s15], $0x1400, $0x38;
	[tilespmem:$0x11C80] =	vst v63  }
0x86: {  	_ =	swait.ge @!p0 [sflag:s6], $0xA00  }
0x87: {  	s22 =	sld [smem:$0x7F7]  }
0x88: {  	[sflag:s6] =	ssyncset.done @!p0 $0x0  }
0x89: {  	s29 =	sadd.s32 $0x0, s26;
	s2 =	simm.s32 $0x80;
	[sflag:s6] =	ssyncadd.s32 @!p0 $0xFFFFF600  }
0x8a: {  	[tilespmem:s2], [sflag:$0x2] =	stream.linear.gather [hbm4b:s22+s15], $0x28, $0x38;
	[tilespmem:$0x11C80] =	vst v63  }
0x8b: {  	s3 =	sadd.s32 $0x280, s29;
	s10 =	simm.s32 $0x1;
	s9 =	simm.s32 $0x1680  }
0x8c: {  	[tilespmem:s9], [sflag:$0x7] =	stream.linear.gather [hbm4b:s3+s15], $0x1400, $0x38;
	[tilespmem:$0x11C80] =	vst v63  }
0x8d: {  	_ =	swait.ge [sflag:s10], $0x28  }
0x8e: {  	[sflag:s10] =	ssyncset.done $0x0  }
0x8f: {  	[sflag:s10] =	ssyncadd.s32 $0xFFFFFFD8  }
0x90: {  	_ =	swait.ge [sflag:s30], $0x1400  }
0x91: {  	[sflag:s30] =	ssyncset.done $0x0  }
0x92: {  	s7 =	simm.s32 @!p0 $0xD;
	[sflag:s30] =	ssyncadd.s32 $0xFFFFEC00  }
0x93: {  	[spmem:s20] =	stream.indirect.scatter.add.f32 [tilespmem:s25], [sflag:$0xB], $0x40, s15, s31, $0xb8;
	[tilespmem:$0x11C80] =	vst v63  }
0x94: {  	_ =	swait.ge @!p0 [sflag:s7], $0xA00  }
0x95: {  	s25 =	sld [smem:$0x7F5]  }
0x96: {  	[sflag:s7] =	ssyncset.done @!p0 $0x0  }
0x97: {  	s11 =	simm.s32 $0x100;
	[sflag:s7] =	ssyncadd.s32 @!p0 $0xFFFFF600  }
0x98: {  	[tilespmem:s11], [sflag:$0x3] =	stream.linear.gather [hbm4b:s25+s15], $0x28, $0x38;
	[tilespmem:$0x11C80] =	vst v63  }
0x99: {  	s17 =	sadd.s32 $0x500, s29;
	s18 =	simm.s32 $0x2A80  }
0x9a: {  	[tilespmem:s18], [sflag:$0x8] =	stream.linear.gather [hbm4b:s17+s15], $0x1400, $0x38;
	[tilespmem:$0x11C80] =	vst v63  }
0x9b: {  	_ =	swait.ge [sflag:s19], $0x28  }
0x9c: {  	[sflag:s19] =	ssyncset.done $0x0  }
0x9d: {  	[sflag:s19] =	ssyncadd.s32 $0xFFFFFFD8  }
0x9e: {  	_ =	swait.ge [sflag:s1], $0x1400  }
0x9f: {  	[sflag:s1] =	ssyncset.done $0x0  }
0xa0: {  	s7 =	simm.s32 @!p0 $0xE;
	[sflag:s1] =	ssyncadd.s32 $0xFFFFEC00  }
0xa1: {  	[spmem:s20] =	stream.indirect.scatter.add.f32 [tilespmem:s9], [sflag:$0xC], $0x40, s2, s31, $0xb8;
	[tilespmem:$0x11C80] =	vst v63  }
0xa2: {  	_ =	swait.ge @!p0 [sflag:s7], $0xA00  }
0xa3: {  	s21 =	sld [smem:$0x7F3]  }
0xa4: {  	[sflag:s7] =	ssyncset.done @!p0 $0x0  }
0xa5: {  	s8 =	simm.s32 $0x180;
	[sflag:s7] =	ssyncadd.s32 @!p0 $0xFFFFF600  }
0xa6: {  	[tilespmem:s8], [sflag:$0x4] =	stream.linear.gather [hbm4b:s21+s15], $0x28, $0x38;
	[tilespmem:$0x11C80] =	vst v63  }
0xa7: {  	s10 =	simm.s32 $0x3E80;
	s9 =	sadd.s32 $0x780, s29  }
0xa8: {  	[tilespmem:s10], [sflag:$0x9] =	stream.linear.gather [hbm4b:s9+s15], $0x1400, $0x38;
	[tilespmem:$0x11C80] =	vst v63  }
0xa9: {  	_ =	swait.ge [sflag:s4], $0x28  }
0xaa: {  	[sflag:s4] =	ssyncset.done $0x0  }
0xab: {  	[sflag:s4] =	ssyncadd.s32 $0xFFFFFFD8  }
0xac: {  	_ =	swait.ge [sflag:s5], $0x1400  }
0xad: {  	[sflag:s5] =	ssyncset.done $0x0  }
0xae: {  	s7 =	simm.s32 @!p0 $0xF;
	[sflag:s5] =	ssyncadd.s32 $0xFFFFEC00  }
0xaf: {  	[spmem:s20] =	stream.indirect.scatter.add.f32 [tilespmem:s18], [sflag:$0xD], $0x40, s11, s31, $0xb8;
	[tilespmem:$0x11C80] =	vst v63  }
0xb0: {  	_ =	swait.ge @!p0 [sflag:s7], $0xA00  }
0xb1: {  	s11 =	sld [smem:$0x7F1]  }
0xb2: {  	[sflag:s7] =	ssyncset.done @!p0 $0x0  }
0xb3: {  	s24 =	simm.s32 $0x200;
	[sflag:s7] =	ssyncadd.s32 @!p0 $0xFFFFF600  }
0xb4: {  	[tilespmem:s24], [sflag:$0x5] =	stream.linear.gather [hbm4b:s11+s15], $0x28, $0x38;
	[tilespmem:$0x11C80] =	vst v63  }
0xb5: {  	s6 =	sadd.s32 $0xA00, s29;
	s29 =	simm.s32 $0x5280  }
0xb6: {  	[tilespmem:s29], [sflag:$0xA] =	stream.linear.gather [hbm4b:s6+s15], $0x1400, $0x38;
	[tilespmem:$0x11C80] =	vst v63  }
0xb7: {  	_ =	swait.ge [sflag:s12], $0x28  }
0xb8: {  	[sflag:s12] =	ssyncset.done $0x0  }
0xb9: {  	[sflag:s12] =	ssyncadd.s32 $0xFFFFFFD8  }
0xba: {  	_ =	swait.ge [sflag:s13], $0x1400  }
0xbb: {  	p0 =	por $0x0, $0x0;
	[sflag:s13] =	ssyncset.done $0x0  }
0xbc: {  	s6 =	simm.s32 @!p0 $0xB;
	[sflag:s13] =	ssyncadd.s32 $0xFFFFEC00  }
0xbd: {  	[spmem:s20] =	stream.indirect.scatter.add.f32 [tilespmem:s10], [sflag:$0xE], $0x40, s8, s31, $0xb8;
	[tilespmem:$0x11C80] =	vst v63  }
0xbe: {  	_ =	swait.ge @!p0 [sflag:s6], $0xA00  }
0xbf: {  	s18 =	sld [smem:$0x7F0];
	_ =	sdelay $0x1  }
0xc0: {  	s9 =	simm.s32 @!p0 $0x0  }
0xc1: {  	[sflag:s6] =	ssyncset.done @!p0 $0x0;
	s28 =	rddreg [dreg:$0x5];
	s7 =	sshrl.u32 @!p0 s18, $0x3  }
0xc2: {  	s8 =	sadd.s32 @!p0 $0x0, s26;
	[sflag:s6] =	ssyncadd.s32 @!p0 $0xFFFFF600;
	s7 =	sadd.s32 @!p0 s28, s7  }
0xc3: {  	[tilespmem:s9], [sflag:$0x1] =	stream.linear.gather @!p0 [hbm4b:s7+s9], $0x28, $0x38;
	[tilespmem:$0x11C80] =	vst v63  }
0xc4: {  	s6 =	sadd.s32 @!p0 $0xC80, s8;
	s7 =	simm.s32 @!p0 $0x280  }
0xc5: {  	[tilespmem:s7], [sflag:$0x6] =	stream.linear.gather @!p0 [hbm4b:s6+s9], $0x1400, $0x38;
	[tilespmem:$0x11C80] =	vst v63  }
0xc6: {  	p6 =	por $0x0, $0x0;
	_ =	swait.ge [sflag:s14], $0x28  }
0xc7: {  	s23 =	sadd.s32 $0x19, s22;
	s17 =	simm.s32 $0xC80;
	[sflag:s14] =	ssyncset.done $0x0  }
0xc8: {  	s24 =	simm.s32 $0x1900;
	s8 =	sadd.s32 $0x19, s25;
	[sflag:s14] =	ssyncadd.s32 $0xFFFFFFD8  }
0xc9: {  	p0 =	por p6, p6;
	s7 =	sadd.s32 $0x19, s21;
	_ =	swait.ge [sflag:s16], $0x1400  }
0xca: {  	s9 =	sadd.s32 $0xC8, s18;
	s6 =	sadd.s32 $0x19, s11;
	[sflag:s16] =	ssyncset.done $0x0  }
.LBB2_2:
0xcb: {  	s21 =	simm.s32 @!p0 $0xC  }
0xcc: {  	[sflag:s16] =	ssyncadd.s32 $0xFFFFEC00;
	s11 =	simm.s32 $0x200;
	s29 =	simm.s32 $0x5280  }
0xcd: {  	[spmem:s20] =	stream.indirect.scatter.add.f32 [tilespmem:s29], [sflag:$0xF], $0x40, s11, s31, $0xb8;
	[tilespmem:$0x11C80] =	vst v63  }
0xce: {  	_ =	swait.ge @!p0 [sflag:s21], $0xA00  }
0xcf: {  	[sflag:s21] =	ssyncset.done @!p0 $0x0  }
0xd0: {  	s18 =	simm.s32 $0x80;
	[sflag:s21] =	ssyncadd.s32 @!p0 $0xFFFFF600;
	s21 =	sadd.s32 s17, s26  }
0xd1: {  	[tilespmem:s18], [sflag:$0x2] =	stream.linear.gather [hbm4b:s23+s15], $0x28, $0x38;
	[tilespmem:$0x11C80] =	vst v63  }
0xd2: {  	s2 =	simm.s32 $0x1680;
	s0 =	simm.s32 $0x1;
	s22 =	sadd.s32 $0x280, s21  }
0xd3: {  	[tilespmem:s2], [sflag:$0x7] =	stream.linear.gather [hbm4b:s22+s15], $0x1400, $0x38;
	[tilespmem:$0x11C80] =	vst v63  }
0xd4: {  	_ =	swait.ge [sflag:s0], $0x28  }
0xd5: {  	[sflag:s0] =	ssyncset.done $0x0  }
0xd6: {  	[sflag:s0] =	ssyncadd.s32 $0xFFFFFFD8  }
0xd7: {  	_ =	swait.ge [sflag:s30], $0x1400  }
0xd8: {  	[sflag:s30] =	ssyncset.done $0x0  }
0xd9: {  	s3 =	simm.s32 $0x280;
	s22 =	simm.s32 @!p0 $0xD;
	[sflag:s30] =	ssyncadd.s32 $0xFFFFEC00  }
0xda: {  	[spmem:s20] =	stream.indirect.scatter.add.f32 [tilespmem:s3], [sflag:$0xB], $0x40, s15, s31, $0xb8;
	[tilespmem:$0x11C80] =	vst v63  }
0xdb: {  	_ =	swait.ge @!p0 [sflag:s22], $0xA00  }
0xdc: {  	[sflag:s22] =	ssyncset.done @!p0 $0x0  }
0xdd: {  	s0 =	simm.s32 $0x100;
	[sflag:s22] =	ssyncadd.s32 @!p0 $0xFFFFF600  }
0xde: {  	[tilespmem:s0], [sflag:$0x3] =	stream.linear.gather [hbm4b:s8+s15], $0x28, $0x38;
	[tilespmem:$0x11C80] =	vst v63  }
0xdf: {  	s10 =	sadd.s32 $0x500, s21;
	s3 =	simm.s32 $0x2A80  }
0xe0: {  	[tilespmem:s3], [sflag:$0x8] =	stream.linear.gather [hbm4b:s10+s15], $0x1400, $0x38;
	[tilespmem:$0x11C80] =	vst v63  }
0xe1: {  	_ =	swait.ge [sflag:s19], $0x28  }
0xe2: {  	[sflag:s19] =	ssyncset.done $0x0  }
0xe3: {  	[sflag:s19] =	ssyncadd.s32 $0xFFFFFFD8  }
0xe4: {  	_ =	swait.ge [sflag:s1], $0x1400  }
0xe5: {  	[sflag:s1] =	ssyncset.done $0x0  }
0xe6: {  	s22 =	simm.s32 @!p0 $0xE;
	[sflag:s1] =	ssyncadd.s32 $0xFFFFEC00  }
0xe7: {  	[spmem:s20] =	stream.indirect.scatter.add.f32 [tilespmem:s2], [sflag:$0xC], $0x40, s18, s31, $0xb8;
	[tilespmem:$0x11C80] =	vst v63  }
0xe8: {  	_ =	swait.ge @!p0 [sflag:s22], $0xA00  }
0xe9: {  	[sflag:s22] =	ssyncset.done @!p0 $0x0  }
0xea: {  	s2 =	simm.s32 $0x180;
	[sflag:s22] =	ssyncadd.s32 @!p0 $0xFFFFF600  }
0xeb: {  	[tilespmem:s2], [sflag:$0x4] =	stream.linear.gather [hbm4b:s7+s15], $0x28, $0x38;
	[tilespmem:$0x11C80] =	vst v63  }
0xec: {  	s10 =	simm.s32 $0x3E80;
	s18 =	sadd.s32 $0x780, s21  }
0xed: {  	[tilespmem:s10], [sflag:$0x9] =	stream.linear.gather [hbm4b:s18+s15], $0x1400, $0x38;
	[tilespmem:$0x11C80] =	vst v63  }
0xee: {  	_ =	swait.ge [sflag:s4], $0x28  }
0xef: {  	[sflag:s4] =	ssyncset.done $0x0  }
0xf0: {  	[sflag:s4] =	ssyncadd.s32 $0xFFFFFFD8  }
0xf1: {  	_ =	swait.ge [sflag:s5], $0x1400  }
0xf2: {  	[sflag:s5] =	ssyncset.done $0x0  }
0xf3: {  	s22 =	simm.s32 @!p0 $0xF;
	[sflag:s5] =	ssyncadd.s32 $0xFFFFEC00  }
0xf4: {  	[spmem:s20] =	stream.indirect.scatter.add.f32 [tilespmem:s3], [sflag:$0xD], $0x40, s0, s31, $0xb8;
	[tilespmem:$0x11C80] =	vst v63  }
0xf5: {  	_ =	swait.ge @!p0 [sflag:s22], $0xA00  }
0xf6: {  	[sflag:s22] =	ssyncset.done @!p0 $0x0  }
0xf7: {  	[sflag:s22] =	ssyncadd.s32 @!p0 $0xFFFFF600  }
0xf8: {  	[tilespmem:s11], [sflag:$0x5] =	stream.linear.gather [hbm4b:s6+s15], $0x28, $0x38;
	[tilespmem:$0x11C80] =	vst v63  }
0xf9: {  	s21 =	sadd.s32 $0xA00, s21  }
0xfa: {  	[tilespmem:s29], [sflag:$0xA] =	stream.linear.gather [hbm4b:s21+s15], $0x1400, $0x38;
	[tilespmem:$0x11C80] =	vst v63  }
0xfb: {  	_ =	swait.ge [sflag:s12], $0x28  }
0xfc: {  	[sflag:s12] =	ssyncset.done $0x0  }
0xfd: {  	[sflag:s12] =	ssyncadd.s32 $0xFFFFFFD8  }
0xfe: {  	p2 =	seq.s32 s24, $0x0;
	s25 =	smov.u32 s24;
	_ =	swait.ge [sflag:s13], $0x1400  }
0xff: {  	p0 =	por p2, p2;
	p2 =	seq.s32 s17, $0x12C00;
	[sflag:s13] =	ssyncset.done $0x0  }
0x100: {  	s24 =	sadd.s32 $0xC80, s24;
	s21 =	simm.s32 @!p2 $0xB;
	[sflag:s13] =	ssyncadd.s32 $0xFFFFEC00  }
0x101: {  	[spmem:s20] =	stream.indirect.scatter.add.f32 [tilespmem:s10], [sflag:$0xE], $0x40, s2, s31, $0xb8;
	[tilespmem:$0x11C80] =	vst v63  }
0x102: {  	p1 =	sne.s32 s24, $0x13880;
	_ =	swait.ge @!p2 [sflag:s21], $0xA00  }
0x103: {  	s22 =	sshrl.u32 @!p2 s9, $0x3;
	s17 =	sadd.s32 @!p2 s17, s26;
	[sflag:s21] =	ssyncset.done @!p2 $0x0  }
0x104: {  	s22 =	sadd.s32 @!p2 s28, s22;
	s28 =	simm.s32 @!p2 $0x0;
	[sflag:s21] =	ssyncadd.s32 @!p2 $0xFFFFF600  }
0x105: {  	[tilespmem:s28], [sflag:$0x1] =	stream.linear.gather @!p2 [hbm4b:s22+s28], $0x28, $0x38;
	[tilespmem:$0x11C80] =	vst v63  }
0x106: {  	s18 =	smov.u32 s26;
	s26 =	sadd.s32 @!p2 $0xC80, s17;
	s21 =	simm.s32 @!p2 $0x280  }
0x107: {  	[tilespmem:s21], [sflag:$0x6] =	stream.linear.gather @!p2 [hbm4b:s26+s28], $0x1400, $0x38;
	[tilespmem:$0x11C80] =	vst v63  }
.Ltmp0:
0x108: {  	s28 =	rddreg [dreg:$0x5];
	_ =	swait.ge [sflag:s14], $0x28;
	(pc) =	sbr.rel @p1 .LBB2_2-.Ltmp0, $4  }
0x109: {  	s23 =	sadd.s32 $0x19, s23;
	[sflag:s14] =	ssyncset.done $0x0  }
0x10a: {  	s8 =	sadd.s32 $0x19, s8;
	s7 =	sadd.s32 $0x19, s7;
	[sflag:s14] =	ssyncadd.s32 $0xFFFFFFD8  }
0x10b: {  	s9 =	sadd.s32 $0xC8, s9;
	s6 =	sadd.s32 $0x19, s6;
	_ =	swait.ge [sflag:s16], $0x1400  }
0x10c: {  	s17 =	smov.u32 s25;
	s26 =	smov.u32 s18;
	[sflag:s16] =	ssyncset.done $0x0  }
0x10d: {  	s21 =	simm.s32 @!p0 $0xC  }
0x10e: {  	[sflag:s16] =	ssyncadd.s32 $0xFFFFEC00;
	s0 =	simm.s32 $0x200;
	s11 =	simm.s32 $0x5280  }
0x10f: {  	[spmem:s20] =	stream.indirect.scatter.add.f32 [tilespmem:s11], [sflag:$0xF], $0x40, s0, s31, $0xb8;
	[tilespmem:$0x11C80] =	vst v63  }
0x110: {  	_ =	swait.ge @!p0 [sflag:s21], $0xA00  }
0x111: {  	[sflag:s21] =	ssyncset.done @!p0 $0x0  }
0x112: {  	s0 =	simm.s32 $0x80;
	[sflag:s21] =	ssyncadd.s32 @!p0 $0xFFFFF600;
	s21 =	sadd.s32 s17, s26  }
0x113: {  	[tilespmem:s0], [sflag:$0x2] =	stream.linear.gather [hbm4b:s23+s15], $0x28, $0x38;
	[tilespmem:$0x11C80] =	vst v63  }
0x114: {  	s2 =	simm.s32 $0x1680;
	s29 =	simm.s32 $0x1;
	s22 =	sadd.s32 $0x280, s21  }
0x115: {  	[tilespmem:s2], [sflag:$0x7] =	stream.linear.gather [hbm4b:s22+s15], $0x1400, $0x38;
	[tilespmem:$0x11C80] =	vst v63  }
0x116: {  	_ =	swait.ge [sflag:s29], $0x28  }
0x117: {  	[sflag:s29] =	ssyncset.done $0x0  }
0x118: {  	[sflag:s29] =	ssyncadd.s32 $0xFFFFFFD8  }
0x119: {  	_ =	swait.ge [sflag:s30], $0x1400  }
0x11a: {  	[sflag:s30] =	ssyncset.done $0x0  }
0x11b: {  	s25 =	simm.s32 $0x280;
	s22 =	simm.s32 @!p0 $0xD;
	[sflag:s30] =	ssyncadd.s32 $0xFFFFEC00  }
0x11c: {  	[spmem:s20] =	stream.indirect.scatter.add.f32 [tilespmem:s25], [sflag:$0xB], $0x40, s15, s31, $0xb8;
	[tilespmem:$0x11C80] =	vst v63  }
0x11d: {  	_ =	swait.ge @!p0 [sflag:s22], $0xA00  }
0x11e: {  	[sflag:s22] =	ssyncset.done @!p0 $0x0  }
0x11f: {  	s3 =	simm.s32 $0x100;
	[sflag:s22] =	ssyncadd.s32 @!p0 $0xFFFFF600  }
0x120: {  	[tilespmem:s3], [sflag:$0x3] =	stream.linear.gather [hbm4b:s8+s15], $0x28, $0x38;
	[tilespmem:$0x11C80] =	vst v63  }
0x121: {  	s24 =	sadd.s32 $0x500, s21;
	s22 =	simm.s32 $0x2A80  }
0x122: {  	[tilespmem:s22], [sflag:$0x8] =	stream.linear.gather [hbm4b:s24+s15], $0x1400, $0x38;
	[tilespmem:$0x11C80] =	vst v63  }
0x123: {  	_ =	swait.ge [sflag:s19], $0x28  }
0x124: {  	[sflag:s19] =	ssyncset.done $0x0  }
0x125: {  	[sflag:s19] =	ssyncadd.s32 $0xFFFFFFD8  }
0x126: {  	_ =	swait.ge [sflag:s1], $0x1400  }
0x127: {  	[sflag:s1] =	ssyncset.done $0x0  }
0x128: {  	s8 =	simm.s32 @!p0 $0xE;
	[sflag:s1] =	ssyncadd.s32 $0xFFFFEC00  }
0x129: {  	[spmem:s20] =	stream.indirect.scatter.add.f32 [tilespmem:s2], [sflag:$0xC], $0x40, s0, s31, $0xb8;
	[tilespmem:$0x11C80] =	vst v63  }
0x12a: {  	_ =	swait.ge @!p0 [sflag:s8], $0xA00  }
0x12b: {  	[sflag:s8] =	ssyncset.done @!p0 $0x0  }
0x12c: {  	s10 =	simm.s32 $0x180;
	[sflag:s8] =	ssyncadd.s32 @!p0 $0xFFFFF600  }
0x12d: {  	[tilespmem:s10], [sflag:$0x4] =	stream.linear.gather [hbm4b:s7+s15], $0x28, $0x38;
	[tilespmem:$0x11C80] =	vst v63  }
0x12e: {  	s24 =	simm.s32 $0x3E80;
	s8 =	sadd.s32 $0x780, s21  }
0x12f: {  	[tilespmem:s24], [sflag:$0x9] =	stream.linear.gather [hbm4b:s8+s15], $0x1400, $0x38;
	[tilespmem:$0x11C80] =	vst v63  }
0x130: {  	_ =	swait.ge [sflag:s4], $0x28  }
0x131: {  	[sflag:s4] =	ssyncset.done $0x0  }
0x132: {  	[sflag:s4] =	ssyncadd.s32 $0xFFFFFFD8  }
0x133: {  	_ =	swait.ge [sflag:s5], $0x1400  }
0x134: {  	[sflag:s5] =	ssyncset.done $0x0  }
0x135: {  	s7 =	simm.s32 @!p0 $0xF;
	[sflag:s5] =	ssyncadd.s32 $0xFFFFEC00  }
0x136: {  	[spmem:s20] =	stream.indirect.scatter.add.f32 [tilespmem:s22], [sflag:$0xD], $0x40, s3, s31, $0xb8;
	[tilespmem:$0x11C80] =	vst v63  }
0x137: {  	_ =	swait.ge @!p0 [sflag:s7], $0xA00  }
0x138: {  	[sflag:s7] =	ssyncset.done @!p0 $0x0  }
0x139: {  	s23 =	simm.s32 $0x200;
	[sflag:s7] =	ssyncadd.s32 @!p0 $0xFFFFF600  }
0x13a: {  	[tilespmem:s23], [sflag:$0x5] =	stream.linear.gather [hbm4b:s6+s15], $0x28, $0x38;
	[tilespmem:$0x11C80] =	vst v63  }
0x13b: {  	s21 =	sadd.s32 $0xA00, s21  }
0x13c: {  	[tilespmem:s11], [sflag:$0xA] =	stream.linear.gather [hbm4b:s21+s15], $0x1400, $0x38;
	[tilespmem:$0x11C80] =	vst v63  }
0x13d: {  	_ =	swait.ge [sflag:s12], $0x28  }
0x13e: {  	[sflag:s12] =	ssyncset.done $0x0  }
0x13f: {  	[sflag:s12] =	ssyncadd.s32 $0xFFFFFFD8  }
0x140: {  	_ =	swait.ge [sflag:s13], $0x1400  }
0x141: {  	p0 =	seq.s32 s17, $0x12C00;
	[sflag:s13] =	ssyncset.done $0x0  }
0x142: {  	s6 =	simm.s32 @!p0 $0xB;
	[sflag:s13] =	ssyncadd.s32 $0xFFFFEC00  }
0x143: {  	[spmem:s20] =	stream.indirect.scatter.add.f32 [tilespmem:s24], [sflag:$0xE], $0x40, s10, s31, $0xb8;
	[tilespmem:$0x11C80] =	vst v63  }
0x144: {  	_ =	swait.ge @!p0 [sflag:s6], $0xA00  }
0x145: {  	s7 =	sshrl.u32 @!p0 s9, $0x3;
	s8 =	sadd.s32 @!p0 s17, s26;
	[sflag:s6] =	ssyncset.done @!p0 $0x0  }
0x146: {  	s9 =	simm.s32 @!p0 $0x0;
	s7 =	sadd.s32 @!p0 s28, s7;
	[sflag:s6] =	ssyncadd.s32 @!p0 $0xFFFFF600  }
0x147: {  	[tilespmem:s9], [sflag:$0x1] =	stream.linear.gather @!p0 [hbm4b:s7+s9], $0x28, $0x38;
	[tilespmem:$0x11C80] =	vst v63  }
0x148: {  	s6 =	sadd.s32 @!p0 $0xC80, s8;
	s7 =	simm.s32 @!p0 $0x280  }
0x149: {  	[tilespmem:s7], [sflag:$0x6] =	stream.linear.gather @!p0 [hbm4b:s6+s9], $0x1400, $0x38;
	[tilespmem:$0x11C80] =	vst v63  }
0x14a: {  	_ =	swait.ge [sflag:s14], $0x28  }
0x14b: {  	[sflag:s14] =	ssyncset.done $0x0  }
0x14c: {  	[sflag:s14] =	ssyncadd.s32 $0xFFFFFFD8  }
0x14d: {  	_ =	swait.ge [sflag:s16], $0x1400  }
0x14e: {  	[sflag:s16] =	ssyncset.done $0x0  }
0x14f: {  	s26 =	simm.s32 $0xB;
	[sflag:s16] =	ssyncadd.s32 $0xFFFFEC00  }
0x150: {  	[spmem:s20] =	stream.indirect.scatter.add.f32 [tilespmem:s11], [sflag:$0xF], $0x40, s23, s31, $0xb8;
	[tilespmem:$0x11C80] =	vst v63  }
0x151: {  	_ =	swait.ge [sflag:s26], $0xA00  }
0x152: {  	[sflag:s26] =	ssyncset.done $0x0  }
0x153: {  	s7 =	simm.s32 $0xC;
	[sflag:s26] =	ssyncadd.s32 $0xFFFFF600  }
0x154: {  	_ =	swait.ge [sflag:s7], $0xA00  }
0x155: {  	[sflag:s7] =	ssyncset.done $0x0  }
0x156: {  	s9 =	simm.s32 $0xD;
	[sflag:s7] =	ssyncadd.s32 $0xFFFFF600  }
0x157: {  	_ =	swait.ge [sflag:s9], $0xA00  }
0x158: {  	[sflag:s9] =	ssyncset.done $0x0  }
0x159: {  	s17 =	simm.s32 $0xE;
	[sflag:s9] =	ssyncadd.s32 $0xFFFFF600  }
0x15a: {  	_ =	swait.ge [sflag:s17], $0xA00  }
0x15b: {  	[sflag:s17] =	ssyncset.done $0x0  }
0x15c: {  	s21 =	simm.s32 $0xF;
	[sflag:s17] =	ssyncadd.s32 $0xFFFFF600  }
0x15d: {  	_ =	swait.ge [sflag:s21], $0xA00  }
0x15e: {  	s26 =	sld [smem:$0x7EE]  }
0x15f: {  	p5 =	por $0x1, $0x1;
	[sflag:s21] =	ssyncset.done $0x0  }
0x160: {  	p0 =	por p5, p5;
	s23 =	simm.s32 $0x0;
	[sflag:s21] =	ssyncadd.s32 $0xFFFFF600  }
0x161: {  	[tilespmem:s23], [sflag:$0x1] =	stream.linear.gather [hbm4b:s26+s23], $0x28, $0x38;
	[tilespmem:$0x11C80] =	vst v63  }
0x162: {  	s6 =	simm.s32 @!p0 $0xC;
	s9 =	rddreg [dreg:$0x16]  }
0x163: {  	[tilespmem:s25], [sflag:$0x6] =	stream.linear.gather [hbm4b:s9+s23], $0x1400, $0x38;
	[tilespmem:$0x11C80] =	vst v63  }
0x164: {  	_ =	swait.ge @!p0 [sflag:s6], $0xA00  }
0x165: {  	s23 =	sld [smem:$0x7F8]  }
0x166: {  	[sflag:s6] =	ssyncset.done @!p0 $0x0;
	s28 =	rddreg [dreg:$0x4]  }
0x167: {  	[sflag:s6] =	ssyncadd.s32 @!p0 $0xFFFFF600;
	s17 =	sadd.s32 $0x0, s28  }
0x168: {  	[tilespmem:s0], [sflag:$0x2] =	stream.linear.gather [hbm4b:s23+s15], $0x28, $0x38;
	[tilespmem:$0x11C80] =	vst v63  }
0x169: {  	s21 =	sadd.s32 $0x280, s17  }
0x16a: {  	[tilespmem:s2], [sflag:$0x7] =	stream.linear.gather [hbm4b:s21+s15], $0x1400, $0x38;
	[tilespmem:$0x11C80] =	vst v63  }
0x16b: {  	_ =	swait.ge [sflag:s29], $0x28  }
0x16c: {  	[sflag:s29] =	ssyncset.done $0x0  }
0x16d: {  	[sflag:s29] =	ssyncadd.s32 $0xFFFFFFD8  }
0x16e: {  	_ =	swait.ge [sflag:s30], $0x1400  }
0x16f: {  	[sflag:s30] =	ssyncset.done $0x0  }
0x170: {  	s7 =	simm.s32 @!p0 $0xD;
	[sflag:s30] =	ssyncadd.s32 $0xFFFFEC00  }
0x171: {  	[spmem:s20] =	stream.indirect.scatter.add.f32 [tilespmem:s25], [sflag:$0xB], $0x40, s15, s31, $0xb8;
	[tilespmem:$0x11C80] =	vst v63  }
0x172: {  	_ =	swait.ge @!p0 [sflag:s7], $0xA00  }
0x173: {  	s29 =	sld [smem:$0x7F6]  }
0x174: {  	[sflag:s7] =	ssyncset.done @!p0 $0x0  }
0x175: {  	[sflag:s7] =	ssyncadd.s32 @!p0 $0xFFFFF600  }
0x176: {  	[tilespmem:s3], [sflag:$0x3] =	stream.linear.gather [hbm4b:s29+s15], $0x28, $0x38;
	[tilespmem:$0x11C80] =	vst v63  }
0x177: {  	s26 =	sadd.s32 $0x500, s17  }
0x178: {  	[tilespmem:s22], [sflag:$0x8] =	stream.linear.gather [hbm4b:s26+s15], $0x1400, $0x38;
	[tilespmem:$0x11C80] =	vst v63  }
0x179: {  	_ =	swait.ge [sflag:s19], $0x28  }
0x17a: {  	[sflag:s19] =	ssyncset.done $0x0  }
0x17b: {  	[sflag:s19] =	ssyncadd.s32 $0xFFFFFFD8  }
0x17c: {  	_ =	swait.ge [sflag:s1], $0x1400  }
0x17d: {  	[sflag:s1] =	ssyncset.done $0x0  }
0x17e: {  	s7 =	simm.s32 @!p0 $0xE;
	[sflag:s1] =	ssyncadd.s32 $0xFFFFEC00  }
0x17f: {  	[spmem:s20] =	stream.indirect.scatter.add.f32 [tilespmem:s2], [sflag:$0xC], $0x40, s0, s31, $0xb8;
	[tilespmem:$0x11C80] =	vst v63  }
0x180: {  	_ =	swait.ge @!p0 [sflag:s7], $0xA00  }
0x181: {  	s0 =	sld [smem:$0x7F4]  }
0x182: {  	[sflag:s7] =	ssyncset.done @!p0 $0x0  }
0x183: {  	[sflag:s7] =	ssyncadd.s32 @!p0 $0xFFFFF600  }
0x184: {  	[tilespmem:s10], [sflag:$0x4] =	stream.linear.gather [hbm4b:s0+s15], $0x28, $0x38;
	[tilespmem:$0x11C80] =	vst v63  }
0x185: {  	s2 =	sadd.s32 $0x780, s17  }
0x186: {  	[tilespmem:s24], [sflag:$0x9] =	stream.linear.gather [hbm4b:s2+s15], $0x1400, $0x38;
	[tilespmem:$0x11C80] =	vst v63  }
0x187: {  	_ =	swait.ge [sflag:s4], $0x28  }
0x188: {  	[sflag:s4] =	ssyncset.done $0x0  }
0x189: {  	[sflag:s4] =	ssyncadd.s32 $0xFFFFFFD8  }
0x18a: {  	_ =	swait.ge [sflag:s5], $0x1400  }
0x18b: {  	[sflag:s5] =	ssyncset.done $0x0  }
0x18c: {  	s7 =	simm.s32 @!p0 $0xF;
	[sflag:s5] =	ssyncadd.s32 $0xFFFFEC00  }
0x18d: {  	[spmem:s20] =	stream.indirect.scatter.add.f32 [tilespmem:s22], [sflag:$0xD], $0x40, s3, s31, $0xb8;
	[tilespmem:$0x11C80] =	vst v63  }
0x18e: {  	_ =	swait.ge @!p0 [sflag:s7], $0xA00  }
0x18f: {  	s3 =	sld [smem:$0x7F2]  }
0x190: {  	[sflag:s7] =	ssyncset.done @!p0 $0x0  }
0x191: {  	s8 =	simm.s32 $0x200;
	[sflag:s7] =	ssyncadd.s32 @!p0 $0xFFFFF600  }
0x192: {  	[tilespmem:s8], [sflag:$0x5] =	stream.linear.gather [hbm4b:s3+s15], $0x28, $0x38;
	[tilespmem:$0x11C80] =	vst v63  }
0x193: {  	s6 =	sadd.s32 $0xA00, s17  }
0x194: {  	[tilespmem:s11], [sflag:$0xA] =	stream.linear.gather [hbm4b:s6+s15], $0x1400, $0x38;
	[tilespmem:$0x11C80] =	vst v63  }
0x195: {  	_ =	swait.ge [sflag:s12], $0x28  }
0x196: {  	[sflag:s12] =	ssyncset.done $0x0  }
0x197: {  	[sflag:s12] =	ssyncadd.s32 $0xFFFFFFD8  }
0x198: {  	_ =	swait.ge [sflag:s13], $0x1400  }
0x199: {  	p0 =	por $0x0, $0x0;
	[sflag:s13] =	ssyncset.done $0x0  }
0x19a: {  	s6 =	simm.s32 @!p0 $0xB;
	[sflag:s13] =	ssyncadd.s32 $0xFFFFEC00  }
0x19b: {  	[spmem:s20] =	stream.indirect.scatter.add.f32 [tilespmem:s24], [sflag:$0xE], $0x40, s10, s31, $0xb8;
	[tilespmem:$0x11C80] =	vst v63  }
0x19c: {  	_ =	swait.ge @!p0 [sflag:s6], $0xA00  }
0x19d: {  	s21 =	sld [smem:$0x7F0];
	_ =	sdelay $0x1  }
0x19e: {  	s9 =	simm.s32 @!p0 $0x0  }
0x19f: {  	[sflag:s6] =	ssyncset.done @!p0 $0x0;
	s26 =	rddreg [dreg:$0x6];
	s7 =	sshrl.u32 @!p0 s21, $0x3  }
0x1a0: {  	s8 =	sadd.s32 @!p0 $0x0, s28;
	[sflag:s6] =	ssyncadd.s32 @!p0 $0xFFFFF600;
	s7 =	sadd.s32 @!p0 s26, s7  }
0x1a1: {  	[tilespmem:s9], [sflag:$0x1] =	stream.linear.gather @!p0 [hbm4b:s7+s9], $0x28, $0x38;
	[tilespmem:$0x11C80] =	vst v63  }
0x1a2: {  	s6 =	sadd.s32 @!p0 $0xC80, s8;
	s7 =	simm.s32 @!p0 $0x280  }
0x1a3: {  	[tilespmem:s7], [sflag:$0x6] =	stream.linear.gather @!p0 [hbm4b:s6+s9], $0x1400, $0x38;
	[tilespmem:$0x11C80] =	vst v63  }
0x1a4: {  	p6 =	por $0x0, $0x0;
	_ =	swait.ge [sflag:s14], $0x28  }
0x1a5: {  	s23 =	sadd.s32 $0x19, s23;
	s17 =	simm.s32 $0xC80;
	[sflag:s14] =	ssyncset.done $0x0  }
0x1a6: {  	s24 =	simm.s32 $0x1900;
	s8 =	sadd.s32 $0x19, s29;
	[sflag:s14] =	ssyncadd.s32 $0xFFFFFFD8  }
0x1a7: {  	p0 =	por p6, p6;
	s7 =	sadd.s32 $0x19, s0;
	_ =	swait.ge [sflag:s16], $0x1400  }
0x1a8: {  	s9 =	sadd.s32 $0xC8, s21;
	s6 =	sadd.s32 $0x19, s3;
	[sflag:s16] =	ssyncset.done $0x0  }
.LBB2_4:
0x1a9: {  	s21 =	simm.s32 @!p0 $0xC  }
0x1aa: {  	[sflag:s16] =	ssyncadd.s32 $0xFFFFEC00;
	s11 =	simm.s32 $0x200;
	s29 =	simm.s32 $0x5280  }
0x1ab: {  	[spmem:s20] =	stream.indirect.scatter.add.f32 [tilespmem:s29], [sflag:$0xF], $0x40, s11, s31, $0xb8;
	[tilespmem:$0x11C80] =	vst v63  }
0x1ac: {  	_ =	swait.ge @!p0 [sflag:s21], $0xA00  }
0x1ad: {  	[sflag:s21] =	ssyncset.done @!p0 $0x0  }
0x1ae: {  	s2 =	simm.s32 $0x80;
	[sflag:s21] =	ssyncadd.s32 @!p0 $0xFFFFF600;
	s21 =	sadd.s32 s17, s28  }
0x1af: {  	[tilespmem:s2], [sflag:$0x2] =	stream.linear.gather [hbm4b:s23+s15], $0x28, $0x38;
	[tilespmem:$0x11C80] =	vst v63  }
0x1b0: {  	s3 =	simm.s32 $0x1680;
	s0 =	simm.s32 $0x1;
	s22 =	sadd.s32 $0x280, s21  }
0x1b1: {  	[tilespmem:s3], [sflag:$0x7] =	stream.linear.gather [hbm4b:s22+s15], $0x1400, $0x38;
	[tilespmem:$0x11C80] =	vst v63  }
0x1b2: {  	_ =	swait.ge [sflag:s0], $0x28  }
0x1b3: {  	[sflag:s0] =	ssyncset.done $0x0  }
0x1b4: {  	[sflag:s0] =	ssyncadd.s32 $0xFFFFFFD8  }
0x1b5: {  	_ =	swait.ge [sflag:s30], $0x1400  }
0x1b6: {  	[sflag:s30] =	ssyncset.done $0x0  }
0x1b7: {  	s10 =	simm.s32 $0x280;
	s22 =	simm.s32 @!p0 $0xD;
	[sflag:s30] =	ssyncadd.s32 $0xFFFFEC00  }
0x1b8: {  	[spmem:s20] =	stream.indirect.scatter.add.f32 [tilespmem:s10], [sflag:$0xB], $0x40, s15, s31, $0xb8;
	[tilespmem:$0x11C80] =	vst v63  }
0x1b9: {  	_ =	swait.ge @!p0 [sflag:s22], $0xA00  }
0x1ba: {  	[sflag:s22] =	ssyncset.done @!p0 $0x0  }
0x1bb: {  	s0 =	simm.s32 $0x100;
	[sflag:s22] =	ssyncadd.s32 @!p0 $0xFFFFF600  }
0x1bc: {  	[tilespmem:s0], [sflag:$0x3] =	stream.linear.gather [hbm4b:s8+s15], $0x28, $0x38;
	[tilespmem:$0x11C80] =	vst v63  }
0x1bd: {  	s10 =	simm.s32 $0x2A80;
	s22 =	sadd.s32 $0x500, s21  }
0x1be: {  	[tilespmem:s10], [sflag:$0x8] =	stream.linear.gather [hbm4b:s22+s15], $0x1400, $0x38;
	[tilespmem:$0x11C80] =	vst v63  }
0x1bf: {  	_ =	swait.ge [sflag:s19], $0x28  }
0x1c0: {  	[sflag:s19] =	ssyncset.done $0x0  }
0x1c1: {  	[sflag:s19] =	ssyncadd.s32 $0xFFFFFFD8  }
0x1c2: {  	_ =	swait.ge [sflag:s1], $0x1400  }
0x1c3: {  	[sflag:s1] =	ssyncset.done $0x0  }
0x1c4: {  	s22 =	simm.s32 @!p0 $0xE;
	[sflag:s1] =	ssyncadd.s32 $0xFFFFEC00  }
0x1c5: {  	[spmem:s20] =	stream.indirect.scatter.add.f32 [tilespmem:s3], [sflag:$0xC], $0x40, s2, s31, $0xb8;
	[tilespmem:$0x11C80] =	vst v63  }
0x1c6: {  	_ =	swait.ge @!p0 [sflag:s22], $0xA00  }
0x1c7: {  	[sflag:s22] =	ssyncset.done @!p0 $0x0  }
0x1c8: {  	s2 =	simm.s32 $0x180;
	[sflag:s22] =	ssyncadd.s32 @!p0 $0xFFFFF600  }
0x1c9: {  	[tilespmem:s2], [sflag:$0x4] =	stream.linear.gather [hbm4b:s7+s15], $0x28, $0x38;
	[tilespmem:$0x11C80] =	vst v63  }
0x1ca: {  	s3 =	simm.s32 $0x3E80;
	s22 =	sadd.s32 $0x780, s21  }
0x1cb: {  	[tilespmem:s3], [sflag:$0x9] =	stream.linear.gather [hbm4b:s22+s15], $0x1400, $0x38;
	[tilespmem:$0x11C80] =	vst v63  }
0x1cc: {  	_ =	swait.ge [sflag:s4], $0x28  }
0x1cd: {  	[sflag:s4] =	ssyncset.done $0x0  }
0x1ce: {  	[sflag:s4] =	ssyncadd.s32 $0xFFFFFFD8  }
0x1cf: {  	_ =	swait.ge [sflag:s5], $0x1400  }
0x1d0: {  	[sflag:s5] =	ssyncset.done $0x0  }
0x1d1: {  	s22 =	simm.s32 @!p0 $0xF;
	[sflag:s5] =	ssyncadd.s32 $0xFFFFEC00  }
0x1d2: {  	[spmem:s20] =	stream.indirect.scatter.add.f32 [tilespmem:s10], [sflag:$0xD], $0x40, s0, s31, $0xb8;
	[tilespmem:$0x11C80] =	vst v63  }
0x1d3: {  	_ =	swait.ge @!p0 [sflag:s22], $0xA00  }
0x1d4: {  	[sflag:s22] =	ssyncset.done @!p0 $0x0  }
0x1d5: {  	[sflag:s22] =	ssyncadd.s32 @!p0 $0xFFFFF600  }
0x1d6: {  	[tilespmem:s11], [sflag:$0x5] =	stream.linear.gather [hbm4b:s6+s15], $0x28, $0x38;
	[tilespmem:$0x11C80] =	vst v63  }
0x1d7: {  	s21 =	sadd.s32 $0xA00, s21  }
0x1d8: {  	[tilespmem:s29], [sflag:$0xA] =	stream.linear.gather [hbm4b:s21+s15], $0x1400, $0x38;
	[tilespmem:$0x11C80] =	vst v63  }
0x1d9: {  	_ =	swait.ge [sflag:s12], $0x28  }
0x1da: {  	[sflag:s12] =	ssyncset.done $0x0  }
0x1db: {  	[sflag:s12] =	ssyncadd.s32 $0xFFFFFFD8  }
0x1dc: {  	p2 =	seq.s32 s24, $0x0;
	_ =	swait.ge [sflag:s13], $0x1400  }
0x1dd: {  	p0 =	por p2, p2;
	p2 =	seq.s32 s17, $0x12C00;
	[sflag:s13] =	ssyncset.done $0x0  }
0x1de: {  	s21 =	simm.s32 @!p2 $0xB;
	[sflag:s13] =	ssyncadd.s32 $0xFFFFEC00  }
0x1df: {  	[spmem:s20] =	stream.indirect.scatter.add.f32 [tilespmem:s3], [sflag:$0xE], $0x40, s2, s31, $0xb8;
	[tilespmem:$0x11C80] =	vst v63  }
0x1e0: {  	s25 =	smov.u32 s24;
	_ =	swait.ge @!p2 [sflag:s21], $0xA00  }
0x1e1: {  	s22 =	sshrl.u32 @!p2 s9, $0x3;
	s17 =	sadd.s32 @!p2 s17, s28;
	[sflag:s21] =	ssyncset.done @!p2 $0x0  }
0x1e2: {  	s28 =	simm.s32 @!p2 $0x0;
	s22 =	sadd.s32 @!p2 s26, s22;
	[sflag:s21] =	ssyncadd.s32 @!p2 $0xFFFFF600  }
0x1e3: {  	[tilespmem:s28], [sflag:$0x1] =	stream.linear.gather @!p2 [hbm4b:s22+s28], $0x28, $0x38;
	[tilespmem:$0x11C80] =	vst v63  }
0x1e4: {  	s24 =	sadd.s32 $0xC80, s24;
	s26 =	sadd.s32 @!p2 $0xC80, s17;
	s21 =	simm.s32 @!p2 $0x280  }
0x1e5: {  	[tilespmem:s21], [sflag:$0x6] =	stream.linear.gather @!p2 [hbm4b:s26+s28], $0x1400, $0x38;
	[tilespmem:$0x11C80] =	vst v63  }
0x1e6: {  	p1 =	sne.s32 s24, $0x13880;
	s26 =	rddreg [dreg:$0x6]  }
.Ltmp1:
0x1e7: {  	s28 =	rddreg [dreg:$0x4];
	_ =	swait.ge [sflag:s14], $0x28;
	(pc) =	sbr.rel @p1 .LBB2_4-.Ltmp1, $4  }
0x1e8: {  	[sflag:s14] =	ssyncset.done $0x0  }
0x1e9: {  	s23 =	sadd.s32 $0x19, s23;
	s8 =	sadd.s32 $0x19, s8;
	[sflag:s14] =	ssyncadd.s32 $0xFFFFFFD8  }
0x1ea: {  	s7 =	sadd.s32 $0x19, s7;
	s9 =	sadd.s32 $0xC8, s9;
	_ =	swait.ge [sflag:s16], $0x1400  }
0x1eb: {  	s6 =	sadd.s32 $0x19, s6;
	s17 =	smov.u32 s25;
	[sflag:s16] =	ssyncset.done $0x0  }
0x1ec: {  	s21 =	simm.s32 @!p0 $0xC  }
0x1ed: {  	[sflag:s16] =	ssyncadd.s32 $0xFFFFEC00;
	s11 =	simm.s32 $0x200;
	s24 =	simm.s32 $0x5280  }
0x1ee: {  	[spmem:s20] =	stream.indirect.scatter.add.f32 [tilespmem:s24], [sflag:$0xF], $0x40, s11, s31, $0xb8;
	[tilespmem:$0x11C80] =	vst v63  }
0x1ef: {  	_ =	swait.ge @!p0 [sflag:s21], $0xA00  }
0x1f0: {  	[sflag:s21] =	ssyncset.done @!p0 $0x0  }
0x1f1: {  	s2 =	simm.s32 $0x80;
	[sflag:s21] =	ssyncadd.s32 @!p0 $0xFFFFF600;
	s21 =	sadd.s32 s17, s28  }
0x1f2: {  	[tilespmem:s2], [sflag:$0x2] =	stream.linear.gather [hbm4b:s23+s15], $0x28, $0x38;
	[tilespmem:$0x11C80] =	vst v63  }
0x1f3: {  	s3 =	simm.s32 $0x1680;
	s0 =	simm.s32 $0x1;
	s22 =	sadd.s32 $0x280, s21  }
0x1f4: {  	[tilespmem:s3], [sflag:$0x7] =	stream.linear.gather [hbm4b:s22+s15], $0x1400, $0x38;
	[tilespmem:$0x11C80] =	vst v63  }
0x1f5: {  	_ =	swait.ge [sflag:s0], $0x28  }
0x1f6: {  	[sflag:s0] =	ssyncset.done $0x0  }
0x1f7: {  	[sflag:s0] =	ssyncadd.s32 $0xFFFFFFD8  }
0x1f8: {  	_ =	swait.ge [sflag:s30], $0x1400  }
0x1f9: {  	[sflag:s30] =	ssyncset.done $0x0  }
0x1fa: {  	s23 =	simm.s32 $0x280;
	s22 =	simm.s32 @!p0 $0xD;
	[sflag:s30] =	ssyncadd.s32 $0xFFFFEC00  }
0x1fb: {  	[spmem:s20] =	stream.indirect.scatter.add.f32 [tilespmem:s23], [sflag:$0xB], $0x40, s15, s31, $0xb8;
	[tilespmem:$0x11C80] =	vst v63  }
0x1fc: {  	_ =	swait.ge @!p0 [sflag:s22], $0xA00  }
0x1fd: {  	[sflag:s22] =	ssyncset.done @!p0 $0x0  }
0x1fe: {  	s0 =	simm.s32 $0x100;
	[sflag:s22] =	ssyncadd.s32 @!p0 $0xFFFFF600  }
0x1ff: {  	[tilespmem:s0], [sflag:$0x3] =	stream.linear.gather [hbm4b:s8+s15], $0x28, $0x38;
	[tilespmem:$0x11C80] =	vst v63  }
0x200: {  	s10 =	simm.s32 $0x2A80;
	s25 =	sadd.s32 $0x500, s21  }
0x201: {  	[tilespmem:s10], [sflag:$0x8] =	stream.linear.gather [hbm4b:s25+s15], $0x1400, $0x38;
	[tilespmem:$0x11C80] =	vst v63  }
0x202: {  	_ =	swait.ge [sflag:s19], $0x28  }
0x203: {  	[sflag:s19] =	ssyncset.done $0x0  }
0x204: {  	[sflag:s19] =	ssyncadd.s32 $0xFFFFFFD8  }
0x205: {  	_ =	swait.ge [sflag:s1], $0x1400  }
0x206: {  	[sflag:s1] =	ssyncset.done $0x0  }
0x207: {  	s8 =	simm.s32 @!p0 $0xE;
	[sflag:s1] =	ssyncadd.s32 $0xFFFFEC00  }
0x208: {  	[spmem:s20] =	stream.indirect.scatter.add.f32 [tilespmem:s3], [sflag:$0xC], $0x40, s2, s31, $0xb8;
	[tilespmem:$0x11C80] =	vst v63  }
0x209: {  	_ =	swait.ge @!p0 [sflag:s8], $0xA00  }
0x20a: {  	[sflag:s8] =	ssyncset.done @!p0 $0x0  }
0x20b: {  	s22 =	simm.s32 $0x180;
	[sflag:s8] =	ssyncadd.s32 @!p0 $0xFFFFF600  }
0x20c: {  	[tilespmem:s22], [sflag:$0x4] =	stream.linear.gather [hbm4b:s7+s15], $0x28, $0x38;
	[tilespmem:$0x11C80] =	vst v63  }
0x20d: {  	s23 =	sadd.s32 $0x780, s21;
	s25 =	simm.s32 $0x3E80  }
0x20e: {  	[tilespmem:s25], [sflag:$0x9] =	stream.linear.gather [hbm4b:s23+s15], $0x1400, $0x38;
	[tilespmem:$0x11C80] =	vst v63  }
0x20f: {  	_ =	swait.ge [sflag:s4], $0x28  }
0x210: {  	[sflag:s4] =	ssyncset.done $0x0  }
0x211: {  	[sflag:s4] =	ssyncadd.s32 $0xFFFFFFD8  }
0x212: {  	_ =	swait.ge [sflag:s5], $0x1400  }
0x213: {  	[sflag:s5] =	ssyncset.done $0x0  }
0x214: {  	s7 =	simm.s32 @!p0 $0xF;
	[sflag:s5] =	ssyncadd.s32 $0xFFFFEC00  }
0x215: {  	[spmem:s20] =	stream.indirect.scatter.add.f32 [tilespmem:s10], [sflag:$0xD], $0x40, s0, s31, $0xb8;
	[tilespmem:$0x11C80] =	vst v63  }
0x216: {  	_ =	swait.ge @!p0 [sflag:s7], $0xA00  }
0x217: {  	[sflag:s7] =	ssyncset.done @!p0 $0x0  }
0x218: {  	[sflag:s7] =	ssyncadd.s32 @!p0 $0xFFFFF600  }
0x219: {  	[tilespmem:s11], [sflag:$0x5] =	stream.linear.gather [hbm4b:s6+s15], $0x28, $0x38;
	[tilespmem:$0x11C80] =	vst v63  }
0x21a: {  	s8 =	sadd.s32 $0xA00, s21  }
0x21b: {  	[tilespmem:s24], [sflag:$0xA] =	stream.linear.gather [hbm4b:s8+s15], $0x1400, $0x38;
	[tilespmem:$0x11C80] =	vst v63  }
0x21c: {  	_ =	swait.ge [sflag:s12], $0x28  }
0x21d: {  	[sflag:s12] =	ssyncset.done $0x0  }
0x21e: {  	[sflag:s12] =	ssyncadd.s32 $0xFFFFFFD8  }
0x21f: {  	_ =	swait.ge [sflag:s13], $0x1400  }
0x220: {  	p0 =	seq.s32 s17, $0x12C00;
	[sflag:s13] =	ssyncset.done $0x0  }
0x221: {  	s6 =	simm.s32 @!p0 $0xB;
	[sflag:s13] =	ssyncadd.s32 $0xFFFFEC00  }
0x222: {  	[spmem:s20] =	stream.indirect.scatter.add.f32 [tilespmem:s25], [sflag:$0xE], $0x40, s22, s31, $0xb8;
	[tilespmem:$0x11C80] =	vst v63  }
0x223: {  	s7 =	sshrl.u32 @!p0 s9, $0x3;
	_ =	swait.ge @!p0 [sflag:s6], $0xA00  }
0x224: {  	s7 =	sadd.s32 @!p0 s26, s7;
	[sflag:s6] =	ssyncset.done @!p0 $0x0  }
0x225: {  	s8 =	sadd.s32 @!p0 s17, s28;
	[sflag:s6] =	ssyncadd.s32 @!p0 $0xFFFFF600;
	s6 =	simm.s32 @!p0 $0x0  }
0x226: {  	[tilespmem:s6], [sflag:$0x1] =	stream.linear.gather @!p0 [hbm4b:s7+s6], $0x28, $0x38;
	[tilespmem:$0x11C80] =	vst v63  }
0x227: {  	s7 =	sadd.s32 @!p0 $0xC80, s8;
	s8 =	simm.s32 @!p0 $0x280  }
0x228: {  	[tilespmem:s8], [sflag:$0x6] =	stream.linear.gather @!p0 [hbm4b:s7+s6], $0x1400, $0x38;
	[tilespmem:$0x11C80] =	vst v63  }
0x229: {  	_ =	swait.ge [sflag:s14], $0x28  }
0x22a: {  	[sflag:s14] =	ssyncset.done $0x0  }
0x22b: {  	[sflag:s14] =	ssyncadd.s32 $0xFFFFFFD8  }
0x22c: {  	_ =	swait.ge [sflag:s16], $0x1400  }
0x22d: {  	[sflag:s16] =	ssyncset.done $0x0  }
0x22e: {  	s9 =	simm.s32 $0xB;
	[sflag:s16] =	ssyncadd.s32 $0xFFFFEC00  }
0x22f: {  	[spmem:s20] =	stream.indirect.scatter.add.f32 [tilespmem:s24], [sflag:$0xF], $0x40, s11, s31, $0xb8;
	[tilespmem:$0x11C80] =	vst v63  }
0x230: {  	_ =	swait.ge [sflag:s9], $0xA00  }
0x231: {  	[sflag:s9] =	ssyncset.done $0x0  }
0x232: {  	s10 =	simm.s32 $0xC;
	[sflag:s9] =	ssyncadd.s32 $0xFFFFF600  }
0x233: {  	_ =	swait.ge [sflag:s10], $0xA00  }
0x234: {  	[sflag:s10] =	ssyncset.done $0x0  }
0x235: {  	s11 =	simm.s32 $0xD;
	[sflag:s10] =	ssyncadd.s32 $0xFFFFF600  }
0x236: {  	_ =	swait.ge [sflag:s11], $0xA00  }
0x237: {  	[sflag:s11] =	ssyncset.done $0x0  }
0x238: {  	s17 =	simm.s32 $0xE;
	[sflag:s11] =	ssyncadd.s32 $0xFFFFF600  }
0x239: {  	_ =	swait.ge [sflag:s17], $0xA00  }
0x23a: {  	[sflag:s17] =	ssyncset.done $0x0  }
0x23b: {  	s21 =	simm.s32 $0xF;
	[sflag:s17] =	ssyncadd.s32 $0xFFFFF600  }
0x23c: {  	_ =	swait.ge [sflag:s21], $0xA00  }
0x23d: {  	[sflag:s21] =	ssyncset.done $0x0  }
0x23e: {  	[sflag:s21] =	ssyncadd.s32 $0xFFFFF600  }
0x23f: {  	[bflag:$0x0] =	sbarrier.arrive $0xFFFF  }
0x240: {  	s26 =	simm.s32 $0x10480;
	s7 =	simm.s32 $0x10;
	s29 =	rddreg [dreg:$0x17]  }
0x241: {  	[tilespmem:s26], [sflag:$0x10] =	stream.linear.gather [spmem:s29], $0x1800, $0x38;
	[tilespmem:$0x11C80] =	vst v63  }
0x242: {  	_ =	swait.ge [sflag:s7], $0x1800  }
0x243: {  	[sflag:s7] =	ssyncset.done $0x0  }
0x244: {  	s22 =	rddreg [dreg:$0x7];
	[sflag:s7] =	ssyncadd.s32 $0xFFFFE800  }
0x245: {  	[hbm4b:s22+s15] =	stream.linear.scatter [tilespmem:s26], [sflag:$0x10], $0x1800, $0x38;
	[tilespmem:$0x11C80] =	vst v63  }
0x246: {  	_ =	swait.ge [sflag:s7], $0x1800  }
0x247: {  	[sflag:s7] =	ssyncset.done $0x0  }
0x248: {  	s2 =	rddreg [dreg:$0x18];
	[sflag:s7] =	ssyncadd.s32 $0xFFFFE800  }
0x249: {  	[tilespmem:s26], [sflag:$0x10] =	stream.linear.gather [spmem:s2], $0x1800, $0x38;
	[tilespmem:$0x11C80] =	vst v63  }
0x24a: {  	_ =	swait.ge [sflag:s7], $0x1800  }
0x24b: {  	[sflag:s7] =	ssyncset.done $0x0  }
0x24c: {  	s23 =	rddreg [dreg:$0x8];
	[sflag:s7] =	ssyncadd.s32 $0xFFFFE800  }
0x24d: {  	[hbm4b:s23+s15] =	stream.linear.scatter [tilespmem:s26], [sflag:$0x10], $0x1800, $0x38;
	[tilespmem:$0x11C80] =	vst v63  }
0x24e: {  	_ =	swait.ge [sflag:s7], $0x1800  }
0x24f: {  	[sflag:s7] =	ssyncset.done $0x0  }
0x250: {  	s3 =	rddreg [dreg:$0x19];
	[sflag:s7] =	ssyncadd.s32 $0xFFFFE800  }
0x251: {  	[tilespmem:s26], [sflag:$0x10] =	stream.linear.gather [spmem:s3], $0x1800, $0x38;
	[tilespmem:$0x11C80] =	vst v63  }
0x252: {  	_ =	swait.ge [sflag:s7], $0x1800  }
0x253: {  	[sflag:s7] =	ssyncset.done $0x0  }
0x254: {  	s24 =	rddreg [dreg:$0x9];
	[sflag:s7] =	ssyncadd.s32 $0xFFFFE800  }
0x255: {  	[hbm4b:s24+s15] =	stream.linear.scatter [tilespmem:s26], [sflag:$0x10], $0x1800, $0x38;
	[tilespmem:$0x11C80] =	vst v63  }
0x256: {  	_ =	swait.ge [sflag:s7], $0x1800  }
0x257: {  	[sflag:s7] =	ssyncset.done $0x0  }
0x258: {  	s11 =	rddreg [dreg:$0x1a];
	[sflag:s7] =	ssyncadd.s32 $0xFFFFE800  }
0x259: {  	[tilespmem:s26], [sflag:$0x10] =	stream.linear.gather [spmem:s11], $0x1800, $0x38;
	[tilespmem:$0x11C80] =	vst v63  }
0x25a: {  	_ =	swait.ge [sflag:s7], $0x1800  }
0x25b: {  	[sflag:s7] =	ssyncset.done $0x0  }
0x25c: {  	s25 =	rddreg [dreg:$0xa];
	[sflag:s7] =	ssyncadd.s32 $0xFFFFE800  }
0x25d: {  	[hbm4b:s25+s15] =	stream.linear.scatter [tilespmem:s26], [sflag:$0x10], $0x1800, $0x38;
	[tilespmem:$0x11C80] =	vst v63  }
0x25e: {  	_ =	swait.ge [sflag:s7], $0x1800  }
0x25f: {  	[sflag:s7] =	ssyncset.done $0x0  }
0x260: {  	s28 =	rddreg [dreg:$0x1b];
	[sflag:s7] =	ssyncadd.s32 $0xFFFFE800  }
0x261: {  	[tilespmem:s26], [sflag:$0x10] =	stream.linear.gather [spmem:s28], $0x1800, $0x38;
	[tilespmem:$0x11C80] =	vst v63  }
0x262: {  	_ =	swait.ge [sflag:s7], $0x1800  }
0x263: {  	[sflag:s7] =	ssyncset.done $0x0  }
0x264: {  	s0 =	rddreg [dreg:$0xb];
	[sflag:s7] =	ssyncadd.s32 $0xFFFFE800  }
0x265: {  	[hbm4b:s0+s15] =	stream.linear.scatter [tilespmem:s26], [sflag:$0x10], $0x1800, $0x38;
	[tilespmem:$0x11C80] =	vst v63  }
0x266: {  	_ =	swait.ge [sflag:s7], $0x1800  }
0x267: {  	[sflag:s7] =	ssyncset.done $0x0  }
0x268: {  	s8 =	rddreg [dreg:$0x1c];
	[sflag:s7] =	ssyncadd.s32 $0xFFFFE800  }
0x269: {  	[tilespmem:s26], [sflag:$0x10] =	stream.linear.gather [spmem:s8], $0x1800, $0x38;
	[tilespmem:$0x11C80] =	vst v63  }
0x26a: {  	_ =	swait.ge [sflag:s7], $0x1800  }
0x26b: {  	[sflag:s7] =	ssyncset.done $0x0  }
0x26c: {  	s9 =	rddreg [dreg:$0xc];
	[sflag:s7] =	ssyncadd.s32 $0xFFFFE800  }
0x26d: {  	[hbm4b:s9+s15] =	stream.linear.scatter [tilespmem:s26], [sflag:$0x10], $0x1800, $0x38;
	[tilespmem:$0x11C80] =	vst v63  }
0x26e: {  	_ =	swait.ge [sflag:s7], $0x1800  }
0x26f: {  	[sflag:s7] =	ssyncset.done $0x0  }
0x270: {  	s8 =	rddreg [dreg:$0x1d];
	[sflag:s7] =	ssyncadd.s32 $0xFFFFE800  }
0x271: {  	[tilespmem:s26], [sflag:$0x10] =	stream.linear.gather [spmem:s8], $0x1800, $0x38;
	[tilespmem:$0x11C80] =	vst v63  }
0x272: {  	_ =	swait.ge [sflag:s7], $0x1800  }
0x273: {  	[sflag:s7] =	ssyncset.done $0x0  }
0x274: {  	s17 =	rddreg [dreg:$0xd];
	[sflag:s7] =	ssyncadd.s32 $0xFFFFE800  }
0x275: {  	[hbm4b:s17+s15] =	stream.linear.scatter [tilespmem:s26], [sflag:$0x10], $0x1800, $0x38;
	[tilespmem:$0x11C80] =	vst v63  }
0x276: {  	_ =	swait.ge [sflag:s7], $0x1800  }
0x277: {  	[sflag:s7] =	ssyncset.done $0x0  }
0x278: {  	s9 =	rddreg [dreg:$0x1e];
	[sflag:s7] =	ssyncadd.s32 $0xFFFFE800  }
0x279: {  	[tilespmem:s26], [sflag:$0x10] =	stream.linear.gather [spmem:s9], $0x1800, $0x38;
	[tilespmem:$0x11C80] =	vst v63  }
0x27a: {  	_ =	swait.ge [sflag:s7], $0x1800  }
0x27b: {  	[sflag:s7] =	ssyncset.done $0x0  }
0x27c: {  	s21 =	rddreg [dreg:$0xe];
	[sflag:s7] =	ssyncadd.s32 $0xFFFFE800  }
0x27d: {  	[hbm4b:s21+s15] =	stream.linear.scatter [tilespmem:s26], [sflag:$0x10], $0x1800, $0x38;
	[tilespmem:$0x11C80] =	vst v63  }
0x27e: {  	_ =	swait.ge [sflag:s7], $0x1800  }
0x27f: {  	[sflag:s7] =	ssyncset.done $0x0  }
0x280: {  	s21 =	rddreg [dreg:$0x1f];
	[sflag:s7] =	ssyncadd.s32 $0xFFFFE800  }
0x281: {  	[tilespmem:s26], [sflag:$0x10] =	stream.linear.gather [spmem:s21], $0x1800, $0x38;
	[tilespmem:$0x11C80] =	vst v63  }
0x282: {  	_ =	swait.ge [sflag:s7], $0x1800  }
0x283: {  	[sflag:s7] =	ssyncset.done $0x0  }
0x284: {  	s22 =	rddreg [dreg:$0xf];
	[sflag:s7] =	ssyncadd.s32 $0xFFFFE800  }
0x285: {  	[hbm4b:s22+s15] =	stream.linear.scatter [tilespmem:s26], [sflag:$0x10], $0x1800, $0x38;
	[tilespmem:$0x11C80] =	vst v63  }
0x286: {  	_ =	swait.ge [sflag:s7], $0x1800  }
0x287: {  	s17 =	sld [smem:$0x7F9]  }
0x288: {  	[sflag:s7] =	ssyncset.done $0x0  }
0x289: {  	[sflag:s7] =	ssyncadd.s32 $0xFFFFE800  }
0x28a: {  	[tilespmem:s26], [sflag:$0x10] =	stream.linear.gather [spmem:s17], $0x1800, $0x38;
	[tilespmem:$0x11C80] =	vst v63  }
0x28b: {  	_ =	swait.ge [sflag:s7], $0x1800  }
0x28c: {  	[sflag:s7] =	ssyncset.done $0x0  }
0x28d: {  	s23 =	rddreg [dreg:$0x10];
	[sflag:s7] =	ssyncadd.s32 $0xFFFFE800  }
0x28e: {  	[hbm4b:s23+s15] =	stream.linear.scatter [tilespmem:s26], [sflag:$0x10], $0x1800, $0x38;
	[tilespmem:$0x11C80] =	vst v63  }
0x28f: {  	_ =	swait.ge [sflag:s7], $0x1800  }
0x290: {  	s22 =	sld [smem:$0x7FA]  }
0x291: {  	[sflag:s7] =	ssyncset.done $0x0  }
0x292: {  	[sflag:s7] =	ssyncadd.s32 $0xFFFFE800  }
0x293: {  	[tilespmem:s26], [sflag:$0x10] =	stream.linear.gather [spmem:s22], $0x1800, $0x38;
	[tilespmem:$0x11C80] =	vst v63  }
0x294: {  	_ =	swait.ge [sflag:s7], $0x1800  }
0x295: {  	[sflag:s7] =	ssyncset.done $0x0  }
0x296: {  	s24 =	rddreg [dreg:$0x11];
	[sflag:s7] =	ssyncadd.s32 $0xFFFFE800  }
0x297: {  	[hbm4b:s24+s15] =	stream.linear.scatter [tilespmem:s26], [sflag:$0x10], $0x1800, $0x38;
	[tilespmem:$0x11C80] =	vst v63  }
0x298: {  	_ =	swait.ge [sflag:s7], $0x1800  }
0x299: {  	s23 =	sld [smem:$0x7FB]  }
0x29a: {  	[sflag:s7] =	ssyncset.done $0x0  }
0x29b: {  	[sflag:s7] =	ssyncadd.s32 $0xFFFFE800  }
0x29c: {  	[tilespmem:s26], [sflag:$0x10] =	stream.linear.gather [spmem:s23], $0x1800, $0x38;
	[tilespmem:$0x11C80] =	vst v63  }
0x29d: {  	_ =	swait.ge [sflag:s7], $0x1800  }
0x29e: {  	[sflag:s7] =	ssyncset.done $0x0  }
0x29f: {  	s25 =	rddreg [dreg:$0x12];
	[sflag:s7] =	ssyncadd.s32 $0xFFFFE800  }
0x2a0: {  	[hbm4b:s25+s15] =	stream.linear.scatter [tilespmem:s26], [sflag:$0x10], $0x1800, $0x38;
	[tilespmem:$0x11C80] =	vst v63  }
0x2a1: {  	_ =	swait.ge [sflag:s7], $0x1800  }
0x2a2: {  	s24 =	sld [smem:$0x7FC]  }
0x2a3: {  	[sflag:s7] =	ssyncset.done $0x0  }
0x2a4: {  	[sflag:s7] =	ssyncadd.s32 $0xFFFFE800  }
0x2a5: {  	[tilespmem:s26], [sflag:$0x10] =	stream.linear.gather [spmem:s24], $0x1800, $0x38;
	[tilespmem:$0x11C80] =	vst v63  }
0x2a6: {  	_ =	swait.ge [sflag:s7], $0x1800  }
0x2a7: {  	[sflag:s7] =	ssyncset.done $0x0  }
0x2a8: {  	s10 =	smov.u32 s28;
	s28 =	rddreg [dreg:$0x13];
	[sflag:s7] =	ssyncadd.s32 $0xFFFFE800  }
0x2a9: {  	[hbm4b:s28+s15] =	stream.linear.scatter [tilespmem:s26], [sflag:$0x10], $0x1800, $0x38;
	[tilespmem:$0x11C80] =	vst v63  }
0x2aa: {  	_ =	swait.ge [sflag:s7], $0x1800  }
0x2ab: {  	s25 =	sld [smem:$0x7FD]  }
0x2ac: {  	[sflag:s7] =	ssyncset.done $0x0  }
0x2ad: {  	[sflag:s7] =	ssyncadd.s32 $0xFFFFE800  }
0x2ae: {  	[tilespmem:s26], [sflag:$0x10] =	stream.linear.gather [spmem:s25], $0x400, $0x38;
	[tilespmem:$0x11C80] =	vst v63  }
0x2af: {  	_ =	swait.ge [sflag:s7], $0x400  }
0x2b0: {  	[sflag:s7] =	ssyncset.done $0x0  }
0x2b1: {  	s0 =	rddreg [dreg:$0x14];
	[sflag:s7] =	ssyncadd.s32 $0xFFFFFC00  }
0x2b2: {  	[hbm4b:s0+s15] =	stream.linear.scatter [tilespmem:s26], [sflag:$0x10], $0x400, $0x38;
	[tilespmem:$0x11C80] =	vst v63  }
0x2b3: {  	_ =	swait.ge [sflag:s7], $0x400  }
0x2b4: {  	s6 =	sld [smem:$0x7EC]  }
0x2b5: {  	s26 =	sld [smem:$0x7EF];
	_ =	sdelay $0x1  }
0x2b6: {  	s0 =	sadd.s32 $0x1, s6  }
0x2b7: {  	p0 =	sne.s32 s0, s26  }
.Ltmp2:
0x2b8: {  	_ = 	snop;
	(pc) =	sbr.rel @p0 .LBB2_1-.Ltmp2, $3  }
0x2b9: {  	_ =	sdelay $0x1  }
0x2ba: {  	s28 =	simm.s32 $0x10;
	[sflag:s7] =	ssyncset.done $0x0  }
0x2bb: {  	[sflag:s28] =	ssyncadd.s32 $0xFFFFFC00;
	s26 =	smov.u32 s18;
	s18 =	simm.s32 $0x10480  }
0x2bc: {  	_ =	sfence.sel $0x180000  }
0x2bd: {  	[bflag:$0x0] =	sbarrier.arrive $0xFFFF  }
0x2be: {  	_ =	strace $0x9000004A  }
0x2bf: {  	s0 =	stileid.u32;
	[bflag:$0x2] =	sbarrier.arrive $0xFFFF  }
0x2c0: {  	p0 =	sne.s32 s0, $0x0;
	s0 =	rddreg [dreg:$0x3]  }
0x2c1: {  	s0 =	sadd.s32 @!p0 $0x100000, s0  }
0x2c2: {  	[sflag:s0] =	ssyncadd.tile.s32 @!p0 $0x1;
	_ =	shalt  }
.Lfunc_end2:
_tile_overlayer_lowered:
.L_overlay_start_2:
0x2c3: {  	(tag) =	ssettag $0x2  }
0x2c4: {  	s0 =	rddreg [dreg:$0x0];
	s2 =	stileid.u32  }
0x2c5: {  	s1 =	rddreg [dreg:$0x1];
	p0 =	sne.s32 s2, $0x0  }
0x2c6: {  	s3 =	rddreg [dreg:$0x2];
	[bflag:$0x3] =	sbarrier.arrive $0xFFFF;
	s2 =	simm.s32 @!p0 $0x1C10  }
0x2c7: {  	[timem:s3], [sflag:s2] =	dma.local @!p0 [hbm:s0], s1  }
0x2c8: {  	s0 =	simm.s32 @!p0 $0x10  }
0x2c9: {  	_ =	swait.ge @!p0 [sflag:s0], s1  }
0x2ca: {  	s1 =	ssub.s32 @!p0 $0x0, s1;
	[sflag:s0] =	ssyncset.done @!p0 $0x0  }
0x2cb: {  	[sflag:s0] =	ssyncadd.s32 @!p0 s1  }
0x2cc: {  	[bflag:$0x3] =	sbarrier.arrive $0xFFFF  }
0x2cd: {  	_ =	shalt  }

// kernel: kernel.7.cloned.1.call-start
scs
__scs_entry_jumppad:
0x0: {  	(pc) =	sbr.rel $0x88, $3  }
0x1: {  	(tag) =	ssettag $0x0;
	lr =	simm.s32 $0x1  }
0x2: {  	[smem:$0x3F8E] =	sst lr;
	_ =	strace $0xD0000000  }
0x3: {  	_ = 	snop  }
0x4: {  	_ = 	snop  }
0x5: {  	_ = 	snop  }
0x6: {  	_ = 	snop  }
0x7: {  	_ = 	snop  }
__scs_overlays_trampoline_lowered:
0x8: {  	[smem:$0x3F9D] =	sst s0  }
0x9: {  	[smem:$0x3F9E] =	sst s1  }
0xa: {  	[smem:$0x3F9F] =	sst s2  }
0xb: {  	[smem:$0x3FA0] =	sst s3  }
0xc: {  	[smem:$0x3FA1] =	sst s4  }
0xd: {  	[smem:$0x3FA2] =	sst s5  }
0xe: {  	[smem:$0x3FA3] =	sst s6  }
0xf: {  	[smem:$0x3FA4] =	sst s7  }
0x10: {  	[smem:$0x3FA5] =	sst s8  }
0x11: {  	[smem:$0x3FA6] =	sst s9;
	s0 =	simm.s32 @!p0 $0x0  }
0x12: {  	s1 =	sld [smem:$0x3F8C];
	s0 =	simm.s32 @p0 $0x1  }
0x13: {  	[smem:$0x3FA7] =	sst s0;
	s0 =	simm.s32 @!p1 $0x0  }
0x14: {  	s2 =	sld [smem:$0x3F8B];
	s0 =	simm.s32 @p1 $0x1  }
0x15: {  	[smem:$0x3FA8] =	sst s0;
	s0 =	simm.s32 @!p2 $0x0  }
0x16: {  	s3 =	sld [smem:$0x3FDB];
	s0 =	simm.s32 @p2 $0x1  }
0x17: {  	s4 =	simm.s32 $0x1BF5;
	[smem:$0x3FAA] =	sst s0  }
0x18: {  	s0 =	sld [smem:$0x3F8D];
	_ =	swait.ge [sflag:s4], $0x0  }
0x19: {  	s7 =	sld [smem:$0x3F8E]  }
0x1a: {  	s8 =	sadd.s32 $0xFFFFE003, lr  }
0x1b: {  	s9 =	sadd.s32 $0xFFFFFEF7, lr;
	s5 =	simm.s32 $0xFFFFFFFF;
	p2 =	slt.u32 s8, $0xFFFFF086  }
0x1c: {  	p1 =	slt.u32 s9, $0xF7A;
	s5 =	simm.s32 @!p2 $0x0  }
0x1d: {  	s5 =	simm.s32 @p1 $0x1;
	p0 =	seq.s32 s7, s2  }
0x1e: {  	s7 =	smul.u32 @!p0 $0xF7A, s2;
	p2 =	seq.s32 @!p0 s5, $0x0  }
0x1f: {  	s9 =	smul.u32 $0xF7A, s1;
	s8 =	simm.s32 @!p0 $0x1BF5;
	p2 =	por !p2, p0  }
0x20: {  	[sflag:s8] =	ssyncset.s32 @!p0 $0xFFFFF086;
	s6 =	sadd.s32 @!p0 s3, s7;
	s7 =	simm.s32 @!p0 $0x108  }
0x21: {  	s3 =	sadd.s32 s3, s9;
	s6 =	sadd.s32 @!p0 $0x88, s6;
	s7 =	simm.s32 @p2 $0x1082  }
0x22: {  	[simem:s7], [sflag:s8] =	dma.local @!p0 [hbm:s6], $0xF7A  }
0x23: {  	s9 =	sor.u32 $0xD0000000, s2;
	s6 =	simm.s32 $0x108;
	_ =	swait.ge @!p0 [sflag:s8], $0x0  }
0x24: {  	s3 =	sadd.s32 $0x88, s3;
	s6 =	simm.s32 @!p1 $0x1082;
	[sflag:s4] =	ssyncset.s32 $0xFFFFF086  }
0x25: {  	[simem:s6], [sflag:s4] =	dma.local [hbm:s3], $0xF7A  }
0x26: {  	[smem:$0x3F8E] =	sst s1;
	(tag) =	ssettag s2;
	_ =	strace s9  }
0x27: {  	s1 =	sld [smem:$0x3F9E]  }
0x28: {  	s2 =	sld [smem:$0x3F9F]  }
0x29: {  	s4 =	sld [smem:$0x3FA1]  }
0x2a: {  	p0 =	seq.s32 s5, $0x0;
	s5 =	sld [smem:$0x3FA2]  }
0x2b: {  	s6 =	sld [smem:$0x3FA3]  }
0x2c: {  	s7 =	sld [smem:$0x3FA4]  }
0x2d: {  	s3 =	simm.s32 $0x108;
	s8 =	sld [smem:$0x3FA5]  }
0x2e: {  	s3 =	simm.s32 @!p0 $0x1082;
	s9 =	sld [smem:$0x3FA6]  }
0x2f: {  	lr =	sadd.s32 s0, s3;
	s0 =	sld [smem:$0x3F9D]  }
0x30: {  	s3 =	sld [smem:$0x3FA0]  }
0x31: {  	[smem:$0x3FA9] =	sst s10  }
0x32: {  	s10 =	sld [smem:$0x3FA7];
	_ =	sdelay $0x3  }
0x33: {  	p0 =	seq.s32 s10, $0x1;
	s10 =	sld [smem:$0x3FA9];
	_ =	sdelay $0x3  }
0x34: {  	[smem:$0x3FA9] =	sst s10  }
0x35: {  	s10 =	sld [smem:$0x3FA8];
	_ =	sdelay $0x3  }
0x36: {  	p1 =	seq.s32 s10, $0x1;
	s10 =	sld [smem:$0x3FA9];
	_ =	sdelay $0x3  }
0x37: {  	[smem:$0x3FA9] =	sst s10  }
0x38: {  	s10 =	sld [smem:$0x3FAA]  }
0x39: {  	_ = 	snop;
	(pc) =	sbr.ind lr, $3  }
0x3a: {  	_ = 	snop  }
0x3b: {  	_ = 	snop  }
0x3c: {  	p2 =	seq.s32 s10, $0x1;
	s10 =	sld [smem:$0x3FA9]  }
0x3d: {  	_ =	shalt  }
0x3e: {  	_ =	shalt  }
0x3f: {  	_ =	shalt  }
0x40: {  	_ =	shalt  }
0x41: {  	_ =	shalt  }
0x42: {  	_ =	shalt  }
0x43: {  	_ =	shalt  }
0x44: {  	_ =	shalt  }
0x45: {  	_ =	shalt  }
0x46: {  	_ =	shalt  }
0x47: {  	_ =	shalt  }
0x48: {  	_ =	shalt  }
0x49: {  	_ =	shalt  }
0x4a: {  	_ =	shalt  }
0x4b: {  	_ =	shalt  }
0x4c: {  	_ =	shalt  }
0x4d: {  	_ =	shalt  }
0x4e: {  	_ =	shalt  }
0x4f: {  	_ =	shalt  }
0x50: {  	_ =	shalt  }
0x51: {  	_ =	shalt  }
0x52: {  	_ =	shalt  }
0x53: {  	_ =	shalt  }
0x54: {  	_ =	shalt  }
0x55: {  	_ =	shalt  }
0x56: {  	_ =	shalt  }
0x57: {  	_ =	shalt  }
0x58: {  	_ =	shalt  }
0x59: {  	_ =	shalt  }
0x5a: {  	_ =	shalt  }
0x5b: {  	_ =	shalt  }
0x5c: {  	_ =	shalt  }
0x5d: {  	_ =	shalt  }
0x5e: {  	_ =	shalt  }
0x5f: {  	_ =	shalt  }
0x60: {  	_ =	shalt  }
0x61: {  	_ =	shalt  }
0x62: {  	_ =	shalt  }
0x63: {  	_ =	shalt  }
0x64: {  	_ =	shalt  }
0x65: {  	_ =	shalt  }
0x66: {  	_ =	shalt  }
0x67: {  	_ =	shalt  }
0x68: {  	_ =	shalt  }
0x69: {  	_ =	shalt  }
0x6a: {  	_ =	shalt  }
0x6b: {  	_ =	shalt  }
0x6c: {  	_ =	shalt  }
0x6d: {  	_ =	shalt  }
0x6e: {  	_ =	shalt  }
0x6f: {  	_ =	shalt  }
0x70: {  	_ =	shalt  }
0x71: {  	_ =	shalt  }
0x72: {  	_ =	shalt  }
0x73: {  	_ =	shalt  }
0x74: {  	_ =	shalt  }
0x75: {  	_ =	shalt  }
0x76: {  	_ =	shalt  }
0x77: {  	_ =	shalt  }
0x78: {  	_ =	shalt  }
0x79: {  	_ =	shalt  }
0x7a: {  	_ =	shalt  }
0x7b: {  	_ =	shalt  }
0x7c: {  	_ =	shalt  }
0x7d: {  	_ =	shalt  }
0x7e: {  	_ =	shalt  }
0x7f: {  	_ =	shalt  }
0x80: {  	_ =	shalt  }
0x81: {  	_ =	shalt  }
0x82: {  	_ =	shalt  }
0x83: {  	_ =	shalt  }
0x84: {  	_ =	shalt  }
0x85: {  	_ =	shalt  }
0x86: {  	_ =	shalt  }
0x87: {  	_ =	shalt  }
.Lfunc_end0:
.L_simem_size_0:
called_computation_lowered:
.L_overlay_start_0:
0x88: {  	s2 =	sld [smem:$0x3FD9]  }
0x89: {  	s3 =	sld [smem:$0x3FFE];
	_ =	sdelay $0x1  }
0x8a: {  	s1 =	srdreg.scid  }
0x8b: {  	s0 =	sand.u32 $0x1, s1  }
0x8c: {  	s14 =	sshll.u32 s0, $0xA;
	s2 =	sadd.s32 s3, s2  }
0x8d: {  	s2 =	sadd.s32 s2, s14  }
0x8e: {  	[smem:$0x3FB5] =	sst s2  }
0x8f: {  	_ = 	snop  }
0x90: {  	s2 =	sld [smem:$0x3FD0];
	_ =	sdelay $0x2  }
0x91: {  	s15 =	simm.s32 $0xA;
	s4 =	simm.s32 $0x10  }
0x92: {  	[smem:s4], [sflag:s15] =	dma.local [hbm:s2], $0x1  }
0x93: {  	_ =	swait.eq [sflag:s15], $0x1  }
0x94: {  	[sflag:s15] =	ssyncset.done $0x0  }
0x95: {  	s16 =	sld [smem:$0x10];
	[sflag:s15] =	ssyncadd.s32 $0xFFFFFFFF  }
0x96: {  	s17 =	sld [smem:$0x11];
	(tm) =	ssettm $0x1  }
0x97: {  	s18 =	sld [smem:$0x3FFB];
	_ =	sdelay $0x3  }
0x98: {  	_ =	strace s18  }
0x99: {  	s4 =	sld [smem:$0x3FFC];
	_ =	sdelay $0x3  }
0x9a: {  	_ =	strace s4  }
0x9b: {  	s4 =	sld [smem:$0x3FFD];
	_ =	sdelay $0x3  }
0x9c: {  	_ =	strace s4  }
0x9d: {  	_ =	strace $0x8FFFFFFF  }
0x9e: {  	s19 =	sld [smem:$0x3FDB];
	_ =	sdelay $0x1  }
0x9f: {  	s5 =	simm.s32 $_scs_section_size  }
0xa0: {  	s6 =	simm.s32 $_size__tile_overlayer_lowered;
	s7 =	simm.s32 $_tile_overlayer_lowered  }
0xa1: {  	s22 =	simm.s32 $0x1BFF;
	s21 =	sshll.u32 s7, $0x1;
	s4 =	sadd.s32 s5, s19  }
0xa2: {  	s8 =	simm.s32 $0x0;
	s20 =	sshll.u32 s6, $0x1;
	s6 =	sadd.s32 s21, s4  }
0xa3: {  	[timem:s8], [sflag:s22] =	dma.local [hbm:s6], s20  }
0xa4: {  	_ =	swait.ge [sflag:s22], s20  }
0xa5: {  	s5 =	ssub.s32 $0x0, s20;
	[sflag:s22] =	ssyncset.done $0x0  }
0xa6: {  	[sflag:s22] =	ssyncadd.s32 s5;
	_ =	sdelay $0x1  }
0xa7: {  	s23 =	simm.s32 $0x1B8B  }
0xa8: {  	_ =	swait.ge [sflag:s23], $0x1  }
0xa9: {  	[sflag:s23] =	ssyncset.done $0x0  }
0xaa: {  	s25 =	simm.s32 $0x1B8E;
	s24 =	sld [smem:$0x3FFE];
	[sflag:s23] =	ssyncadd.s32 $0xFFFFFFFF  }
0xab: {  	s26 =	simm.s32 $execute0_lowered;
	[smem:$0x3FD2] =	sst s25  }
0xac: {  	s6 =	sshll.u32 s26, $0x1;
	_ =	strace $0x80000046;
	[dreg:$0x1] =	wrdreg $0xFFFFFFFF  }
0xad: {  	s28 =	simm.s32 $_size_execute0_lowered;
	s4 =	sadd.s32 s4, s6;
	[dreg:$0x0] =	wrdreg $0x0  }
0xae: {  	s6 =	sshll.u32 s28, $0x1;
	[dreg:$0x2] =	wrdreg s4  }
0xaf: {  	[dreg:$0x3] =	wrdreg s6  }
0xb0: {  	[dreg:$0x4] =	wrdreg $0xC0  }
0xb1: {  	_ =	task [dreg:s8], $0x5FFFF  }
0xb2: {  	[dreg:$0x1] =	wrdreg $0xFFFFFFFF  }
0xb3: {  	[dreg:$0x0] =	wrdreg $0x60  }
0xb4: {  	[dreg:$0x2] =	wrdreg s16  }
0xb5: {  	[dreg:$0x3] =	wrdreg s17  }
0xb6: {  	[dreg:$0x4] =	wrdreg s24  }
0xb7: {  	[dreg:$0x5] =	wrdreg $0x9  }
0xb8: {  	_ =	task.clear_ibuf [dreg:s8], $0x6FFFF;
	_ =	strace $0x90000046  }
0xb9: {  	s29 =	simm.s32 $0x9;
	_ =	strace $0x80000048  }
0xba: {  	_ =	swait.ge [sflag:s29], $0x1  }
0xbb: {  	[sflag:s29] =	ssyncadd.s32 $0xFFFFFFFF  }
0xbc: {  	_ =	strace $0x90000048  }
0xbd: {  	_ =	sfence  }
0xbe: {  	s30 =	sld [smem:$0x0];
	_ =	sdelay $0x2  }
0xbf: {  	s31 =	sshll.u32 s1, $0xD;
	s1 =	sshrl.u32 s1, $0x2  }
0xc0: {  	s3 =	sand.u32 $0x4000, s31;
	s1 =	sadd.s32 s1, s30  }
0xc1: {  	s0 =	sor.u32 s3, s0;
	s1 =	sshll.u32 s1, $0x11  }
0xc2: {  	s0 =	sor.u32 s1, s0  }
0xc3: {  	s0 =	sadd.s32 $0x8F2B, s0  }
0xc4: {  	[sflag:s0] =	ssyncadd.remote.s32 $0x1  }
0xc5: {  	_ =	sfence.sel $0xFFFF  }
0xc6: {  	[dreg:$0x0] =	wrdreg $0xFFFFFFFF;
	(pc) =	sbr.abs _section_cstart, $3  }
0xc7: {  	[dreg:$0x1] =	wrdreg $0xFFFFFFFF  }
0xc8: {  	_ =	task.clear_ibuf [dreg:s8], $0x2FFFF;
	_ =	strace $0x9FFFFFFF  }
0xc9: {  	(tm) =	ssettm $0x7FFFFFFF  }
tec
execute0_lowered:
.L_overlay_start_1:
0x0: {  	(tag) =	ssettag $0x1  }
0x1: {  	s1 =	rddreg [dreg:$0x0]  }
0x2: {  	s0 =	srdreg.scid;
	s3 =	rddreg [dreg:$0x1]  }
0x3: {  	s12 =	stileid.u32;
	s5 =	rddreg [dreg:$0x2];
	s4 =	simm.s32 $0x0  }
0x4: {  	s15 =	simm.s32 $0x1C00;
	s16 =	simm.s32 $0x64;
	s17 =	simm.s32 $0x3800  }
0x5: {  	s18 =	simm.s32 $0xA000;
	s19 =	simm.s32 $0x6C00;
	s20 =	simm.s32 $0xD400  }
0x6: {  	s21 =	simm.s32 $0x1;
	s22 =	simm.s32 $0x3;
	s23 =	simm.s32 $0x2  }
0x7: {  	s24 =	simm.s32 $0x4;
	s28 =	simm.s32 $0x0;
	s0 =	sand.u32 $0x1, s0  }
0x8: {  	s2 =	sshll.u32 s12, $0x1;
	[smem:$0x7FF] =	sst s4;
	s12 =	smul.u32 $0x28A00, s12  }
0x9: {  	s2 =	sor.u32 s0, s2;
	s7 =	ssub.s32 $0x2, s0;
	s0 =	smul.u32 $0x14500, s0  }
0xa: {  	s10 =	sadd.s32 $0x1BC00, s5;
	s11 =	sadd.s32 $0x2A5C00, s5;
	s6 =	smul.u32 $0x380, s2  }
0xb: {  	_ =	strace $0x80000047;
	s8 =	sshrl.u32 s7, $0x1;
	s2 =	smul.u32 $0x14500, s2  }
0xc: {  	s13 =	sadd.s32 s12, s10;
	s14 =	sadd.s32 s12, s11;
	s7 =	ssub.s32 s7, s8  }
0xd: {  	s13 =	sadd.s32 s0, s13;
	s0 =	sadd.s32 s0, s14;
	s14 =	simm.s32 $0x5  }
0xe: {  	s6 =	sadd.s32 s6, s5;
	s9 =	sadd.s32 $0x13800, s2;
	s7 =	smax.u32 s7, $0x1  }
0xf: {  	s2 =	sadd.s32 $0x13E80, s2;
	s12 =	sadd.s32 $0x680, s13;
	s13 =	sadd.s32 $0x680, s0  }
0x10: {  	s5 =	sadd.s32 $0xDC00, s6;
	s6 =	sadd.s32 $0x14C00, s6;
	s8 =	sadd.s32 s10, s9  }
0x11: {  	s9 =	sadd.s32 s11, s9;
	s10 =	sadd.s32 s10, s2;
	s11 =	sadd.s32 s11, s2  }
.LBB2_1:
0x12: {  	[tilespmem:s4], [sflag:$0x5] =	stream.linear.gather [hbm4b:s5+s4], $0x1900, $0x38;
	[tilespmem:$0x10800] =	vst v63  }
0x13: {  	_ =	swait.ge [sflag:s14], $0x1900  }
0x14: {  	[sflag:s14] =	ssyncset.done $0x0  }
0x15: {  	[sflag:s14] =	ssyncadd.s32 $0xFFFFE700  }
0x16: {  	[tilespmem:s15], [sflag:$0x5] =	stream.linear.gather [hbm4b:s6+s4], $0x1900, $0x38;
	[tilespmem:$0x10800] =	vst v63  }
0x17: {  	_ =	swait.ge [sflag:s14], $0x1900  }
0x18: {  	[sflag:s14] =	ssyncset.done $0x0  }
0x19: {  	[sflag:s14] =	ssyncadd.s32 $0xFFFFE700  }
0x1a: {  	[tilespmem:s17], [sflag:$0x1] =	stream.indirect.gather [hbm4b:s1+s16], $0x80, s4, s16, $0xb8;
	[tilespmem:$0x10800] =	vst v63  }
0x1b: {  	_ = 	snop  }
0x1c: {  	[tilespmem:s18], [sflag:$0x3] =	stream.indirect.gather [hbm4b:s3+s16], $0x80, s15, s16, $0xb8;
	[tilespmem:$0x10800] =	vst v63  }
0x1d: {  	s0 =	simm.s32 $0x80  }
0x1e: {  	[tilespmem:s19], [sflag:$0x2] =	stream.indirect.gather [hbm4b:s1+s16], $0x80, s0, s16, $0xb8;
	[tilespmem:$0x10800] =	vst v63  }
0x1f: {  	s25 =	simm.s32 $0x1C80  }
0x20: {  	[tilespmem:s20], [sflag:$0x4] =	stream.indirect.gather [hbm4b:s3+s16], $0x80, s25, s16, $0xb8;
	[tilespmem:$0x10800] =	vst v63  }
0x21: {  	_ =	swait.ge [sflag:s21], $0x3200  }
0x22: {  	[sflag:s21] =	ssyncset.done $0x0  }
0x23: {  	[sflag:s21] =	ssyncadd.s32 $0xFFFFCE00  }
0x24: {  	_ =	swait.ge [sflag:s22], $0x3200  }
0x25: {  	[sflag:s22] =	ssyncset.done $0x0  }
0x26: {  	s26 =	sadd.s32 $0xFFFFF980, s12;
	[sflag:s22] =	ssyncadd.s32 $0xFFFFCE00  }
0x27: {  	[hbm4b:s26+s4] =	stream.linear.scatter [tilespmem:s17], [sflag:$0x5], $0x3200, $0x38;
	[tilespmem:$0x10800] =	vst v63  }
0x28: {  	_ =	swait.ge [sflag:s14], $0x3200  }
0x29: {  	[sflag:s14] =	ssyncset.done $0x0  }
0x2a: {  	s2 =	sadd.s32 $0xFFFFF980, s13;
	[sflag:s14] =	ssyncadd.s32 $0xFFFFCE00  }
0x2b: {  	[hbm4b:s2+s4] =	stream.linear.scatter [tilespmem:s18], [sflag:$0x5], $0x3200, $0x38;
	[tilespmem:$0x10800] =	vst v63  }
0x2c: {  	_ =	swait.ge [sflag:s14], $0x3200  }
0x2d: {  	[sflag:s14] =	ssyncset.done $0x0  }
0x2e: {  	s25 =	simm.s32 $0x100;
	[sflag:s14] =	ssyncadd.s32 $0xFFFFCE00  }
0x2f: {  	[tilespmem:s17], [sflag:$0x1] =	stream.indirect.gather [hbm4b:s1+s16], $0x80, s25, s16, $0xb8;
	[tilespmem:$0x10800] =	vst v63  }
0x30: {  	s26 =	simm.s32 $0x1D00  }
0x31: {  	[tilespmem:s18], [sflag:$0x3] =	stream.indirect.gather [hbm4b:s3+s16], $0x80, s26, s16, $0xb8;
	[tilespmem:$0x10800] =	vst v63  }
0x32: {  	_ =	swait.ge [sflag:s23], $0x3200  }
0x33: {  	[sflag:s23] =	ssyncset.done $0x0  }
0x34: {  	[sflag:s23] =	ssyncadd.s32 $0xFFFFCE00  }
0x35: {  	_ =	swait.ge [sflag:s24], $0x3200  }
0x36: {  	[sflag:s24] =	ssyncset.done $0x0  }
0x37: {  	[sflag:s24] =	ssyncadd.s32 $0xFFFFCE00  }
0x38: {  	[hbm4b:s12+s4] =	stream.linear.scatter [tilespmem:s19], [sflag:$0x5], $0x3200, $0x38;
	[tilespmem:$0x10800] =	vst v63  }
0x39: {  	_ =	swait.ge [sflag:s14], $0x3200  }
0x3a: {  	[sflag:s14] =	ssyncset.done $0x0  }
0x3b: {  	[sflag:s14] =	ssyncadd.s32 $0xFFFFCE00  }
0x3c: {  	[hbm4b:s13+s4] =	stream.linear.scatter [tilespmem:s20], [sflag:$0x5], $0x3200, $0x38;
	[tilespmem:$0x10800] =	vst v63  }
0x3d: {  	s29 =	sadd.s32 $0xD00, s13;
	s31 =	simm.s32 $0x100;
	_ =	swait.ge [sflag:s14], $0x3200  }
0x3e: {  	s30 =	sadd.s32 $0xD00, s12;
	s2 =	simm.s32 $0x800;
	[sflag:s14] =	ssyncset.done $0x0  }
.LBB2_2:
0x3f: {  	s26 =	sadd.s32 $0x80, s31  }
0x40: {  	[sflag:s14] =	ssyncadd.s32 $0xFFFFCE00;
	s0 =	smov.u32 s2;
	s25 =	sadd.s32 $0x400, s2  }
0x41: {  	[tilespmem:s19], [sflag:$0x2] =	stream.indirect.gather [hbm4b:s1+s16], $0x80, s26, s16, $0xb8;
	[tilespmem:$0x10800] =	vst v63  }
0x42: {  	p0 =	sne.s32 s2, $0x5C00;
	s2 =	sadd.s32 $0x1C80, s31  }
0x43: {  	[tilespmem:s20], [sflag:$0x4] =	stream.indirect.gather [hbm4b:s3+s16], $0x80, s2, s16, $0xb8;
	[tilespmem:$0x10800] =	vst v63  }
0x44: {  	_ =	swait.ge [sflag:s21], $0x3200  }
0x45: {  	[sflag:s21] =	ssyncset.done $0x0  }
0x46: {  	[sflag:s21] =	ssyncadd.s32 $0xFFFFCE00  }
0x47: {  	_ =	swait.ge [sflag:s22], $0x3200  }
0x48: {  	[sflag:s22] =	ssyncset.done $0x0  }
0x49: {  	s2 =	sadd.s32 $0xFFFFF980, s30;
	[sflag:s22] =	ssyncadd.s32 $0xFFFFCE00  }
0x4a: {  	[hbm4b:s2+s4] =	stream.linear.scatter [tilespmem:s17], [sflag:$0x5], $0x3200, $0x38;
	[tilespmem:$0x10800] =	vst v63  }
0x4b: {  	_ =	swait.ge [sflag:s14], $0x3200  }
0x4c: {  	[sflag:s14] =	ssyncset.done $0x0  }
0x4d: {  	s2 =	sadd.s32 $0xFFFFF980, s29;
	[sflag:s14] =	ssyncadd.s32 $0xFFFFCE00  }
0x4e: {  	[hbm4b:s2+s4] =	stream.linear.scatter [tilespmem:s18], [sflag:$0x5], $0x3200, $0x38;
	[tilespmem:$0x10800] =	vst v63  }
0x4f: {  	_ =	swait.ge [sflag:s14], $0x3200  }
0x50: {  	[sflag:s14] =	ssyncset.done $0x0  }
0x51: {  	s2 =	sadd.s32 $0x100, s31;
	[sflag:s14] =	ssyncadd.s32 $0xFFFFCE00  }
0x52: {  	[tilespmem:s17], [sflag:$0x1] =	stream.indirect.gather [hbm4b:s1+s16], $0x80, s2, s16, $0xb8;
	[tilespmem:$0x10800] =	vst v63  }
0x53: {  	s2 =	sadd.s32 $0x1D00, s31  }
0x54: {  	[tilespmem:s18], [sflag:$0x3] =	stream.indirect.gather [hbm4b:s3+s16], $0x80, s2, s16, $0xb8;
	[tilespmem:$0x10800] =	vst v63  }
0x55: {  	_ =	swait.ge [sflag:s23], $0x3200  }
0x56: {  	[sflag:s23] =	ssyncset.done $0x0  }
0x57: {  	[sflag:s23] =	ssyncadd.s32 $0xFFFFCE00  }
0x58: {  	_ =	swait.ge [sflag:s24], $0x3200  }
0x59: {  	[sflag:s24] =	ssyncset.done $0x0  }
0x5a: {  	[sflag:s24] =	ssyncadd.s32 $0xFFFFCE00  }
0x5b: {  	[hbm4b:s30+s4] =	stream.linear.scatter [tilespmem:s19], [sflag:$0x5], $0x3200, $0x38;
	[tilespmem:$0x10800] =	vst v63  }
0x5c: {  	_ =	swait.ge [sflag:s14], $0x3200  }
.Ltmp0:
0x5d: {  	[sflag:s14] =	ssyncset.done $0x0;
	(pc) =	sbr.rel @p0 .LBB2_2-.Ltmp0, $4  }
0x5e: {  	[sflag:s14] =	ssyncadd.s32 $0xFFFFCE00  }
0x5f: {  	[hbm4b:s29+s4] =	stream.linear.scatter [tilespmem:s20], [sflag:$0x5], $0x3200, $0x38;
	[tilespmem:$0x10800] =	vst v63  }
0x60: {  	s31 =	sshra.s32 s0, $0x2;
	s29 =	sadd.s32 $0xD00, s29;
	_ =	swait.ge [sflag:s14], $0x3200  }
0x61: {  	s2 =	smov.u32 s25;
	s30 =	sadd.s32 $0xD00, s30;
	[sflag:s14] =	ssyncset.done $0x0  }
0x62: {  	s0 =	sadd.s32 $0x80, s31;
	[sflag:s14] =	ssyncadd.s32 $0xFFFFCE00  }
0x63: {  	[tilespmem:s19], [sflag:$0x2] =	stream.indirect.gather [hbm4b:s1+s16], $0x80, s0, s16, $0xb8;
	[tilespmem:$0x10800] =	vst v63  }
0x64: {  	s25 =	sadd.s32 $0x1C80, s31  }
0x65: {  	[tilespmem:s20], [sflag:$0x4] =	stream.indirect.gather [hbm4b:s3+s16], $0x80, s25, s16, $0xb8;
	[tilespmem:$0x10800] =	vst v63  }
0x66: {  	_ =	swait.ge [sflag:s21], $0x3200  }
0x67: {  	[sflag:s21] =	ssyncset.done $0x0  }
0x68: {  	[sflag:s21] =	ssyncadd.s32 $0xFFFFCE00  }
0x69: {  	_ =	swait.ge [sflag:s22], $0x3200  }
0x6a: {  	[sflag:s22] =	ssyncset.done $0x0  }
0x6b: {  	s26 =	sadd.s32 $0xFFFFF980, s30;
	[sflag:s22] =	ssyncadd.s32 $0xFFFFCE00  }
0x6c: {  	[hbm4b:s26+s4] =	stream.linear.scatter [tilespmem:s17], [sflag:$0x5], $0x3200, $0x38;
	[tilespmem:$0x10800] =	vst v63  }
0x6d: {  	_ =	swait.ge [sflag:s14], $0x3200  }
0x6e: {  	[sflag:s14] =	ssyncset.done $0x0  }
0x6f: {  	s2 =	sadd.s32 $0xFFFFF980, s29;
	[sflag:s14] =	ssyncadd.s32 $0xFFFFCE00  }
0x70: {  	[hbm4b:s2+s4] =	stream.linear.scatter [tilespmem:s18], [sflag:$0x5], $0x3200, $0x38;
	[tilespmem:$0x10800] =	vst v63  }
0x71: {  	_ =	swait.ge [sflag:s14], $0x3200  }
0x72: {  	[sflag:s14] =	ssyncset.done $0x0  }
0x73: {  	s25 =	sadd.s32 $0x100, s31;
	[sflag:s14] =	ssyncadd.s32 $0xFFFFCE00  }
0x74: {  	[tilespmem:s17], [sflag:$0x1] =	stream.indirect.gather [hbm4b:s1+s16], $0x80, s25, s16, $0xb8;
	[tilespmem:$0x10800] =	vst v63  }
0x75: {  	s26 =	sadd.s32 $0x1D00, s31  }
0x76: {  	[tilespmem:s18], [sflag:$0x3] =	stream.indirect.gather [hbm4b:s3+s16], $0x80, s26, s16, $0xb8;
	[tilespmem:$0x10800] =	vst v63  }
0x77: {  	_ =	swait.ge [sflag:s23], $0x3200  }
0x78: {  	[sflag:s23] =	ssyncset.done $0x0  }
0x79: {  	[sflag:s23] =	ssyncadd.s32 $0xFFFFCE00  }
0x7a: {  	_ =	swait.ge [sflag:s24], $0x3200  }
0x7b: {  	[sflag:s24] =	ssyncset.done $0x0  }
0x7c: {  	[sflag:s24] =	ssyncadd.s32 $0xFFFFCE00  }
0x7d: {  	[hbm4b:s30+s4] =	stream.linear.scatter [tilespmem:s19], [sflag:$0x5], $0x3200, $0x38;
	[tilespmem:$0x10800] =	vst v63  }
0x7e: {  	_ =	swait.ge [sflag:s14], $0x3200  }
0x7f: {  	[sflag:s14] =	ssyncset.done $0x0  }
0x80: {  	[sflag:s14] =	ssyncadd.s32 $0xFFFFCE00  }
0x81: {  	[hbm4b:s29+s4] =	stream.linear.scatter [tilespmem:s20], [sflag:$0x5], $0x3200, $0x38;
	[tilespmem:$0x10800] =	vst v63  }
0x82: {  	_ =	swait.ge [sflag:s14], $0x3200  }
0x83: {  	[sflag:s14] =	ssyncset.done $0x0  }
0x84: {  	s30 =	simm.s32 $0x1880;
	[sflag:s14] =	ssyncadd.s32 $0xFFFFCE00  }
0x85: {  	[tilespmem:s19], [sflag:$0x2] =	stream.indirect.gather [hbm4b:s1+s16], $0x80, s30, s16, $0xb8;
	[tilespmem:$0x10800] =	vst v63  }
0x86: {  	s31 =	simm.s32 $0x3480  }
0x87: {  	[tilespmem:s20], [sflag:$0x4] =	stream.indirect.gather [hbm4b:s3+s16], $0x80, s31, s16, $0xb8;
	[tilespmem:$0x10800] =	vst v63  }
0x88: {  	_ =	swait.ge [sflag:s21], $0x3200  }
0x89: {  	[sflag:s21] =	ssyncset.done $0x0  }
0x8a: {  	[sflag:s21] =	ssyncadd.s32 $0xFFFFCE00  }
0x8b: {  	_ =	swait.ge [sflag:s22], $0x3200  }
0x8c: {  	[sflag:s22] =	ssyncset.done $0x0  }
0x8d: {  	[sflag:s22] =	ssyncadd.s32 $0xFFFFCE00  }
0x8e: {  	[hbm4b:s8+s4] =	stream.linear.scatter [tilespmem:s17], [sflag:$0x5], $0x3200, $0x38;
	[tilespmem:$0x10800] =	vst v63  }
0x8f: {  	_ =	swait.ge [sflag:s14], $0x3200  }
0x90: {  	[sflag:s14] =	ssyncset.done $0x0  }
0x91: {  	[sflag:s14] =	ssyncadd.s32 $0xFFFFCE00  }
0x92: {  	[hbm4b:s9+s4] =	stream.linear.scatter [tilespmem:s18], [sflag:$0x5], $0x3200, $0x38;
	[tilespmem:$0x10800] =	vst v63  }
0x93: {  	_ =	swait.ge [sflag:s14], $0x3200  }
0x94: {  	[sflag:s14] =	ssyncset.done $0x0  }
0x95: {  	[sflag:s14] =	ssyncadd.s32 $0xFFFFCE00  }
0x96: {  	_ =	swait.ge [sflag:s23], $0x3200  }
0x97: {  	[sflag:s23] =	ssyncset.done $0x0  }
0x98: {  	[sflag:s23] =	ssyncadd.s32 $0xFFFFCE00  }
0x99: {  	_ =	swait.ge [sflag:s24], $0x3200  }
0x9a: {  	[sflag:s24] =	ssyncset.done $0x0  }
0x9b: {  	[sflag:s24] =	ssyncadd.s32 $0xFFFFCE00  }
0x9c: {  	[hbm4b:s10+s4] =	stream.linear.scatter [tilespmem:s19], [sflag:$0x5], $0x3200, $0x38;
	[tilespmem:$0x10800] =	vst v63  }
0x9d: {  	s28 =	sadd.s32 $0x1, s28;
	_ =	swait.ge [sflag:s14], $0x3200  }
0x9e: {  	p0 =	sne.s32 s28, s7;
	[sflag:s14] =	ssyncset.done $0x0  }
.Ltmp1:
0x9f: {  	[sflag:s14] =	ssyncadd.s32 $0xFFFFCE00;
	(pc) =	sbr.rel @p0 .LBB2_1-.Ltmp1, $4  }
0xa0: {  	[hbm4b:s11+s4] =	stream.linear.scatter [tilespmem:s20], [sflag:$0x5], $0x3200, $0x38;
	[tilespmem:$0x10800] =	vst v63  }
0xa1: {  	_ =	swait.ge [sflag:s14], $0x3200  }
0xa2: {  	[sflag:s14] =	ssyncset.done $0x0  }
0xa3: {  	[sflag:s14] =	ssyncadd.s32 $0xFFFFCE00  }
0xa4: {  	_ =	sfence.sel $0x180000  }
0xa5: {  	[bflag:$0x0] =	sbarrier.arrive $0xFFFF  }
0xa6: {  	_ =	strace $0x90000047  }
0xa7: {  	s0 =	stileid.u32;
	[bflag:$0x2] =	sbarrier.arrive $0xFFFF  }
0xa8: {  	p0 =	sne.s32 s0, $0x0;
	s0 =	rddreg [dreg:$0x3]  }
0xa9: {  	s0 =	sadd.s32 @!p0 $0x100000, s0  }
0xaa: {  	[sflag:s0] =	ssyncadd.tile.s32 @!p0 $0x1;
	_ =	shalt  }
.Lfunc_end2:
_tile_overlayer_lowered:
.L_overlay_start_2:
0xab: {  	(tag) =	ssettag $0x2  }
0xac: {  	s0 =	rddreg [dreg:$0x0];
	s2 =	stileid.u32  }
0xad: {  	s1 =	rddreg [dreg:$0x1];
	p0 =	sne.s32 s2, $0x0  }
0xae: {  	s3 =	rddreg [dreg:$0x2];
	[bflag:$0x3] =	sbarrier.arrive $0xFFFF;
	s2 =	simm.s32 @!p0 $0x1C05  }
0xaf: {  	[timem:s3], [sflag:s2] =	dma.local @!p0 [hbm:s0], s1  }
0xb0: {  	s0 =	simm.s32 @!p0 $0x5  }
0xb1: {  	_ =	swait.ge @!p0 [sflag:s0], s1  }
0xb2: {  	s1 =	ssub.s32 @!p0 $0x0, s1;
	[sflag:s0] =	ssyncset.done @!p0 $0x0  }
0xb3: {  	[sflag:s0] =	ssyncadd.s32 @!p0 s1  }
0xb4: {  	[bflag:$0x3] =	sbarrier.arrive $0xFFFF  }
0xb5: {  	_ =	shalt  }

</sc_bundles>
